<compile_context>
chip_gen: v7x
topology: tpu7x:2x2x1
jax: 0.10.2.dev20260603
libtpu: 0.0.44.dev20260713+nightly
codegen_flags: <defaults>
</compile_context>

<pallas_src>
import functools

import jax
import jax.numpy as jnp
from jax import lax
from jax.experimental import pallas as pl
from jax.experimental.pallas import tpu as pltpu
from jax.experimental.pallas import tpu_sc as plsc

_EPS = 1e-8
_MARGIN = 0.6
_C = 256
_F = 32
_HW = _F * _F
_IMG = 256
_NW = 32
_CELLS = 64


def _tc_kernel(sq_hbm, rk_hbm, tm_hbm, xq_v, xr_v, tm_v, sem, osem):
    B = 2
    cps = []
    for b in range(B):
        cps.append(pltpu.async_copy(sq_hbm.at[b], xq_v.at[b], sem))
        cps.append(pltpu.async_copy(rk_hbm.at[b], xr_v.at[b], sem))
    ocps = []
    row = jax.lax.broadcasted_iota(jnp.int32, (_HW, _HW), 0)
    for b in range(B):
        cps[2 * b].wait()
        cps[2 * b + 1].wait()
        xq = xq_v[b]
        xr = xr_v[b]
        qn = jnp.maximum(jnp.sqrt(jnp.sum(xq * xq, axis=1, keepdims=True)), _EPS)
        rn = jnp.maximum(jnp.sqrt(jnp.sum(xr * xr, axis=1, keepdims=True)), _EPS)
        xqn = xq / qn
        xrn = xr / rn
        st = jax.lax.dot_general(
            xrn, xqn, (((1,), (1,)), ((), ())),
            preferred_element_type=jnp.float32,
            precision=jax.lax.Precision.DEFAULT,
        )
        m1 = jnp.min(st, axis=0, keepdims=True)
        j1 = jnp.min(jnp.where(st == m1, row, _HW), axis=0, keepdims=True)
        s1 = jnp.where(row == j1, jnp.inf, st)
        m2 = jnp.min(s1, axis=0, keepdims=True)
        j2 = jnp.min(jnp.where(s1 == m2, row, _HW), axis=0, keepdims=True)
        s2 = jnp.where(row == j2, jnp.inf, s1)
        m3 = jnp.min(s2, axis=0, keepdims=True)
        bot3 = m1 + m2 + m3
        tm_v[b] = (bot3 + _MARGIN) - st
        ocps.append(pltpu.async_copy(tm_v.at[b], tm_hbm.at[b], osem))
    for c in ocps:
        c.wait()


def _sc_kernel(tm_hbm, g_hbm, out_hbm, tm_v, g_v, o_v, sem):
    wid = lax.axis_index("s") * 2 + lax.axis_index("c")
    b = wid // 16
    chunk = wid % 16
    g0 = chunk * _CELLS
    fy0 = chunk * 2
    copies = [
        pltpu.async_copy(
            tm_hbm.at[b, g0 + k, :], tm_v.at[pl.ds(k * _HW, _HW)], sem
        )
        for k in range(_CELLS)
    ]
    for r in range(2):
        for cplane in range(2):
            pltpu.sync_copy(
                g_hbm.at[b, 4 + 8 * (fy0 + r), cplane, :],
                g_v.at[pl.ds((2 * r + cplane) * _IMG, _IMG)],
            )
    for c in copies:
        c.wait()
    num = jnp.zeros((16,), jnp.float32)
    den = jnp.zeros((16,), jnp.float32)
    iota = lax.iota(jnp.int32, 16)
    for v in range(4):
        c = iota + (v * 16)
        r = c >> 5
        fx = c & 31
        gidx = r * (2 * _IMG) + (fx << 3) + 4
        gx = plsc.load_gather(g_v, [gidx])
        gy = plsc.load_gather(g_v, [gidx + _IMG])
        px = gx * 256.0
        py = gy * 256.0
        tx = px.astype(jnp.int32)
        ty = py.astype(jnp.int32)
        xmin = tx - (tx.astype(jnp.float32) > px).astype(jnp.int32)
        ymin = ty - (ty.astype(jnp.float32) > py).astype(jnp.int32)
        valid = (xmin >= 0) & (ymin >= 0) & (xmin <= 255) & (ymin <= 255)
        x0 = xmin >> 3
        x1 = (xmin + 1) >> 3
        y0 = ymin >> 3
        y1 = (ymin + 1) >> 3
        mx0 = (x0 >= 0) & (x0 <= _F)
        mx1 = (x1 != x0) & (x1 >= 0) & (x1 <= _F)
        my0 = (y0 >= 0) & (y0 <= _F)
        my1 = (y1 != y0) & (y1 >= 0) & (y1 <= _F)
        for xs, ys, mj in ((x0, y0, mx0 & my0), (x0, y1, mx0 & my1),
                           (x1, y0, mx1 & my0), (x1, y1, mx1 & my1)):
            ia = jnp.clip(ys, 0, _F - 1) * _F + jnp.clip(xs, 0, _F - 1)
            val = plsc.load_gather(tm_v, [c * _HW + ia])
            m = mj & valid
            num = num + jnp.where(m, jnp.maximum(val, 0.0), 0.0)
            den = den + jnp.where(m, 1.0, 0.0)
    o_v[pl.ds(0, 16)] = num
    o_v[pl.ds(16, 16)] = den
    pltpu.sync_copy(o_v, out_hbm.at[wid])


def kernel(sketch_query_vectors, ref_key_vectors, G):
    B = sketch_query_vectors.shape[0]
    sq = jnp.transpose(sketch_query_vectors, (0, 2, 3, 1)).reshape(B, _HW, _C)
    rk = jnp.transpose(ref_key_vectors, (0, 2, 3, 1)).reshape(B, _HW, _C)
    g2 = jnp.transpose(G, (0, 1, 3, 2))
    tm = pl.pallas_call(
        _tc_kernel,
        in_specs=[
            pl.BlockSpec(memory_space=pl.ANY),
            pl.BlockSpec(memory_space=pl.ANY),
        ],
        out_specs=pl.BlockSpec(memory_space=pl.ANY),
        out_shape=jax.ShapeDtypeStruct((B, _HW, _HW), jnp.float32),
        scratch_shapes=[
            pltpu.VMEM((B, _HW, _C), jnp.float32),
            pltpu.VMEM((B, _HW, _C), jnp.float32),
            pltpu.VMEM((B, _HW, _HW), jnp.float32),
            pltpu.SemaphoreType.DMA,
            pltpu.SemaphoreType.DMA,
        ],
    )(sq, rk)
    sc_fn = functools.partial(
        pl.kernel,
        mesh=plsc.VectorSubcoreMesh(core_axis_name="c", subcore_axis_name="s"),
        compiler_params=pltpu.CompilerParams(needs_layout_passes=False),
        out_type=jax.ShapeDtypeStruct((_NW, 32), jnp.float32),
        scratch_types=[
            pltpu.VMEM((_CELLS * _HW,), jnp.float32),
            pltpu.VMEM((4 * _IMG,), jnp.float32),
            pltpu.VMEM((32,), jnp.float32),
            pltpu.SemaphoreType.DMA,
        ],
    )(_sc_kernel)
    parts = sc_fn(tm, g2)
    return parts[:, :16].sum() / (1e-6 + parts[:, 16:].sum())

# --- scband reference (transcript-rebuilt; emitter-appended) ---
"""Pipeline reference for scband-similarity-triplet-loss-16655883174498 (READ-ONLY COPY).

The authoritative reference and input builder live on the scoring server;
editing this copy changes nothing except your own understanding.
"""

import jax, jax.numpy as jnp
import numpy as np

R_FIELD = 8
MARGIN = 0.6
EPS = 1e-8


def _prepare(G):
    # Faithful traced port of GridProcessing._decompose_G + _prepare's anchor/positive cords.
    # (GridProcessing._get_negative_ids is dead code: forward overwrites negatives via get_negative_ids.)
    B, H, W, _ = G.shape
    r = R_FIELD
    Gx = jnp.floor(G[..., 0] * W).astype(jnp.int32)
    Gy = jnp.floor(G[..., 1] * H).astype(jnp.int32)
    FH, FW = H // r, W // r
    iy_mid = ((np.arange(FH) + 0.5) * r).astype(np.int32)
    ix_mid = ((np.arange(FW) + 0.5) * r).astype(np.int32)
    xmin = Gx[:, iy_mid[:, None], ix_mid[None, :]]  # (B, FH, FW)
    ymin = Gy[:, iy_mid[:, None], ix_mid[None, :]]
    valid = (xmin >= 0) & (ymin >= 0) & (xmin + 1 <= W) & (ymin + 1 <= H)
    x0, x1 = xmin // r, (xmin + 1) // r
    y0, y1 = ymin // r, (ymin + 1) // r
    mx0 = (x0 >= 0) & (x0 <= FW)
    mx1 = (x1 != x0) & (x1 >= 0) & (x1 <= FW)
    my0 = (y0 >= 0) & (y0 <= FH)
    my1 = (y1 != y0) & (y1 >= 0) & (y1 <= FH)
    xs = jnp.clip(jnp.stack([x0, x0, x1, x1], axis=-1), 0, 31)
    ys = jnp.clip(jnp.stack([y0, y1, y0, y1], axis=-1), 0, 31)
    mask = jnp.stack([mx0 & my0, mx0 & my1, mx1 & my0, mx1 & my1], axis=-1) & valid[..., None]
    shape = (B, FH, FW, 4)
    b_idx = jnp.broadcast_to(jnp.arange(B, dtype=jnp.int32)[:, None, None, None], shape)
    h_idx = jnp.broadcast_to(jnp.arange(FH, dtype=jnp.int32)[None, :, None, None], shape)
    w_idx = jnp.broadcast_to(jnp.arange(FW, dtype=jnp.int32)[None, None, :, None], shape)
    a = jnp.stack([b_idx, xs, ys], axis=-1).reshape(-1, 3)
    p = jnp.stack([b_idx, w_idx, h_idx], axis=-1).reshape(-1, 3)
    return a, p, mask.reshape(-1)


def _loss_from_cords(sq, rk, a, p, mask):
    B, C, FH, FW = sq.shape
    refs_flat = jnp.transpose(rk.reshape(B, C, FH * FW), (0, 2, 1))  # (B, HW, C); row i = (y=i//W, x=i%W)
    ab, ax, ay = a[:, 0], a[:, 1], a[:, 2]
    pb, px, py = p[:, 0], p[:, 1], p[:, 2]
    anchors = sq[ab, :, ay, ax]      # (N, C)  sketch[b,:,y,x]
    positives = rk[pb, :, py, px]    # (N, C)  ref[b,:,h,w]
    total = jnp.asarray(0.0, dtype=sq.dtype)
    nb = a.shape[0] // B
    for b in range(B):
        sl = slice(b * nb, (b + 1) * nb)
        A = anchors[sl]
        P = positives[sl]
        mb = mask[sl].astype(sq.dtype)
        Rb = refs_flat[b]
        an = jnp.maximum(jnp.linalg.norm(A, axis=1, keepdims=True), EPS)
        rn = jnp.maximum(jnp.linalg.norm(Rb, axis=1, keepdims=True), EPS)
        sims = (A @ Rb.T) / (an * rn.T)                 # cosine_similarity(anchor, all refs)
        idx = jnp.argsort(sims, axis=1)[:, :3]          # 3 least-similar -> negatives
        negs = Rb[idx]                                  # (Nb, 3, C)
        pn = jnp.maximum(jnp.linalg.norm(P, axis=1), EPS)
        dp = 1.0 - jnp.sum(A * P, axis=1) / (an[:, 0] * pn)
        nn = jnp.maximum(jnp.linalg.norm(negs, axis=2), EPS)
        cos_neg = jnp.sum(A[:, None, :] * negs, axis=2) / (an * nn)
        dn = 1.0 - jnp.sum(cos_neg, axis=1)             # 1 - sum of 3 cosines (as in calc_cosine)
        total = total + jnp.sum(mb * jax.nn.relu(dp - dn + MARGIN))
    return total / (1e-6 + jnp.sum(mask.astype(sq.dtype)))


def setup_inputs(seed: int = 0):
    key = jax.random.key(seed)
    k1, k2, k3 = jax.random.split(key, 3)
    sq = jax.random.normal(k1, (2, 256, 32, 32), dtype=jnp.float32)
    rk = jax.random.normal(k2, (2, 256, 32, 32), dtype=jnp.float32)
    G = jax.random.uniform(k3, (2, 256, 256, 2), dtype=jnp.float32)
    return {"sketch_query_vectors": sq, "ref_key_vectors": rk, "G": G}


def reference(sketch_query_vectors, ref_key_vectors, G):
    a, p, mask = _prepare(G)
    return _loss_from_cords(sketch_query_vectors, ref_key_vectors, a, p, mask)

if __name__ == "__main__":
    import jax
    _d = setup_inputs()
    print(jax.jit(kernel)(*tuple(_d.values())))

</pallas_src>

<mosaic_0001>
#map = affine_map<(d0, d1) -> (0, 0, 0)>
#map1 = affine_map<(d0, d1) -> (0, 0, 0, 0)>
#map2 = affine_map<(d0, d1) -> (0, 0)>
module attributes {stable_mosaic.version = 14 : i64} {
  func.func @_sc_kernel(%arg0: i32, %arg1: i32, %arg2: memref<2x1024x1024xf32, #tpu.memory_space<hbm>>, %arg3: memref<2x256x2x256xf32, #tpu.memory_space<hbm>>, %arg4: memref<32x32xf32, #tpu.memory_space<hbm>>, %arg5: memref<65536xf32, #tpu.memory_space<vmem>>, %arg6: memref<1024xf32, #tpu.memory_space<vmem>>, %arg7: memref<32xf32, #tpu.memory_space<vmem>>, %arg8: memref<!tpu.dma_semaphore, #tpu.memory_space<semaphore_mem>>) attributes {dimension_semantics = [#tpu.dimension_semantics<core_parallel>, #tpu.dimension_semantics<subcore_parallel>], iteration_bounds = array<i64: 2, 16>, scalar_prefetch = 0 : i64, scratch_operands = 4 : i64, tpu.core_type = #tpu.core_type<sc_vector_subcore>, window_params = [{transform_indices = #map}, {transform_indices = #map1}, {transform_indices = #map2}]} {
    %mul3A = arith.constant 2 : i32
    %mul3A_0 = arith.muli %arg1, %mul3A : i32
    %add3A = arith.addi %mul3A_0, %arg0 : i32
    %jit3A = arith.constant 16 : i32
    %div3A = arith.divsi %add3A, %jit3A : i32
    %sign3A = arith.constant 0 : i32
    %sign3A_1 = arith.cmpi sgt, %add3A, %sign3A : i32
    %sign3A_2 = arith.extui %sign3A_1 : i1 to i32
    %sign3A_3 = arith.constant 0 : i32
    %sign3A_4 = arith.cmpi slt, %add3A, %sign3A_3 : i32
    %sign3A_5 = arith.extui %sign3A_4 : i1 to i32
    %sign3A_6 = arith.subi %sign3A_2, %sign3A_5 : i32
    %sign3A_7 = arith.constant 0 : i32
    %sign3A_8 = arith.cmpi sgt, %jit3A, %sign3A_7 : i32
    %sign3A_9 = arith.extui %sign3A_8 : i1 to i32
    %sign3A_10 = arith.constant 0 : i32
    %sign3A_11 = arith.cmpi slt, %jit3A, %sign3A_10 : i32
    %sign3A_12 = arith.extui %sign3A_11 : i1 to i32
    %sign3A_13 = arith.subi %sign3A_9, %sign3A_12 : i32
    %ne3A = arith.cmpi ne, %sign3A_6, %sign3A_13 : i32
    %rem3A = arith.remsi %add3A, %jit3A : i32
    %ne3A_14 = arith.constant 0 : i32
    %ne3A_15 = arith.cmpi ne, %rem3A, %ne3A_14 : i32
    %and3A = arith.andi %ne3A, %ne3A_15 : i1
    %sub3A = arith.constant 1 : i32
    %sub3A_16 = arith.subi %div3A, %sub3A : i32
    %select_n3A = arith.select %and3A, %sub3A_16, %div3A : i32
    %jit3A_17 = arith.constant 16 : i32
    %eq3A = arith.constant 0 : i32
    %eq3A_18 = arith.cmpi eq, %jit3A_17, %eq3A : i32
    %jit3A_19 = arith.constant 1 : i32
    %select_n3A_20 = arith.select %eq3A_18, %jit3A_19, %jit3A_17 : i32
    %rem3A_21 = arith.remsi %add3A, %select_n3A_20 : i32
    %ne3A_22 = arith.constant 0 : i32
    %ne3A_23 = arith.cmpi ne, %rem3A_21, %ne3A_22 : i32
    %lt3A = arith.constant 0 : i32
    %lt3A_24 = arith.cmpi slt, %rem3A_21, %lt3A : i32
    %lt3A_25 = arith.constant 0 : i32
    %lt3A_26 = arith.cmpi slt, %select_n3A_20, %lt3A_25 : i32
    %ne3A_27 = arith.xori %lt3A_24, %lt3A_26 : i1
    %and3A_28 = arith.andi %ne3A_27, %ne3A_23 : i1
    %add3A_29 = arith.addi %rem3A_21, %select_n3A_20 : i32
    %select_n3A_30 = arith.select %and3A_28, %add3A_29, %rem3A_21 : i32
    %mul3A_31 = arith.constant 64 : i32
    %mul3A_32 = arith.muli %select_n3A_30, %mul3A_31 : i32
    %mul3A_33 = arith.constant 2 : i32
    %mul3A_34 = arith.muli %select_n3A_30, %mul3A_33 : i32
    %add3A_35 = arith.constant 0 : i32
    %add3A_36 = arith.addi %mul3A_32, %add3A_35 : i32
    %dma_start3A = arith.constant 0 : i32
    %dma_start3A_37 = tpu.memref_slice %arg5[%dma_start3A] : memref<65536xf32, #tpu.memory_space<vmem>> -> memref<1024xf32, #tpu.memory_space<vmem>>
    %dma_start3A_38 = arith.constant 0 : i32
    %dma_start3A_39 = tpu.memref_slice %arg2[%select_n3A, %add3A_36, %dma_start3A_38] : memref<2x1024x1024xf32, #tpu.memory_space<hbm>> -> memref<1x1x1024xf32, #tpu.memory_space<hbm>>
    %dma_start3A_40 = tpu.memref_squeeze %dma_start3A_39 : memref<1x1x1024xf32, #tpu.memory_space<hbm>> -> memref<1024xf32, #tpu.memory_space<hbm>>
    %dma_start3A_41 = arith.constant 0 : i32
    %dma_start3A_42 = tpu.memref_slice %arg5[%dma_start3A_41] : memref<65536xf32, #tpu.memory_space<vmem>> -> memref<1024xf32, #tpu.memory_space<vmem>>
    %dma_start3A_43 = arith.constant 0 : i32
    %dma_start3A_44 = tpu.memref_slice %arg2[%select_n3A, %add3A_36, %dma_start3A_43] : memref<2x1024x1024xf32, #tpu.memory_space<hbm>> -> memref<1x1x1024xf32, #tpu.memory_space<hbm>>
    %dma_start3A_45 = tpu.memref_squeeze %dma_start3A_44 : memref<1x1x1024xf32, #tpu.memory_space<hbm>> -> memref<1024xf32, #tpu.memory_space<hbm>>
    tpu.enqueue_dma source(%dma_start3A_45 : memref<1024xf32, #tpu.memory_space<hbm>>) target(%dma_start3A_42 : memref<1024xf32, #tpu.memory_space<vmem>>) target_semaphore(%arg8 : memref<!tpu.dma_semaphore, #tpu.memory_space<semaphore_mem>>)
    %add3A_46 = arith.constant 1 : i32
    %add3A_47 = arith.addi %mul3A_32, %add3A_46 : i32
    %dma_start3A_48 = arith.constant 1024 : i32
    %dma_start3A_49 = tpu.memref_slice %arg5[%dma_start3A_48] : memref<65536xf32, #tpu.memory_space<vmem>> -> memref<1024xf32, #tpu.memory_space<vmem>>
    %dma_start3A_50 = arith.constant 0 : i32
    %dma_start3A_51 = tpu.memref_slice %arg2[%select_n3A, %add3A_47, %dma_start3A_50] : memref<2x1024x1024xf32, #tpu.memory_space<hbm>> -> memref<1x1x1024xf32, #tpu.memory_space<hbm>>
    %dma_start3A_52 = tpu.memref_squeeze %dma_start3A_51 : memref<1x1x1024xf32, #tpu.memory_space<hbm>> -> memref<1024xf32, #tpu.memory_space<hbm>>
    %dma_start3A_53 = arith.constant 1024 : i32
    %dma_start3A_54 = tpu.memref_slice %arg5[%dma_start3A_53] : memref<65536xf32, #tpu.memory_space<vmem>> -> memref<1024xf32, #tpu.memory_space<vmem>>
    %dma_start3A_55 = arith.constant 0 : i32
    %dma_start3A_56 = tpu.memref_slice %arg2[%select_n3A, %add3A_47, %dma_start3A_55] : memref<2x1024x1024xf32, #tpu.memory_space<hbm>> -> memref<1x1x1024xf32, #tpu.memory_space<hbm>>
    %dma_start3A_57 = tpu.memref_squeeze %dma_start3A_56 : memref<1x1x1024xf32, #tpu.memory_space<hbm>> -> memref<1024xf32, #tpu.memory_space<hbm>>
    tpu.enqueue_dma source(%dma_start3A_57 : memref<1024xf32, #tpu.memory_space<hbm>>) target(%dma_start3A_54 : memref<1024xf32, #tpu.memory_space<vmem>>) target_semaphore(%arg8 : memref<!tpu.dma_semaphore, #tpu.memory_space<semaphore_mem>>)
    %add3A_58 = arith.constant 2 : i32
    %add3A_59 = arith.addi %mul3A_32, %add3A_58 : i32
    %dma_start3A_60 = arith.constant 2048 : i32
    %dma_start3A_61 = tpu.memref_slice %arg5[%dma_start3A_60] : memref<65536xf32, #tpu.memory_space<vmem>> -> memref<1024xf32, #tpu.memory_space<vmem>>
    %dma_start3A_62 = arith.constant 0 : i32
    %dma_start3A_63 = tpu.memref_slice %arg2[%select_n3A, %add3A_59, %dma_start3A_62] : memref<2x1024x1024xf32, #tpu.memory_space<hbm>> -> memref<1x1x1024xf32, #tpu.memory_space<hbm>>
    %dma_start3A_64 = tpu.memref_squeeze %dma_start3A_63 : memref<1x1x1024xf32, #tpu.memory_space<hbm>> -> memref<1024xf32, #tpu.memory_space<hbm>>
    %dma_start3A_65 = arith.constant 2048 : i32
    %dma_start3A_66 = tpu.memref_slice %arg5[%dma_start3A_65] : memref<65536xf32, #tpu.memory_space<vmem>> -> memref<1024xf32, #tpu.memory_space<vmem>>
    %dma_start3A_67 = arith.constant 0 : i32
    %dma_start3A_68 = tpu.memref_slice %arg2[%select_n3A, %add3A_59, %dma_start3A_67] : memref<2x1024x1024xf32, #tpu.memory_space<hbm>> -> memref<1x1x1024xf32, #tpu.memory_space<hbm>>
    %dma_start3A_69 = tpu.memref_squeeze %dma_start3A_68 : memref<1x1x1024xf32, #tpu.memory_space<hbm>> -> memref<1024xf32, #tpu.memory_space<hbm>>
    tpu.enqueue_dma source(%dma_start3A_69 : memref<1024xf32, #tpu.memory_space<hbm>>) target(%dma_start3A_66 : memref<1024xf32, #tpu.memory_space<vmem>>) target_semaphore(%arg8 : memref<!tpu.dma_semaphore, #tpu.memory_space<semaphore_mem>>)
    %add3A_70 = arith.constant 3 : i32
    %add3A_71 = arith.addi %mul3A_32, %add3A_70 : i32
    %dma_start3A_72 = arith.constant 3072 : i32
    %dma_start3A_73 = tpu.memref_slice %arg5[%dma_start3A_72] : memref<65536xf32, #tpu.memory_space<vmem>> -> memref<1024xf32, #tpu.memory_space<vmem>>
    %dma_start3A_74 = arith.constant 0 : i32
    %dma_start3A_75 = tpu.memref_slice %arg2[%select_n3A, %add3A_71, %dma_start3A_74] : memref<2x1024x1024xf32, #tpu.memory_space<hbm>> -> memref<1x1x1024xf32, #tpu.memory_space<hbm>>
    %dma_start3A_76 = tpu.memref_squeeze %dma_start3A_75 : memref<1x1x1024xf32, #tpu.memory_space<hbm>> -> memref<1024xf32, #tpu.memory_space<hbm>>
    %dma_start3A_77 = arith.constant 3072 : i32
    %dma_start3A_78 = tpu.memref_slice %arg5[%dma_start3A_77] : memref<65536xf32, #tpu.memory_space<vmem>> -> memref<1024xf32, #tpu.memory_space<vmem>>
    %dma_start3A_79 = arith.constant 0 : i32
    %dma_start3A_80 = tpu.memref_slice %arg2[%select_n3A, %add3A_71, %dma_start3A_79] : memref<2x1024x1024xf32, #tpu.memory_space<hbm>> -> memref<1x1x1024xf32, #tpu.memory_space<hbm>>
    %dma_start3A_81 = tpu.memref_squeeze %dma_start3A_80 : memref<1x1x1024xf32, #tpu.memory_space<hbm>> -> memref<1024xf32, #tpu.memory_space<hbm>>
    tpu.enqueue_dma source(%dma_start3A_81 : memref<1024xf32, #tpu.memory_space<hbm>>) target(%dma_start3A_78 : memref<1024xf32, #tpu.memory_space<vmem>>) target_semaphore(%arg8 : memref<!tpu.dma_semaphore, #tpu.memory_space<semaphore_mem>>)
    %add3A_82 = arith.constant 4 : i32
    %add3A_83 = arith.addi %mul3A_32, %add3A_82 : i32
    %dma_start3A_84 = arith.constant 4096 : i32
    %dma_start3A_85 = tpu.memref_slice %arg5[%dma_start3A_84] : memref<65536xf32, #tpu.memory_space<vmem>> -> memref<1024xf32, #tpu.memory_space<vmem>>
    %dma_start3A_86 = arith.constant 0 : i32
    %dma_start3A_87 = tpu.memref_slice %arg2[%select_n3A, %add3A_83, %dma_start3A_86] : memref<2x1024x1024xf32, #tpu.memory_space<hbm>> -> memref<1x1x1024xf32, #tpu.memory_space<hbm>>
    %dma_start3A_88 = tpu.memref_squeeze %dma_start3A_87 : memref<1x1x1024xf32, #tpu.memory_space<hbm>> -> memref<1024xf32, #tpu.memory_space<hbm>>
    %dma_start3A_89 = arith.constant 4096 : i32
    %dma_start3A_90 = tpu.memref_slice %arg5[%dma_start3A_89] : memref<65536xf32, #tpu.memory_space<vmem>> -> memref<1024xf32, #tpu.memory_space<vmem>>
    %dma_start3A_91 = arith.constant 0 : i32
    %dma_start3A_92 = tpu.memref_slice %arg2[%select_n3A, %add3A_83, %dma_start3A_91] : memref<2x1024x1024xf32, #tpu.memory_space<hbm>> -> memref<1x1x1024xf32, #tpu.memory_space<hbm>>
    %dma_start3A_93 = tpu.memref_squeeze %dma_start3A_92 : memref<1x1x1024xf32, #tpu.memory_space<hbm>> -> memref<1024xf32, #tpu.memory_space<hbm>>
    tpu.enqueue_dma source(%dma_start3A_93 : memref<1024xf32, #tpu.memory_space<hbm>>) target(%dma_start3A_90 : memref<1024xf32, #tpu.memory_space<vmem>>) target_semaphore(%arg8 : memref<!tpu.dma_semaphore, #tpu.memory_space<semaphore_mem>>)
    %add3A_94 = arith.constant 5 : i32
    %add3A_95 = arith.addi %mul3A_32, %add3A_94 : i32
    %dma_start3A_96 = arith.constant 5120 : i32
    %dma_start3A_97 = tpu.memref_slice %arg5[%dma_start3A_96] : memref<65536xf32, #tpu.memory_space<vmem>> -> memref<1024xf32, #tpu.memory_space<vmem>>
    %dma_start3A_98 = arith.constant 0 : i32
    %dma_start3A_99 = tpu.memref_slice %arg2[%select_n3A, %add3A_95, %dma_start3A_98] : memref<2x1024x1024xf32, #tpu.memory_space<hbm>> -> memref<1x1x1024xf32, #tpu.memory_space<hbm>>
    %dma_start3A_100 = tpu.memref_squeeze %dma_start3A_99 : memref<1x1x1024xf32, #tpu.memory_space<hbm>> -> memref<1024xf32, #tpu.memory_space<hbm>>
    %dma_start3A_101 = arith.constant 5120 : i32
    %dma_start3A_102 = tpu.memref_slice %arg5[%dma_start3A_101] : memref<65536xf32, #tpu.memory_space<vmem>> -> memref<1024xf32, #tpu.memory_space<vmem>>
    %dma_start3A_103 = arith.constant 0 : i32
    %dma_start3A_104 = tpu.memref_slice %arg2[%select_n3A, %add3A_95, %dma_start3A_103] : memref<2x1024x1024xf32, #tpu.memory_space<hbm>> -> memref<1x1x1024xf32, #tpu.memory_space<hbm>>
    %dma_start3A_105 = tpu.memref_squeeze %dma_start3A_104 : memref<1x1x1024xf32, #tpu.memory_space<hbm>> -> memref<1024xf32, #tpu.memory_space<hbm>>
    tpu.enqueue_dma source(%dma_start3A_105 : memref<1024xf32, #tpu.memory_space<hbm>>) target(%dma_start3A_102 : memref<1024xf32, #tpu.memory_space<vmem>>) target_semaphore(%arg8 : memref<!tpu.dma_semaphore, #tpu.memory_space<semaphore_mem>>)
    %add3A_106 = arith.constant 6 : i32
    %add3A_107 = arith.addi %mul3A_32, %add3A_106 : i32
    %dma_start3A_108 = arith.constant 6144 : i32
    %dma_start3A_109 = tpu.memref_slice %arg5[%dma_start3A_108] : memref<65536xf32, #tpu.memory_space<vmem>> -> memref<1024xf32, #tpu.memory_space<vmem>>
    %dma_start3A_110 = arith.constant 0 : i32
    %dma_start3A_111 = tpu.memref_slice %arg2[%select_n3A, %add3A_107, %dma_start3A_110] : memref<2x1024x1024xf32, #tpu.memory_space<hbm>> -> memref<1x1x1024xf32, #tpu.memory_space<hbm>>
    %dma_start3A_112 = tpu.memref_squeeze %dma_start3A_111 : memref<1x1x1024xf32, #tpu.memory_space<hbm>> -> memref<1024xf32, #tpu.memory_space<hbm>>
    %dma_start3A_113 = arith.constant 6144 : i32
    %dma_start3A_114 = tpu.memref_slice %arg5[%dma_start3A_113] : memref<65536xf32, #tpu.memory_space<vmem>> -> memref<1024xf32, #tpu.memory_space<vmem>>
    %dma_start3A_115 = arith.constant 0 : i32
    %dma_start3A_116 = tpu.memref_slice %arg2[%select_n3A, %add3A_107, %dma_start3A_115] : memref<2x1024x1024xf32, #tpu.memory_space<hbm>> -> memref<1x1x1024xf32, #tpu.memory_space<hbm>>
    %dma_start3A_117 = tpu.memref_squeeze %dma_start3A_116 : memref<1x1x1024xf32, #tpu.memory_space<hbm>> -> memref<1024xf32, #tpu.memory_space<hbm>>
    tpu.enqueue_dma source(%dma_start3A_117 : memref<1024xf32, #tpu.memory_space<hbm>>) target(%dma_start3A_114 : memref<1024xf32, #tpu.memory_space<vmem>>) target_semaphore(%arg8 : memref<!tpu.dma_semaphore, #tpu.memory_space<semaphore_mem>>)
    %add3A_118 = arith.constant 7 : i32
    %add3A_119 = arith.addi %mul3A_32, %add3A_118 : i32
    %dma_start3A_120 = arith.constant 7168 : i32
    %dma_start3A_121 = tpu.memref_slice %arg5[%dma_start3A_120] : memref<65536xf32, #tpu.memory_space<vmem>> -> memref<1024xf32, #tpu.memory_space<vmem>>
    %dma_start3A_122 = arith.constant 0 : i32
    %dma_start3A_123 = tpu.memref_slice %arg2[%select_n3A, %add3A_119, %dma_start3A_122] : memref<2x1024x1024xf32, #tpu.memory_space<hbm>> -> memref<1x1x1024xf32, #tpu.memory_space<hbm>>
    %dma_start3A_124 = tpu.memref_squeeze %dma_start3A_123 : memref<1x1x1024xf32, #tpu.memory_space<hbm>> -> memref<1024xf32, #tpu.memory_space<hbm>>
    %dma_start3A_125 = arith.constant 7168 : i32
    %dma_start3A_126 = tpu.memref_slice %arg5[%dma_start3A_125] : memref<65536xf32, #tpu.memory_space<vmem>> -> memref<1024xf32, #tpu.memory_space<vmem>>
    %dma_start3A_127 = arith.constant 0 : i32
    %dma_start3A_128 = tpu.memref_slice %arg2[%select_n3A, %add3A_119, %dma_start3A_127] : memref<2x1024x1024xf32, #tpu.memory_space<hbm>> -> memref<1x1x1024xf32, #tpu.memory_space<hbm>>
    %dma_start3A_129 = tpu.memref_squeeze %dma_start3A_128 : memref<1x1x1024xf32, #tpu.memory_space<hbm>> -> memref<1024xf32, #tpu.memory_space<hbm>>
    tpu.enqueue_dma source(%dma_start3A_129 : memref<1024xf32, #tpu.memory_space<hbm>>) target(%dma_start3A_126 : memref<1024xf32, #tpu.memory_space<vmem>>) target_semaphore(%arg8 : memref<!tpu.dma_semaphore, #tpu.memory_space<semaphore_mem>>)
    %add3A_130 = arith.constant 8 : i32
    %add3A_131 = arith.addi %mul3A_32, %add3A_130 : i32
    %dma_start3A_132 = arith.constant 8192 : i32
    %dma_start3A_133 = tpu.memref_slice %arg5[%dma_start3A_132] : memref<65536xf32, #tpu.memory_space<vmem>> -> memref<1024xf32, #tpu.memory_space<vmem>>
    %dma_start3A_134 = arith.constant 0 : i32
    %dma_start3A_135 = tpu.memref_slice %arg2[%select_n3A, %add3A_131, %dma_start3A_134] : memref<2x1024x1024xf32, #tpu.memory_space<hbm>> -> memref<1x1x1024xf32, #tpu.memory_space<hbm>>
    %dma_start3A_136 = tpu.memref_squeeze %dma_start3A_135 : memref<1x1x1024xf32, #tpu.memory_space<hbm>> -> memref<1024xf32, #tpu.memory_space<hbm>>
    %dma_start3A_137 = arith.constant 8192 : i32
    %dma_start3A_138 = tpu.memref_slice %arg5[%dma_start3A_137] : memref<65536xf32, #tpu.memory_space<vmem>> -> memref<1024xf32, #tpu.memory_space<vmem>>
    %dma_start3A_139 = arith.constant 0 : i32
    %dma_start3A_140 = tpu.memref_slice %arg2[%select_n3A, %add3A_131, %dma_start3A_139] : memref<2x1024x1024xf32, #tpu.memory_space<hbm>> -> memref<1x1x1024xf32, #tpu.memory_space<hbm>>
    %dma_start3A_141 = tpu.memref_squeeze %dma_start3A_140 : memref<1x1x1024xf32, #tpu.memory_space<hbm>> -> memref<1024xf32, #tpu.memory_space<hbm>>
    tpu.enqueue_dma source(%dma_start3A_141 : memref<1024xf32, #tpu.memory_space<hbm>>) target(%dma_start3A_138 : memref<1024xf32, #tpu.memory_space<vmem>>) target_semaphore(%arg8 : memref<!tpu.dma_semaphore, #tpu.memory_space<semaphore_mem>>)
    %add3A_142 = arith.constant 9 : i32
    %add3A_143 = arith.addi %mul3A_32, %add3A_142 : i32
    %dma_start3A_144 = arith.constant 9216 : i32
    %dma_start3A_145 = tpu.memref_slice %arg5[%dma_start3A_144] : memref<65536xf32, #tpu.memory_space<vmem>> -> memref<1024xf32, #tpu.memory_space<vmem>>
    %dma_start3A_146 = arith.constant 0 : i32
    %dma_start3A_147 = tpu.memref_slice %arg2[%select_n3A, %add3A_143, %dma_start3A_146] : memref<2x1024x1024xf32, #tpu.memory_space<hbm>> -> memref<1x1x1024xf32, #tpu.memory_space<hbm>>
    %dma_start3A_148 = tpu.memref_squeeze %dma_start3A_147 : memref<1x1x1024xf32, #tpu.memory_space<hbm>> -> memref<1024xf32, #tpu.memory_space<hbm>>
    %dma_start3A_149 = arith.constant 9216 : i32
    %dma_start3A_150 = tpu.memref_slice %arg5[%dma_start3A_149] : memref<65536xf32, #tpu.memory_space<vmem>> -> memref<1024xf32, #tpu.memory_space<vmem>>
    %dma_start3A_151 = arith.constant 0 : i32
    %dma_start3A_152 = tpu.memref_slice %arg2[%select_n3A, %add3A_143, %dma_start3A_151] : memref<2x1024x1024xf32, #tpu.memory_space<hbm>> -> memref<1x1x1024xf32, #tpu.memory_space<hbm>>
    %dma_start3A_153 = tpu.memref_squeeze %dma_start3A_152 : memref<1x1x1024xf32, #tpu.memory_space<hbm>> -> memref<1024xf32, #tpu.memory_space<hbm>>
    tpu.enqueue_dma source(%dma_start3A_153 : memref<1024xf32, #tpu.memory_space<hbm>>) target(%dma_start3A_150 : memref<1024xf32, #tpu.memory_space<vmem>>) target_semaphore(%arg8 : memref<!tpu.dma_semaphore, #tpu.memory_space<semaphore_mem>>)
    %add3A_154 = arith.constant 10 : i32
    %add3A_155 = arith.addi %mul3A_32, %add3A_154 : i32
    %dma_start3A_156 = arith.constant 10240 : i32
    %dma_start3A_157 = tpu.memref_slice %arg5[%dma_start3A_156] : memref<65536xf32, #tpu.memory_space<vmem>> -> memref<1024xf32, #tpu.memory_space<vmem>>
    %dma_start3A_158 = arith.constant 0 : i32
    %dma_start3A_159 = tpu.memref_slice %arg2[%select_n3A, %add3A_155, %dma_start3A_158] : memref<2x1024x1024xf32, #tpu.memory_space<hbm>> -> memref<1x1x1024xf32, #tpu.memory_space<hbm>>
    %dma_start3A_160 = tpu.memref_squeeze %dma_start3A_159 : memref<1x1x1024xf32, #tpu.memory_space<hbm>> -> memref<1024xf32, #tpu.memory_space<hbm>>
    %dma_start3A_161 = arith.constant 10240 : i32
    %dma_start3A_162 = tpu.memref_slice %arg5[%dma_start3A_161] : memref<65536xf32, #tpu.memory_space<vmem>> -> memref<1024xf32, #tpu.memory_space<vmem>>
    %dma_start3A_163 = arith.constant 0 : i32
    %dma_start3A_164 = tpu.memref_slice %arg2[%select_n3A, %add3A_155, %dma_start3A_163] : memref<2x1024x1024xf32, #tpu.memory_space<hbm>> -> memref<1x1x1024xf32, #tpu.memory_space<hbm>>
    %dma_start3A_165 = tpu.memref_squeeze %dma_start3A_164 : memref<1x1x1024xf32, #tpu.memory_space<hbm>> -> memref<1024xf32, #tpu.memory_space<hbm>>
    tpu.enqueue_dma source(%dma_start3A_165 : memref<1024xf32, #tpu.memory_space<hbm>>) target(%dma_start3A_162 : memref<1024xf32, #tpu.memory_space<vmem>>) target_semaphore(%arg8 : memref<!tpu.dma_semaphore, #tpu.memory_space<semaphore_mem>>)
    %add3A_166 = arith.constant 11 : i32
    %add3A_167 = arith.addi %mul3A_32, %add3A_166 : i32
    %dma_start3A_168 = arith.constant 11264 : i32
    %dma_start3A_169 = tpu.memref_slice %arg5[%dma_start3A_168] : memref<65536xf32, #tpu.memory_space<vmem>> -> memref<1024xf32, #tpu.memory_space<vmem>>
    %dma_start3A_170 = arith.constant 0 : i32
    %dma_start3A_171 = tpu.memref_slice %arg2[%select_n3A, %add3A_167, %dma_start3A_170] : memref<2x1024x1024xf32, #tpu.memory_space<hbm>> -> memref<1x1x1024xf32, #tpu.memory_space<hbm>>
    %dma_start3A_172 = tpu.memref_squeeze %dma_start3A_171 : memref<1x1x1024xf32, #tpu.memory_space<hbm>> -> memref<1024xf32, #tpu.memory_space<hbm>>
    %dma_start3A_173 = arith.constant 11264 : i32
    %dma_start3A_174 = tpu.memref_slice %arg5[%dma_start3A_173] : memref<65536xf32, #tpu.memory_space<vmem>> -> memref<1024xf32, #tpu.memory_space<vmem>>
    %dma_start3A_175 = arith.constant 0 : i32
    %dma_start3A_176 = tpu.memref_slice %arg2[%select_n3A, %add3A_167, %dma_start3A_175] : memref<2x1024x1024xf32, #tpu.memory_space<hbm>> -> memref<1x1x1024xf32, #tpu.memory_space<hbm>>
    %dma_start3A_177 = tpu.memref_squeeze %dma_start3A_176 : memref<1x1x1024xf32, #tpu.memory_space<hbm>> -> memref<1024xf32, #tpu.memory_space<hbm>>
    tpu.enqueue_dma source(%dma_start3A_177 : memref<1024xf32, #tpu.memory_space<hbm>>) target(%dma_start3A_174 : memref<1024xf32, #tpu.memory_space<vmem>>) target_semaphore(%arg8 : memref<!tpu.dma_semaphore, #tpu.memory_space<semaphore_mem>>)
    %add3A_178 = arith.constant 12 : i32
    %add3A_179 = arith.addi %mul3A_32, %add3A_178 : i32
    %dma_start3A_180 = arith.constant 12288 : i32
    %dma_start3A_181 = tpu.memref_slice %arg5[%dma_start3A_180] : memref<65536xf32, #tpu.memory_space<vmem>> -> memref<1024xf32, #tpu.memory_space<vmem>>
    %dma_start3A_182 = arith.constant 0 : i32
    %dma_start3A_183 = tpu.memref_slice %arg2[%select_n3A, %add3A_179, %dma_start3A_182] : memref<2x1024x1024xf32, #tpu.memory_space<hbm>> -> memref<1x1x1024xf32, #tpu.memory_space<hbm>>
    %dma_start3A_184 = tpu.memref_squeeze %dma_start3A_183 : memref<1x1x1024xf32, #tpu.memory_space<hbm>> -> memref<1024xf32, #tpu.memory_space<hbm>>
    %dma_start3A_185 = arith.constant 12288 : i32
    %dma_start3A_186 = tpu.memref_slice %arg5[%dma_start3A_185] : memref<65536xf32, #tpu.memory_space<vmem>> -> memref<1024xf32, #tpu.memory_space<vmem>>
    %dma_start3A_187 = arith.constant 0 : i32
    %dma_start3A_188 = tpu.memref_slice %arg2[%select_n3A, %add3A_179, %dma_start3A_187] : memref<2x1024x1024xf32, #tpu.memory_space<hbm>> -> memref<1x1x1024xf32, #tpu.memory_space<hbm>>
    %dma_start3A_189 = tpu.memref_squeeze %dma_start3A_188 : memref<1x1x1024xf32, #tpu.memory_space<hbm>> -> memref<1024xf32, #tpu.memory_space<hbm>>
    tpu.enqueue_dma source(%dma_start3A_189 : memref<1024xf32, #tpu.memory_space<hbm>>) target(%dma_start3A_186 : memref<1024xf32, #tpu.memory_space<vmem>>) target_semaphore(%arg8 : memref<!tpu.dma_semaphore, #tpu.memory_space<semaphore_mem>>)
    %add3A_190 = arith.constant 13 : i32
    %add3A_191 = arith.addi %mul3A_32, %add3A_190 : i32
    %dma_start3A_192 = arith.constant 13312 : i32
    %dma_start3A_193 = tpu.memref_slice %arg5[%dma_start3A_192] : memref<65536xf32, #tpu.memory_space<vmem>> -> memref<1024xf32, #tpu.memory_space<vmem>>
    %dma_start3A_194 = arith.constant 0 : i32
    %dma_start3A_195 = tpu.memref_slice %arg2[%select_n3A, %add3A_191, %dma_start3A_194] : memref<2x1024x1024xf32, #tpu.memory_space<hbm>> -> memref<1x1x1024xf32, #tpu.memory_space<hbm>>
    %dma_start3A_196 = tpu.memref_squeeze %dma_start3A_195 : memref<1x1x1024xf32, #tpu.memory_space<hbm>> -> memref<1024xf32, #tpu.memory_space<hbm>>
    %dma_start3A_197 = arith.constant 13312 : i32
    %dma_start3A_198 = tpu.memref_slice %arg5[%dma_start3A_197] : memref<65536xf32, #tpu.memory_space<vmem>> -> memref<1024xf32, #tpu.memory_space<vmem>>
    %dma_start3A_199 = arith.constant 0 : i32
    %dma_start3A_200 = tpu.memref_slice %arg2[%select_n3A, %add3A_191, %dma_start3A_199] : memref<2x1024x1024xf32, #tpu.memory_space<hbm>> -> memref<1x1x1024xf32, #tpu.memory_space<hbm>>
    %dma_start3A_201 = tpu.memref_squeeze %dma_start3A_200 : memref<1x1x1024xf32, #tpu.memory_space<hbm>> -> memref<1024xf32, #tpu.memory_space<hbm>>
    tpu.enqueue_dma source(%dma_start3A_201 : memref<1024xf32, #tpu.memory_space<hbm>>) target(%dma_start3A_198 : memref<1024xf32, #tpu.memory_space<vmem>>) target_semaphore(%arg8 : memref<!tpu.dma_semaphore, #tpu.memory_space<semaphore_mem>>)
    %add3A_202 = arith.constant 14 : i32
    %add3A_203 = arith.addi %mul3A_32, %add3A_202 : i32
    %dma_start3A_204 = arith.constant 14336 : i32
    %dma_start3A_205 = tpu.memref_slice %arg5[%dma_start3A_204] : memref<65536xf32, #tpu.memory_space<vmem>> -> memref<1024xf32, #tpu.memory_space<vmem>>
    %dma_start3A_206 = arith.constant 0 : i32
    %dma_start3A_207 = tpu.memref_slice %arg2[%select_n3A, %add3A_203, %dma_start3A_206] : memref<2x1024x1024xf32, #tpu.memory_space<hbm>> -> memref<1x1x1024xf32, #tpu.memory_space<hbm>>
    %dma_start3A_208 = tpu.memref_squeeze %dma_start3A_207 : memref<1x1x1024xf32, #tpu.memory_space<hbm>> -> memref<1024xf32, #tpu.memory_space<hbm>>
    %dma_start3A_209 = arith.constant 14336 : i32
    %dma_start3A_210 = tpu.memref_slice %arg5[%dma_start3A_209] : memref<65536xf32, #tpu.memory_space<vmem>> -> memref<1024xf32, #tpu.memory_space<vmem>>
    %dma_start3A_211 = arith.constant 0 : i32
    %dma_start3A_212 = tpu.memref_slice %arg2[%select_n3A, %add3A_203, %dma_start3A_211] : memref<2x1024x1024xf32, #tpu.memory_space<hbm>> -> memref<1x1x1024xf32, #tpu.memory_space<hbm>>
    %dma_start3A_213 = tpu.memref_squeeze %dma_start3A_212 : memref<1x1x1024xf32, #tpu.memory_space<hbm>> -> memref<1024xf32, #tpu.memory_space<hbm>>
    tpu.enqueue_dma source(%dma_start3A_213 : memref<1024xf32, #tpu.memory_space<hbm>>) target(%dma_start3A_210 : memref<1024xf32, #tpu.memory_space<vmem>>) target_semaphore(%arg8 : memref<!tpu.dma_semaphore, #tpu.memory_space<semaphore_mem>>)
    %add3A_214 = arith.constant 15 : i32
    %add3A_215 = arith.addi %mul3A_32, %add3A_214 : i32
    %dma_start3A_216 = arith.constant 15360 : i32
    %dma_start3A_217 = tpu.memref_slice %arg5[%dma_start3A_216] : memref<65536xf32, #tpu.memory_space<vmem>> -> memref<1024xf32, #tpu.memory_space<vmem>>
    %dma_start3A_218 = arith.constant 0 : i32
    %dma_start3A_219 = tpu.memref_slice %arg2[%select_n3A, %add3A_215, %dma_start3A_218] : memref<2x1024x1024xf32, #tpu.memory_space<hbm>> -> memref<1x1x1024xf32, #tpu.memory_space<hbm>>
    %dma_start3A_220 = tpu.memref_squeeze %dma_start3A_219 : memref<1x1x1024xf32, #tpu.memory_space<hbm>> -> memref<1024xf32, #tpu.memory_space<hbm>>
    %dma_start3A_221 = arith.constant 15360 : i32
    %dma_start3A_222 = tpu.memref_slice %arg5[%dma_start3A_221] : memref<65536xf32, #tpu.memory_space<vmem>> -> memref<1024xf32, #tpu.memory_space<vmem>>
    %dma_start3A_223 = arith.constant 0 : i32
    %dma_start3A_224 = tpu.memref_slice %arg2[%select_n3A, %add3A_215, %dma_start3A_223] : memref<2x1024x1024xf32, #tpu.memory_space<hbm>> -> memref<1x1x1024xf32, #tpu.memory_space<hbm>>
    %dma_start3A_225 = tpu.memref_squeeze %dma_start3A_224 : memref<1x1x1024xf32, #tpu.memory_space<hbm>> -> memref<1024xf32, #tpu.memory_space<hbm>>
    tpu.enqueue_dma source(%dma_start3A_225 : memref<1024xf32, #tpu.memory_space<hbm>>) target(%dma_start3A_222 : memref<1024xf32, #tpu.memory_space<vmem>>) target_semaphore(%arg8 : memref<!tpu.dma_semaphore, #tpu.memory_space<semaphore_mem>>)
    %add3A_226 = arith.constant 16 : i32
    %add3A_227 = arith.addi %mul3A_32, %add3A_226 : i32
    %dma_start3A_228 = arith.constant 16384 : i32
    %dma_start3A_229 = tpu.memref_slice %arg5[%dma_start3A_228] : memref<65536xf32, #tpu.memory_space<vmem>> -> memref<1024xf32, #tpu.memory_space<vmem>>
    %dma_start3A_230 = arith.constant 0 : i32
    %dma_start3A_231 = tpu.memref_slice %arg2[%select_n3A, %add3A_227, %dma_start3A_230] : memref<2x1024x1024xf32, #tpu.memory_space<hbm>> -> memref<1x1x1024xf32, #tpu.memory_space<hbm>>
    %dma_start3A_232 = tpu.memref_squeeze %dma_start3A_231 : memref<1x1x1024xf32, #tpu.memory_space<hbm>> -> memref<1024xf32, #tpu.memory_space<hbm>>
    %dma_start3A_233 = arith.constant 16384 : i32
    %dma_start3A_234 = tpu.memref_slice %arg5[%dma_start3A_233] : memref<65536xf32, #tpu.memory_space<vmem>> -> memref<1024xf32, #tpu.memory_space<vmem>>
    %dma_start3A_235 = arith.constant 0 : i32
    %dma_start3A_236 = tpu.memref_slice %arg2[%select_n3A, %add3A_227, %dma_start3A_235] : memref<2x1024x1024xf32, #tpu.memory_space<hbm>> -> memref<1x1x1024xf32, #tpu.memory_space<hbm>>
    %dma_start3A_237 = tpu.memref_squeeze %dma_start3A_236 : memref<1x1x1024xf32, #tpu.memory_space<hbm>> -> memref<1024xf32, #tpu.memory_space<hbm>>
    tpu.enqueue_dma source(%dma_start3A_237 : memref<1024xf32, #tpu.memory_space<hbm>>) target(%dma_start3A_234 : memref<1024xf32, #tpu.memory_space<vmem>>) target_semaphore(%arg8 : memref<!tpu.dma_semaphore, #tpu.memory_space<semaphore_mem>>)
    %add3A_238 = arith.constant 17 : i32
    %add3A_239 = arith.addi %mul3A_32, %add3A_238 : i32
    %dma_start3A_240 = arith.constant 17408 : i32
    %dma_start3A_241 = tpu.memref_slice %arg5[%dma_start3A_240] : memref<65536xf32, #tpu.memory_space<vmem>> -> memref<1024xf32, #tpu.memory_space<vmem>>
    %dma_start3A_242 = arith.constant 0 : i32
    %dma_start3A_243 = tpu.memref_slice %arg2[%select_n3A, %add3A_239, %dma_start3A_242] : memref<2x1024x1024xf32, #tpu.memory_space<hbm>> -> memref<1x1x1024xf32, #tpu.memory_space<hbm>>
    %dma_start3A_244 = tpu.memref_squeeze %dma_start3A_243 : memref<1x1x1024xf32, #tpu.memory_space<hbm>> -> memref<1024xf32, #tpu.memory_space<hbm>>
    %dma_start3A_245 = arith.constant 17408 : i32
    %dma_start3A_246 = tpu.memref_slice %arg5[%dma_start3A_245] : memref<65536xf32, #tpu.memory_space<vmem>> -> memref<1024xf32, #tpu.memory_space<vmem>>
    %dma_start3A_247 = arith.constant 0 : i32
    %dma_start3A_248 = tpu.memref_slice %arg2[%select_n3A, %add3A_239, %dma_start3A_247] : memref<2x1024x1024xf32, #tpu.memory_space<hbm>> -> memref<1x1x1024xf32, #tpu.memory_space<hbm>>
    %dma_start3A_249 = tpu.memref_squeeze %dma_start3A_248 : memref<1x1x1024xf32, #tpu.memory_space<hbm>> -> memref<1024xf32, #tpu.memory_space<hbm>>
    tpu.enqueue_dma source(%dma_start3A_249 : memref<1024xf32, #tpu.memory_space<hbm>>) target(%dma_start3A_246 : memref<1024xf32, #tpu.memory_space<vmem>>) target_semaphore(%arg8 : memref<!tpu.dma_semaphore, #tpu.memory_space<semaphore_mem>>)
    %add3A_250 = arith.constant 18 : i32
    %add3A_251 = arith.addi %mul3A_32, %add3A_250 : i32
    %dma_start3A_252 = arith.constant 18432 : i32
    %dma_start3A_253 = tpu.memref_slice %arg5[%dma_start3A_252] : memref<65536xf32, #tpu.memory_space<vmem>> -> memref<1024xf32, #tpu.memory_space<vmem>>
    %dma_start3A_254 = arith.constant 0 : i32
    %dma_start3A_255 = tpu.memref_slice %arg2[%select_n3A, %add3A_251, %dma_start3A_254] : memref<2x1024x1024xf32, #tpu.memory_space<hbm>> -> memref<1x1x1024xf32, #tpu.memory_space<hbm>>
    %dma_start3A_256 = tpu.memref_squeeze %dma_start3A_255 : memref<1x1x1024xf32, #tpu.memory_space<hbm>> -> memref<1024xf32, #tpu.memory_space<hbm>>
    %dma_start3A_257 = arith.constant 18432 : i32
    %dma_start3A_258 = tpu.memref_slice %arg5[%dma_start3A_257] : memref<65536xf32, #tpu.memory_space<vmem>> -> memref<1024xf32, #tpu.memory_space<vmem>>
    %dma_start3A_259 = arith.constant 0 : i32
    %dma_start3A_260 = tpu.memref_slice %arg2[%select_n3A, %add3A_251, %dma_start3A_259] : memref<2x1024x1024xf32, #tpu.memory_space<hbm>> -> memref<1x1x1024xf32, #tpu.memory_space<hbm>>
    %dma_start3A_261 = tpu.memref_squeeze %dma_start3A_260 : memref<1x1x1024xf32, #tpu.memory_space<hbm>> -> memref<1024xf32, #tpu.memory_space<hbm>>
    tpu.enqueue_dma source(%dma_start3A_261 : memref<1024xf32, #tpu.memory_space<hbm>>) target(%dma_start3A_258 : memref<1024xf32, #tpu.memory_space<vmem>>) target_semaphore(%arg8 : memref<!tpu.dma_semaphore, #tpu.memory_space<semaphore_mem>>)
    %add3A_262 = arith.constant 19 : i32
    %add3A_263 = arith.addi %mul3A_32, %add3A_262 : i32
    %dma_start3A_264 = arith.constant 19456 : i32
    %dma_start3A_265 = tpu.memref_slice %arg5[%dma_start3A_264] : memref<65536xf32, #tpu.memory_space<vmem>> -> memref<1024xf32, #tpu.memory_space<vmem>>
    %dma_start3A_266 = arith.constant 0 : i32
    %dma_start3A_267 = tpu.memref_slice %arg2[%select_n3A, %add3A_263, %dma_start3A_266] : memref<2x1024x1024xf32, #tpu.memory_space<hbm>> -> memref<1x1x1024xf32, #tpu.memory_space<hbm>>
    %dma_start3A_268 = tpu.memref_squeeze %dma_start3A_267 : memref<1x1x1024xf32, #tpu.memory_space<hbm>> -> memref<1024xf32, #tpu.memory_space<hbm>>
    %dma_start3A_269 = arith.constant 19456 : i32
    %dma_start3A_270 = tpu.memref_slice %arg5[%dma_start3A_269] : memref<65536xf32, #tpu.memory_space<vmem>> -> memref<1024xf32, #tpu.memory_space<vmem>>
    %dma_start3A_271 = arith.constant 0 : i32
    %dma_start3A_272 = tpu.memref_slice %arg2[%select_n3A, %add3A_263, %dma_start3A_271] : memref<2x1024x1024xf32, #tpu.memory_space<hbm>> -> memref<1x1x1024xf32, #tpu.memory_space<hbm>>
    %dma_start3A_273 = tpu.memref_squeeze %dma_start3A_272 : memref<1x1x1024xf32, #tpu.memory_space<hbm>> -> memref<1024xf32, #tpu.memory_space<hbm>>
    tpu.enqueue_dma source(%dma_start3A_273 : memref<1024xf32, #tpu.memory_space<hbm>>) target(%dma_start3A_270 : memref<1024xf32, #tpu.memory_space<vmem>>) target_semaphore(%arg8 : memref<!tpu.dma_semaphore, #tpu.memory_space<semaphore_mem>>)
    %add3A_274 = arith.constant 20 : i32
    %add3A_275 = arith.addi %mul3A_32, %add3A_274 : i32
    %dma_start3A_276 = arith.constant 20480 : i32
    %dma_start3A_277 = tpu.memref_slice %arg5[%dma_start3A_276] : memref<65536xf32, #tpu.memory_space<vmem>> -> memref<1024xf32, #tpu.memory_space<vmem>>
    %dma_start3A_278 = arith.constant 0 : i32
    %dma_start3A_279 = tpu.memref_slice %arg2[%select_n3A, %add3A_275, %dma_start3A_278] : memref<2x1024x1024xf32, #tpu.memory_space<hbm>> -> memref<1x1x1024xf32, #tpu.memory_space<hbm>>
    %dma_start3A_280 = tpu.memref_squeeze %dma_start3A_279 : memref<1x1x1024xf32, #tpu.memory_space<hbm>> -> memref<1024xf32, #tpu.memory_space<hbm>>
    %dma_start3A_281 = arith.constant 20480 : i32
    %dma_start3A_282 = tpu.memref_slice %arg5[%dma_start3A_281] : memref<65536xf32, #tpu.memory_space<vmem>> -> memref<1024xf32, #tpu.memory_space<vmem>>
    %dma_start3A_283 = arith.constant 0 : i32
    %dma_start3A_284 = tpu.memref_slice %arg2[%select_n3A, %add3A_275, %dma_start3A_283] : memref<2x1024x1024xf32, #tpu.memory_space<hbm>> -> memref<1x1x1024xf32, #tpu.memory_space<hbm>>
    %dma_start3A_285 = tpu.memref_squeeze %dma_start3A_284 : memref<1x1x1024xf32, #tpu.memory_space<hbm>> -> memref<1024xf32, #tpu.memory_space<hbm>>
    tpu.enqueue_dma source(%dma_start3A_285 : memref<1024xf32, #tpu.memory_space<hbm>>) target(%dma_start3A_282 : memref<1024xf32, #tpu.memory_space<vmem>>) target_semaphore(%arg8 : memref<!tpu.dma_semaphore, #tpu.memory_space<semaphore_mem>>)
    %add3A_286 = arith.constant 21 : i32
    %add3A_287 = arith.addi %mul3A_32, %add3A_286 : i32
    %dma_start3A_288 = arith.constant 21504 : i32
    %dma_start3A_289 = tpu.memref_slice %arg5[%dma_start3A_288] : memref<65536xf32, #tpu.memory_space<vmem>> -> memref<1024xf32, #tpu.memory_space<vmem>>
    %dma_start3A_290 = arith.constant 0 : i32
    %dma_start3A_291 = tpu.memref_slice %arg2[%select_n3A, %add3A_287, %dma_start3A_290] : memref<2x1024x1024xf32, #tpu.memory_space<hbm>> -> memref<1x1x1024xf32, #tpu.memory_space<hbm>>
    %dma_start3A_292 = tpu.memref_squeeze %dma_start3A_291 : memref<1x1x1024xf32, #tpu.memory_space<hbm>> -> memref<1024xf32, #tpu.memory_space<hbm>>
    %dma_start3A_293 = arith.constant 21504 : i32
    %dma_start3A_294 = tpu.memref_slice %arg5[%dma_start3A_293] : memref<65536xf32, #tpu.memory_space<vmem>> -> memref<1024xf32, #tpu.memory_space<vmem>>
    %dma_start3A_295 = arith.constant 0 : i32
    %dma_start3A_296 = tpu.memref_slice %arg2[%select_n3A, %add3A_287, %dma_start3A_295] : memref<2x1024x1024xf32, #tpu.memory_space<hbm>> -> memref<1x1x1024xf32, #tpu.memory_space<hbm>>
    %dma_start3A_297 = tpu.memref_squeeze %dma_start3A_296 : memref<1x1x1024xf32, #tpu.memory_space<hbm>> -> memref<1024xf32, #tpu.memory_space<hbm>>
    tpu.enqueue_dma source(%dma_start3A_297 : memref<1024xf32, #tpu.memory_space<hbm>>) target(%dma_start3A_294 : memref<1024xf32, #tpu.memory_space<vmem>>) target_semaphore(%arg8 : memref<!tpu.dma_semaphore, #tpu.memory_space<semaphore_mem>>)
    %add3A_298 = arith.constant 22 : i32
    %add3A_299 = arith.addi %mul3A_32, %add3A_298 : i32
    %dma_start3A_300 = arith.constant 22528 : i32
    %dma_start3A_301 = tpu.memref_slice %arg5[%dma_start3A_300] : memref<65536xf32, #tpu.memory_space<vmem>> -> memref<1024xf32, #tpu.memory_space<vmem>>
    %dma_start3A_302 = arith.constant 0 : i32
    %dma_start3A_303 = tpu.memref_slice %arg2[%select_n3A, %add3A_299, %dma_start3A_302] : memref<2x1024x1024xf32, #tpu.memory_space<hbm>> -> memref<1x1x1024xf32, #tpu.memory_space<hbm>>
    %dma_start3A_304 = tpu.memref_squeeze %dma_start3A_303 : memref<1x1x1024xf32, #tpu.memory_space<hbm>> -> memref<1024xf32, #tpu.memory_space<hbm>>
    %dma_start3A_305 = arith.constant 22528 : i32
    %dma_start3A_306 = tpu.memref_slice %arg5[%dma_start3A_305] : memref<65536xf32, #tpu.memory_space<vmem>> -> memref<1024xf32, #tpu.memory_space<vmem>>
    %dma_start3A_307 = arith.constant 0 : i32
    %dma_start3A_308 = tpu.memref_slice %arg2[%select_n3A, %add3A_299, %dma_start3A_307] : memref<2x1024x1024xf32, #tpu.memory_space<hbm>> -> memref<1x1x1024xf32, #tpu.memory_space<hbm>>
    %dma_start3A_309 = tpu.memref_squeeze %dma_start3A_308 : memref<1x1x1024xf32, #tpu.memory_space<hbm>> -> memref<1024xf32, #tpu.memory_space<hbm>>
    tpu.enqueue_dma source(%dma_start3A_309 : memref<1024xf32, #tpu.memory_space<hbm>>) target(%dma_start3A_306 : memref<1024xf32, #tpu.memory_space<vmem>>) target_semaphore(%arg8 : memref<!tpu.dma_semaphore, #tpu.memory_space<semaphore_mem>>)
    %add3A_310 = arith.constant 23 : i32
    %add3A_311 = arith.addi %mul3A_32, %add3A_310 : i32
    %dma_start3A_312 = arith.constant 23552 : i32
    %dma_start3A_313 = tpu.memref_slice %arg5[%dma_start3A_312] : memref<65536xf32, #tpu.memory_space<vmem>> -> memref<1024xf32, #tpu.memory_space<vmem>>
    %dma_start3A_314 = arith.constant 0 : i32
    %dma_start3A_315 = tpu.memref_slice %arg2[%select_n3A, %add3A_311, %dma_start3A_314] : memref<2x1024x1024xf32, #tpu.memory_space<hbm>> -> memref<1x1x1024xf32, #tpu.memory_space<hbm>>
    %dma_start3A_316 = tpu.memref_squeeze %dma_start3A_315 : memref<1x1x1024xf32, #tpu.memory_space<hbm>> -> memref<1024xf32, #tpu.memory_space<hbm>>
    %dma_start3A_317 = arith.constant 23552 : i32
    %dma_start3A_318 = tpu.memref_slice %arg5[%dma_start3A_317] : memref<65536xf32, #tpu.memory_space<vmem>> -> memref<1024xf32, #tpu.memory_space<vmem>>
    %dma_start3A_319 = arith.constant 0 : i32
    %dma_start3A_320 = tpu.memref_slice %arg2[%select_n3A, %add3A_311, %dma_start3A_319] : memref<2x1024x1024xf32, #tpu.memory_space<hbm>> -> memref<1x1x1024xf32, #tpu.memory_space<hbm>>
    %dma_start3A_321 = tpu.memref_squeeze %dma_start3A_320 : memref<1x1x1024xf32, #tpu.memory_space<hbm>> -> memref<1024xf32, #tpu.memory_space<hbm>>
    tpu.enqueue_dma source(%dma_start3A_321 : memref<1024xf32, #tpu.memory_space<hbm>>) target(%dma_start3A_318 : memref<1024xf32, #tpu.memory_space<vmem>>) target_semaphore(%arg8 : memref<!tpu.dma_semaphore, #tpu.memory_space<semaphore_mem>>)
    %add3A_322 = arith.constant 24 : i32
    %add3A_323 = arith.addi %mul3A_32, %add3A_322 : i32
    %dma_start3A_324 = arith.constant 24576 : i32
    %dma_start3A_325 = tpu.memref_slice %arg5[%dma_start3A_324] : memref<65536xf32, #tpu.memory_space<vmem>> -> memref<1024xf32, #tpu.memory_space<vmem>>
    %dma_start3A_326 = arith.constant 0 : i32
    %dma_start3A_327 = tpu.memref_slice %arg2[%select_n3A, %add3A_323, %dma_start3A_326] : memref<2x1024x1024xf32, #tpu.memory_space<hbm>> -> memref<1x1x1024xf32, #tpu.memory_space<hbm>>
    %dma_start3A_328 = tpu.memref_squeeze %dma_start3A_327 : memref<1x1x1024xf32, #tpu.memory_space<hbm>> -> memref<1024xf32, #tpu.memory_space<hbm>>
    %dma_start3A_329 = arith.constant 24576 : i32
    %dma_start3A_330 = tpu.memref_slice %arg5[%dma_start3A_329] : memref<65536xf32, #tpu.memory_space<vmem>> -> memref<1024xf32, #tpu.memory_space<vmem>>
    %dma_start3A_331 = arith.constant 0 : i32
    %dma_start3A_332 = tpu.memref_slice %arg2[%select_n3A, %add3A_323, %dma_start3A_331] : memref<2x1024x1024xf32, #tpu.memory_space<hbm>> -> memref<1x1x1024xf32, #tpu.memory_space<hbm>>
    %dma_start3A_333 = tpu.memref_squeeze %dma_start3A_332 : memref<1x1x1024xf32, #tpu.memory_space<hbm>> -> memref<1024xf32, #tpu.memory_space<hbm>>
    tpu.enqueue_dma source(%dma_start3A_333 : memref<1024xf32, #tpu.memory_space<hbm>>) target(%dma_start3A_330 : memref<1024xf32, #tpu.memory_space<vmem>>) target_semaphore(%arg8 : memref<!tpu.dma_semaphore, #tpu.memory_space<semaphore_mem>>)
    %add3A_334 = arith.constant 25 : i32
    %add3A_335 = arith.addi %mul3A_32, %add3A_334 : i32
    %dma_start3A_336 = arith.constant 25600 : i32
    %dma_start3A_337 = tpu.memref_slice %arg5[%dma_start3A_336] : memref<65536xf32, #tpu.memory_space<vmem>> -> memref<1024xf32, #tpu.memory_space<vmem>>
    %dma_start3A_338 = arith.constant 0 : i32
    %dma_start3A_339 = tpu.memref_slice %arg2[%select_n3A, %add3A_335, %dma_start3A_338] : memref<2x1024x1024xf32, #tpu.memory_space<hbm>> -> memref<1x1x1024xf32, #tpu.memory_space<hbm>>
    %dma_start3A_340 = tpu.memref_squeeze %dma_start3A_339 : memref<1x1x1024xf32, #tpu.memory_space<hbm>> -> memref<1024xf32, #tpu.memory_space<hbm>>
    %dma_start3A_341 = arith.constant 25600 : i32
    %dma_start3A_342 = tpu.memref_slice %arg5[%dma_start3A_341] : memref<65536xf32, #tpu.memory_space<vmem>> -> memref<1024xf32, #tpu.memory_space<vmem>>
    %dma_start3A_343 = arith.constant 0 : i32
    %dma_start3A_344 = tpu.memref_slice %arg2[%select_n3A, %add3A_335, %dma_start3A_343] : memref<2x1024x1024xf32, #tpu.memory_space<hbm>> -> memref<1x1x1024xf32, #tpu.memory_space<hbm>>
    %dma_start3A_345 = tpu.memref_squeeze %dma_start3A_344 : memref<1x1x1024xf32, #tpu.memory_space<hbm>> -> memref<1024xf32, #tpu.memory_space<hbm>>
    tpu.enqueue_dma source(%dma_start3A_345 : memref<1024xf32, #tpu.memory_space<hbm>>) target(%dma_start3A_342 : memref<1024xf32, #tpu.memory_space<vmem>>) target_semaphore(%arg8 : memref<!tpu.dma_semaphore, #tpu.memory_space<semaphore_mem>>)
    %add3A_346 = arith.constant 26 : i32
    %add3A_347 = arith.addi %mul3A_32, %add3A_346 : i32
    %dma_start3A_348 = arith.constant 26624 : i32
    %dma_start3A_349 = tpu.memref_slice %arg5[%dma_start3A_348] : memref<65536xf32, #tpu.memory_space<vmem>> -> memref<1024xf32, #tpu.memory_space<vmem>>
    %dma_start3A_350 = arith.constant 0 : i32
    %dma_start3A_351 = tpu.memref_slice %arg2[%select_n3A, %add3A_347, %dma_start3A_350] : memref<2x1024x1024xf32, #tpu.memory_space<hbm>> -> memref<1x1x1024xf32, #tpu.memory_space<hbm>>
    %dma_start3A_352 = tpu.memref_squeeze %dma_start3A_351 : memref<1x1x1024xf32, #tpu.memory_space<hbm>> -> memref<1024xf32, #tpu.memory_space<hbm>>
    %dma_start3A_353 = arith.constant 26624 : i32
    %dma_start3A_354 = tpu.memref_slice %arg5[%dma_start3A_353] : memref<65536xf32, #tpu.memory_space<vmem>> -> memref<1024xf32, #tpu.memory_space<vmem>>
    %dma_start3A_355 = arith.constant 0 : i32
    %dma_start3A_356 = tpu.memref_slice %arg2[%select_n3A, %add3A_347, %dma_start3A_355] : memref<2x1024x1024xf32, #tpu.memory_space<hbm>> -> memref<1x1x1024xf32, #tpu.memory_space<hbm>>
    %dma_start3A_357 = tpu.memref_squeeze %dma_start3A_356 : memref<1x1x1024xf32, #tpu.memory_space<hbm>> -> memref<1024xf32, #tpu.memory_space<hbm>>
    tpu.enqueue_dma source(%dma_start3A_357 : memref<1024xf32, #tpu.memory_space<hbm>>) target(%dma_start3A_354 : memref<1024xf32, #tpu.memory_space<vmem>>) target_semaphore(%arg8 : memref<!tpu.dma_semaphore, #tpu.memory_space<semaphore_mem>>)
    %add3A_358 = arith.constant 27 : i32
    %add3A_359 = arith.addi %mul3A_32, %add3A_358 : i32
    %dma_start3A_360 = arith.constant 27648 : i32
    %dma_start3A_361 = tpu.memref_slice %arg5[%dma_start3A_360] : memref<65536xf32, #tpu.memory_space<vmem>> -> memref<1024xf32, #tpu.memory_space<vmem>>
    %dma_start3A_362 = arith.constant 0 : i32
    %dma_start3A_363 = tpu.memref_slice %arg2[%select_n3A, %add3A_359, %dma_start3A_362] : memref<2x1024x1024xf32, #tpu.memory_space<hbm>> -> memref<1x1x1024xf32, #tpu.memory_space<hbm>>
    %dma_start3A_364 = tpu.memref_squeeze %dma_start3A_363 : memref<1x1x1024xf32, #tpu.memory_space<hbm>> -> memref<1024xf32, #tpu.memory_space<hbm>>
    %dma_start3A_365 = arith.constant 27648 : i32
    %dma_start3A_366 = tpu.memref_slice %arg5[%dma_start3A_365] : memref<65536xf32, #tpu.memory_space<vmem>> -> memref<1024xf32, #tpu.memory_space<vmem>>
    %dma_start3A_367 = arith.constant 0 : i32
    %dma_start3A_368 = tpu.memref_slice %arg2[%select_n3A, %add3A_359, %dma_start3A_367] : memref<2x1024x1024xf32, #tpu.memory_space<hbm>> -> memref<1x1x1024xf32, #tpu.memory_space<hbm>>
    %dma_start3A_369 = tpu.memref_squeeze %dma_start3A_368 : memref<1x1x1024xf32, #tpu.memory_space<hbm>> -> memref<1024xf32, #tpu.memory_space<hbm>>
    tpu.enqueue_dma source(%dma_start3A_369 : memref<1024xf32, #tpu.memory_space<hbm>>) target(%dma_start3A_366 : memref<1024xf32, #tpu.memory_space<vmem>>) target_semaphore(%arg8 : memref<!tpu.dma_semaphore, #tpu.memory_space<semaphore_mem>>)
    %add3A_370 = arith.constant 28 : i32
    %add3A_371 = arith.addi %mul3A_32, %add3A_370 : i32
    %dma_start3A_372 = arith.constant 28672 : i32
    %dma_start3A_373 = tpu.memref_slice %arg5[%dma_start3A_372] : memref<65536xf32, #tpu.memory_space<vmem>> -> memref<1024xf32, #tpu.memory_space<vmem>>
    %dma_start3A_374 = arith.constant 0 : i32
    %dma_start3A_375 = tpu.memref_slice %arg2[%select_n3A, %add3A_371, %dma_start3A_374] : memref<2x1024x1024xf32, #tpu.memory_space<hbm>> -> memref<1x1x1024xf32, #tpu.memory_space<hbm>>
    %dma_start3A_376 = tpu.memref_squeeze %dma_start3A_375 : memref<1x1x1024xf32, #tpu.memory_space<hbm>> -> memref<1024xf32, #tpu.memory_space<hbm>>
    %dma_start3A_377 = arith.constant 28672 : i32
    %dma_start3A_378 = tpu.memref_slice %arg5[%dma_start3A_377] : memref<65536xf32, #tpu.memory_space<vmem>> -> memref<1024xf32, #tpu.memory_space<vmem>>
    %dma_start3A_379 = arith.constant 0 : i32
    %dma_start3A_380 = tpu.memref_slice %arg2[%select_n3A, %add3A_371, %dma_start3A_379] : memref<2x1024x1024xf32, #tpu.memory_space<hbm>> -> memref<1x1x1024xf32, #tpu.memory_space<hbm>>
    %dma_start3A_381 = tpu.memref_squeeze %dma_start3A_380 : memref<1x1x1024xf32, #tpu.memory_space<hbm>> -> memref<1024xf32, #tpu.memory_space<hbm>>
    tpu.enqueue_dma source(%dma_start3A_381 : memref<1024xf32, #tpu.memory_space<hbm>>) target(%dma_start3A_378 : memref<1024xf32, #tpu.memory_space<vmem>>) target_semaphore(%arg8 : memref<!tpu.dma_semaphore, #tpu.memory_space<semaphore_mem>>)
    %add3A_382 = arith.constant 29 : i32
    %add3A_383 = arith.addi %mul3A_32, %add3A_382 : i32
    %dma_start3A_384 = arith.constant 29696 : i32
    %dma_start3A_385 = tpu.memref_slice %arg5[%dma_start3A_384] : memref<65536xf32, #tpu.memory_space<vmem>> -> memref<1024xf32, #tpu.memory_space<vmem>>
    %dma_start3A_386 = arith.constant 0 : i32
    %dma_start3A_387 = tpu.memref_slice %arg2[%select_n3A, %add3A_383, %dma_start3A_386] : memref<2x1024x1024xf32, #tpu.memory_space<hbm>> -> memref<1x1x1024xf32, #tpu.memory_space<hbm>>
    %dma_start3A_388 = tpu.memref_squeeze %dma_start3A_387 : memref<1x1x1024xf32, #tpu.memory_space<hbm>> -> memref<1024xf32, #tpu.memory_space<hbm>>
    %dma_start3A_389 = arith.constant 29696 : i32
    %dma_start3A_390 = tpu.memref_slice %arg5[%dma_start3A_389] : memref<65536xf32, #tpu.memory_space<vmem>> -> memref<1024xf32, #tpu.memory_space<vmem>>
    %dma_start3A_391 = arith.constant 0 : i32
    %dma_start3A_392 = tpu.memref_slice %arg2[%select_n3A, %add3A_383, %dma_start3A_391] : memref<2x1024x1024xf32, #tpu.memory_space<hbm>> -> memref<1x1x1024xf32, #tpu.memory_space<hbm>>
    %dma_start3A_393 = tpu.memref_squeeze %dma_start3A_392 : memref<1x1x1024xf32, #tpu.memory_space<hbm>> -> memref<1024xf32, #tpu.memory_space<hbm>>
    tpu.enqueue_dma source(%dma_start3A_393 : memref<1024xf32, #tpu.memory_space<hbm>>) target(%dma_start3A_390 : memref<1024xf32, #tpu.memory_space<vmem>>) target_semaphore(%arg8 : memref<!tpu.dma_semaphore, #tpu.memory_space<semaphore_mem>>)
    %add3A_394 = arith.constant 30 : i32
    %add3A_395 = arith.addi %mul3A_32, %add3A_394 : i32
    %dma_start3A_396 = arith.constant 30720 : i32
    %dma_start3A_397 = tpu.memref_slice %arg5[%dma_start3A_396] : memref<65536xf32, #tpu.memory_space<vmem>> -> memref<1024xf32, #tpu.memory_space<vmem>>
    %dma_start3A_398 = arith.constant 0 : i32
    %dma_start3A_399 = tpu.memref_slice %arg2[%select_n3A, %add3A_395, %dma_start3A_398] : memref<2x1024x1024xf32, #tpu.memory_space<hbm>> -> memref<1x1x1024xf32, #tpu.memory_space<hbm>>
    %dma_start3A_400 = tpu.memref_squeeze %dma_start3A_399 : memref<1x1x1024xf32, #tpu.memory_space<hbm>> -> memref<1024xf32, #tpu.memory_space<hbm>>
    %dma_start3A_401 = arith.constant 30720 : i32
    %dma_start3A_402 = tpu.memref_slice %arg5[%dma_start3A_401] : memref<65536xf32, #tpu.memory_space<vmem>> -> memref<1024xf32, #tpu.memory_space<vmem>>
    %dma_start3A_403 = arith.constant 0 : i32
    %dma_start3A_404 = tpu.memref_slice %arg2[%select_n3A, %add3A_395, %dma_start3A_403] : memref<2x1024x1024xf32, #tpu.memory_space<hbm>> -> memref<1x1x1024xf32, #tpu.memory_space<hbm>>
    %dma_start3A_405 = tpu.memref_squeeze %dma_start3A_404 : memref<1x1x1024xf32, #tpu.memory_space<hbm>> -> memref<1024xf32, #tpu.memory_space<hbm>>
    tpu.enqueue_dma source(%dma_start3A_405 : memref<1024xf32, #tpu.memory_space<hbm>>) target(%dma_start3A_402 : memref<1024xf32, #tpu.memory_space<vmem>>) target_semaphore(%arg8 : memref<!tpu.dma_semaphore, #tpu.memory_space<semaphore_mem>>)
    %add3A_406 = arith.constant 31 : i32
    %add3A_407 = arith.addi %mul3A_32, %add3A_406 : i32
    %dma_start3A_408 = arith.constant 31744 : i32
    %dma_start3A_409 = tpu.memref_slice %arg5[%dma_start3A_408] : memref<65536xf32, #tpu.memory_space<vmem>> -> memref<1024xf32, #tpu.memory_space<vmem>>
    %dma_start3A_410 = arith.constant 0 : i32
    %dma_start3A_411 = tpu.memref_slice %arg2[%select_n3A, %add3A_407, %dma_start3A_410] : memref<2x1024x1024xf32, #tpu.memory_space<hbm>> -> memref<1x1x1024xf32, #tpu.memory_space<hbm>>
    %dma_start3A_412 = tpu.memref_squeeze %dma_start3A_411 : memref<1x1x1024xf32, #tpu.memory_space<hbm>> -> memref<1024xf32, #tpu.memory_space<hbm>>
    %dma_start3A_413 = arith.constant 31744 : i32
    %dma_start3A_414 = tpu.memref_slice %arg5[%dma_start3A_413] : memref<65536xf32, #tpu.memory_space<vmem>> -> memref<1024xf32, #tpu.memory_space<vmem>>
    %dma_start3A_415 = arith.constant 0 : i32
    %dma_start3A_416 = tpu.memref_slice %arg2[%select_n3A, %add3A_407, %dma_start3A_415] : memref<2x1024x1024xf32, #tpu.memory_space<hbm>> -> memref<1x1x1024xf32, #tpu.memory_space<hbm>>
    %dma_start3A_417 = tpu.memref_squeeze %dma_start3A_416 : memref<1x1x1024xf32, #tpu.memory_space<hbm>> -> memref<1024xf32, #tpu.memory_space<hbm>>
    tpu.enqueue_dma source(%dma_start3A_417 : memref<1024xf32, #tpu.memory_space<hbm>>) target(%dma_start3A_414 : memref<1024xf32, #tpu.memory_space<vmem>>) target_semaphore(%arg8 : memref<!tpu.dma_semaphore, #tpu.memory_space<semaphore_mem>>)
    %add3A_418 = arith.constant 32 : i32
    %add3A_419 = arith.addi %mul3A_32, %add3A_418 : i32
    %dma_start3A_420 = arith.constant 32768 : i32
    %dma_start3A_421 = tpu.memref_slice %arg5[%dma_start3A_420] : memref<65536xf32, #tpu.memory_space<vmem>> -> memref<1024xf32, #tpu.memory_space<vmem>>
    %dma_start3A_422 = arith.constant 0 : i32
    %dma_start3A_423 = tpu.memref_slice %arg2[%select_n3A, %add3A_419, %dma_start3A_422] : memref<2x1024x1024xf32, #tpu.memory_space<hbm>> -> memref<1x1x1024xf32, #tpu.memory_space<hbm>>
    %dma_start3A_424 = tpu.memref_squeeze %dma_start3A_423 : memref<1x1x1024xf32, #tpu.memory_space<hbm>> -> memref<1024xf32, #tpu.memory_space<hbm>>
    %dma_start3A_425 = arith.constant 32768 : i32
    %dma_start3A_426 = tpu.memref_slice %arg5[%dma_start3A_425] : memref<65536xf32, #tpu.memory_space<vmem>> -> memref<1024xf32, #tpu.memory_space<vmem>>
    %dma_start3A_427 = arith.constant 0 : i32
    %dma_start3A_428 = tpu.memref_slice %arg2[%select_n3A, %add3A_419, %dma_start3A_427] : memref<2x1024x1024xf32, #tpu.memory_space<hbm>> -> memref<1x1x1024xf32, #tpu.memory_space<hbm>>
    %dma_start3A_429 = tpu.memref_squeeze %dma_start3A_428 : memref<1x1x1024xf32, #tpu.memory_space<hbm>> -> memref<1024xf32, #tpu.memory_space<hbm>>
    tpu.enqueue_dma source(%dma_start3A_429 : memref<1024xf32, #tpu.memory_space<hbm>>) target(%dma_start3A_426 : memref<1024xf32, #tpu.memory_space<vmem>>) target_semaphore(%arg8 : memref<!tpu.dma_semaphore, #tpu.memory_space<semaphore_mem>>)
    %add3A_430 = arith.constant 33 : i32
    %add3A_431 = arith.addi %mul3A_32, %add3A_430 : i32
    %dma_start3A_432 = arith.constant 33792 : i32
    %dma_start3A_433 = tpu.memref_slice %arg5[%dma_start3A_432] : memref<65536xf32, #tpu.memory_space<vmem>> -> memref<1024xf32, #tpu.memory_space<vmem>>
    %dma_start3A_434 = arith.constant 0 : i32
    %dma_start3A_435 = tpu.memref_slice %arg2[%select_n3A, %add3A_431, %dma_start3A_434] : memref<2x1024x1024xf32, #tpu.memory_space<hbm>> -> memref<1x1x1024xf32, #tpu.memory_space<hbm>>
    %dma_start3A_436 = tpu.memref_squeeze %dma_start3A_435 : memref<1x1x1024xf32, #tpu.memory_space<hbm>> -> memref<1024xf32, #tpu.memory_space<hbm>>
    %dma_start3A_437 = arith.constant 33792 : i32
    %dma_start3A_438 = tpu.memref_slice %arg5[%dma_start3A_437] : memref<65536xf32, #tpu.memory_space<vmem>> -> memref<1024xf32, #tpu.memory_space<vmem>>
    %dma_start3A_439 = arith.constant 0 : i32
    %dma_start3A_440 = tpu.memref_slice %arg2[%select_n3A, %add3A_431, %dma_start3A_439] : memref<2x1024x1024xf32, #tpu.memory_space<hbm>> -> memref<1x1x1024xf32, #tpu.memory_space<hbm>>
    %dma_start3A_441 = tpu.memref_squeeze %dma_start3A_440 : memref<1x1x1024xf32, #tpu.memory_space<hbm>> -> memref<1024xf32, #tpu.memory_space<hbm>>
    tpu.enqueue_dma source(%dma_start3A_441 : memref<1024xf32, #tpu.memory_space<hbm>>) target(%dma_start3A_438 : memref<1024xf32, #tpu.memory_space<vmem>>) target_semaphore(%arg8 : memref<!tpu.dma_semaphore, #tpu.memory_space<semaphore_mem>>)
    %add3A_442 = arith.constant 34 : i32
    %add3A_443 = arith.addi %mul3A_32, %add3A_442 : i32
    %dma_start3A_444 = arith.constant 34816 : i32
    %dma_start3A_445 = tpu.memref_slice %arg5[%dma_start3A_444] : memref<65536xf32, #tpu.memory_space<vmem>> -> memref<1024xf32, #tpu.memory_space<vmem>>
    %dma_start3A_446 = arith.constant 0 : i32
    %dma_start3A_447 = tpu.memref_slice %arg2[%select_n3A, %add3A_443, %dma_start3A_446] : memref<2x1024x1024xf32, #tpu.memory_space<hbm>> -> memref<1x1x1024xf32, #tpu.memory_space<hbm>>
    %dma_start3A_448 = tpu.memref_squeeze %dma_start3A_447 : memref<1x1x1024xf32, #tpu.memory_space<hbm>> -> memref<1024xf32, #tpu.memory_space<hbm>>
    %dma_start3A_449 = arith.constant 34816 : i32
    %dma_start3A_450 = tpu.memref_slice %arg5[%dma_start3A_449] : memref<65536xf32, #tpu.memory_space<vmem>> -> memref<1024xf32, #tpu.memory_space<vmem>>
    %dma_start3A_451 = arith.constant 0 : i32
    %dma_start3A_452 = tpu.memref_slice %arg2[%select_n3A, %add3A_443, %dma_start3A_451] : memref<2x1024x1024xf32, #tpu.memory_space<hbm>> -> memref<1x1x1024xf32, #tpu.memory_space<hbm>>
    %dma_start3A_453 = tpu.memref_squeeze %dma_start3A_452 : memref<1x1x1024xf32, #tpu.memory_space<hbm>> -> memref<1024xf32, #tpu.memory_space<hbm>>
    tpu.enqueue_dma source(%dma_start3A_453 : memref<1024xf32, #tpu.memory_space<hbm>>) target(%dma_start3A_450 : memref<1024xf32, #tpu.memory_space<vmem>>) target_semaphore(%arg8 : memref<!tpu.dma_semaphore, #tpu.memory_space<semaphore_mem>>)
    %add3A_454 = arith.constant 35 : i32
    %add3A_455 = arith.addi %mul3A_32, %add3A_454 : i32
    %dma_start3A_456 = arith.constant 35840 : i32
    %dma_start3A_457 = tpu.memref_slice %arg5[%dma_start3A_456] : memref<65536xf32, #tpu.memory_space<vmem>> -> memref<1024xf32, #tpu.memory_space<vmem>>
    %dma_start3A_458 = arith.constant 0 : i32
    %dma_start3A_459 = tpu.memref_slice %arg2[%select_n3A, %add3A_455, %dma_start3A_458] : memref<2x1024x1024xf32, #tpu.memory_space<hbm>> -> memref<1x1x1024xf32, #tpu.memory_space<hbm>>
    %dma_start3A_460 = tpu.memref_squeeze %dma_start3A_459 : memref<1x1x1024xf32, #tpu.memory_space<hbm>> -> memref<1024xf32, #tpu.memory_space<hbm>>
    %dma_start3A_461 = arith.constant 35840 : i32
    %dma_start3A_462 = tpu.memref_slice %arg5[%dma_start3A_461] : memref<65536xf32, #tpu.memory_space<vmem>> -> memref<1024xf32, #tpu.memory_space<vmem>>
    %dma_start3A_463 = arith.constant 0 : i32
    %dma_start3A_464 = tpu.memref_slice %arg2[%select_n3A, %add3A_455, %dma_start3A_463] : memref<2x1024x1024xf32, #tpu.memory_space<hbm>> -> memref<1x1x1024xf32, #tpu.memory_space<hbm>>
    %dma_start3A_465 = tpu.memref_squeeze %dma_start3A_464 : memref<1x1x1024xf32, #tpu.memory_space<hbm>> -> memref<1024xf32, #tpu.memory_space<hbm>>
    tpu.enqueue_dma source(%dma_start3A_465 : memref<1024xf32, #tpu.memory_space<hbm>>) target(%dma_start3A_462 : memref<1024xf32, #tpu.memory_space<vmem>>) target_semaphore(%arg8 : memref<!tpu.dma_semaphore, #tpu.memory_space<semaphore_mem>>)
    %add3A_466 = arith.constant 36 : i32
    %add3A_467 = arith.addi %mul3A_32, %add3A_466 : i32
    %dma_start3A_468 = arith.constant 36864 : i32
    %dma_start3A_469 = tpu.memref_slice %arg5[%dma_start3A_468] : memref<65536xf32, #tpu.memory_space<vmem>> -> memref<1024xf32, #tpu.memory_space<vmem>>
    %dma_start3A_470 = arith.constant 0 : i32
    %dma_start3A_471 = tpu.memref_slice %arg2[%select_n3A, %add3A_467, %dma_start3A_470] : memref<2x1024x1024xf32, #tpu.memory_space<hbm>> -> memref<1x1x1024xf32, #tpu.memory_space<hbm>>
    %dma_start3A_472 = tpu.memref_squeeze %dma_start3A_471 : memref<1x1x1024xf32, #tpu.memory_space<hbm>> -> memref<1024xf32, #tpu.memory_space<hbm>>
    %dma_start3A_473 = arith.constant 36864 : i32
    %dma_start3A_474 = tpu.memref_slice %arg5[%dma_start3A_473] : memref<65536xf32, #tpu.memory_space<vmem>> -> memref<1024xf32, #tpu.memory_space<vmem>>
    %dma_start3A_475 = arith.constant 0 : i32
    %dma_start3A_476 = tpu.memref_slice %arg2[%select_n3A, %add3A_467, %dma_start3A_475] : memref<2x1024x1024xf32, #tpu.memory_space<hbm>> -> memref<1x1x1024xf32, #tpu.memory_space<hbm>>
    %dma_start3A_477 = tpu.memref_squeeze %dma_start3A_476 : memref<1x1x1024xf32, #tpu.memory_space<hbm>> -> memref<1024xf32, #tpu.memory_space<hbm>>
    tpu.enqueue_dma source(%dma_start3A_477 : memref<1024xf32, #tpu.memory_space<hbm>>) target(%dma_start3A_474 : memref<1024xf32, #tpu.memory_space<vmem>>) target_semaphore(%arg8 : memref<!tpu.dma_semaphore, #tpu.memory_space<semaphore_mem>>)
    %add3A_478 = arith.constant 37 : i32
    %add3A_479 = arith.addi %mul3A_32, %add3A_478 : i32
    %dma_start3A_480 = arith.constant 37888 : i32
    %dma_start3A_481 = tpu.memref_slice %arg5[%dma_start3A_480] : memref<65536xf32, #tpu.memory_space<vmem>> -> memref<1024xf32, #tpu.memory_space<vmem>>
    %dma_start3A_482 = arith.constant 0 : i32
    %dma_start3A_483 = tpu.memref_slice %arg2[%select_n3A, %add3A_479, %dma_start3A_482] : memref<2x1024x1024xf32, #tpu.memory_space<hbm>> -> memref<1x1x1024xf32, #tpu.memory_space<hbm>>
    %dma_start3A_484 = tpu.memref_squeeze %dma_start3A_483 : memref<1x1x1024xf32, #tpu.memory_space<hbm>> -> memref<1024xf32, #tpu.memory_space<hbm>>
    %dma_start3A_485 = arith.constant 37888 : i32
    %dma_start3A_486 = tpu.memref_slice %arg5[%dma_start3A_485] : memref<65536xf32, #tpu.memory_space<vmem>> -> memref<1024xf32, #tpu.memory_space<vmem>>
    %dma_start3A_487 = arith.constant 0 : i32
    %dma_start3A_488 = tpu.memref_slice %arg2[%select_n3A, %add3A_479, %dma_start3A_487] : memref<2x1024x1024xf32, #tpu.memory_space<hbm>> -> memref<1x1x1024xf32, #tpu.memory_space<hbm>>
    %dma_start3A_489 = tpu.memref_squeeze %dma_start3A_488 : memref<1x1x1024xf32, #tpu.memory_space<hbm>> -> memref<1024xf32, #tpu.memory_space<hbm>>
    tpu.enqueue_dma source(%dma_start3A_489 : memref<1024xf32, #tpu.memory_space<hbm>>) target(%dma_start3A_486 : memref<1024xf32, #tpu.memory_space<vmem>>) target_semaphore(%arg8 : memref<!tpu.dma_semaphore, #tpu.memory_space<semaphore_mem>>)
    %add3A_490 = arith.constant 38 : i32
    %add3A_491 = arith.addi %mul3A_32, %add3A_490 : i32
    %dma_start3A_492 = arith.constant 38912 : i32
    %dma_start3A_493 = tpu.memref_slice %arg5[%dma_start3A_492] : memref<65536xf32, #tpu.memory_space<vmem>> -> memref<1024xf32, #tpu.memory_space<vmem>>
    %dma_start3A_494 = arith.constant 0 : i32
    %dma_start3A_495 = tpu.memref_slice %arg2[%select_n3A, %add3A_491, %dma_start3A_494] : memref<2x1024x1024xf32, #tpu.memory_space<hbm>> -> memref<1x1x1024xf32, #tpu.memory_space<hbm>>
    %dma_start3A_496 = tpu.memref_squeeze %dma_start3A_495 : memref<1x1x1024xf32, #tpu.memory_space<hbm>> -> memref<1024xf32, #tpu.memory_space<hbm>>
    %dma_start3A_497 = arith.constant 38912 : i32
    %dma_start3A_498 = tpu.memref_slice %arg5[%dma_start3A_497] : memref<65536xf32, #tpu.memory_space<vmem>> -> memref<1024xf32, #tpu.memory_space<vmem>>
    %dma_start3A_499 = arith.constant 0 : i32
    %dma_start3A_500 = tpu.memref_slice %arg2[%select_n3A, %add3A_491, %dma_start3A_499] : memref<2x1024x1024xf32, #tpu.memory_space<hbm>> -> memref<1x1x1024xf32, #tpu.memory_space<hbm>>
    %dma_start3A_501 = tpu.memref_squeeze %dma_start3A_500 : memref<1x1x1024xf32, #tpu.memory_space<hbm>> -> memref<1024xf32, #tpu.memory_space<hbm>>
    tpu.enqueue_dma source(%dma_start3A_501 : memref<1024xf32, #tpu.memory_space<hbm>>) target(%dma_start3A_498 : memref<1024xf32, #tpu.memory_space<vmem>>) target_semaphore(%arg8 : memref<!tpu.dma_semaphore, #tpu.memory_space<semaphore_mem>>)
    %add3A_502 = arith.constant 39 : i32
    %add3A_503 = arith.addi %mul3A_32, %add3A_502 : i32
    %dma_start3A_504 = arith.constant 39936 : i32
    %dma_start3A_505 = tpu.memref_slice %arg5[%dma_start3A_504] : memref<65536xf32, #tpu.memory_space<vmem>> -> memref<1024xf32, #tpu.memory_space<vmem>>
    %dma_start3A_506 = arith.constant 0 : i32
    %dma_start3A_507 = tpu.memref_slice %arg2[%select_n3A, %add3A_503, %dma_start3A_506] : memref<2x1024x1024xf32, #tpu.memory_space<hbm>> -> memref<1x1x1024xf32, #tpu.memory_space<hbm>>
    %dma_start3A_508 = tpu.memref_squeeze %dma_start3A_507 : memref<1x1x1024xf32, #tpu.memory_space<hbm>> -> memref<1024xf32, #tpu.memory_space<hbm>>
    %dma_start3A_509 = arith.constant 39936 : i32
    %dma_start3A_510 = tpu.memref_slice %arg5[%dma_start3A_509] : memref<65536xf32, #tpu.memory_space<vmem>> -> memref<1024xf32, #tpu.memory_space<vmem>>
    %dma_start3A_511 = arith.constant 0 : i32
    %dma_start3A_512 = tpu.memref_slice %arg2[%select_n3A, %add3A_503, %dma_start3A_511] : memref<2x1024x1024xf32, #tpu.memory_space<hbm>> -> memref<1x1x1024xf32, #tpu.memory_space<hbm>>
    %dma_start3A_513 = tpu.memref_squeeze %dma_start3A_512 : memref<1x1x1024xf32, #tpu.memory_space<hbm>> -> memref<1024xf32, #tpu.memory_space<hbm>>
    tpu.enqueue_dma source(%dma_start3A_513 : memref<1024xf32, #tpu.memory_space<hbm>>) target(%dma_start3A_510 : memref<1024xf32, #tpu.memory_space<vmem>>) target_semaphore(%arg8 : memref<!tpu.dma_semaphore, #tpu.memory_space<semaphore_mem>>)
    %add3A_514 = arith.constant 40 : i32
    %add3A_515 = arith.addi %mul3A_32, %add3A_514 : i32
    %dma_start3A_516 = arith.constant 40960 : i32
    %dma_start3A_517 = tpu.memref_slice %arg5[%dma_start3A_516] : memref<65536xf32, #tpu.memory_space<vmem>> -> memref<1024xf32, #tpu.memory_space<vmem>>
    %dma_start3A_518 = arith.constant 0 : i32
    %dma_start3A_519 = tpu.memref_slice %arg2[%select_n3A, %add3A_515, %dma_start3A_518] : memref<2x1024x1024xf32, #tpu.memory_space<hbm>> -> memref<1x1x1024xf32, #tpu.memory_space<hbm>>
    %dma_start3A_520 = tpu.memref_squeeze %dma_start3A_519 : memref<1x1x1024xf32, #tpu.memory_space<hbm>> -> memref<1024xf32, #tpu.memory_space<hbm>>
    %dma_start3A_521 = arith.constant 40960 : i32
    %dma_start3A_522 = tpu.memref_slice %arg5[%dma_start3A_521] : memref<65536xf32, #tpu.memory_space<vmem>> -> memref<1024xf32, #tpu.memory_space<vmem>>
    %dma_start3A_523 = arith.constant 0 : i32
    %dma_start3A_524 = tpu.memref_slice %arg2[%select_n3A, %add3A_515, %dma_start3A_523] : memref<2x1024x1024xf32, #tpu.memory_space<hbm>> -> memref<1x1x1024xf32, #tpu.memory_space<hbm>>
    %dma_start3A_525 = tpu.memref_squeeze %dma_start3A_524 : memref<1x1x1024xf32, #tpu.memory_space<hbm>> -> memref<1024xf32, #tpu.memory_space<hbm>>
    tpu.enqueue_dma source(%dma_start3A_525 : memref<1024xf32, #tpu.memory_space<hbm>>) target(%dma_start3A_522 : memref<1024xf32, #tpu.memory_space<vmem>>) target_semaphore(%arg8 : memref<!tpu.dma_semaphore, #tpu.memory_space<semaphore_mem>>)
    %add3A_526 = arith.constant 41 : i32
    %add3A_527 = arith.addi %mul3A_32, %add3A_526 : i32
    %dma_start3A_528 = arith.constant 41984 : i32
    %dma_start3A_529 = tpu.memref_slice %arg5[%dma_start3A_528] : memref<65536xf32, #tpu.memory_space<vmem>> -> memref<1024xf32, #tpu.memory_space<vmem>>
    %dma_start3A_530 = arith.constant 0 : i32
    %dma_start3A_531 = tpu.memref_slice %arg2[%select_n3A, %add3A_527, %dma_start3A_530] : memref<2x1024x1024xf32, #tpu.memory_space<hbm>> -> memref<1x1x1024xf32, #tpu.memory_space<hbm>>
    %dma_start3A_532 = tpu.memref_squeeze %dma_start3A_531 : memref<1x1x1024xf32, #tpu.memory_space<hbm>> -> memref<1024xf32, #tpu.memory_space<hbm>>
    %dma_start3A_533 = arith.constant 41984 : i32
    %dma_start3A_534 = tpu.memref_slice %arg5[%dma_start3A_533] : memref<65536xf32, #tpu.memory_space<vmem>> -> memref<1024xf32, #tpu.memory_space<vmem>>
    %dma_start3A_535 = arith.constant 0 : i32
    %dma_start3A_536 = tpu.memref_slice %arg2[%select_n3A, %add3A_527, %dma_start3A_535] : memref<2x1024x1024xf32, #tpu.memory_space<hbm>> -> memref<1x1x1024xf32, #tpu.memory_space<hbm>>
    %dma_start3A_537 = tpu.memref_squeeze %dma_start3A_536 : memref<1x1x1024xf32, #tpu.memory_space<hbm>> -> memref<1024xf32, #tpu.memory_space<hbm>>
    tpu.enqueue_dma source(%dma_start3A_537 : memref<1024xf32, #tpu.memory_space<hbm>>) target(%dma_start3A_534 : memref<1024xf32, #tpu.memory_space<vmem>>) target_semaphore(%arg8 : memref<!tpu.dma_semaphore, #tpu.memory_space<semaphore_mem>>)
    %add3A_538 = arith.constant 42 : i32
    %add3A_539 = arith.addi %mul3A_32, %add3A_538 : i32
    %dma_start3A_540 = arith.constant 43008 : i32
    %dma_start3A_541 = tpu.memref_slice %arg5[%dma_start3A_540] : memref<65536xf32, #tpu.memory_space<vmem>> -> memref<1024xf32, #tpu.memory_space<vmem>>
    %dma_start3A_542 = arith.constant 0 : i32
    %dma_start3A_543 = tpu.memref_slice %arg2[%select_n3A, %add3A_539, %dma_start3A_542] : memref<2x1024x1024xf32, #tpu.memory_space<hbm>> -> memref<1x1x1024xf32, #tpu.memory_space<hbm>>
    %dma_start3A_544 = tpu.memref_squeeze %dma_start3A_543 : memref<1x1x1024xf32, #tpu.memory_space<hbm>> -> memref<1024xf32, #tpu.memory_space<hbm>>
    %dma_start3A_545 = arith.constant 43008 : i32
    %dma_start3A_546 = tpu.memref_slice %arg5[%dma_start3A_545] : memref<65536xf32, #tpu.memory_space<vmem>> -> memref<1024xf32, #tpu.memory_space<vmem>>
    %dma_start3A_547 = arith.constant 0 : i32
    %dma_start3A_548 = tpu.memref_slice %arg2[%select_n3A, %add3A_539, %dma_start3A_547] : memref<2x1024x1024xf32, #tpu.memory_space<hbm>> -> memref<1x1x1024xf32, #tpu.memory_space<hbm>>
    %dma_start3A_549 = tpu.memref_squeeze %dma_start3A_548 : memref<1x1x1024xf32, #tpu.memory_space<hbm>> -> memref<1024xf32, #tpu.memory_space<hbm>>
    tpu.enqueue_dma source(%dma_start3A_549 : memref<1024xf32, #tpu.memory_space<hbm>>) target(%dma_start3A_546 : memref<1024xf32, #tpu.memory_space<vmem>>) target_semaphore(%arg8 : memref<!tpu.dma_semaphore, #tpu.memory_space<semaphore_mem>>)
    %add3A_550 = arith.constant 43 : i32
    %add3A_551 = arith.addi %mul3A_32, %add3A_550 : i32
    %dma_start3A_552 = arith.constant 44032 : i32
    %dma_start3A_553 = tpu.memref_slice %arg5[%dma_start3A_552] : memref<65536xf32, #tpu.memory_space<vmem>> -> memref<1024xf32, #tpu.memory_space<vmem>>
    %dma_start3A_554 = arith.constant 0 : i32
    %dma_start3A_555 = tpu.memref_slice %arg2[%select_n3A, %add3A_551, %dma_start3A_554] : memref<2x1024x1024xf32, #tpu.memory_space<hbm>> -> memref<1x1x1024xf32, #tpu.memory_space<hbm>>
    %dma_start3A_556 = tpu.memref_squeeze %dma_start3A_555 : memref<1x1x1024xf32, #tpu.memory_space<hbm>> -> memref<1024xf32, #tpu.memory_space<hbm>>
    %dma_start3A_557 = arith.constant 44032 : i32
    %dma_start3A_558 = tpu.memref_slice %arg5[%dma_start3A_557] : memref<65536xf32, #tpu.memory_space<vmem>> -> memref<1024xf32, #tpu.memory_space<vmem>>
    %dma_start3A_559 = arith.constant 0 : i32
    %dma_start3A_560 = tpu.memref_slice %arg2[%select_n3A, %add3A_551, %dma_start3A_559] : memref<2x1024x1024xf32, #tpu.memory_space<hbm>> -> memref<1x1x1024xf32, #tpu.memory_space<hbm>>
    %dma_start3A_561 = tpu.memref_squeeze %dma_start3A_560 : memref<1x1x1024xf32, #tpu.memory_space<hbm>> -> memref<1024xf32, #tpu.memory_space<hbm>>
    tpu.enqueue_dma source(%dma_start3A_561 : memref<1024xf32, #tpu.memory_space<hbm>>) target(%dma_start3A_558 : memref<1024xf32, #tpu.memory_space<vmem>>) target_semaphore(%arg8 : memref<!tpu.dma_semaphore, #tpu.memory_space<semaphore_mem>>)
    %add3A_562 = arith.constant 44 : i32
    %add3A_563 = arith.addi %mul3A_32, %add3A_562 : i32
    %dma_start3A_564 = arith.constant 45056 : i32
    %dma_start3A_565 = tpu.memref_slice %arg5[%dma_start3A_564] : memref<65536xf32, #tpu.memory_space<vmem>> -> memref<1024xf32, #tpu.memory_space<vmem>>
    %dma_start3A_566 = arith.constant 0 : i32
    %dma_start3A_567 = tpu.memref_slice %arg2[%select_n3A, %add3A_563, %dma_start3A_566] : memref<2x1024x1024xf32, #tpu.memory_space<hbm>> -> memref<1x1x1024xf32, #tpu.memory_space<hbm>>
    %dma_start3A_568 = tpu.memref_squeeze %dma_start3A_567 : memref<1x1x1024xf32, #tpu.memory_space<hbm>> -> memref<1024xf32, #tpu.memory_space<hbm>>
    %dma_start3A_569 = arith.constant 45056 : i32
    %dma_start3A_570 = tpu.memref_slice %arg5[%dma_start3A_569] : memref<65536xf32, #tpu.memory_space<vmem>> -> memref<1024xf32, #tpu.memory_space<vmem>>
    %dma_start3A_571 = arith.constant 0 : i32
    %dma_start3A_572 = tpu.memref_slice %arg2[%select_n3A, %add3A_563, %dma_start3A_571] : memref<2x1024x1024xf32, #tpu.memory_space<hbm>> -> memref<1x1x1024xf32, #tpu.memory_space<hbm>>
    %dma_start3A_573 = tpu.memref_squeeze %dma_start3A_572 : memref<1x1x1024xf32, #tpu.memory_space<hbm>> -> memref<1024xf32, #tpu.memory_space<hbm>>
    tpu.enqueue_dma source(%dma_start3A_573 : memref<1024xf32, #tpu.memory_space<hbm>>) target(%dma_start3A_570 : memref<1024xf32, #tpu.memory_space<vmem>>) target_semaphore(%arg8 : memref<!tpu.dma_semaphore, #tpu.memory_space<semaphore_mem>>)
    %add3A_574 = arith.constant 45 : i32
    %add3A_575 = arith.addi %mul3A_32, %add3A_574 : i32
    %dma_start3A_576 = arith.constant 46080 : i32
    %dma_start3A_577 = tpu.memref_slice %arg5[%dma_start3A_576] : memref<65536xf32, #tpu.memory_space<vmem>> -> memref<1024xf32, #tpu.memory_space<vmem>>
    %dma_start3A_578 = arith.constant 0 : i32
    %dma_start3A_579 = tpu.memref_slice %arg2[%select_n3A, %add3A_575, %dma_start3A_578] : memref<2x1024x1024xf32, #tpu.memory_space<hbm>> -> memref<1x1x1024xf32, #tpu.memory_space<hbm>>
    %dma_start3A_580 = tpu.memref_squeeze %dma_start3A_579 : memref<1x1x1024xf32, #tpu.memory_space<hbm>> -> memref<1024xf32, #tpu.memory_space<hbm>>
    %dma_start3A_581 = arith.constant 46080 : i32
    %dma_start3A_582 = tpu.memref_slice %arg5[%dma_start3A_581] : memref<65536xf32, #tpu.memory_space<vmem>> -> memref<1024xf32, #tpu.memory_space<vmem>>
    %dma_start3A_583 = arith.constant 0 : i32
    %dma_start3A_584 = tpu.memref_slice %arg2[%select_n3A, %add3A_575, %dma_start3A_583] : memref<2x1024x1024xf32, #tpu.memory_space<hbm>> -> memref<1x1x1024xf32, #tpu.memory_space<hbm>>
    %dma_start3A_585 = tpu.memref_squeeze %dma_start3A_584 : memref<1x1x1024xf32, #tpu.memory_space<hbm>> -> memref<1024xf32, #tpu.memory_space<hbm>>
    tpu.enqueue_dma source(%dma_start3A_585 : memref<1024xf32, #tpu.memory_space<hbm>>) target(%dma_start3A_582 : memref<1024xf32, #tpu.memory_space<vmem>>) target_semaphore(%arg8 : memref<!tpu.dma_semaphore, #tpu.memory_space<semaphore_mem>>)
    %add3A_586 = arith.constant 46 : i32
    %add3A_587 = arith.addi %mul3A_32, %add3A_586 : i32
    %dma_start3A_588 = arith.constant 47104 : i32
    %dma_start3A_589 = tpu.memref_slice %arg5[%dma_start3A_588] : memref<65536xf32, #tpu.memory_space<vmem>> -> memref<1024xf32, #tpu.memory_space<vmem>>
    %dma_start3A_590 = arith.constant 0 : i32
    %dma_start3A_591 = tpu.memref_slice %arg2[%select_n3A, %add3A_587, %dma_start3A_590] : memref<2x1024x1024xf32, #tpu.memory_space<hbm>> -> memref<1x1x1024xf32, #tpu.memory_space<hbm>>
    %dma_start3A_592 = tpu.memref_squeeze %dma_start3A_591 : memref<1x1x1024xf32, #tpu.memory_space<hbm>> -> memref<1024xf32, #tpu.memory_space<hbm>>
    %dma_start3A_593 = arith.constant 47104 : i32
    %dma_start3A_594 = tpu.memref_slice %arg5[%dma_start3A_593] : memref<65536xf32, #tpu.memory_space<vmem>> -> memref<1024xf32, #tpu.memory_space<vmem>>
    %dma_start3A_595 = arith.constant 0 : i32
    %dma_start3A_596 = tpu.memref_slice %arg2[%select_n3A, %add3A_587, %dma_start3A_595] : memref<2x1024x1024xf32, #tpu.memory_space<hbm>> -> memref<1x1x1024xf32, #tpu.memory_space<hbm>>
    %dma_start3A_597 = tpu.memref_squeeze %dma_start3A_596 : memref<1x1x1024xf32, #tpu.memory_space<hbm>> -> memref<1024xf32, #tpu.memory_space<hbm>>
    tpu.enqueue_dma source(%dma_start3A_597 : memref<1024xf32, #tpu.memory_space<hbm>>) target(%dma_start3A_594 : memref<1024xf32, #tpu.memory_space<vmem>>) target_semaphore(%arg8 : memref<!tpu.dma_semaphore, #tpu.memory_space<semaphore_mem>>)
    %add3A_598 = arith.constant 47 : i32
    %add3A_599 = arith.addi %mul3A_32, %add3A_598 : i32
    %dma_start3A_600 = arith.constant 48128 : i32
    %dma_start3A_601 = tpu.memref_slice %arg5[%dma_start3A_600] : memref<65536xf32, #tpu.memory_space<vmem>> -> memref<1024xf32, #tpu.memory_space<vmem>>
    %dma_start3A_602 = arith.constant 0 : i32
    %dma_start3A_603 = tpu.memref_slice %arg2[%select_n3A, %add3A_599, %dma_start3A_602] : memref<2x1024x1024xf32, #tpu.memory_space<hbm>> -> memref<1x1x1024xf32, #tpu.memory_space<hbm>>
    %dma_start3A_604 = tpu.memref_squeeze %dma_start3A_603 : memref<1x1x1024xf32, #tpu.memory_space<hbm>> -> memref<1024xf32, #tpu.memory_space<hbm>>
    %dma_start3A_605 = arith.constant 48128 : i32
    %dma_start3A_606 = tpu.memref_slice %arg5[%dma_start3A_605] : memref<65536xf32, #tpu.memory_space<vmem>> -> memref<1024xf32, #tpu.memory_space<vmem>>
    %dma_start3A_607 = arith.constant 0 : i32
    %dma_start3A_608 = tpu.memref_slice %arg2[%select_n3A, %add3A_599, %dma_start3A_607] : memref<2x1024x1024xf32, #tpu.memory_space<hbm>> -> memref<1x1x1024xf32, #tpu.memory_space<hbm>>
    %dma_start3A_609 = tpu.memref_squeeze %dma_start3A_608 : memref<1x1x1024xf32, #tpu.memory_space<hbm>> -> memref<1024xf32, #tpu.memory_space<hbm>>
    tpu.enqueue_dma source(%dma_start3A_609 : memref<1024xf32, #tpu.memory_space<hbm>>) target(%dma_start3A_606 : memref<1024xf32, #tpu.memory_space<vmem>>) target_semaphore(%arg8 : memref<!tpu.dma_semaphore, #tpu.memory_space<semaphore_mem>>)
    %add3A_610 = arith.constant 48 : i32
    %add3A_611 = arith.addi %mul3A_32, %add3A_610 : i32
    %dma_start3A_612 = arith.constant 49152 : i32
    %dma_start3A_613 = tpu.memref_slice %arg5[%dma_start3A_612] : memref<65536xf32, #tpu.memory_space<vmem>> -> memref<1024xf32, #tpu.memory_space<vmem>>
    %dma_start3A_614 = arith.constant 0 : i32
    %dma_start3A_615 = tpu.memref_slice %arg2[%select_n3A, %add3A_611, %dma_start3A_614] : memref<2x1024x1024xf32, #tpu.memory_space<hbm>> -> memref<1x1x1024xf32, #tpu.memory_space<hbm>>
    %dma_start3A_616 = tpu.memref_squeeze %dma_start3A_615 : memref<1x1x1024xf32, #tpu.memory_space<hbm>> -> memref<1024xf32, #tpu.memory_space<hbm>>
    %dma_start3A_617 = arith.constant 49152 : i32
    %dma_start3A_618 = tpu.memref_slice %arg5[%dma_start3A_617] : memref<65536xf32, #tpu.memory_space<vmem>> -> memref<1024xf32, #tpu.memory_space<vmem>>
    %dma_start3A_619 = arith.constant 0 : i32
    %dma_start3A_620 = tpu.memref_slice %arg2[%select_n3A, %add3A_611, %dma_start3A_619] : memref<2x1024x1024xf32, #tpu.memory_space<hbm>> -> memref<1x1x1024xf32, #tpu.memory_space<hbm>>
    %dma_start3A_621 = tpu.memref_squeeze %dma_start3A_620 : memref<1x1x1024xf32, #tpu.memory_space<hbm>> -> memref<1024xf32, #tpu.memory_space<hbm>>
    tpu.enqueue_dma source(%dma_start3A_621 : memref<1024xf32, #tpu.memory_space<hbm>>) target(%dma_start3A_618 : memref<1024xf32, #tpu.memory_space<vmem>>) target_semaphore(%arg8 : memref<!tpu.dma_semaphore, #tpu.memory_space<semaphore_mem>>)
    %add3A_622 = arith.constant 49 : i32
    %add3A_623 = arith.addi %mul3A_32, %add3A_622 : i32
    %dma_start3A_624 = arith.constant 50176 : i32
    %dma_start3A_625 = tpu.memref_slice %arg5[%dma_start3A_624] : memref<65536xf32, #tpu.memory_space<vmem>> -> memref<1024xf32, #tpu.memory_space<vmem>>
    %dma_start3A_626 = arith.constant 0 : i32
    %dma_start3A_627 = tpu.memref_slice %arg2[%select_n3A, %add3A_623, %dma_start3A_626] : memref<2x1024x1024xf32, #tpu.memory_space<hbm>> -> memref<1x1x1024xf32, #tpu.memory_space<hbm>>
    %dma_start3A_628 = tpu.memref_squeeze %dma_start3A_627 : memref<1x1x1024xf32, #tpu.memory_space<hbm>> -> memref<1024xf32, #tpu.memory_space<hbm>>
    %dma_start3A_629 = arith.constant 50176 : i32
    %dma_start3A_630 = tpu.memref_slice %arg5[%dma_start3A_629] : memref<65536xf32, #tpu.memory_space<vmem>> -> memref<1024xf32, #tpu.memory_space<vmem>>
    %dma_start3A_631 = arith.constant 0 : i32
    %dma_start3A_632 = tpu.memref_slice %arg2[%select_n3A, %add3A_623, %dma_start3A_631] : memref<2x1024x1024xf32, #tpu.memory_space<hbm>> -> memref<1x1x1024xf32, #tpu.memory_space<hbm>>
    %dma_start3A_633 = tpu.memref_squeeze %dma_start3A_632 : memref<1x1x1024xf32, #tpu.memory_space<hbm>> -> memref<1024xf32, #tpu.memory_space<hbm>>
    tpu.enqueue_dma source(%dma_start3A_633 : memref<1024xf32, #tpu.memory_space<hbm>>) target(%dma_start3A_630 : memref<1024xf32, #tpu.memory_space<vmem>>) target_semaphore(%arg8 : memref<!tpu.dma_semaphore, #tpu.memory_space<semaphore_mem>>)
    %add3A_634 = arith.constant 50 : i32
    %add3A_635 = arith.addi %mul3A_32, %add3A_634 : i32
    %dma_start3A_636 = arith.constant 51200 : i32
    %dma_start3A_637 = tpu.memref_slice %arg5[%dma_start3A_636] : memref<65536xf32, #tpu.memory_space<vmem>> -> memref<1024xf32, #tpu.memory_space<vmem>>
    %dma_start3A_638 = arith.constant 0 : i32
    %dma_start3A_639 = tpu.memref_slice %arg2[%select_n3A, %add3A_635, %dma_start3A_638] : memref<2x1024x1024xf32, #tpu.memory_space<hbm>> -> memref<1x1x1024xf32, #tpu.memory_space<hbm>>
    %dma_start3A_640 = tpu.memref_squeeze %dma_start3A_639 : memref<1x1x1024xf32, #tpu.memory_space<hbm>> -> memref<1024xf32, #tpu.memory_space<hbm>>
    %dma_start3A_641 = arith.constant 51200 : i32
    %dma_start3A_642 = tpu.memref_slice %arg5[%dma_start3A_641] : memref<65536xf32, #tpu.memory_space<vmem>> -> memref<1024xf32, #tpu.memory_space<vmem>>
    %dma_start3A_643 = arith.constant 0 : i32
    %dma_start3A_644 = tpu.memref_slice %arg2[%select_n3A, %add3A_635, %dma_start3A_643] : memref<2x1024x1024xf32, #tpu.memory_space<hbm>> -> memref<1x1x1024xf32, #tpu.memory_space<hbm>>
    %dma_start3A_645 = tpu.memref_squeeze %dma_start3A_644 : memref<1x1x1024xf32, #tpu.memory_space<hbm>> -> memref<1024xf32, #tpu.memory_space<hbm>>
    tpu.enqueue_dma source(%dma_start3A_645 : memref<1024xf32, #tpu.memory_space<hbm>>) target(%dma_start3A_642 : memref<1024xf32, #tpu.memory_space<vmem>>) target_semaphore(%arg8 : memref<!tpu.dma_semaphore, #tpu.memory_space<semaphore_mem>>)
    %add3A_646 = arith.constant 51 : i32
    %add3A_647 = arith.addi %mul3A_32, %add3A_646 : i32
    %dma_start3A_648 = arith.constant 52224 : i32
    %dma_start3A_649 = tpu.memref_slice %arg5[%dma_start3A_648] : memref<65536xf32, #tpu.memory_space<vmem>> -> memref<1024xf32, #tpu.memory_space<vmem>>
    %dma_start3A_650 = arith.constant 0 : i32
    %dma_start3A_651 = tpu.memref_slice %arg2[%select_n3A, %add3A_647, %dma_start3A_650] : memref<2x1024x1024xf32, #tpu.memory_space<hbm>> -> memref<1x1x1024xf32, #tpu.memory_space<hbm>>
    %dma_start3A_652 = tpu.memref_squeeze %dma_start3A_651 : memref<1x1x1024xf32, #tpu.memory_space<hbm>> -> memref<1024xf32, #tpu.memory_space<hbm>>
    %dma_start3A_653 = arith.constant 52224 : i32
    %dma_start3A_654 = tpu.memref_slice %arg5[%dma_start3A_653] : memref<65536xf32, #tpu.memory_space<vmem>> -> memref<1024xf32, #tpu.memory_space<vmem>>
    %dma_start3A_655 = arith.constant 0 : i32
    %dma_start3A_656 = tpu.memref_slice %arg2[%select_n3A, %add3A_647, %dma_start3A_655] : memref<2x1024x1024xf32, #tpu.memory_space<hbm>> -> memref<1x1x1024xf32, #tpu.memory_space<hbm>>
    %dma_start3A_657 = tpu.memref_squeeze %dma_start3A_656 : memref<1x1x1024xf32, #tpu.memory_space<hbm>> -> memref<1024xf32, #tpu.memory_space<hbm>>
    tpu.enqueue_dma source(%dma_start3A_657 : memref<1024xf32, #tpu.memory_space<hbm>>) target(%dma_start3A_654 : memref<1024xf32, #tpu.memory_space<vmem>>) target_semaphore(%arg8 : memref<!tpu.dma_semaphore, #tpu.memory_space<semaphore_mem>>)
    %add3A_658 = arith.constant 52 : i32
    %add3A_659 = arith.addi %mul3A_32, %add3A_658 : i32
    %dma_start3A_660 = arith.constant 53248 : i32
    %dma_start3A_661 = tpu.memref_slice %arg5[%dma_start3A_660] : memref<65536xf32, #tpu.memory_space<vmem>> -> memref<1024xf32, #tpu.memory_space<vmem>>
    %dma_start3A_662 = arith.constant 0 : i32
    %dma_start3A_663 = tpu.memref_slice %arg2[%select_n3A, %add3A_659, %dma_start3A_662] : memref<2x1024x1024xf32, #tpu.memory_space<hbm>> -> memref<1x1x1024xf32, #tpu.memory_space<hbm>>
    %dma_start3A_664 = tpu.memref_squeeze %dma_start3A_663 : memref<1x1x1024xf32, #tpu.memory_space<hbm>> -> memref<1024xf32, #tpu.memory_space<hbm>>
    %dma_start3A_665 = arith.constant 53248 : i32
    %dma_start3A_666 = tpu.memref_slice %arg5[%dma_start3A_665] : memref<65536xf32, #tpu.memory_space<vmem>> -> memref<1024xf32, #tpu.memory_space<vmem>>
    %dma_start3A_667 = arith.constant 0 : i32
    %dma_start3A_668 = tpu.memref_slice %arg2[%select_n3A, %add3A_659, %dma_start3A_667] : memref<2x1024x1024xf32, #tpu.memory_space<hbm>> -> memref<1x1x1024xf32, #tpu.memory_space<hbm>>
    %dma_start3A_669 = tpu.memref_squeeze %dma_start3A_668 : memref<1x1x1024xf32, #tpu.memory_space<hbm>> -> memref<1024xf32, #tpu.memory_space<hbm>>
    tpu.enqueue_dma source(%dma_start3A_669 : memref<1024xf32, #tpu.memory_space<hbm>>) target(%dma_start3A_666 : memref<1024xf32, #tpu.memory_space<vmem>>) target_semaphore(%arg8 : memref<!tpu.dma_semaphore, #tpu.memory_space<semaphore_mem>>)
    %add3A_670 = arith.constant 53 : i32
    %add3A_671 = arith.addi %mul3A_32, %add3A_670 : i32
    %dma_start3A_672 = arith.constant 54272 : i32
    %dma_start3A_673 = tpu.memref_slice %arg5[%dma_start3A_672] : memref<65536xf32, #tpu.memory_space<vmem>> -> memref<1024xf32, #tpu.memory_space<vmem>>
    %dma_start3A_674 = arith.constant 0 : i32
    %dma_start3A_675 = tpu.memref_slice %arg2[%select_n3A, %add3A_671, %dma_start3A_674] : memref<2x1024x1024xf32, #tpu.memory_space<hbm>> -> memref<1x1x1024xf32, #tpu.memory_space<hbm>>
    %dma_start3A_676 = tpu.memref_squeeze %dma_start3A_675 : memref<1x1x1024xf32, #tpu.memory_space<hbm>> -> memref<1024xf32, #tpu.memory_space<hbm>>
    %dma_start3A_677 = arith.constant 54272 : i32
    %dma_start3A_678 = tpu.memref_slice %arg5[%dma_start3A_677] : memref<65536xf32, #tpu.memory_space<vmem>> -> memref<1024xf32, #tpu.memory_space<vmem>>
    %dma_start3A_679 = arith.constant 0 : i32
    %dma_start3A_680 = tpu.memref_slice %arg2[%select_n3A, %add3A_671, %dma_start3A_679] : memref<2x1024x1024xf32, #tpu.memory_space<hbm>> -> memref<1x1x1024xf32, #tpu.memory_space<hbm>>
    %dma_start3A_681 = tpu.memref_squeeze %dma_start3A_680 : memref<1x1x1024xf32, #tpu.memory_space<hbm>> -> memref<1024xf32, #tpu.memory_space<hbm>>
    tpu.enqueue_dma source(%dma_start3A_681 : memref<1024xf32, #tpu.memory_space<hbm>>) target(%dma_start3A_678 : memref<1024xf32, #tpu.memory_space<vmem>>) target_semaphore(%arg8 : memref<!tpu.dma_semaphore, #tpu.memory_space<semaphore_mem>>)
    %add3A_682 = arith.constant 54 : i32
    %add3A_683 = arith.addi %mul3A_32, %add3A_682 : i32
    %dma_start3A_684 = arith.constant 55296 : i32
    %dma_start3A_685 = tpu.memref_slice %arg5[%dma_start3A_684] : memref<65536xf32, #tpu.memory_space<vmem>> -> memref<1024xf32, #tpu.memory_space<vmem>>
    %dma_start3A_686 = arith.constant 0 : i32
    %dma_start3A_687 = tpu.memref_slice %arg2[%select_n3A, %add3A_683, %dma_start3A_686] : memref<2x1024x1024xf32, #tpu.memory_space<hbm>> -> memref<1x1x1024xf32, #tpu.memory_space<hbm>>
    %dma_start3A_688 = tpu.memref_squeeze %dma_start3A_687 : memref<1x1x1024xf32, #tpu.memory_space<hbm>> -> memref<1024xf32, #tpu.memory_space<hbm>>
    %dma_start3A_689 = arith.constant 55296 : i32
    %dma_start3A_690 = tpu.memref_slice %arg5[%dma_start3A_689] : memref<65536xf32, #tpu.memory_space<vmem>> -> memref<1024xf32, #tpu.memory_space<vmem>>
    %dma_start3A_691 = arith.constant 0 : i32
    %dma_start3A_692 = tpu.memref_slice %arg2[%select_n3A, %add3A_683, %dma_start3A_691] : memref<2x1024x1024xf32, #tpu.memory_space<hbm>> -> memref<1x1x1024xf32, #tpu.memory_space<hbm>>
    %dma_start3A_693 = tpu.memref_squeeze %dma_start3A_692 : memref<1x1x1024xf32, #tpu.memory_space<hbm>> -> memref<1024xf32, #tpu.memory_space<hbm>>
    tpu.enqueue_dma source(%dma_start3A_693 : memref<1024xf32, #tpu.memory_space<hbm>>) target(%dma_start3A_690 : memref<1024xf32, #tpu.memory_space<vmem>>) target_semaphore(%arg8 : memref<!tpu.dma_semaphore, #tpu.memory_space<semaphore_mem>>)
    %add3A_694 = arith.constant 55 : i32
    %add3A_695 = arith.addi %mul3A_32, %add3A_694 : i32
    %dma_start3A_696 = arith.constant 56320 : i32
    %dma_start3A_697 = tpu.memref_slice %arg5[%dma_start3A_696] : memref<65536xf32, #tpu.memory_space<vmem>> -> memref<1024xf32, #tpu.memory_space<vmem>>
    %dma_start3A_698 = arith.constant 0 : i32
    %dma_start3A_699 = tpu.memref_slice %arg2[%select_n3A, %add3A_695, %dma_start3A_698] : memref<2x1024x1024xf32, #tpu.memory_space<hbm>> -> memref<1x1x1024xf32, #tpu.memory_space<hbm>>
    %dma_start3A_700 = tpu.memref_squeeze %dma_start3A_699 : memref<1x1x1024xf32, #tpu.memory_space<hbm>> -> memref<1024xf32, #tpu.memory_space<hbm>>
    %dma_start3A_701 = arith.constant 56320 : i32
    %dma_start3A_702 = tpu.memref_slice %arg5[%dma_start3A_701] : memref<65536xf32, #tpu.memory_space<vmem>> -> memref<1024xf32, #tpu.memory_space<vmem>>
    %dma_start3A_703 = arith.constant 0 : i32
    %dma_start3A_704 = tpu.memref_slice %arg2[%select_n3A, %add3A_695, %dma_start3A_703] : memref<2x1024x1024xf32, #tpu.memory_space<hbm>> -> memref<1x1x1024xf32, #tpu.memory_space<hbm>>
    %dma_start3A_705 = tpu.memref_squeeze %dma_start3A_704 : memref<1x1x1024xf32, #tpu.memory_space<hbm>> -> memref<1024xf32, #tpu.memory_space<hbm>>
    tpu.enqueue_dma source(%dma_start3A_705 : memref<1024xf32, #tpu.memory_space<hbm>>) target(%dma_start3A_702 : memref<1024xf32, #tpu.memory_space<vmem>>) target_semaphore(%arg8 : memref<!tpu.dma_semaphore, #tpu.memory_space<semaphore_mem>>)
    %add3A_706 = arith.constant 56 : i32
    %add3A_707 = arith.addi %mul3A_32, %add3A_706 : i32
    %dma_start3A_708 = arith.constant 57344 : i32
    %dma_start3A_709 = tpu.memref_slice %arg5[%dma_start3A_708] : memref<65536xf32, #tpu.memory_space<vmem>> -> memref<1024xf32, #tpu.memory_space<vmem>>
    %dma_start3A_710 = arith.constant 0 : i32
    %dma_start3A_711 = tpu.memref_slice %arg2[%select_n3A, %add3A_707, %dma_start3A_710] : memref<2x1024x1024xf32, #tpu.memory_space<hbm>> -> memref<1x1x1024xf32, #tpu.memory_space<hbm>>
    %dma_start3A_712 = tpu.memref_squeeze %dma_start3A_711 : memref<1x1x1024xf32, #tpu.memory_space<hbm>> -> memref<1024xf32, #tpu.memory_space<hbm>>
    %dma_start3A_713 = arith.constant 57344 : i32
    %dma_start3A_714 = tpu.memref_slice %arg5[%dma_start3A_713] : memref<65536xf32, #tpu.memory_space<vmem>> -> memref<1024xf32, #tpu.memory_space<vmem>>
    %dma_start3A_715 = arith.constant 0 : i32
    %dma_start3A_716 = tpu.memref_slice %arg2[%select_n3A, %add3A_707, %dma_start3A_715] : memref<2x1024x1024xf32, #tpu.memory_space<hbm>> -> memref<1x1x1024xf32, #tpu.memory_space<hbm>>
    %dma_start3A_717 = tpu.memref_squeeze %dma_start3A_716 : memref<1x1x1024xf32, #tpu.memory_space<hbm>> -> memref<1024xf32, #tpu.memory_space<hbm>>
    tpu.enqueue_dma source(%dma_start3A_717 : memref<1024xf32, #tpu.memory_space<hbm>>) target(%dma_start3A_714 : memref<1024xf32, #tpu.memory_space<vmem>>) target_semaphore(%arg8 : memref<!tpu.dma_semaphore, #tpu.memory_space<semaphore_mem>>)
    %add3A_718 = arith.constant 57 : i32
    %add3A_719 = arith.addi %mul3A_32, %add3A_718 : i32
    %dma_start3A_720 = arith.constant 58368 : i32
    %dma_start3A_721 = tpu.memref_slice %arg5[%dma_start3A_720] : memref<65536xf32, #tpu.memory_space<vmem>> -> memref<1024xf32, #tpu.memory_space<vmem>>
    %dma_start3A_722 = arith.constant 0 : i32
    %dma_start3A_723 = tpu.memref_slice %arg2[%select_n3A, %add3A_719, %dma_start3A_722] : memref<2x1024x1024xf32, #tpu.memory_space<hbm>> -> memref<1x1x1024xf32, #tpu.memory_space<hbm>>
    %dma_start3A_724 = tpu.memref_squeeze %dma_start3A_723 : memref<1x1x1024xf32, #tpu.memory_space<hbm>> -> memref<1024xf32, #tpu.memory_space<hbm>>
    %dma_start3A_725 = arith.constant 58368 : i32
    %dma_start3A_726 = tpu.memref_slice %arg5[%dma_start3A_725] : memref<65536xf32, #tpu.memory_space<vmem>> -> memref<1024xf32, #tpu.memory_space<vmem>>
    %dma_start3A_727 = arith.constant 0 : i32
    %dma_start3A_728 = tpu.memref_slice %arg2[%select_n3A, %add3A_719, %dma_start3A_727] : memref<2x1024x1024xf32, #tpu.memory_space<hbm>> -> memref<1x1x1024xf32, #tpu.memory_space<hbm>>
    %dma_start3A_729 = tpu.memref_squeeze %dma_start3A_728 : memref<1x1x1024xf32, #tpu.memory_space<hbm>> -> memref<1024xf32, #tpu.memory_space<hbm>>
    tpu.enqueue_dma source(%dma_start3A_729 : memref<1024xf32, #tpu.memory_space<hbm>>) target(%dma_start3A_726 : memref<1024xf32, #tpu.memory_space<vmem>>) target_semaphore(%arg8 : memref<!tpu.dma_semaphore, #tpu.memory_space<semaphore_mem>>)
    %add3A_730 = arith.constant 58 : i32
    %add3A_731 = arith.addi %mul3A_32, %add3A_730 : i32
    %dma_start3A_732 = arith.constant 59392 : i32
    %dma_start3A_733 = tpu.memref_slice %arg5[%dma_start3A_732] : memref<65536xf32, #tpu.memory_space<vmem>> -> memref<1024xf32, #tpu.memory_space<vmem>>
    %dma_start3A_734 = arith.constant 0 : i32
    %dma_start3A_735 = tpu.memref_slice %arg2[%select_n3A, %add3A_731, %dma_start3A_734] : memref<2x1024x1024xf32, #tpu.memory_space<hbm>> -> memref<1x1x1024xf32, #tpu.memory_space<hbm>>
    %dma_start3A_736 = tpu.memref_squeeze %dma_start3A_735 : memref<1x1x1024xf32, #tpu.memory_space<hbm>> -> memref<1024xf32, #tpu.memory_space<hbm>>
    %dma_start3A_737 = arith.constant 59392 : i32
    %dma_start3A_738 = tpu.memref_slice %arg5[%dma_start3A_737] : memref<65536xf32, #tpu.memory_space<vmem>> -> memref<1024xf32, #tpu.memory_space<vmem>>
    %dma_start3A_739 = arith.constant 0 : i32
    %dma_start3A_740 = tpu.memref_slice %arg2[%select_n3A, %add3A_731, %dma_start3A_739] : memref<2x1024x1024xf32, #tpu.memory_space<hbm>> -> memref<1x1x1024xf32, #tpu.memory_space<hbm>>
    %dma_start3A_741 = tpu.memref_squeeze %dma_start3A_740 : memref<1x1x1024xf32, #tpu.memory_space<hbm>> -> memref<1024xf32, #tpu.memory_space<hbm>>
    tpu.enqueue_dma source(%dma_start3A_741 : memref<1024xf32, #tpu.memory_space<hbm>>) target(%dma_start3A_738 : memref<1024xf32, #tpu.memory_space<vmem>>) target_semaphore(%arg8 : memref<!tpu.dma_semaphore, #tpu.memory_space<semaphore_mem>>)
    %add3A_742 = arith.constant 59 : i32
    %add3A_743 = arith.addi %mul3A_32, %add3A_742 : i32
    %dma_start3A_744 = arith.constant 60416 : i32
    %dma_start3A_745 = tpu.memref_slice %arg5[%dma_start3A_744] : memref<65536xf32, #tpu.memory_space<vmem>> -> memref<1024xf32, #tpu.memory_space<vmem>>
    %dma_start3A_746 = arith.constant 0 : i32
    %dma_start3A_747 = tpu.memref_slice %arg2[%select_n3A, %add3A_743, %dma_start3A_746] : memref<2x1024x1024xf32, #tpu.memory_space<hbm>> -> memref<1x1x1024xf32, #tpu.memory_space<hbm>>
    %dma_start3A_748 = tpu.memref_squeeze %dma_start3A_747 : memref<1x1x1024xf32, #tpu.memory_space<hbm>> -> memref<1024xf32, #tpu.memory_space<hbm>>
    %dma_start3A_749 = arith.constant 60416 : i32
    %dma_start3A_750 = tpu.memref_slice %arg5[%dma_start3A_749] : memref<65536xf32, #tpu.memory_space<vmem>> -> memref<1024xf32, #tpu.memory_space<vmem>>
    %dma_start3A_751 = arith.constant 0 : i32
    %dma_start3A_752 = tpu.memref_slice %arg2[%select_n3A, %add3A_743, %dma_start3A_751] : memref<2x1024x1024xf32, #tpu.memory_space<hbm>> -> memref<1x1x1024xf32, #tpu.memory_space<hbm>>
    %dma_start3A_753 = tpu.memref_squeeze %dma_start3A_752 : memref<1x1x1024xf32, #tpu.memory_space<hbm>> -> memref<1024xf32, #tpu.memory_space<hbm>>
    tpu.enqueue_dma source(%dma_start3A_753 : memref<1024xf32, #tpu.memory_space<hbm>>) target(%dma_start3A_750 : memref<1024xf32, #tpu.memory_space<vmem>>) target_semaphore(%arg8 : memref<!tpu.dma_semaphore, #tpu.memory_space<semaphore_mem>>)
    %add3A_754 = arith.constant 60 : i32
    %add3A_755 = arith.addi %mul3A_32, %add3A_754 : i32
    %dma_start3A_756 = arith.constant 61440 : i32
    %dma_start3A_757 = tpu.memref_slice %arg5[%dma_start3A_756] : memref<65536xf32, #tpu.memory_space<vmem>> -> memref<1024xf32, #tpu.memory_space<vmem>>
    %dma_start3A_758 = arith.constant 0 : i32
    %dma_start3A_759 = tpu.memref_slice %arg2[%select_n3A, %add3A_755, %dma_start3A_758] : memref<2x1024x1024xf32, #tpu.memory_space<hbm>> -> memref<1x1x1024xf32, #tpu.memory_space<hbm>>
    %dma_start3A_760 = tpu.memref_squeeze %dma_start3A_759 : memref<1x1x1024xf32, #tpu.memory_space<hbm>> -> memref<1024xf32, #tpu.memory_space<hbm>>
    %dma_start3A_761 = arith.constant 61440 : i32
    %dma_start3A_762 = tpu.memref_slice %arg5[%dma_start3A_761] : memref<65536xf32, #tpu.memory_space<vmem>> -> memref<1024xf32, #tpu.memory_space<vmem>>
    %dma_start3A_763 = arith.constant 0 : i32
    %dma_start3A_764 = tpu.memref_slice %arg2[%select_n3A, %add3A_755, %dma_start3A_763] : memref<2x1024x1024xf32, #tpu.memory_space<hbm>> -> memref<1x1x1024xf32, #tpu.memory_space<hbm>>
    %dma_start3A_765 = tpu.memref_squeeze %dma_start3A_764 : memref<1x1x1024xf32, #tpu.memory_space<hbm>> -> memref<1024xf32, #tpu.memory_space<hbm>>
    tpu.enqueue_dma source(%dma_start3A_765 : memref<1024xf32, #tpu.memory_space<hbm>>) target(%dma_start3A_762 : memref<1024xf32, #tpu.memory_space<vmem>>) target_semaphore(%arg8 : memref<!tpu.dma_semaphore, #tpu.memory_space<semaphore_mem>>)
    %add3A_766 = arith.constant 61 : i32
    %add3A_767 = arith.addi %mul3A_32, %add3A_766 : i32
    %dma_start3A_768 = arith.constant 62464 : i32
    %dma_start3A_769 = tpu.memref_slice %arg5[%dma_start3A_768] : memref<65536xf32, #tpu.memory_space<vmem>> -> memref<1024xf32, #tpu.memory_space<vmem>>
    %dma_start3A_770 = arith.constant 0 : i32
    %dma_start3A_771 = tpu.memref_slice %arg2[%select_n3A, %add3A_767, %dma_start3A_770] : memref<2x1024x1024xf32, #tpu.memory_space<hbm>> -> memref<1x1x1024xf32, #tpu.memory_space<hbm>>
    %dma_start3A_772 = tpu.memref_squeeze %dma_start3A_771 : memref<1x1x1024xf32, #tpu.memory_space<hbm>> -> memref<1024xf32, #tpu.memory_space<hbm>>
    %dma_start3A_773 = arith.constant 62464 : i32
    %dma_start3A_774 = tpu.memref_slice %arg5[%dma_start3A_773] : memref<65536xf32, #tpu.memory_space<vmem>> -> memref<1024xf32, #tpu.memory_space<vmem>>
    %dma_start3A_775 = arith.constant 0 : i32
    %dma_start3A_776 = tpu.memref_slice %arg2[%select_n3A, %add3A_767, %dma_start3A_775] : memref<2x1024x1024xf32, #tpu.memory_space<hbm>> -> memref<1x1x1024xf32, #tpu.memory_space<hbm>>
    %dma_start3A_777 = tpu.memref_squeeze %dma_start3A_776 : memref<1x1x1024xf32, #tpu.memory_space<hbm>> -> memref<1024xf32, #tpu.memory_space<hbm>>
    tpu.enqueue_dma source(%dma_start3A_777 : memref<1024xf32, #tpu.memory_space<hbm>>) target(%dma_start3A_774 : memref<1024xf32, #tpu.memory_space<vmem>>) target_semaphore(%arg8 : memref<!tpu.dma_semaphore, #tpu.memory_space<semaphore_mem>>)
    %add3A_778 = arith.constant 62 : i32
    %add3A_779 = arith.addi %mul3A_32, %add3A_778 : i32
    %dma_start3A_780 = arith.constant 63488 : i32
    %dma_start3A_781 = tpu.memref_slice %arg5[%dma_start3A_780] : memref<65536xf32, #tpu.memory_space<vmem>> -> memref<1024xf32, #tpu.memory_space<vmem>>
    %dma_start3A_782 = arith.constant 0 : i32
    %dma_start3A_783 = tpu.memref_slice %arg2[%select_n3A, %add3A_779, %dma_start3A_782] : memref<2x1024x1024xf32, #tpu.memory_space<hbm>> -> memref<1x1x1024xf32, #tpu.memory_space<hbm>>
    %dma_start3A_784 = tpu.memref_squeeze %dma_start3A_783 : memref<1x1x1024xf32, #tpu.memory_space<hbm>> -> memref<1024xf32, #tpu.memory_space<hbm>>
    %dma_start3A_785 = arith.constant 63488 : i32
    %dma_start3A_786 = tpu.memref_slice %arg5[%dma_start3A_785] : memref<65536xf32, #tpu.memory_space<vmem>> -> memref<1024xf32, #tpu.memory_space<vmem>>
    %dma_start3A_787 = arith.constant 0 : i32
    %dma_start3A_788 = tpu.memref_slice %arg2[%select_n3A, %add3A_779, %dma_start3A_787] : memref<2x1024x1024xf32, #tpu.memory_space<hbm>> -> memref<1x1x1024xf32, #tpu.memory_space<hbm>>
    %dma_start3A_789 = tpu.memref_squeeze %dma_start3A_788 : memref<1x1x1024xf32, #tpu.memory_space<hbm>> -> memref<1024xf32, #tpu.memory_space<hbm>>
    tpu.enqueue_dma source(%dma_start3A_789 : memref<1024xf32, #tpu.memory_space<hbm>>) target(%dma_start3A_786 : memref<1024xf32, #tpu.memory_space<vmem>>) target_semaphore(%arg8 : memref<!tpu.dma_semaphore, #tpu.memory_space<semaphore_mem>>)
    %add3A_790 = arith.constant 63 : i32
    %add3A_791 = arith.addi %mul3A_32, %add3A_790 : i32
    %dma_start3A_792 = arith.constant 64512 : i32
    %dma_start3A_793 = tpu.memref_slice %arg5[%dma_start3A_792] : memref<65536xf32, #tpu.memory_space<vmem>> -> memref<1024xf32, #tpu.memory_space<vmem>>
    %dma_start3A_794 = arith.constant 0 : i32
    %dma_start3A_795 = tpu.memref_slice %arg2[%select_n3A, %add3A_791, %dma_start3A_794] : memref<2x1024x1024xf32, #tpu.memory_space<hbm>> -> memref<1x1x1024xf32, #tpu.memory_space<hbm>>
    %dma_start3A_796 = tpu.memref_squeeze %dma_start3A_795 : memref<1x1x1024xf32, #tpu.memory_space<hbm>> -> memref<1024xf32, #tpu.memory_space<hbm>>
    %dma_start3A_797 = arith.constant 64512 : i32
    %dma_start3A_798 = tpu.memref_slice %arg5[%dma_start3A_797] : memref<65536xf32, #tpu.memory_space<vmem>> -> memref<1024xf32, #tpu.memory_space<vmem>>
    %dma_start3A_799 = arith.constant 0 : i32
    %dma_start3A_800 = tpu.memref_slice %arg2[%select_n3A, %add3A_791, %dma_start3A_799] : memref<2x1024x1024xf32, #tpu.memory_space<hbm>> -> memref<1x1x1024xf32, #tpu.memory_space<hbm>>
    %dma_start3A_801 = tpu.memref_squeeze %dma_start3A_800 : memref<1x1x1024xf32, #tpu.memory_space<hbm>> -> memref<1024xf32, #tpu.memory_space<hbm>>
    tpu.enqueue_dma source(%dma_start3A_801 : memref<1024xf32, #tpu.memory_space<hbm>>) target(%dma_start3A_798 : memref<1024xf32, #tpu.memory_space<vmem>>) target_semaphore(%arg8 : memref<!tpu.dma_semaphore, #tpu.memory_space<semaphore_mem>>)
    %add3A_802 = arith.constant 0 : i32
    %add3A_803 = arith.addi %mul3A_34, %add3A_802 : i32
    %mul3A_804 = arith.constant 8 : i32
    %mul3A_805 = arith.muli %mul3A_804, %add3A_803 : i32
    %add3A_806 = arith.constant 4 : i32
    %add3A_807 = arith.addi %add3A_806, %mul3A_805 : i32
    %run_scoped3A = arith.constant 0 : i32
    "tpu.region"() ({
      %run_scoped3A_2461 = tpu.sem_alloc : memref<!tpu.dma_semaphore, #tpu.memory_space<semaphore_mem>>
      %dma_start3A_2462 = arith.constant 0 : i32
      %dma_start3A_2463 = tpu.memref_slice %arg6[%dma_start3A_2462] : memref<1024xf32, #tpu.memory_space<vmem>> -> memref<256xf32, #tpu.memory_space<vmem>>
      %dma_start3A_2464 = arith.constant 0 : i32
      %dma_start3A_2465 = tpu.memref_slice %arg3[%select_n3A, %add3A_807, %run_scoped3A, %dma_start3A_2464] : memref<2x256x2x256xf32, #tpu.memory_space<hbm>> -> memref<1x1x1x256xf32, #tpu.memory_space<hbm>>
      %dma_start3A_2466 = tpu.memref_squeeze %dma_start3A_2465 : memref<1x1x1x256xf32, #tpu.memory_space<hbm>> -> memref<256xf32, #tpu.memory_space<hbm>>
      %dma_start3A_2467 = arith.constant 0 : i32
      %dma_start3A_2468 = tpu.memref_slice %arg6[%dma_start3A_2467] : memref<1024xf32, #tpu.memory_space<vmem>> -> memref<256xf32, #tpu.memory_space<vmem>>
      %dma_start3A_2469 = arith.constant 0 : i32
      %dma_start3A_2470 = tpu.memref_slice %arg3[%select_n3A, %add3A_807, %run_scoped3A, %dma_start3A_2469] : memref<2x256x2x256xf32, #tpu.memory_space<hbm>> -> memref<1x1x1x256xf32, #tpu.memory_space<hbm>>
      %dma_start3A_2471 = tpu.memref_squeeze %dma_start3A_2470 : memref<1x1x1x256xf32, #tpu.memory_space<hbm>> -> memref<256xf32, #tpu.memory_space<hbm>>
      tpu.enqueue_dma source(%dma_start3A_2471 : memref<256xf32, #tpu.memory_space<hbm>>) target(%dma_start3A_2468 : memref<256xf32, #tpu.memory_space<vmem>>) target_semaphore(%run_scoped3A_2461 : memref<!tpu.dma_semaphore, #tpu.memory_space<semaphore_mem>>)
      %dma_wait3A_2472 = arith.constant 0 : i32
      %dma_wait3A_2473 = tpu.memref_slice %arg6[%dma_wait3A_2472] : memref<1024xf32, #tpu.memory_space<vmem>> -> memref<256xf32, #tpu.memory_space<vmem>>
      %dma_wait3A_2474 = arith.constant 0 : i32
      %dma_wait3A_2475 = tpu.memref_slice %arg3[%select_n3A, %add3A_807, %run_scoped3A, %dma_wait3A_2474] : memref<2x256x2x256xf32, #tpu.memory_space<hbm>> -> memref<1x1x1x256xf32, #tpu.memory_space<hbm>>
      %dma_wait3A_2476 = tpu.memref_squeeze %dma_wait3A_2475 : memref<1x1x1x256xf32, #tpu.memory_space<hbm>> -> memref<256xf32, #tpu.memory_space<hbm>>
      %dma_wait3A_2477 = arith.constant 0 : i32
      %dma_wait3A_2478 = tpu.memref_slice %arg6[%dma_wait3A_2477] : memref<1024xf32, #tpu.memory_space<vmem>> -> memref<256xf32, #tpu.memory_space<vmem>>
      %dma_wait3A_2479 = arith.constant 0 : i32
      %dma_wait3A_2480 = tpu.memref_slice %arg3[%select_n3A, %add3A_807, %run_scoped3A, %dma_wait3A_2479] : memref<2x256x2x256xf32, #tpu.memory_space<hbm>> -> memref<1x1x1x256xf32, #tpu.memory_space<hbm>>
      %dma_wait3A_2481 = tpu.memref_squeeze %dma_wait3A_2480 : memref<1x1x1x256xf32, #tpu.memory_space<hbm>> -> memref<256xf32, #tpu.memory_space<hbm>>
      tpu.wait_dma2 semaphore(%run_scoped3A_2461 : memref<!tpu.dma_semaphore, #tpu.memory_space<semaphore_mem>>) src(%dma_wait3A_2481 : memref<256xf32, #tpu.memory_space<hbm>>) dst(%dma_wait3A_2478 : memref<256xf32, #tpu.memory_space<vmem>>)
      tpu.yield
    }) : () -> ()
    %add3A_808 = arith.constant 0 : i32
    %add3A_809 = arith.addi %mul3A_34, %add3A_808 : i32
    %mul3A_810 = arith.constant 8 : i32
    %mul3A_811 = arith.muli %mul3A_810, %add3A_809 : i32
    %add3A_812 = arith.constant 4 : i32
    %add3A_813 = arith.addi %add3A_812, %mul3A_811 : i32
    %run_scoped3A_814 = arith.constant 1 : i32
    "tpu.region"() ({
      %run_scoped3A_2461 = tpu.sem_alloc : memref<!tpu.dma_semaphore, #tpu.memory_space<semaphore_mem>>
      %dma_start3A_2462 = arith.constant 256 : i32
      %dma_start3A_2463 = tpu.memref_slice %arg6[%dma_start3A_2462] : memref<1024xf32, #tpu.memory_space<vmem>> -> memref<256xf32, #tpu.memory_space<vmem>>
      %dma_start3A_2464 = arith.constant 0 : i32
      %dma_start3A_2465 = tpu.memref_slice %arg3[%select_n3A, %add3A_813, %run_scoped3A_814, %dma_start3A_2464] : memref<2x256x2x256xf32, #tpu.memory_space<hbm>> -> memref<1x1x1x256xf32, #tpu.memory_space<hbm>>
      %dma_start3A_2466 = tpu.memref_squeeze %dma_start3A_2465 : memref<1x1x1x256xf32, #tpu.memory_space<hbm>> -> memref<256xf32, #tpu.memory_space<hbm>>
      %dma_start3A_2467 = arith.constant 256 : i32
      %dma_start3A_2468 = tpu.memref_slice %arg6[%dma_start3A_2467] : memref<1024xf32, #tpu.memory_space<vmem>> -> memref<256xf32, #tpu.memory_space<vmem>>
      %dma_start3A_2469 = arith.constant 0 : i32
      %dma_start3A_2470 = tpu.memref_slice %arg3[%select_n3A, %add3A_813, %run_scoped3A_814, %dma_start3A_2469] : memref<2x256x2x256xf32, #tpu.memory_space<hbm>> -> memref<1x1x1x256xf32, #tpu.memory_space<hbm>>
      %dma_start3A_2471 = tpu.memref_squeeze %dma_start3A_2470 : memref<1x1x1x256xf32, #tpu.memory_space<hbm>> -> memref<256xf32, #tpu.memory_space<hbm>>
      tpu.enqueue_dma source(%dma_start3A_2471 : memref<256xf32, #tpu.memory_space<hbm>>) target(%dma_start3A_2468 : memref<256xf32, #tpu.memory_space<vmem>>) target_semaphore(%run_scoped3A_2461 : memref<!tpu.dma_semaphore, #tpu.memory_space<semaphore_mem>>)
      %dma_wait3A_2472 = arith.constant 256 : i32
      %dma_wait3A_2473 = tpu.memref_slice %arg6[%dma_wait3A_2472] : memref<1024xf32, #tpu.memory_space<vmem>> -> memref<256xf32, #tpu.memory_space<vmem>>
      %dma_wait3A_2474 = arith.constant 0 : i32
      %dma_wait3A_2475 = tpu.memref_slice %arg3[%select_n3A, %add3A_813, %run_scoped3A_814, %dma_wait3A_2474] : memref<2x256x2x256xf32, #tpu.memory_space<hbm>> -> memref<1x1x1x256xf32, #tpu.memory_space<hbm>>
      %dma_wait3A_2476 = tpu.memref_squeeze %dma_wait3A_2475 : memref<1x1x1x256xf32, #tpu.memory_space<hbm>> -> memref<256xf32, #tpu.memory_space<hbm>>
      %dma_wait3A_2477 = arith.constant 256 : i32
      %dma_wait3A_2478 = tpu.memref_slice %arg6[%dma_wait3A_2477] : memref<1024xf32, #tpu.memory_space<vmem>> -> memref<256xf32, #tpu.memory_space<vmem>>
      %dma_wait3A_2479 = arith.constant 0 : i32
      %dma_wait3A_2480 = tpu.memref_slice %arg3[%select_n3A, %add3A_813, %run_scoped3A_814, %dma_wait3A_2479] : memref<2x256x2x256xf32, #tpu.memory_space<hbm>> -> memref<1x1x1x256xf32, #tpu.memory_space<hbm>>
      %dma_wait3A_2481 = tpu.memref_squeeze %dma_wait3A_2480 : memref<1x1x1x256xf32, #tpu.memory_space<hbm>> -> memref<256xf32, #tpu.memory_space<hbm>>
      tpu.wait_dma2 semaphore(%run_scoped3A_2461 : memref<!tpu.dma_semaphore, #tpu.memory_space<semaphore_mem>>) src(%dma_wait3A_2481 : memref<256xf32, #tpu.memory_space<hbm>>) dst(%dma_wait3A_2478 : memref<256xf32, #tpu.memory_space<vmem>>)
      tpu.yield
    }) : () -> ()
    %add3A_815 = arith.constant 1 : i32
    %add3A_816 = arith.addi %mul3A_34, %add3A_815 : i32
    %mul3A_817 = arith.constant 8 : i32
    %mul3A_818 = arith.muli %mul3A_817, %add3A_816 : i32
    %add3A_819 = arith.constant 4 : i32
    %add3A_820 = arith.addi %add3A_819, %mul3A_818 : i32
    %run_scoped3A_821 = arith.constant 0 : i32
    "tpu.region"() ({
      %run_scoped3A_2461 = tpu.sem_alloc : memref<!tpu.dma_semaphore, #tpu.memory_space<semaphore_mem>>
      %dma_start3A_2462 = arith.constant 512 : i32
      %dma_start3A_2463 = tpu.memref_slice %arg6[%dma_start3A_2462] : memref<1024xf32, #tpu.memory_space<vmem>> -> memref<256xf32, #tpu.memory_space<vmem>>
      %dma_start3A_2464 = arith.constant 0 : i32
      %dma_start3A_2465 = tpu.memref_slice %arg3[%select_n3A, %add3A_820, %run_scoped3A_821, %dma_start3A_2464] : memref<2x256x2x256xf32, #tpu.memory_space<hbm>> -> memref<1x1x1x256xf32, #tpu.memory_space<hbm>>
      %dma_start3A_2466 = tpu.memref_squeeze %dma_start3A_2465 : memref<1x1x1x256xf32, #tpu.memory_space<hbm>> -> memref<256xf32, #tpu.memory_space<hbm>>
      %dma_start3A_2467 = arith.constant 512 : i32
      %dma_start3A_2468 = tpu.memref_slice %arg6[%dma_start3A_2467] : memref<1024xf32, #tpu.memory_space<vmem>> -> memref<256xf32, #tpu.memory_space<vmem>>
      %dma_start3A_2469 = arith.constant 0 : i32
      %dma_start3A_2470 = tpu.memref_slice %arg3[%select_n3A, %add3A_820, %run_scoped3A_821, %dma_start3A_2469] : memref<2x256x2x256xf32, #tpu.memory_space<hbm>> -> memref<1x1x1x256xf32, #tpu.memory_space<hbm>>
      %dma_start3A_2471 = tpu.memref_squeeze %dma_start3A_2470 : memref<1x1x1x256xf32, #tpu.memory_space<hbm>> -> memref<256xf32, #tpu.memory_space<hbm>>
      tpu.enqueue_dma source(%dma_start3A_2471 : memref<256xf32, #tpu.memory_space<hbm>>) target(%dma_start3A_2468 : memref<256xf32, #tpu.memory_space<vmem>>) target_semaphore(%run_scoped3A_2461 : memref<!tpu.dma_semaphore, #tpu.memory_space<semaphore_mem>>)
      %dma_wait3A_2472 = arith.constant 512 : i32
      %dma_wait3A_2473 = tpu.memref_slice %arg6[%dma_wait3A_2472] : memref<1024xf32, #tpu.memory_space<vmem>> -> memref<256xf32, #tpu.memory_space<vmem>>
      %dma_wait3A_2474 = arith.constant 0 : i32
      %dma_wait3A_2475 = tpu.memref_slice %arg3[%select_n3A, %add3A_820, %run_scoped3A_821, %dma_wait3A_2474] : memref<2x256x2x256xf32, #tpu.memory_space<hbm>> -> memref<1x1x1x256xf32, #tpu.memory_space<hbm>>
      %dma_wait3A_2476 = tpu.memref_squeeze %dma_wait3A_2475 : memref<1x1x1x256xf32, #tpu.memory_space<hbm>> -> memref<256xf32, #tpu.memory_space<hbm>>
      %dma_wait3A_2477 = arith.constant 512 : i32
      %dma_wait3A_2478 = tpu.memref_slice %arg6[%dma_wait3A_2477] : memref<1024xf32, #tpu.memory_space<vmem>> -> memref<256xf32, #tpu.memory_space<vmem>>
      %dma_wait3A_2479 = arith.constant 0 : i32
      %dma_wait3A_2480 = tpu.memref_slice %arg3[%select_n3A, %add3A_820, %run_scoped3A_821, %dma_wait3A_2479] : memref<2x256x2x256xf32, #tpu.memory_space<hbm>> -> memref<1x1x1x256xf32, #tpu.memory_space<hbm>>
      %dma_wait3A_2481 = tpu.memref_squeeze %dma_wait3A_2480 : memref<1x1x1x256xf32, #tpu.memory_space<hbm>> -> memref<256xf32, #tpu.memory_space<hbm>>
      tpu.wait_dma2 semaphore(%run_scoped3A_2461 : memref<!tpu.dma_semaphore, #tpu.memory_space<semaphore_mem>>) src(%dma_wait3A_2481 : memref<256xf32, #tpu.memory_space<hbm>>) dst(%dma_wait3A_2478 : memref<256xf32, #tpu.memory_space<vmem>>)
      tpu.yield
    }) : () -> ()
    %add3A_822 = arith.constant 1 : i32
    %add3A_823 = arith.addi %mul3A_34, %add3A_822 : i32
    %mul3A_824 = arith.constant 8 : i32
    %mul3A_825 = arith.muli %mul3A_824, %add3A_823 : i32
    %add3A_826 = arith.constant 4 : i32
    %add3A_827 = arith.addi %add3A_826, %mul3A_825 : i32
    %run_scoped3A_828 = arith.constant 1 : i32
    "tpu.region"() ({
      %run_scoped3A_2461 = tpu.sem_alloc : memref<!tpu.dma_semaphore, #tpu.memory_space<semaphore_mem>>
      %dma_start3A_2462 = arith.constant 768 : i32
      %dma_start3A_2463 = tpu.memref_slice %arg6[%dma_start3A_2462] : memref<1024xf32, #tpu.memory_space<vmem>> -> memref<256xf32, #tpu.memory_space<vmem>>
      %dma_start3A_2464 = arith.constant 0 : i32
      %dma_start3A_2465 = tpu.memref_slice %arg3[%select_n3A, %add3A_827, %run_scoped3A_828, %dma_start3A_2464] : memref<2x256x2x256xf32, #tpu.memory_space<hbm>> -> memref<1x1x1x256xf32, #tpu.memory_space<hbm>>
      %dma_start3A_2466 = tpu.memref_squeeze %dma_start3A_2465 : memref<1x1x1x256xf32, #tpu.memory_space<hbm>> -> memref<256xf32, #tpu.memory_space<hbm>>
      %dma_start3A_2467 = arith.constant 768 : i32
      %dma_start3A_2468 = tpu.memref_slice %arg6[%dma_start3A_2467] : memref<1024xf32, #tpu.memory_space<vmem>> -> memref<256xf32, #tpu.memory_space<vmem>>
      %dma_start3A_2469 = arith.constant 0 : i32
      %dma_start3A_2470 = tpu.memref_slice %arg3[%select_n3A, %add3A_827, %run_scoped3A_828, %dma_start3A_2469] : memref<2x256x2x256xf32, #tpu.memory_space<hbm>> -> memref<1x1x1x256xf32, #tpu.memory_space<hbm>>
      %dma_start3A_2471 = tpu.memref_squeeze %dma_start3A_2470 : memref<1x1x1x256xf32, #tpu.memory_space<hbm>> -> memref<256xf32, #tpu.memory_space<hbm>>
      tpu.enqueue_dma source(%dma_start3A_2471 : memref<256xf32, #tpu.memory_space<hbm>>) target(%dma_start3A_2468 : memref<256xf32, #tpu.memory_space<vmem>>) target_semaphore(%run_scoped3A_2461 : memref<!tpu.dma_semaphore, #tpu.memory_space<semaphore_mem>>)
      %dma_wait3A_2472 = arith.constant 768 : i32
      %dma_wait3A_2473 = tpu.memref_slice %arg6[%dma_wait3A_2472] : memref<1024xf32, #tpu.memory_space<vmem>> -> memref<256xf32, #tpu.memory_space<vmem>>
      %dma_wait3A_2474 = arith.constant 0 : i32
      %dma_wait3A_2475 = tpu.memref_slice %arg3[%select_n3A, %add3A_827, %run_scoped3A_828, %dma_wait3A_2474] : memref<2x256x2x256xf32, #tpu.memory_space<hbm>> -> memref<1x1x1x256xf32, #tpu.memory_space<hbm>>
      %dma_wait3A_2476 = tpu.memref_squeeze %dma_wait3A_2475 : memref<1x1x1x256xf32, #tpu.memory_space<hbm>> -> memref<256xf32, #tpu.memory_space<hbm>>
      %dma_wait3A_2477 = arith.constant 768 : i32
      %dma_wait3A_2478 = tpu.memref_slice %arg6[%dma_wait3A_2477] : memref<1024xf32, #tpu.memory_space<vmem>> -> memref<256xf32, #tpu.memory_space<vmem>>
      %dma_wait3A_2479 = arith.constant 0 : i32
      %dma_wait3A_2480 = tpu.memref_slice %arg3[%select_n3A, %add3A_827, %run_scoped3A_828, %dma_wait3A_2479] : memref<2x256x2x256xf32, #tpu.memory_space<hbm>> -> memref<1x1x1x256xf32, #tpu.memory_space<hbm>>
      %dma_wait3A_2481 = tpu.memref_squeeze %dma_wait3A_2480 : memref<1x1x1x256xf32, #tpu.memory_space<hbm>> -> memref<256xf32, #tpu.memory_space<hbm>>
      tpu.wait_dma2 semaphore(%run_scoped3A_2461 : memref<!tpu.dma_semaphore, #tpu.memory_space<semaphore_mem>>) src(%dma_wait3A_2481 : memref<256xf32, #tpu.memory_space<hbm>>) dst(%dma_wait3A_2478 : memref<256xf32, #tpu.memory_space<vmem>>)
      tpu.yield
    }) : () -> ()
    %dma_wait3A = arith.constant 0 : i32
    %dma_wait3A_829 = tpu.memref_slice %arg5[%dma_wait3A] : memref<65536xf32, #tpu.memory_space<vmem>> -> memref<1024xf32, #tpu.memory_space<vmem>>
    %dma_wait3A_830 = arith.constant 0 : i32
    %dma_wait3A_831 = tpu.memref_slice %arg2[%select_n3A, %add3A_36, %dma_wait3A_830] : memref<2x1024x1024xf32, #tpu.memory_space<hbm>> -> memref<1x1x1024xf32, #tpu.memory_space<hbm>>
    %dma_wait3A_832 = tpu.memref_squeeze %dma_wait3A_831 : memref<1x1x1024xf32, #tpu.memory_space<hbm>> -> memref<1024xf32, #tpu.memory_space<hbm>>
    %dma_wait3A_833 = arith.constant 0 : i32
    %dma_wait3A_834 = tpu.memref_slice %arg5[%dma_wait3A_833] : memref<65536xf32, #tpu.memory_space<vmem>> -> memref<1024xf32, #tpu.memory_space<vmem>>
    %dma_wait3A_835 = arith.constant 0 : i32
    %dma_wait3A_836 = tpu.memref_slice %arg2[%select_n3A, %add3A_36, %dma_wait3A_835] : memref<2x1024x1024xf32, #tpu.memory_space<hbm>> -> memref<1x1x1024xf32, #tpu.memory_space<hbm>>
    %dma_wait3A_837 = tpu.memref_squeeze %dma_wait3A_836 : memref<1x1x1024xf32, #tpu.memory_space<hbm>> -> memref<1024xf32, #tpu.memory_space<hbm>>
    tpu.wait_dma2 semaphore(%arg8 : memref<!tpu.dma_semaphore, #tpu.memory_space<semaphore_mem>>) src(%dma_wait3A_837 : memref<1024xf32, #tpu.memory_space<hbm>>) dst(%dma_wait3A_834 : memref<1024xf32, #tpu.memory_space<vmem>>)
    %dma_wait3A_838 = arith.constant 1024 : i32
    %dma_wait3A_839 = tpu.memref_slice %arg5[%dma_wait3A_838] : memref<65536xf32, #tpu.memory_space<vmem>> -> memref<1024xf32, #tpu.memory_space<vmem>>
    %dma_wait3A_840 = arith.constant 0 : i32
    %dma_wait3A_841 = tpu.memref_slice %arg2[%select_n3A, %add3A_47, %dma_wait3A_840] : memref<2x1024x1024xf32, #tpu.memory_space<hbm>> -> memref<1x1x1024xf32, #tpu.memory_space<hbm>>
    %dma_wait3A_842 = tpu.memref_squeeze %dma_wait3A_841 : memref<1x1x1024xf32, #tpu.memory_space<hbm>> -> memref<1024xf32, #tpu.memory_space<hbm>>
    %dma_wait3A_843 = arith.constant 1024 : i32
    %dma_wait3A_844 = tpu.memref_slice %arg5[%dma_wait3A_843] : memref<65536xf32, #tpu.memory_space<vmem>> -> memref<1024xf32, #tpu.memory_space<vmem>>
    %dma_wait3A_845 = arith.constant 0 : i32
    %dma_wait3A_846 = tpu.memref_slice %arg2[%select_n3A, %add3A_47, %dma_wait3A_845] : memref<2x1024x1024xf32, #tpu.memory_space<hbm>> -> memref<1x1x1024xf32, #tpu.memory_space<hbm>>
    %dma_wait3A_847 = tpu.memref_squeeze %dma_wait3A_846 : memref<1x1x1024xf32, #tpu.memory_space<hbm>> -> memref<1024xf32, #tpu.memory_space<hbm>>
    tpu.wait_dma2 semaphore(%arg8 : memref<!tpu.dma_semaphore, #tpu.memory_space<semaphore_mem>>) src(%dma_wait3A_847 : memref<1024xf32, #tpu.memory_space<hbm>>) dst(%dma_wait3A_844 : memref<1024xf32, #tpu.memory_space<vmem>>)
    %dma_wait3A_848 = arith.constant 2048 : i32
    %dma_wait3A_849 = tpu.memref_slice %arg5[%dma_wait3A_848] : memref<65536xf32, #tpu.memory_space<vmem>> -> memref<1024xf32, #tpu.memory_space<vmem>>
    %dma_wait3A_850 = arith.constant 0 : i32
    %dma_wait3A_851 = tpu.memref_slice %arg2[%select_n3A, %add3A_59, %dma_wait3A_850] : memref<2x1024x1024xf32, #tpu.memory_space<hbm>> -> memref<1x1x1024xf32, #tpu.memory_space<hbm>>
    %dma_wait3A_852 = tpu.memref_squeeze %dma_wait3A_851 : memref<1x1x1024xf32, #tpu.memory_space<hbm>> -> memref<1024xf32, #tpu.memory_space<hbm>>
    %dma_wait3A_853 = arith.constant 2048 : i32
    %dma_wait3A_854 = tpu.memref_slice %arg5[%dma_wait3A_853] : memref<65536xf32, #tpu.memory_space<vmem>> -> memref<1024xf32, #tpu.memory_space<vmem>>
    %dma_wait3A_855 = arith.constant 0 : i32
    %dma_wait3A_856 = tpu.memref_slice %arg2[%select_n3A, %add3A_59, %dma_wait3A_855] : memref<2x1024x1024xf32, #tpu.memory_space<hbm>> -> memref<1x1x1024xf32, #tpu.memory_space<hbm>>
    %dma_wait3A_857 = tpu.memref_squeeze %dma_wait3A_856 : memref<1x1x1024xf32, #tpu.memory_space<hbm>> -> memref<1024xf32, #tpu.memory_space<hbm>>
    tpu.wait_dma2 semaphore(%arg8 : memref<!tpu.dma_semaphore, #tpu.memory_space<semaphore_mem>>) src(%dma_wait3A_857 : memref<1024xf32, #tpu.memory_space<hbm>>) dst(%dma_wait3A_854 : memref<1024xf32, #tpu.memory_space<vmem>>)
    %dma_wait3A_858 = arith.constant 3072 : i32
    %dma_wait3A_859 = tpu.memref_slice %arg5[%dma_wait3A_858] : memref<65536xf32, #tpu.memory_space<vmem>> -> memref<1024xf32, #tpu.memory_space<vmem>>
    %dma_wait3A_860 = arith.constant 0 : i32
    %dma_wait3A_861 = tpu.memref_slice %arg2[%select_n3A, %add3A_71, %dma_wait3A_860] : memref<2x1024x1024xf32, #tpu.memory_space<hbm>> -> memref<1x1x1024xf32, #tpu.memory_space<hbm>>
    %dma_wait3A_862 = tpu.memref_squeeze %dma_wait3A_861 : memref<1x1x1024xf32, #tpu.memory_space<hbm>> -> memref<1024xf32, #tpu.memory_space<hbm>>
    %dma_wait3A_863 = arith.constant 3072 : i32
    %dma_wait3A_864 = tpu.memref_slice %arg5[%dma_wait3A_863] : memref<65536xf32, #tpu.memory_space<vmem>> -> memref<1024xf32, #tpu.memory_space<vmem>>
    %dma_wait3A_865 = arith.constant 0 : i32
    %dma_wait3A_866 = tpu.memref_slice %arg2[%select_n3A, %add3A_71, %dma_wait3A_865] : memref<2x1024x1024xf32, #tpu.memory_space<hbm>> -> memref<1x1x1024xf32, #tpu.memory_space<hbm>>
    %dma_wait3A_867 = tpu.memref_squeeze %dma_wait3A_866 : memref<1x1x1024xf32, #tpu.memory_space<hbm>> -> memref<1024xf32, #tpu.memory_space<hbm>>
    tpu.wait_dma2 semaphore(%arg8 : memref<!tpu.dma_semaphore, #tpu.memory_space<semaphore_mem>>) src(%dma_wait3A_867 : memref<1024xf32, #tpu.memory_space<hbm>>) dst(%dma_wait3A_864 : memref<1024xf32, #tpu.memory_space<vmem>>)
    %dma_wait3A_868 = arith.constant 4096 : i32
    %dma_wait3A_869 = tpu.memref_slice %arg5[%dma_wait3A_868] : memref<65536xf32, #tpu.memory_space<vmem>> -> memref<1024xf32, #tpu.memory_space<vmem>>
    %dma_wait3A_870 = arith.constant 0 : i32
    %dma_wait3A_871 = tpu.memref_slice %arg2[%select_n3A, %add3A_83, %dma_wait3A_870] : memref<2x1024x1024xf32, #tpu.memory_space<hbm>> -> memref<1x1x1024xf32, #tpu.memory_space<hbm>>
    %dma_wait3A_872 = tpu.memref_squeeze %dma_wait3A_871 : memref<1x1x1024xf32, #tpu.memory_space<hbm>> -> memref<1024xf32, #tpu.memory_space<hbm>>
    %dma_wait3A_873 = arith.constant 4096 : i32
    %dma_wait3A_874 = tpu.memref_slice %arg5[%dma_wait3A_873] : memref<65536xf32, #tpu.memory_space<vmem>> -> memref<1024xf32, #tpu.memory_space<vmem>>
    %dma_wait3A_875 = arith.constant 0 : i32
    %dma_wait3A_876 = tpu.memref_slice %arg2[%select_n3A, %add3A_83, %dma_wait3A_875] : memref<2x1024x1024xf32, #tpu.memory_space<hbm>> -> memref<1x1x1024xf32, #tpu.memory_space<hbm>>
    %dma_wait3A_877 = tpu.memref_squeeze %dma_wait3A_876 : memref<1x1x1024xf32, #tpu.memory_space<hbm>> -> memref<1024xf32, #tpu.memory_space<hbm>>
    tpu.wait_dma2 semaphore(%arg8 : memref<!tpu.dma_semaphore, #tpu.memory_space<semaphore_mem>>) src(%dma_wait3A_877 : memref<1024xf32, #tpu.memory_space<hbm>>) dst(%dma_wait3A_874 : memref<1024xf32, #tpu.memory_space<vmem>>)
    %dma_wait3A_878 = arith.constant 5120 : i32
    %dma_wait3A_879 = tpu.memref_slice %arg5[%dma_wait3A_878] : memref<65536xf32, #tpu.memory_space<vmem>> -> memref<1024xf32, #tpu.memory_space<vmem>>
    %dma_wait3A_880 = arith.constant 0 : i32
    %dma_wait3A_881 = tpu.memref_slice %arg2[%select_n3A, %add3A_95, %dma_wait3A_880] : memref<2x1024x1024xf32, #tpu.memory_space<hbm>> -> memref<1x1x1024xf32, #tpu.memory_space<hbm>>
    %dma_wait3A_882 = tpu.memref_squeeze %dma_wait3A_881 : memref<1x1x1024xf32, #tpu.memory_space<hbm>> -> memref<1024xf32, #tpu.memory_space<hbm>>
    %dma_wait3A_883 = arith.constant 5120 : i32
    %dma_wait3A_884 = tpu.memref_slice %arg5[%dma_wait3A_883] : memref<65536xf32, #tpu.memory_space<vmem>> -> memref<1024xf32, #tpu.memory_space<vmem>>
    %dma_wait3A_885 = arith.constant 0 : i32
    %dma_wait3A_886 = tpu.memref_slice %arg2[%select_n3A, %add3A_95, %dma_wait3A_885] : memref<2x1024x1024xf32, #tpu.memory_space<hbm>> -> memref<1x1x1024xf32, #tpu.memory_space<hbm>>
    %dma_wait3A_887 = tpu.memref_squeeze %dma_wait3A_886 : memref<1x1x1024xf32, #tpu.memory_space<hbm>> -> memref<1024xf32, #tpu.memory_space<hbm>>
    tpu.wait_dma2 semaphore(%arg8 : memref<!tpu.dma_semaphore, #tpu.memory_space<semaphore_mem>>) src(%dma_wait3A_887 : memref<1024xf32, #tpu.memory_space<hbm>>) dst(%dma_wait3A_884 : memref<1024xf32, #tpu.memory_space<vmem>>)
    %dma_wait3A_888 = arith.constant 6144 : i32
    %dma_wait3A_889 = tpu.memref_slice %arg5[%dma_wait3A_888] : memref<65536xf32, #tpu.memory_space<vmem>> -> memref<1024xf32, #tpu.memory_space<vmem>>
    %dma_wait3A_890 = arith.constant 0 : i32
    %dma_wait3A_891 = tpu.memref_slice %arg2[%select_n3A, %add3A_107, %dma_wait3A_890] : memref<2x1024x1024xf32, #tpu.memory_space<hbm>> -> memref<1x1x1024xf32, #tpu.memory_space<hbm>>
    %dma_wait3A_892 = tpu.memref_squeeze %dma_wait3A_891 : memref<1x1x1024xf32, #tpu.memory_space<hbm>> -> memref<1024xf32, #tpu.memory_space<hbm>>
    %dma_wait3A_893 = arith.constant 6144 : i32
    %dma_wait3A_894 = tpu.memref_slice %arg5[%dma_wait3A_893] : memref<65536xf32, #tpu.memory_space<vmem>> -> memref<1024xf32, #tpu.memory_space<vmem>>
    %dma_wait3A_895 = arith.constant 0 : i32
    %dma_wait3A_896 = tpu.memref_slice %arg2[%select_n3A, %add3A_107, %dma_wait3A_895] : memref<2x1024x1024xf32, #tpu.memory_space<hbm>> -> memref<1x1x1024xf32, #tpu.memory_space<hbm>>
    %dma_wait3A_897 = tpu.memref_squeeze %dma_wait3A_896 : memref<1x1x1024xf32, #tpu.memory_space<hbm>> -> memref<1024xf32, #tpu.memory_space<hbm>>
    tpu.wait_dma2 semaphore(%arg8 : memref<!tpu.dma_semaphore, #tpu.memory_space<semaphore_mem>>) src(%dma_wait3A_897 : memref<1024xf32, #tpu.memory_space<hbm>>) dst(%dma_wait3A_894 : memref<1024xf32, #tpu.memory_space<vmem>>)
    %dma_wait3A_898 = arith.constant 7168 : i32
    %dma_wait3A_899 = tpu.memref_slice %arg5[%dma_wait3A_898] : memref<65536xf32, #tpu.memory_space<vmem>> -> memref<1024xf32, #tpu.memory_space<vmem>>
    %dma_wait3A_900 = arith.constant 0 : i32
    %dma_wait3A_901 = tpu.memref_slice %arg2[%select_n3A, %add3A_119, %dma_wait3A_900] : memref<2x1024x1024xf32, #tpu.memory_space<hbm>> -> memref<1x1x1024xf32, #tpu.memory_space<hbm>>
    %dma_wait3A_902 = tpu.memref_squeeze %dma_wait3A_901 : memref<1x1x1024xf32, #tpu.memory_space<hbm>> -> memref<1024xf32, #tpu.memory_space<hbm>>
    %dma_wait3A_903 = arith.constant 7168 : i32
    %dma_wait3A_904 = tpu.memref_slice %arg5[%dma_wait3A_903] : memref<65536xf32, #tpu.memory_space<vmem>> -> memref<1024xf32, #tpu.memory_space<vmem>>
    %dma_wait3A_905 = arith.constant 0 : i32
    %dma_wait3A_906 = tpu.memref_slice %arg2[%select_n3A, %add3A_119, %dma_wait3A_905] : memref<2x1024x1024xf32, #tpu.memory_space<hbm>> -> memref<1x1x1024xf32, #tpu.memory_space<hbm>>
    %dma_wait3A_907 = tpu.memref_squeeze %dma_wait3A_906 : memref<1x1x1024xf32, #tpu.memory_space<hbm>> -> memref<1024xf32, #tpu.memory_space<hbm>>
    tpu.wait_dma2 semaphore(%arg8 : memref<!tpu.dma_semaphore, #tpu.memory_space<semaphore_mem>>) src(%dma_wait3A_907 : memref<1024xf32, #tpu.memory_space<hbm>>) dst(%dma_wait3A_904 : memref<1024xf32, #tpu.memory_space<vmem>>)
    %dma_wait3A_908 = arith.constant 8192 : i32
    %dma_wait3A_909 = tpu.memref_slice %arg5[%dma_wait3A_908] : memref<65536xf32, #tpu.memory_space<vmem>> -> memref<1024xf32, #tpu.memory_space<vmem>>
    %dma_wait3A_910 = arith.constant 0 : i32
    %dma_wait3A_911 = tpu.memref_slice %arg2[%select_n3A, %add3A_131, %dma_wait3A_910] : memref<2x1024x1024xf32, #tpu.memory_space<hbm>> -> memref<1x1x1024xf32, #tpu.memory_space<hbm>>
    %dma_wait3A_912 = tpu.memref_squeeze %dma_wait3A_911 : memref<1x1x1024xf32, #tpu.memory_space<hbm>> -> memref<1024xf32, #tpu.memory_space<hbm>>
    %dma_wait3A_913 = arith.constant 8192 : i32
    %dma_wait3A_914 = tpu.memref_slice %arg5[%dma_wait3A_913] : memref<65536xf32, #tpu.memory_space<vmem>> -> memref<1024xf32, #tpu.memory_space<vmem>>
    %dma_wait3A_915 = arith.constant 0 : i32
    %dma_wait3A_916 = tpu.memref_slice %arg2[%select_n3A, %add3A_131, %dma_wait3A_915] : memref<2x1024x1024xf32, #tpu.memory_space<hbm>> -> memref<1x1x1024xf32, #tpu.memory_space<hbm>>
    %dma_wait3A_917 = tpu.memref_squeeze %dma_wait3A_916 : memref<1x1x1024xf32, #tpu.memory_space<hbm>> -> memref<1024xf32, #tpu.memory_space<hbm>>
    tpu.wait_dma2 semaphore(%arg8 : memref<!tpu.dma_semaphore, #tpu.memory_space<semaphore_mem>>) src(%dma_wait3A_917 : memref<1024xf32, #tpu.memory_space<hbm>>) dst(%dma_wait3A_914 : memref<1024xf32, #tpu.memory_space<vmem>>)
    %dma_wait3A_918 = arith.constant 9216 : i32
    %dma_wait3A_919 = tpu.memref_slice %arg5[%dma_wait3A_918] : memref<65536xf32, #tpu.memory_space<vmem>> -> memref<1024xf32, #tpu.memory_space<vmem>>
    %dma_wait3A_920 = arith.constant 0 : i32
    %dma_wait3A_921 = tpu.memref_slice %arg2[%select_n3A, %add3A_143, %dma_wait3A_920] : memref<2x1024x1024xf32, #tpu.memory_space<hbm>> -> memref<1x1x1024xf32, #tpu.memory_space<hbm>>
    %dma_wait3A_922 = tpu.memref_squeeze %dma_wait3A_921 : memref<1x1x1024xf32, #tpu.memory_space<hbm>> -> memref<1024xf32, #tpu.memory_space<hbm>>
    %dma_wait3A_923 = arith.constant 9216 : i32
    %dma_wait3A_924 = tpu.memref_slice %arg5[%dma_wait3A_923] : memref<65536xf32, #tpu.memory_space<vmem>> -> memref<1024xf32, #tpu.memory_space<vmem>>
    %dma_wait3A_925 = arith.constant 0 : i32
    %dma_wait3A_926 = tpu.memref_slice %arg2[%select_n3A, %add3A_143, %dma_wait3A_925] : memref<2x1024x1024xf32, #tpu.memory_space<hbm>> -> memref<1x1x1024xf32, #tpu.memory_space<hbm>>
    %dma_wait3A_927 = tpu.memref_squeeze %dma_wait3A_926 : memref<1x1x1024xf32, #tpu.memory_space<hbm>> -> memref<1024xf32, #tpu.memory_space<hbm>>
    tpu.wait_dma2 semaphore(%arg8 : memref<!tpu.dma_semaphore, #tpu.memory_space<semaphore_mem>>) src(%dma_wait3A_927 : memref<1024xf32, #tpu.memory_space<hbm>>) dst(%dma_wait3A_924 : memref<1024xf32, #tpu.memory_space<vmem>>)
    %dma_wait3A_928 = arith.constant 10240 : i32
    %dma_wait3A_929 = tpu.memref_slice %arg5[%dma_wait3A_928] : memref<65536xf32, #tpu.memory_space<vmem>> -> memref<1024xf32, #tpu.memory_space<vmem>>
    %dma_wait3A_930 = arith.constant 0 : i32
    %dma_wait3A_931 = tpu.memref_slice %arg2[%select_n3A, %add3A_155, %dma_wait3A_930] : memref<2x1024x1024xf32, #tpu.memory_space<hbm>> -> memref<1x1x1024xf32, #tpu.memory_space<hbm>>
    %dma_wait3A_932 = tpu.memref_squeeze %dma_wait3A_931 : memref<1x1x1024xf32, #tpu.memory_space<hbm>> -> memref<1024xf32, #tpu.memory_space<hbm>>
    %dma_wait3A_933 = arith.constant 10240 : i32
    %dma_wait3A_934 = tpu.memref_slice %arg5[%dma_wait3A_933] : memref<65536xf32, #tpu.memory_space<vmem>> -> memref<1024xf32, #tpu.memory_space<vmem>>
    %dma_wait3A_935 = arith.constant 0 : i32
    %dma_wait3A_936 = tpu.memref_slice %arg2[%select_n3A, %add3A_155, %dma_wait3A_935] : memref<2x1024x1024xf32, #tpu.memory_space<hbm>> -> memref<1x1x1024xf32, #tpu.memory_space<hbm>>
    %dma_wait3A_937 = tpu.memref_squeeze %dma_wait3A_936 : memref<1x1x1024xf32, #tpu.memory_space<hbm>> -> memref<1024xf32, #tpu.memory_space<hbm>>
    tpu.wait_dma2 semaphore(%arg8 : memref<!tpu.dma_semaphore, #tpu.memory_space<semaphore_mem>>) src(%dma_wait3A_937 : memref<1024xf32, #tpu.memory_space<hbm>>) dst(%dma_wait3A_934 : memref<1024xf32, #tpu.memory_space<vmem>>)
    %dma_wait3A_938 = arith.constant 11264 : i32
    %dma_wait3A_939 = tpu.memref_slice %arg5[%dma_wait3A_938] : memref<65536xf32, #tpu.memory_space<vmem>> -> memref<1024xf32, #tpu.memory_space<vmem>>
    %dma_wait3A_940 = arith.constant 0 : i32
    %dma_wait3A_941 = tpu.memref_slice %arg2[%select_n3A, %add3A_167, %dma_wait3A_940] : memref<2x1024x1024xf32, #tpu.memory_space<hbm>> -> memref<1x1x1024xf32, #tpu.memory_space<hbm>>
    %dma_wait3A_942 = tpu.memref_squeeze %dma_wait3A_941 : memref<1x1x1024xf32, #tpu.memory_space<hbm>> -> memref<1024xf32, #tpu.memory_space<hbm>>
    %dma_wait3A_943 = arith.constant 11264 : i32
    %dma_wait3A_944 = tpu.memref_slice %arg5[%dma_wait3A_943] : memref<65536xf32, #tpu.memory_space<vmem>> -> memref<1024xf32, #tpu.memory_space<vmem>>
    %dma_wait3A_945 = arith.constant 0 : i32
    %dma_wait3A_946 = tpu.memref_slice %arg2[%select_n3A, %add3A_167, %dma_wait3A_945] : memref<2x1024x1024xf32, #tpu.memory_space<hbm>> -> memref<1x1x1024xf32, #tpu.memory_space<hbm>>
    %dma_wait3A_947 = tpu.memref_squeeze %dma_wait3A_946 : memref<1x1x1024xf32, #tpu.memory_space<hbm>> -> memref<1024xf32, #tpu.memory_space<hbm>>
    tpu.wait_dma2 semaphore(%arg8 : memref<!tpu.dma_semaphore, #tpu.memory_space<semaphore_mem>>) src(%dma_wait3A_947 : memref<1024xf32, #tpu.memory_space<hbm>>) dst(%dma_wait3A_944 : memref<1024xf32, #tpu.memory_space<vmem>>)
    %dma_wait3A_948 = arith.constant 12288 : i32
    %dma_wait3A_949 = tpu.memref_slice %arg5[%dma_wait3A_948] : memref<65536xf32, #tpu.memory_space<vmem>> -> memref<1024xf32, #tpu.memory_space<vmem>>
    %dma_wait3A_950 = arith.constant 0 : i32
    %dma_wait3A_951 = tpu.memref_slice %arg2[%select_n3A, %add3A_179, %dma_wait3A_950] : memref<2x1024x1024xf32, #tpu.memory_space<hbm>> -> memref<1x1x1024xf32, #tpu.memory_space<hbm>>
    %dma_wait3A_952 = tpu.memref_squeeze %dma_wait3A_951 : memref<1x1x1024xf32, #tpu.memory_space<hbm>> -> memref<1024xf32, #tpu.memory_space<hbm>>
    %dma_wait3A_953 = arith.constant 12288 : i32
    %dma_wait3A_954 = tpu.memref_slice %arg5[%dma_wait3A_953] : memref<65536xf32, #tpu.memory_space<vmem>> -> memref<1024xf32, #tpu.memory_space<vmem>>
    %dma_wait3A_955 = arith.constant 0 : i32
    %dma_wait3A_956 = tpu.memref_slice %arg2[%select_n3A, %add3A_179, %dma_wait3A_955] : memref<2x1024x1024xf32, #tpu.memory_space<hbm>> -> memref<1x1x1024xf32, #tpu.memory_space<hbm>>
    %dma_wait3A_957 = tpu.memref_squeeze %dma_wait3A_956 : memref<1x1x1024xf32, #tpu.memory_space<hbm>> -> memref<1024xf32, #tpu.memory_space<hbm>>
    tpu.wait_dma2 semaphore(%arg8 : memref<!tpu.dma_semaphore, #tpu.memory_space<semaphore_mem>>) src(%dma_wait3A_957 : memref<1024xf32, #tpu.memory_space<hbm>>) dst(%dma_wait3A_954 : memref<1024xf32, #tpu.memory_space<vmem>>)
    %dma_wait3A_958 = arith.constant 13312 : i32
    %dma_wait3A_959 = tpu.memref_slice %arg5[%dma_wait3A_958] : memref<65536xf32, #tpu.memory_space<vmem>> -> memref<1024xf32, #tpu.memory_space<vmem>>
    %dma_wait3A_960 = arith.constant 0 : i32
    %dma_wait3A_961 = tpu.memref_slice %arg2[%select_n3A, %add3A_191, %dma_wait3A_960] : memref<2x1024x1024xf32, #tpu.memory_space<hbm>> -> memref<1x1x1024xf32, #tpu.memory_space<hbm>>
    %dma_wait3A_962 = tpu.memref_squeeze %dma_wait3A_961 : memref<1x1x1024xf32, #tpu.memory_space<hbm>> -> memref<1024xf32, #tpu.memory_space<hbm>>
    %dma_wait3A_963 = arith.constant 13312 : i32
    %dma_wait3A_964 = tpu.memref_slice %arg5[%dma_wait3A_963] : memref<65536xf32, #tpu.memory_space<vmem>> -> memref<1024xf32, #tpu.memory_space<vmem>>
    %dma_wait3A_965 = arith.constant 0 : i32
    %dma_wait3A_966 = tpu.memref_slice %arg2[%select_n3A, %add3A_191, %dma_wait3A_965] : memref<2x1024x1024xf32, #tpu.memory_space<hbm>> -> memref<1x1x1024xf32, #tpu.memory_space<hbm>>
    %dma_wait3A_967 = tpu.memref_squeeze %dma_wait3A_966 : memref<1x1x1024xf32, #tpu.memory_space<hbm>> -> memref<1024xf32, #tpu.memory_space<hbm>>
    tpu.wait_dma2 semaphore(%arg8 : memref<!tpu.dma_semaphore, #tpu.memory_space<semaphore_mem>>) src(%dma_wait3A_967 : memref<1024xf32, #tpu.memory_space<hbm>>) dst(%dma_wait3A_964 : memref<1024xf32, #tpu.memory_space<vmem>>)
    %dma_wait3A_968 = arith.constant 14336 : i32
    %dma_wait3A_969 = tpu.memref_slice %arg5[%dma_wait3A_968] : memref<65536xf32, #tpu.memory_space<vmem>> -> memref<1024xf32, #tpu.memory_space<vmem>>
    %dma_wait3A_970 = arith.constant 0 : i32
    %dma_wait3A_971 = tpu.memref_slice %arg2[%select_n3A, %add3A_203, %dma_wait3A_970] : memref<2x1024x1024xf32, #tpu.memory_space<hbm>> -> memref<1x1x1024xf32, #tpu.memory_space<hbm>>
    %dma_wait3A_972 = tpu.memref_squeeze %dma_wait3A_971 : memref<1x1x1024xf32, #tpu.memory_space<hbm>> -> memref<1024xf32, #tpu.memory_space<hbm>>
    %dma_wait3A_973 = arith.constant 14336 : i32
    %dma_wait3A_974 = tpu.memref_slice %arg5[%dma_wait3A_973] : memref<65536xf32, #tpu.memory_space<vmem>> -> memref<1024xf32, #tpu.memory_space<vmem>>
    %dma_wait3A_975 = arith.constant 0 : i32
    %dma_wait3A_976 = tpu.memref_slice %arg2[%select_n3A, %add3A_203, %dma_wait3A_975] : memref<2x1024x1024xf32, #tpu.memory_space<hbm>> -> memref<1x1x1024xf32, #tpu.memory_space<hbm>>
    %dma_wait3A_977 = tpu.memref_squeeze %dma_wait3A_976 : memref<1x1x1024xf32, #tpu.memory_space<hbm>> -> memref<1024xf32, #tpu.memory_space<hbm>>
    tpu.wait_dma2 semaphore(%arg8 : memref<!tpu.dma_semaphore, #tpu.memory_space<semaphore_mem>>) src(%dma_wait3A_977 : memref<1024xf32, #tpu.memory_space<hbm>>) dst(%dma_wait3A_974 : memref<1024xf32, #tpu.memory_space<vmem>>)
    %dma_wait3A_978 = arith.constant 15360 : i32
    %dma_wait3A_979 = tpu.memref_slice %arg5[%dma_wait3A_978] : memref<65536xf32, #tpu.memory_space<vmem>> -> memref<1024xf32, #tpu.memory_space<vmem>>
    %dma_wait3A_980 = arith.constant 0 : i32
    %dma_wait3A_981 = tpu.memref_slice %arg2[%select_n3A, %add3A_215, %dma_wait3A_980] : memref<2x1024x1024xf32, #tpu.memory_space<hbm>> -> memref<1x1x1024xf32, #tpu.memory_space<hbm>>
    %dma_wait3A_982 = tpu.memref_squeeze %dma_wait3A_981 : memref<1x1x1024xf32, #tpu.memory_space<hbm>> -> memref<1024xf32, #tpu.memory_space<hbm>>
    %dma_wait3A_983 = arith.constant 15360 : i32
    %dma_wait3A_984 = tpu.memref_slice %arg5[%dma_wait3A_983] : memref<65536xf32, #tpu.memory_space<vmem>> -> memref<1024xf32, #tpu.memory_space<vmem>>
    %dma_wait3A_985 = arith.constant 0 : i32
    %dma_wait3A_986 = tpu.memref_slice %arg2[%select_n3A, %add3A_215, %dma_wait3A_985] : memref<2x1024x1024xf32, #tpu.memory_space<hbm>> -> memref<1x1x1024xf32, #tpu.memory_space<hbm>>
    %dma_wait3A_987 = tpu.memref_squeeze %dma_wait3A_986 : memref<1x1x1024xf32, #tpu.memory_space<hbm>> -> memref<1024xf32, #tpu.memory_space<hbm>>
    tpu.wait_dma2 semaphore(%arg8 : memref<!tpu.dma_semaphore, #tpu.memory_space<semaphore_mem>>) src(%dma_wait3A_987 : memref<1024xf32, #tpu.memory_space<hbm>>) dst(%dma_wait3A_984 : memref<1024xf32, #tpu.memory_space<vmem>>)
    %dma_wait3A_988 = arith.constant 16384 : i32
    %dma_wait3A_989 = tpu.memref_slice %arg5[%dma_wait3A_988] : memref<65536xf32, #tpu.memory_space<vmem>> -> memref<1024xf32, #tpu.memory_space<vmem>>
    %dma_wait3A_990 = arith.constant 0 : i32
    %dma_wait3A_991 = tpu.memref_slice %arg2[%select_n3A, %add3A_227, %dma_wait3A_990] : memref<2x1024x1024xf32, #tpu.memory_space<hbm>> -> memref<1x1x1024xf32, #tpu.memory_space<hbm>>
    %dma_wait3A_992 = tpu.memref_squeeze %dma_wait3A_991 : memref<1x1x1024xf32, #tpu.memory_space<hbm>> -> memref<1024xf32, #tpu.memory_space<hbm>>
    %dma_wait3A_993 = arith.constant 16384 : i32
    %dma_wait3A_994 = tpu.memref_slice %arg5[%dma_wait3A_993] : memref<65536xf32, #tpu.memory_space<vmem>> -> memref<1024xf32, #tpu.memory_space<vmem>>
    %dma_wait3A_995 = arith.constant 0 : i32
    %dma_wait3A_996 = tpu.memref_slice %arg2[%select_n3A, %add3A_227, %dma_wait3A_995] : memref<2x1024x1024xf32, #tpu.memory_space<hbm>> -> memref<1x1x1024xf32, #tpu.memory_space<hbm>>
    %dma_wait3A_997 = tpu.memref_squeeze %dma_wait3A_996 : memref<1x1x1024xf32, #tpu.memory_space<hbm>> -> memref<1024xf32, #tpu.memory_space<hbm>>
    tpu.wait_dma2 semaphore(%arg8 : memref<!tpu.dma_semaphore, #tpu.memory_space<semaphore_mem>>) src(%dma_wait3A_997 : memref<1024xf32, #tpu.memory_space<hbm>>) dst(%dma_wait3A_994 : memref<1024xf32, #tpu.memory_space<vmem>>)
    %dma_wait3A_998 = arith.constant 17408 : i32
    %dma_wait3A_999 = tpu.memref_slice %arg5[%dma_wait3A_998] : memref<65536xf32, #tpu.memory_space<vmem>> -> memref<1024xf32, #tpu.memory_space<vmem>>
    %dma_wait3A_1000 = arith.constant 0 : i32
    %dma_wait3A_1001 = tpu.memref_slice %arg2[%select_n3A, %add3A_239, %dma_wait3A_1000] : memref<2x1024x1024xf32, #tpu.memory_space<hbm>> -> memref<1x1x1024xf32, #tpu.memory_space<hbm>>
    %dma_wait3A_1002 = tpu.memref_squeeze %dma_wait3A_1001 : memref<1x1x1024xf32, #tpu.memory_space<hbm>> -> memref<1024xf32, #tpu.memory_space<hbm>>
    %dma_wait3A_1003 = arith.constant 17408 : i32
    %dma_wait3A_1004 = tpu.memref_slice %arg5[%dma_wait3A_1003] : memref<65536xf32, #tpu.memory_space<vmem>> -> memref<1024xf32, #tpu.memory_space<vmem>>
    %dma_wait3A_1005 = arith.constant 0 : i32
    %dma_wait3A_1006 = tpu.memref_slice %arg2[%select_n3A, %add3A_239, %dma_wait3A_1005] : memref<2x1024x1024xf32, #tpu.memory_space<hbm>> -> memref<1x1x1024xf32, #tpu.memory_space<hbm>>
    %dma_wait3A_1007 = tpu.memref_squeeze %dma_wait3A_1006 : memref<1x1x1024xf32, #tpu.memory_space<hbm>> -> memref<1024xf32, #tpu.memory_space<hbm>>
    tpu.wait_dma2 semaphore(%arg8 : memref<!tpu.dma_semaphore, #tpu.memory_space<semaphore_mem>>) src(%dma_wait3A_1007 : memref<1024xf32, #tpu.memory_space<hbm>>) dst(%dma_wait3A_1004 : memref<1024xf32, #tpu.memory_space<vmem>>)
    %dma_wait3A_1008 = arith.constant 18432 : i32
    %dma_wait3A_1009 = tpu.memref_slice %arg5[%dma_wait3A_1008] : memref<65536xf32, #tpu.memory_space<vmem>> -> memref<1024xf32, #tpu.memory_space<vmem>>
    %dma_wait3A_1010 = arith.constant 0 : i32
    %dma_wait3A_1011 = tpu.memref_slice %arg2[%select_n3A, %add3A_251, %dma_wait3A_1010] : memref<2x1024x1024xf32, #tpu.memory_space<hbm>> -> memref<1x1x1024xf32, #tpu.memory_space<hbm>>
    %dma_wait3A_1012 = tpu.memref_squeeze %dma_wait3A_1011 : memref<1x1x1024xf32, #tpu.memory_space<hbm>> -> memref<1024xf32, #tpu.memory_space<hbm>>
    %dma_wait3A_1013 = arith.constant 18432 : i32
    %dma_wait3A_1014 = tpu.memref_slice %arg5[%dma_wait3A_1013] : memref<65536xf32, #tpu.memory_space<vmem>> -> memref<1024xf32, #tpu.memory_space<vmem>>
    %dma_wait3A_1015 = arith.constant 0 : i32
    %dma_wait3A_1016 = tpu.memref_slice %arg2[%select_n3A, %add3A_251, %dma_wait3A_1015] : memref<2x1024x1024xf32, #tpu.memory_space<hbm>> -> memref<1x1x1024xf32, #tpu.memory_space<hbm>>
    %dma_wait3A_1017 = tpu.memref_squeeze %dma_wait3A_1016 : memref<1x1x1024xf32, #tpu.memory_space<hbm>> -> memref<1024xf32, #tpu.memory_space<hbm>>
    tpu.wait_dma2 semaphore(%arg8 : memref<!tpu.dma_semaphore, #tpu.memory_space<semaphore_mem>>) src(%dma_wait3A_1017 : memref<1024xf32, #tpu.memory_space<hbm>>) dst(%dma_wait3A_1014 : memref<1024xf32, #tpu.memory_space<vmem>>)
    %dma_wait3A_1018 = arith.constant 19456 : i32
    %dma_wait3A_1019 = tpu.memref_slice %arg5[%dma_wait3A_1018] : memref<65536xf32, #tpu.memory_space<vmem>> -> memref<1024xf32, #tpu.memory_space<vmem>>
    %dma_wait3A_1020 = arith.constant 0 : i32
    %dma_wait3A_1021 = tpu.memref_slice %arg2[%select_n3A, %add3A_263, %dma_wait3A_1020] : memref<2x1024x1024xf32, #tpu.memory_space<hbm>> -> memref<1x1x1024xf32, #tpu.memory_space<hbm>>
    %dma_wait3A_1022 = tpu.memref_squeeze %dma_wait3A_1021 : memref<1x1x1024xf32, #tpu.memory_space<hbm>> -> memref<1024xf32, #tpu.memory_space<hbm>>
    %dma_wait3A_1023 = arith.constant 19456 : i32
    %dma_wait3A_1024 = tpu.memref_slice %arg5[%dma_wait3A_1023] : memref<65536xf32, #tpu.memory_space<vmem>> -> memref<1024xf32, #tpu.memory_space<vmem>>
    %dma_wait3A_1025 = arith.constant 0 : i32
    %dma_wait3A_1026 = tpu.memref_slice %arg2[%select_n3A, %add3A_263, %dma_wait3A_1025] : memref<2x1024x1024xf32, #tpu.memory_space<hbm>> -> memref<1x1x1024xf32, #tpu.memory_space<hbm>>
    %dma_wait3A_1027 = tpu.memref_squeeze %dma_wait3A_1026 : memref<1x1x1024xf32, #tpu.memory_space<hbm>> -> memref<1024xf32, #tpu.memory_space<hbm>>
    tpu.wait_dma2 semaphore(%arg8 : memref<!tpu.dma_semaphore, #tpu.memory_space<semaphore_mem>>) src(%dma_wait3A_1027 : memref<1024xf32, #tpu.memory_space<hbm>>) dst(%dma_wait3A_1024 : memref<1024xf32, #tpu.memory_space<vmem>>)
    %dma_wait3A_1028 = arith.constant 20480 : i32
    %dma_wait3A_1029 = tpu.memref_slice %arg5[%dma_wait3A_1028] : memref<65536xf32, #tpu.memory_space<vmem>> -> memref<1024xf32, #tpu.memory_space<vmem>>
    %dma_wait3A_1030 = arith.constant 0 : i32
    %dma_wait3A_1031 = tpu.memref_slice %arg2[%select_n3A, %add3A_275, %dma_wait3A_1030] : memref<2x1024x1024xf32, #tpu.memory_space<hbm>> -> memref<1x1x1024xf32, #tpu.memory_space<hbm>>
    %dma_wait3A_1032 = tpu.memref_squeeze %dma_wait3A_1031 : memref<1x1x1024xf32, #tpu.memory_space<hbm>> -> memref<1024xf32, #tpu.memory_space<hbm>>
    %dma_wait3A_1033 = arith.constant 20480 : i32
    %dma_wait3A_1034 = tpu.memref_slice %arg5[%dma_wait3A_1033] : memref<65536xf32, #tpu.memory_space<vmem>> -> memref<1024xf32, #tpu.memory_space<vmem>>
    %dma_wait3A_1035 = arith.constant 0 : i32
    %dma_wait3A_1036 = tpu.memref_slice %arg2[%select_n3A, %add3A_275, %dma_wait3A_1035] : memref<2x1024x1024xf32, #tpu.memory_space<hbm>> -> memref<1x1x1024xf32, #tpu.memory_space<hbm>>
    %dma_wait3A_1037 = tpu.memref_squeeze %dma_wait3A_1036 : memref<1x1x1024xf32, #tpu.memory_space<hbm>> -> memref<1024xf32, #tpu.memory_space<hbm>>
    tpu.wait_dma2 semaphore(%arg8 : memref<!tpu.dma_semaphore, #tpu.memory_space<semaphore_mem>>) src(%dma_wait3A_1037 : memref<1024xf32, #tpu.memory_space<hbm>>) dst(%dma_wait3A_1034 : memref<1024xf32, #tpu.memory_space<vmem>>)
    %dma_wait3A_1038 = arith.constant 21504 : i32
    %dma_wait3A_1039 = tpu.memref_slice %arg5[%dma_wait3A_1038] : memref<65536xf32, #tpu.memory_space<vmem>> -> memref<1024xf32, #tpu.memory_space<vmem>>
    %dma_wait3A_1040 = arith.constant 0 : i32
    %dma_wait3A_1041 = tpu.memref_slice %arg2[%select_n3A, %add3A_287, %dma_wait3A_1040] : memref<2x1024x1024xf32, #tpu.memory_space<hbm>> -> memref<1x1x1024xf32, #tpu.memory_space<hbm>>
    %dma_wait3A_1042 = tpu.memref_squeeze %dma_wait3A_1041 : memref<1x1x1024xf32, #tpu.memory_space<hbm>> -> memref<1024xf32, #tpu.memory_space<hbm>>
    %dma_wait3A_1043 = arith.constant 21504 : i32
    %dma_wait3A_1044 = tpu.memref_slice %arg5[%dma_wait3A_1043] : memref<65536xf32, #tpu.memory_space<vmem>> -> memref<1024xf32, #tpu.memory_space<vmem>>
    %dma_wait3A_1045 = arith.constant 0 : i32
    %dma_wait3A_1046 = tpu.memref_slice %arg2[%select_n3A, %add3A_287, %dma_wait3A_1045] : memref<2x1024x1024xf32, #tpu.memory_space<hbm>> -> memref<1x1x1024xf32, #tpu.memory_space<hbm>>
    %dma_wait3A_1047 = tpu.memref_squeeze %dma_wait3A_1046 : memref<1x1x1024xf32, #tpu.memory_space<hbm>> -> memref<1024xf32, #tpu.memory_space<hbm>>
    tpu.wait_dma2 semaphore(%arg8 : memref<!tpu.dma_semaphore, #tpu.memory_space<semaphore_mem>>) src(%dma_wait3A_1047 : memref<1024xf32, #tpu.memory_space<hbm>>) dst(%dma_wait3A_1044 : memref<1024xf32, #tpu.memory_space<vmem>>)
    %dma_wait3A_1048 = arith.constant 22528 : i32
    %dma_wait3A_1049 = tpu.memref_slice %arg5[%dma_wait3A_1048] : memref<65536xf32, #tpu.memory_space<vmem>> -> memref<1024xf32, #tpu.memory_space<vmem>>
    %dma_wait3A_1050 = arith.constant 0 : i32
    %dma_wait3A_1051 = tpu.memref_slice %arg2[%select_n3A, %add3A_299, %dma_wait3A_1050] : memref<2x1024x1024xf32, #tpu.memory_space<hbm>> -> memref<1x1x1024xf32, #tpu.memory_space<hbm>>
    %dma_wait3A_1052 = tpu.memref_squeeze %dma_wait3A_1051 : memref<1x1x1024xf32, #tpu.memory_space<hbm>> -> memref<1024xf32, #tpu.memory_space<hbm>>
    %dma_wait3A_1053 = arith.constant 22528 : i32
    %dma_wait3A_1054 = tpu.memref_slice %arg5[%dma_wait3A_1053] : memref<65536xf32, #tpu.memory_space<vmem>> -> memref<1024xf32, #tpu.memory_space<vmem>>
    %dma_wait3A_1055 = arith.constant 0 : i32
    %dma_wait3A_1056 = tpu.memref_slice %arg2[%select_n3A, %add3A_299, %dma_wait3A_1055] : memref<2x1024x1024xf32, #tpu.memory_space<hbm>> -> memref<1x1x1024xf32, #tpu.memory_space<hbm>>
    %dma_wait3A_1057 = tpu.memref_squeeze %dma_wait3A_1056 : memref<1x1x1024xf32, #tpu.memory_space<hbm>> -> memref<1024xf32, #tpu.memory_space<hbm>>
    tpu.wait_dma2 semaphore(%arg8 : memref<!tpu.dma_semaphore, #tpu.memory_space<semaphore_mem>>) src(%dma_wait3A_1057 : memref<1024xf32, #tpu.memory_space<hbm>>) dst(%dma_wait3A_1054 : memref<1024xf32, #tpu.memory_space<vmem>>)
    %dma_wait3A_1058 = arith.constant 23552 : i32
    %dma_wait3A_1059 = tpu.memref_slice %arg5[%dma_wait3A_1058] : memref<65536xf32, #tpu.memory_space<vmem>> -> memref<1024xf32, #tpu.memory_space<vmem>>
    %dma_wait3A_1060 = arith.constant 0 : i32
    %dma_wait3A_1061 = tpu.memref_slice %arg2[%select_n3A, %add3A_311, %dma_wait3A_1060] : memref<2x1024x1024xf32, #tpu.memory_space<hbm>> -> memref<1x1x1024xf32, #tpu.memory_space<hbm>>
    %dma_wait3A_1062 = tpu.memref_squeeze %dma_wait3A_1061 : memref<1x1x1024xf32, #tpu.memory_space<hbm>> -> memref<1024xf32, #tpu.memory_space<hbm>>
    %dma_wait3A_1063 = arith.constant 23552 : i32
    %dma_wait3A_1064 = tpu.memref_slice %arg5[%dma_wait3A_1063] : memref<65536xf32, #tpu.memory_space<vmem>> -> memref<1024xf32, #tpu.memory_space<vmem>>
    %dma_wait3A_1065 = arith.constant 0 : i32
    %dma_wait3A_1066 = tpu.memref_slice %arg2[%select_n3A, %add3A_311, %dma_wait3A_1065] : memref<2x1024x1024xf32, #tpu.memory_space<hbm>> -> memref<1x1x1024xf32, #tpu.memory_space<hbm>>
    %dma_wait3A_1067 = tpu.memref_squeeze %dma_wait3A_1066 : memref<1x1x1024xf32, #tpu.memory_space<hbm>> -> memref<1024xf32, #tpu.memory_space<hbm>>
    tpu.wait_dma2 semaphore(%arg8 : memref<!tpu.dma_semaphore, #tpu.memory_space<semaphore_mem>>) src(%dma_wait3A_1067 : memref<1024xf32, #tpu.memory_space<hbm>>) dst(%dma_wait3A_1064 : memref<1024xf32, #tpu.memory_space<vmem>>)
    %dma_wait3A_1068 = arith.constant 24576 : i32
    %dma_wait3A_1069 = tpu.memref_slice %arg5[%dma_wait3A_1068] : memref<65536xf32, #tpu.memory_space<vmem>> -> memref<1024xf32, #tpu.memory_space<vmem>>
    %dma_wait3A_1070 = arith.constant 0 : i32
    %dma_wait3A_1071 = tpu.memref_slice %arg2[%select_n3A, %add3A_323, %dma_wait3A_1070] : memref<2x1024x1024xf32, #tpu.memory_space<hbm>> -> memref<1x1x1024xf32, #tpu.memory_space<hbm>>
    %dma_wait3A_1072 = tpu.memref_squeeze %dma_wait3A_1071 : memref<1x1x1024xf32, #tpu.memory_space<hbm>> -> memref<1024xf32, #tpu.memory_space<hbm>>
    %dma_wait3A_1073 = arith.constant 24576 : i32
    %dma_wait3A_1074 = tpu.memref_slice %arg5[%dma_wait3A_1073] : memref<65536xf32, #tpu.memory_space<vmem>> -> memref<1024xf32, #tpu.memory_space<vmem>>
    %dma_wait3A_1075 = arith.constant 0 : i32
    %dma_wait3A_1076 = tpu.memref_slice %arg2[%select_n3A, %add3A_323, %dma_wait3A_1075] : memref<2x1024x1024xf32, #tpu.memory_space<hbm>> -> memref<1x1x1024xf32, #tpu.memory_space<hbm>>
    %dma_wait3A_1077 = tpu.memref_squeeze %dma_wait3A_1076 : memref<1x1x1024xf32, #tpu.memory_space<hbm>> -> memref<1024xf32, #tpu.memory_space<hbm>>
    tpu.wait_dma2 semaphore(%arg8 : memref<!tpu.dma_semaphore, #tpu.memory_space<semaphore_mem>>) src(%dma_wait3A_1077 : memref<1024xf32, #tpu.memory_space<hbm>>) dst(%dma_wait3A_1074 : memref<1024xf32, #tpu.memory_space<vmem>>)
    %dma_wait3A_1078 = arith.constant 25600 : i32
    %dma_wait3A_1079 = tpu.memref_slice %arg5[%dma_wait3A_1078] : memref<65536xf32, #tpu.memory_space<vmem>> -> memref<1024xf32, #tpu.memory_space<vmem>>
    %dma_wait3A_1080 = arith.constant 0 : i32
    %dma_wait3A_1081 = tpu.memref_slice %arg2[%select_n3A, %add3A_335, %dma_wait3A_1080] : memref<2x1024x1024xf32, #tpu.memory_space<hbm>> -> memref<1x1x1024xf32, #tpu.memory_space<hbm>>
    %dma_wait3A_1082 = tpu.memref_squeeze %dma_wait3A_1081 : memref<1x1x1024xf32, #tpu.memory_space<hbm>> -> memref<1024xf32, #tpu.memory_space<hbm>>
    %dma_wait3A_1083 = arith.constant 25600 : i32
    %dma_wait3A_1084 = tpu.memref_slice %arg5[%dma_wait3A_1083] : memref<65536xf32, #tpu.memory_space<vmem>> -> memref<1024xf32, #tpu.memory_space<vmem>>
    %dma_wait3A_1085 = arith.constant 0 : i32
    %dma_wait3A_1086 = tpu.memref_slice %arg2[%select_n3A, %add3A_335, %dma_wait3A_1085] : memref<2x1024x1024xf32, #tpu.memory_space<hbm>> -> memref<1x1x1024xf32, #tpu.memory_space<hbm>>
    %dma_wait3A_1087 = tpu.memref_squeeze %dma_wait3A_1086 : memref<1x1x1024xf32, #tpu.memory_space<hbm>> -> memref<1024xf32, #tpu.memory_space<hbm>>
    tpu.wait_dma2 semaphore(%arg8 : memref<!tpu.dma_semaphore, #tpu.memory_space<semaphore_mem>>) src(%dma_wait3A_1087 : memref<1024xf32, #tpu.memory_space<hbm>>) dst(%dma_wait3A_1084 : memref<1024xf32, #tpu.memory_space<vmem>>)
    %dma_wait3A_1088 = arith.constant 26624 : i32
    %dma_wait3A_1089 = tpu.memref_slice %arg5[%dma_wait3A_1088] : memref<65536xf32, #tpu.memory_space<vmem>> -> memref<1024xf32, #tpu.memory_space<vmem>>
    %dma_wait3A_1090 = arith.constant 0 : i32
    %dma_wait3A_1091 = tpu.memref_slice %arg2[%select_n3A, %add3A_347, %dma_wait3A_1090] : memref<2x1024x1024xf32, #tpu.memory_space<hbm>> -> memref<1x1x1024xf32, #tpu.memory_space<hbm>>
    %dma_wait3A_1092 = tpu.memref_squeeze %dma_wait3A_1091 : memref<1x1x1024xf32, #tpu.memory_space<hbm>> -> memref<1024xf32, #tpu.memory_space<hbm>>
    %dma_wait3A_1093 = arith.constant 26624 : i32
    %dma_wait3A_1094 = tpu.memref_slice %arg5[%dma_wait3A_1093] : memref<65536xf32, #tpu.memory_space<vmem>> -> memref<1024xf32, #tpu.memory_space<vmem>>
    %dma_wait3A_1095 = arith.constant 0 : i32
    %dma_wait3A_1096 = tpu.memref_slice %arg2[%select_n3A, %add3A_347, %dma_wait3A_1095] : memref<2x1024x1024xf32, #tpu.memory_space<hbm>> -> memref<1x1x1024xf32, #tpu.memory_space<hbm>>
    %dma_wait3A_1097 = tpu.memref_squeeze %dma_wait3A_1096 : memref<1x1x1024xf32, #tpu.memory_space<hbm>> -> memref<1024xf32, #tpu.memory_space<hbm>>
    tpu.wait_dma2 semaphore(%arg8 : memref<!tpu.dma_semaphore, #tpu.memory_space<semaphore_mem>>) src(%dma_wait3A_1097 : memref<1024xf32, #tpu.memory_space<hbm>>) dst(%dma_wait3A_1094 : memref<1024xf32, #tpu.memory_space<vmem>>)
    %dma_wait3A_1098 = arith.constant 27648 : i32
    %dma_wait3A_1099 = tpu.memref_slice %arg5[%dma_wait3A_1098] : memref<65536xf32, #tpu.memory_space<vmem>> -> memref<1024xf32, #tpu.memory_space<vmem>>
    %dma_wait3A_1100 = arith.constant 0 : i32
    %dma_wait3A_1101 = tpu.memref_slice %arg2[%select_n3A, %add3A_359, %dma_wait3A_1100] : memref<2x1024x1024xf32, #tpu.memory_space<hbm>> -> memref<1x1x1024xf32, #tpu.memory_space<hbm>>
    %dma_wait3A_1102 = tpu.memref_squeeze %dma_wait3A_1101 : memref<1x1x1024xf32, #tpu.memory_space<hbm>> -> memref<1024xf32, #tpu.memory_space<hbm>>
    %dma_wait3A_1103 = arith.constant 27648 : i32
    %dma_wait3A_1104 = tpu.memref_slice %arg5[%dma_wait3A_1103] : memref<65536xf32, #tpu.memory_space<vmem>> -> memref<1024xf32, #tpu.memory_space<vmem>>
    %dma_wait3A_1105 = arith.constant 0 : i32
    %dma_wait3A_1106 = tpu.memref_slice %arg2[%select_n3A, %add3A_359, %dma_wait3A_1105] : memref<2x1024x1024xf32, #tpu.memory_space<hbm>> -> memref<1x1x1024xf32, #tpu.memory_space<hbm>>
    %dma_wait3A_1107 = tpu.memref_squeeze %dma_wait3A_1106 : memref<1x1x1024xf32, #tpu.memory_space<hbm>> -> memref<1024xf32, #tpu.memory_space<hbm>>
    tpu.wait_dma2 semaphore(%arg8 : memref<!tpu.dma_semaphore, #tpu.memory_space<semaphore_mem>>) src(%dma_wait3A_1107 : memref<1024xf32, #tpu.memory_space<hbm>>) dst(%dma_wait3A_1104 : memref<1024xf32, #tpu.memory_space<vmem>>)
    %dma_wait3A_1108 = arith.constant 28672 : i32
    %dma_wait3A_1109 = tpu.memref_slice %arg5[%dma_wait3A_1108] : memref<65536xf32, #tpu.memory_space<vmem>> -> memref<1024xf32, #tpu.memory_space<vmem>>
    %dma_wait3A_1110 = arith.constant 0 : i32
    %dma_wait3A_1111 = tpu.memref_slice %arg2[%select_n3A, %add3A_371, %dma_wait3A_1110] : memref<2x1024x1024xf32, #tpu.memory_space<hbm>> -> memref<1x1x1024xf32, #tpu.memory_space<hbm>>
    %dma_wait3A_1112 = tpu.memref_squeeze %dma_wait3A_1111 : memref<1x1x1024xf32, #tpu.memory_space<hbm>> -> memref<1024xf32, #tpu.memory_space<hbm>>
    %dma_wait3A_1113 = arith.constant 28672 : i32
    %dma_wait3A_1114 = tpu.memref_slice %arg5[%dma_wait3A_1113] : memref<65536xf32, #tpu.memory_space<vmem>> -> memref<1024xf32, #tpu.memory_space<vmem>>
    %dma_wait3A_1115 = arith.constant 0 : i32
    %dma_wait3A_1116 = tpu.memref_slice %arg2[%select_n3A, %add3A_371, %dma_wait3A_1115] : memref<2x1024x1024xf32, #tpu.memory_space<hbm>> -> memref<1x1x1024xf32, #tpu.memory_space<hbm>>
    %dma_wait3A_1117 = tpu.memref_squeeze %dma_wait3A_1116 : memref<1x1x1024xf32, #tpu.memory_space<hbm>> -> memref<1024xf32, #tpu.memory_space<hbm>>
    tpu.wait_dma2 semaphore(%arg8 : memref<!tpu.dma_semaphore, #tpu.memory_space<semaphore_mem>>) src(%dma_wait3A_1117 : memref<1024xf32, #tpu.memory_space<hbm>>) dst(%dma_wait3A_1114 : memref<1024xf32, #tpu.memory_space<vmem>>)
    %dma_wait3A_1118 = arith.constant 29696 : i32
    %dma_wait3A_1119 = tpu.memref_slice %arg5[%dma_wait3A_1118] : memref<65536xf32, #tpu.memory_space<vmem>> -> memref<1024xf32, #tpu.memory_space<vmem>>
    %dma_wait3A_1120 = arith.constant 0 : i32
    %dma_wait3A_1121 = tpu.memref_slice %arg2[%select_n3A, %add3A_383, %dma_wait3A_1120] : memref<2x1024x1024xf32, #tpu.memory_space<hbm>> -> memref<1x1x1024xf32, #tpu.memory_space<hbm>>
    %dma_wait3A_1122 = tpu.memref_squeeze %dma_wait3A_1121 : memref<1x1x1024xf32, #tpu.memory_space<hbm>> -> memref<1024xf32, #tpu.memory_space<hbm>>
    %dma_wait3A_1123 = arith.constant 29696 : i32
    %dma_wait3A_1124 = tpu.memref_slice %arg5[%dma_wait3A_1123] : memref<65536xf32, #tpu.memory_space<vmem>> -> memref<1024xf32, #tpu.memory_space<vmem>>
    %dma_wait3A_1125 = arith.constant 0 : i32
    %dma_wait3A_1126 = tpu.memref_slice %arg2[%select_n3A, %add3A_383, %dma_wait3A_1125] : memref<2x1024x1024xf32, #tpu.memory_space<hbm>> -> memref<1x1x1024xf32, #tpu.memory_space<hbm>>
    %dma_wait3A_1127 = tpu.memref_squeeze %dma_wait3A_1126 : memref<1x1x1024xf32, #tpu.memory_space<hbm>> -> memref<1024xf32, #tpu.memory_space<hbm>>
    tpu.wait_dma2 semaphore(%arg8 : memref<!tpu.dma_semaphore, #tpu.memory_space<semaphore_mem>>) src(%dma_wait3A_1127 : memref<1024xf32, #tpu.memory_space<hbm>>) dst(%dma_wait3A_1124 : memref<1024xf32, #tpu.memory_space<vmem>>)
    %dma_wait3A_1128 = arith.constant 30720 : i32
    %dma_wait3A_1129 = tpu.memref_slice %arg5[%dma_wait3A_1128] : memref<65536xf32, #tpu.memory_space<vmem>> -> memref<1024xf32, #tpu.memory_space<vmem>>
    %dma_wait3A_1130 = arith.constant 0 : i32
    %dma_wait3A_1131 = tpu.memref_slice %arg2[%select_n3A, %add3A_395, %dma_wait3A_1130] : memref<2x1024x1024xf32, #tpu.memory_space<hbm>> -> memref<1x1x1024xf32, #tpu.memory_space<hbm>>
    %dma_wait3A_1132 = tpu.memref_squeeze %dma_wait3A_1131 : memref<1x1x1024xf32, #tpu.memory_space<hbm>> -> memref<1024xf32, #tpu.memory_space<hbm>>
    %dma_wait3A_1133 = arith.constant 30720 : i32
    %dma_wait3A_1134 = tpu.memref_slice %arg5[%dma_wait3A_1133] : memref<65536xf32, #tpu.memory_space<vmem>> -> memref<1024xf32, #tpu.memory_space<vmem>>
    %dma_wait3A_1135 = arith.constant 0 : i32
    %dma_wait3A_1136 = tpu.memref_slice %arg2[%select_n3A, %add3A_395, %dma_wait3A_1135] : memref<2x1024x1024xf32, #tpu.memory_space<hbm>> -> memref<1x1x1024xf32, #tpu.memory_space<hbm>>
    %dma_wait3A_1137 = tpu.memref_squeeze %dma_wait3A_1136 : memref<1x1x1024xf32, #tpu.memory_space<hbm>> -> memref<1024xf32, #tpu.memory_space<hbm>>
    tpu.wait_dma2 semaphore(%arg8 : memref<!tpu.dma_semaphore, #tpu.memory_space<semaphore_mem>>) src(%dma_wait3A_1137 : memref<1024xf32, #tpu.memory_space<hbm>>) dst(%dma_wait3A_1134 : memref<1024xf32, #tpu.memory_space<vmem>>)
    %dma_wait3A_1138 = arith.constant 31744 : i32
    %dma_wait3A_1139 = tpu.memref_slice %arg5[%dma_wait3A_1138] : memref<65536xf32, #tpu.memory_space<vmem>> -> memref<1024xf32, #tpu.memory_space<vmem>>
    %dma_wait3A_1140 = arith.constant 0 : i32
    %dma_wait3A_1141 = tpu.memref_slice %arg2[%select_n3A, %add3A_407, %dma_wait3A_1140] : memref<2x1024x1024xf32, #tpu.memory_space<hbm>> -> memref<1x1x1024xf32, #tpu.memory_space<hbm>>
    %dma_wait3A_1142 = tpu.memref_squeeze %dma_wait3A_1141 : memref<1x1x1024xf32, #tpu.memory_space<hbm>> -> memref<1024xf32, #tpu.memory_space<hbm>>
    %dma_wait3A_1143 = arith.constant 31744 : i32
    %dma_wait3A_1144 = tpu.memref_slice %arg5[%dma_wait3A_1143] : memref<65536xf32, #tpu.memory_space<vmem>> -> memref<1024xf32, #tpu.memory_space<vmem>>
    %dma_wait3A_1145 = arith.constant 0 : i32
    %dma_wait3A_1146 = tpu.memref_slice %arg2[%select_n3A, %add3A_407, %dma_wait3A_1145] : memref<2x1024x1024xf32, #tpu.memory_space<hbm>> -> memref<1x1x1024xf32, #tpu.memory_space<hbm>>
    %dma_wait3A_1147 = tpu.memref_squeeze %dma_wait3A_1146 : memref<1x1x1024xf32, #tpu.memory_space<hbm>> -> memref<1024xf32, #tpu.memory_space<hbm>>
    tpu.wait_dma2 semaphore(%arg8 : memref<!tpu.dma_semaphore, #tpu.memory_space<semaphore_mem>>) src(%dma_wait3A_1147 : memref<1024xf32, #tpu.memory_space<hbm>>) dst(%dma_wait3A_1144 : memref<1024xf32, #tpu.memory_space<vmem>>)
    %dma_wait3A_1148 = arith.constant 32768 : i32
    %dma_wait3A_1149 = tpu.memref_slice %arg5[%dma_wait3A_1148] : memref<65536xf32, #tpu.memory_space<vmem>> -> memref<1024xf32, #tpu.memory_space<vmem>>
    %dma_wait3A_1150 = arith.constant 0 : i32
    %dma_wait3A_1151 = tpu.memref_slice %arg2[%select_n3A, %add3A_419, %dma_wait3A_1150] : memref<2x1024x1024xf32, #tpu.memory_space<hbm>> -> memref<1x1x1024xf32, #tpu.memory_space<hbm>>
    %dma_wait3A_1152 = tpu.memref_squeeze %dma_wait3A_1151 : memref<1x1x1024xf32, #tpu.memory_space<hbm>> -> memref<1024xf32, #tpu.memory_space<hbm>>
    %dma_wait3A_1153 = arith.constant 32768 : i32
    %dma_wait3A_1154 = tpu.memref_slice %arg5[%dma_wait3A_1153] : memref<65536xf32, #tpu.memory_space<vmem>> -> memref<1024xf32, #tpu.memory_space<vmem>>
    %dma_wait3A_1155 = arith.constant 0 : i32
    %dma_wait3A_1156 = tpu.memref_slice %arg2[%select_n3A, %add3A_419, %dma_wait3A_1155] : memref<2x1024x1024xf32, #tpu.memory_space<hbm>> -> memref<1x1x1024xf32, #tpu.memory_space<hbm>>
    %dma_wait3A_1157 = tpu.memref_squeeze %dma_wait3A_1156 : memref<1x1x1024xf32, #tpu.memory_space<hbm>> -> memref<1024xf32, #tpu.memory_space<hbm>>
    tpu.wait_dma2 semaphore(%arg8 : memref<!tpu.dma_semaphore, #tpu.memory_space<semaphore_mem>>) src(%dma_wait3A_1157 : memref<1024xf32, #tpu.memory_space<hbm>>) dst(%dma_wait3A_1154 : memref<1024xf32, #tpu.memory_space<vmem>>)
    %dma_wait3A_1158 = arith.constant 33792 : i32
    %dma_wait3A_1159 = tpu.memref_slice %arg5[%dma_wait3A_1158] : memref<65536xf32, #tpu.memory_space<vmem>> -> memref<1024xf32, #tpu.memory_space<vmem>>
    %dma_wait3A_1160 = arith.constant 0 : i32
    %dma_wait3A_1161 = tpu.memref_slice %arg2[%select_n3A, %add3A_431, %dma_wait3A_1160] : memref<2x1024x1024xf32, #tpu.memory_space<hbm>> -> memref<1x1x1024xf32, #tpu.memory_space<hbm>>
    %dma_wait3A_1162 = tpu.memref_squeeze %dma_wait3A_1161 : memref<1x1x1024xf32, #tpu.memory_space<hbm>> -> memref<1024xf32, #tpu.memory_space<hbm>>
    %dma_wait3A_1163 = arith.constant 33792 : i32
    %dma_wait3A_1164 = tpu.memref_slice %arg5[%dma_wait3A_1163] : memref<65536xf32, #tpu.memory_space<vmem>> -> memref<1024xf32, #tpu.memory_space<vmem>>
    %dma_wait3A_1165 = arith.constant 0 : i32
    %dma_wait3A_1166 = tpu.memref_slice %arg2[%select_n3A, %add3A_431, %dma_wait3A_1165] : memref<2x1024x1024xf32, #tpu.memory_space<hbm>> -> memref<1x1x1024xf32, #tpu.memory_space<hbm>>
    %dma_wait3A_1167 = tpu.memref_squeeze %dma_wait3A_1166 : memref<1x1x1024xf32, #tpu.memory_space<hbm>> -> memref<1024xf32, #tpu.memory_space<hbm>>
    tpu.wait_dma2 semaphore(%arg8 : memref<!tpu.dma_semaphore, #tpu.memory_space<semaphore_mem>>) src(%dma_wait3A_1167 : memref<1024xf32, #tpu.memory_space<hbm>>) dst(%dma_wait3A_1164 : memref<1024xf32, #tpu.memory_space<vmem>>)
    %dma_wait3A_1168 = arith.constant 34816 : i32
    %dma_wait3A_1169 = tpu.memref_slice %arg5[%dma_wait3A_1168] : memref<65536xf32, #tpu.memory_space<vmem>> -> memref<1024xf32, #tpu.memory_space<vmem>>
    %dma_wait3A_1170 = arith.constant 0 : i32
    %dma_wait3A_1171 = tpu.memref_slice %arg2[%select_n3A, %add3A_443, %dma_wait3A_1170] : memref<2x1024x1024xf32, #tpu.memory_space<hbm>> -> memref<1x1x1024xf32, #tpu.memory_space<hbm>>
    %dma_wait3A_1172 = tpu.memref_squeeze %dma_wait3A_1171 : memref<1x1x1024xf32, #tpu.memory_space<hbm>> -> memref<1024xf32, #tpu.memory_space<hbm>>
    %dma_wait3A_1173 = arith.constant 34816 : i32
    %dma_wait3A_1174 = tpu.memref_slice %arg5[%dma_wait3A_1173] : memref<65536xf32, #tpu.memory_space<vmem>> -> memref<1024xf32, #tpu.memory_space<vmem>>
    %dma_wait3A_1175 = arith.constant 0 : i32
    %dma_wait3A_1176 = tpu.memref_slice %arg2[%select_n3A, %add3A_443, %dma_wait3A_1175] : memref<2x1024x1024xf32, #tpu.memory_space<hbm>> -> memref<1x1x1024xf32, #tpu.memory_space<hbm>>
    %dma_wait3A_1177 = tpu.memref_squeeze %dma_wait3A_1176 : memref<1x1x1024xf32, #tpu.memory_space<hbm>> -> memref<1024xf32, #tpu.memory_space<hbm>>
    tpu.wait_dma2 semaphore(%arg8 : memref<!tpu.dma_semaphore, #tpu.memory_space<semaphore_mem>>) src(%dma_wait3A_1177 : memref<1024xf32, #tpu.memory_space<hbm>>) dst(%dma_wait3A_1174 : memref<1024xf32, #tpu.memory_space<vmem>>)
    %dma_wait3A_1178 = arith.constant 35840 : i32
    %dma_wait3A_1179 = tpu.memref_slice %arg5[%dma_wait3A_1178] : memref<65536xf32, #tpu.memory_space<vmem>> -> memref<1024xf32, #tpu.memory_space<vmem>>
    %dma_wait3A_1180 = arith.constant 0 : i32
    %dma_wait3A_1181 = tpu.memref_slice %arg2[%select_n3A, %add3A_455, %dma_wait3A_1180] : memref<2x1024x1024xf32, #tpu.memory_space<hbm>> -> memref<1x1x1024xf32, #tpu.memory_space<hbm>>
    %dma_wait3A_1182 = tpu.memref_squeeze %dma_wait3A_1181 : memref<1x1x1024xf32, #tpu.memory_space<hbm>> -> memref<1024xf32, #tpu.memory_space<hbm>>
    %dma_wait3A_1183 = arith.constant 35840 : i32
    %dma_wait3A_1184 = tpu.memref_slice %arg5[%dma_wait3A_1183] : memref<65536xf32, #tpu.memory_space<vmem>> -> memref<1024xf32, #tpu.memory_space<vmem>>
    %dma_wait3A_1185 = arith.constant 0 : i32
    %dma_wait3A_1186 = tpu.memref_slice %arg2[%select_n3A, %add3A_455, %dma_wait3A_1185] : memref<2x1024x1024xf32, #tpu.memory_space<hbm>> -> memref<1x1x1024xf32, #tpu.memory_space<hbm>>
    %dma_wait3A_1187 = tpu.memref_squeeze %dma_wait3A_1186 : memref<1x1x1024xf32, #tpu.memory_space<hbm>> -> memref<1024xf32, #tpu.memory_space<hbm>>
    tpu.wait_dma2 semaphore(%arg8 : memref<!tpu.dma_semaphore, #tpu.memory_space<semaphore_mem>>) src(%dma_wait3A_1187 : memref<1024xf32, #tpu.memory_space<hbm>>) dst(%dma_wait3A_1184 : memref<1024xf32, #tpu.memory_space<vmem>>)
    %dma_wait3A_1188 = arith.constant 36864 : i32
    %dma_wait3A_1189 = tpu.memref_slice %arg5[%dma_wait3A_1188] : memref<65536xf32, #tpu.memory_space<vmem>> -> memref<1024xf32, #tpu.memory_space<vmem>>
    %dma_wait3A_1190 = arith.constant 0 : i32
    %dma_wait3A_1191 = tpu.memref_slice %arg2[%select_n3A, %add3A_467, %dma_wait3A_1190] : memref<2x1024x1024xf32, #tpu.memory_space<hbm>> -> memref<1x1x1024xf32, #tpu.memory_space<hbm>>
    %dma_wait3A_1192 = tpu.memref_squeeze %dma_wait3A_1191 : memref<1x1x1024xf32, #tpu.memory_space<hbm>> -> memref<1024xf32, #tpu.memory_space<hbm>>
    %dma_wait3A_1193 = arith.constant 36864 : i32
    %dma_wait3A_1194 = tpu.memref_slice %arg5[%dma_wait3A_1193] : memref<65536xf32, #tpu.memory_space<vmem>> -> memref<1024xf32, #tpu.memory_space<vmem>>
    %dma_wait3A_1195 = arith.constant 0 : i32
    %dma_wait3A_1196 = tpu.memref_slice %arg2[%select_n3A, %add3A_467, %dma_wait3A_1195] : memref<2x1024x1024xf32, #tpu.memory_space<hbm>> -> memref<1x1x1024xf32, #tpu.memory_space<hbm>>
    %dma_wait3A_1197 = tpu.memref_squeeze %dma_wait3A_1196 : memref<1x1x1024xf32, #tpu.memory_space<hbm>> -> memref<1024xf32, #tpu.memory_space<hbm>>
    tpu.wait_dma2 semaphore(%arg8 : memref<!tpu.dma_semaphore, #tpu.memory_space<semaphore_mem>>) src(%dma_wait3A_1197 : memref<1024xf32, #tpu.memory_space<hbm>>) dst(%dma_wait3A_1194 : memref<1024xf32, #tpu.memory_space<vmem>>)
    %dma_wait3A_1198 = arith.constant 37888 : i32
    %dma_wait3A_1199 = tpu.memref_slice %arg5[%dma_wait3A_1198] : memref<65536xf32, #tpu.memory_space<vmem>> -> memref<1024xf32, #tpu.memory_space<vmem>>
    %dma_wait3A_1200 = arith.constant 0 : i32
    %dma_wait3A_1201 = tpu.memref_slice %arg2[%select_n3A, %add3A_479, %dma_wait3A_1200] : memref<2x1024x1024xf32, #tpu.memory_space<hbm>> -> memref<1x1x1024xf32, #tpu.memory_space<hbm>>
    %dma_wait3A_1202 = tpu.memref_squeeze %dma_wait3A_1201 : memref<1x1x1024xf32, #tpu.memory_space<hbm>> -> memref<1024xf32, #tpu.memory_space<hbm>>
    %dma_wait3A_1203 = arith.constant 37888 : i32
    %dma_wait3A_1204 = tpu.memref_slice %arg5[%dma_wait3A_1203] : memref<65536xf32, #tpu.memory_space<vmem>> -> memref<1024xf32, #tpu.memory_space<vmem>>
    %dma_wait3A_1205 = arith.constant 0 : i32
    %dma_wait3A_1206 = tpu.memref_slice %arg2[%select_n3A, %add3A_479, %dma_wait3A_1205] : memref<2x1024x1024xf32, #tpu.memory_space<hbm>> -> memref<1x1x1024xf32, #tpu.memory_space<hbm>>
    %dma_wait3A_1207 = tpu.memref_squeeze %dma_wait3A_1206 : memref<1x1x1024xf32, #tpu.memory_space<hbm>> -> memref<1024xf32, #tpu.memory_space<hbm>>
    tpu.wait_dma2 semaphore(%arg8 : memref<!tpu.dma_semaphore, #tpu.memory_space<semaphore_mem>>) src(%dma_wait3A_1207 : memref<1024xf32, #tpu.memory_space<hbm>>) dst(%dma_wait3A_1204 : memref<1024xf32, #tpu.memory_space<vmem>>)
    %dma_wait3A_1208 = arith.constant 38912 : i32
    %dma_wait3A_1209 = tpu.memref_slice %arg5[%dma_wait3A_1208] : memref<65536xf32, #tpu.memory_space<vmem>> -> memref<1024xf32, #tpu.memory_space<vmem>>
    %dma_wait3A_1210 = arith.constant 0 : i32
    %dma_wait3A_1211 = tpu.memref_slice %arg2[%select_n3A, %add3A_491, %dma_wait3A_1210] : memref<2x1024x1024xf32, #tpu.memory_space<hbm>> -> memref<1x1x1024xf32, #tpu.memory_space<hbm>>
    %dma_wait3A_1212 = tpu.memref_squeeze %dma_wait3A_1211 : memref<1x1x1024xf32, #tpu.memory_space<hbm>> -> memref<1024xf32, #tpu.memory_space<hbm>>
    %dma_wait3A_1213 = arith.constant 38912 : i32
    %dma_wait3A_1214 = tpu.memref_slice %arg5[%dma_wait3A_1213] : memref<65536xf32, #tpu.memory_space<vmem>> -> memref<1024xf32, #tpu.memory_space<vmem>>
    %dma_wait3A_1215 = arith.constant 0 : i32
    %dma_wait3A_1216 = tpu.memref_slice %arg2[%select_n3A, %add3A_491, %dma_wait3A_1215] : memref<2x1024x1024xf32, #tpu.memory_space<hbm>> -> memref<1x1x1024xf32, #tpu.memory_space<hbm>>
    %dma_wait3A_1217 = tpu.memref_squeeze %dma_wait3A_1216 : memref<1x1x1024xf32, #tpu.memory_space<hbm>> -> memref<1024xf32, #tpu.memory_space<hbm>>
    tpu.wait_dma2 semaphore(%arg8 : memref<!tpu.dma_semaphore, #tpu.memory_space<semaphore_mem>>) src(%dma_wait3A_1217 : memref<1024xf32, #tpu.memory_space<hbm>>) dst(%dma_wait3A_1214 : memref<1024xf32, #tpu.memory_space<vmem>>)
    %dma_wait3A_1218 = arith.constant 39936 : i32
    %dma_wait3A_1219 = tpu.memref_slice %arg5[%dma_wait3A_1218] : memref<65536xf32, #tpu.memory_space<vmem>> -> memref<1024xf32, #tpu.memory_space<vmem>>
    %dma_wait3A_1220 = arith.constant 0 : i32
    %dma_wait3A_1221 = tpu.memref_slice %arg2[%select_n3A, %add3A_503, %dma_wait3A_1220] : memref<2x1024x1024xf32, #tpu.memory_space<hbm>> -> memref<1x1x1024xf32, #tpu.memory_space<hbm>>
    %dma_wait3A_1222 = tpu.memref_squeeze %dma_wait3A_1221 : memref<1x1x1024xf32, #tpu.memory_space<hbm>> -> memref<1024xf32, #tpu.memory_space<hbm>>
    %dma_wait3A_1223 = arith.constant 39936 : i32
    %dma_wait3A_1224 = tpu.memref_slice %arg5[%dma_wait3A_1223] : memref<65536xf32, #tpu.memory_space<vmem>> -> memref<1024xf32, #tpu.memory_space<vmem>>
    %dma_wait3A_1225 = arith.constant 0 : i32
    %dma_wait3A_1226 = tpu.memref_slice %arg2[%select_n3A, %add3A_503, %dma_wait3A_1225] : memref<2x1024x1024xf32, #tpu.memory_space<hbm>> -> memref<1x1x1024xf32, #tpu.memory_space<hbm>>
    %dma_wait3A_1227 = tpu.memref_squeeze %dma_wait3A_1226 : memref<1x1x1024xf32, #tpu.memory_space<hbm>> -> memref<1024xf32, #tpu.memory_space<hbm>>
    tpu.wait_dma2 semaphore(%arg8 : memref<!tpu.dma_semaphore, #tpu.memory_space<semaphore_mem>>) src(%dma_wait3A_1227 : memref<1024xf32, #tpu.memory_space<hbm>>) dst(%dma_wait3A_1224 : memref<1024xf32, #tpu.memory_space<vmem>>)
    %dma_wait3A_1228 = arith.constant 40960 : i32
    %dma_wait3A_1229 = tpu.memref_slice %arg5[%dma_wait3A_1228] : memref<65536xf32, #tpu.memory_space<vmem>> -> memref<1024xf32, #tpu.memory_space<vmem>>
    %dma_wait3A_1230 = arith.constant 0 : i32
    %dma_wait3A_1231 = tpu.memref_slice %arg2[%select_n3A, %add3A_515, %dma_wait3A_1230] : memref<2x1024x1024xf32, #tpu.memory_space<hbm>> -> memref<1x1x1024xf32, #tpu.memory_space<hbm>>
    %dma_wait3A_1232 = tpu.memref_squeeze %dma_wait3A_1231 : memref<1x1x1024xf32, #tpu.memory_space<hbm>> -> memref<1024xf32, #tpu.memory_space<hbm>>
    %dma_wait3A_1233 = arith.constant 40960 : i32
    %dma_wait3A_1234 = tpu.memref_slice %arg5[%dma_wait3A_1233] : memref<65536xf32, #tpu.memory_space<vmem>> -> memref<1024xf32, #tpu.memory_space<vmem>>
    %dma_wait3A_1235 = arith.constant 0 : i32
    %dma_wait3A_1236 = tpu.memref_slice %arg2[%select_n3A, %add3A_515, %dma_wait3A_1235] : memref<2x1024x1024xf32, #tpu.memory_space<hbm>> -> memref<1x1x1024xf32, #tpu.memory_space<hbm>>
    %dma_wait3A_1237 = tpu.memref_squeeze %dma_wait3A_1236 : memref<1x1x1024xf32, #tpu.memory_space<hbm>> -> memref<1024xf32, #tpu.memory_space<hbm>>
    tpu.wait_dma2 semaphore(%arg8 : memref<!tpu.dma_semaphore, #tpu.memory_space<semaphore_mem>>) src(%dma_wait3A_1237 : memref<1024xf32, #tpu.memory_space<hbm>>) dst(%dma_wait3A_1234 : memref<1024xf32, #tpu.memory_space<vmem>>)
    %dma_wait3A_1238 = arith.constant 41984 : i32
    %dma_wait3A_1239 = tpu.memref_slice %arg5[%dma_wait3A_1238] : memref<65536xf32, #tpu.memory_space<vmem>> -> memref<1024xf32, #tpu.memory_space<vmem>>
    %dma_wait3A_1240 = arith.constant 0 : i32
    %dma_wait3A_1241 = tpu.memref_slice %arg2[%select_n3A, %add3A_527, %dma_wait3A_1240] : memref<2x1024x1024xf32, #tpu.memory_space<hbm>> -> memref<1x1x1024xf32, #tpu.memory_space<hbm>>
    %dma_wait3A_1242 = tpu.memref_squeeze %dma_wait3A_1241 : memref<1x1x1024xf32, #tpu.memory_space<hbm>> -> memref<1024xf32, #tpu.memory_space<hbm>>
    %dma_wait3A_1243 = arith.constant 41984 : i32
    %dma_wait3A_1244 = tpu.memref_slice %arg5[%dma_wait3A_1243] : memref<65536xf32, #tpu.memory_space<vmem>> -> memref<1024xf32, #tpu.memory_space<vmem>>
    %dma_wait3A_1245 = arith.constant 0 : i32
    %dma_wait3A_1246 = tpu.memref_slice %arg2[%select_n3A, %add3A_527, %dma_wait3A_1245] : memref<2x1024x1024xf32, #tpu.memory_space<hbm>> -> memref<1x1x1024xf32, #tpu.memory_space<hbm>>
    %dma_wait3A_1247 = tpu.memref_squeeze %dma_wait3A_1246 : memref<1x1x1024xf32, #tpu.memory_space<hbm>> -> memref<1024xf32, #tpu.memory_space<hbm>>
    tpu.wait_dma2 semaphore(%arg8 : memref<!tpu.dma_semaphore, #tpu.memory_space<semaphore_mem>>) src(%dma_wait3A_1247 : memref<1024xf32, #tpu.memory_space<hbm>>) dst(%dma_wait3A_1244 : memref<1024xf32, #tpu.memory_space<vmem>>)
    %dma_wait3A_1248 = arith.constant 43008 : i32
    %dma_wait3A_1249 = tpu.memref_slice %arg5[%dma_wait3A_1248] : memref<65536xf32, #tpu.memory_space<vmem>> -> memref<1024xf32, #tpu.memory_space<vmem>>
    %dma_wait3A_1250 = arith.constant 0 : i32
    %dma_wait3A_1251 = tpu.memref_slice %arg2[%select_n3A, %add3A_539, %dma_wait3A_1250] : memref<2x1024x1024xf32, #tpu.memory_space<hbm>> -> memref<1x1x1024xf32, #tpu.memory_space<hbm>>
    %dma_wait3A_1252 = tpu.memref_squeeze %dma_wait3A_1251 : memref<1x1x1024xf32, #tpu.memory_space<hbm>> -> memref<1024xf32, #tpu.memory_space<hbm>>
    %dma_wait3A_1253 = arith.constant 43008 : i32
    %dma_wait3A_1254 = tpu.memref_slice %arg5[%dma_wait3A_1253] : memref<65536xf32, #tpu.memory_space<vmem>> -> memref<1024xf32, #tpu.memory_space<vmem>>
    %dma_wait3A_1255 = arith.constant 0 : i32
    %dma_wait3A_1256 = tpu.memref_slice %arg2[%select_n3A, %add3A_539, %dma_wait3A_1255] : memref<2x1024x1024xf32, #tpu.memory_space<hbm>> -> memref<1x1x1024xf32, #tpu.memory_space<hbm>>
    %dma_wait3A_1257 = tpu.memref_squeeze %dma_wait3A_1256 : memref<1x1x1024xf32, #tpu.memory_space<hbm>> -> memref<1024xf32, #tpu.memory_space<hbm>>
    tpu.wait_dma2 semaphore(%arg8 : memref<!tpu.dma_semaphore, #tpu.memory_space<semaphore_mem>>) src(%dma_wait3A_1257 : memref<1024xf32, #tpu.memory_space<hbm>>) dst(%dma_wait3A_1254 : memref<1024xf32, #tpu.memory_space<vmem>>)
    %dma_wait3A_1258 = arith.constant 44032 : i32
    %dma_wait3A_1259 = tpu.memref_slice %arg5[%dma_wait3A_1258] : memref<65536xf32, #tpu.memory_space<vmem>> -> memref<1024xf32, #tpu.memory_space<vmem>>
    %dma_wait3A_1260 = arith.constant 0 : i32
    %dma_wait3A_1261 = tpu.memref_slice %arg2[%select_n3A, %add3A_551, %dma_wait3A_1260] : memref<2x1024x1024xf32, #tpu.memory_space<hbm>> -> memref<1x1x1024xf32, #tpu.memory_space<hbm>>
    %dma_wait3A_1262 = tpu.memref_squeeze %dma_wait3A_1261 : memref<1x1x1024xf32, #tpu.memory_space<hbm>> -> memref<1024xf32, #tpu.memory_space<hbm>>
    %dma_wait3A_1263 = arith.constant 44032 : i32
    %dma_wait3A_1264 = tpu.memref_slice %arg5[%dma_wait3A_1263] : memref<65536xf32, #tpu.memory_space<vmem>> -> memref<1024xf32, #tpu.memory_space<vmem>>
    %dma_wait3A_1265 = arith.constant 0 : i32
    %dma_wait3A_1266 = tpu.memref_slice %arg2[%select_n3A, %add3A_551, %dma_wait3A_1265] : memref<2x1024x1024xf32, #tpu.memory_space<hbm>> -> memref<1x1x1024xf32, #tpu.memory_space<hbm>>
    %dma_wait3A_1267 = tpu.memref_squeeze %dma_wait3A_1266 : memref<1x1x1024xf32, #tpu.memory_space<hbm>> -> memref<1024xf32, #tpu.memory_space<hbm>>
    tpu.wait_dma2 semaphore(%arg8 : memref<!tpu.dma_semaphore, #tpu.memory_space<semaphore_mem>>) src(%dma_wait3A_1267 : memref<1024xf32, #tpu.memory_space<hbm>>) dst(%dma_wait3A_1264 : memref<1024xf32, #tpu.memory_space<vmem>>)
    %dma_wait3A_1268 = arith.constant 45056 : i32
    %dma_wait3A_1269 = tpu.memref_slice %arg5[%dma_wait3A_1268] : memref<65536xf32, #tpu.memory_space<vmem>> -> memref<1024xf32, #tpu.memory_space<vmem>>
    %dma_wait3A_1270 = arith.constant 0 : i32
    %dma_wait3A_1271 = tpu.memref_slice %arg2[%select_n3A, %add3A_563, %dma_wait3A_1270] : memref<2x1024x1024xf32, #tpu.memory_space<hbm>> -> memref<1x1x1024xf32, #tpu.memory_space<hbm>>
    %dma_wait3A_1272 = tpu.memref_squeeze %dma_wait3A_1271 : memref<1x1x1024xf32, #tpu.memory_space<hbm>> -> memref<1024xf32, #tpu.memory_space<hbm>>
    %dma_wait3A_1273 = arith.constant 45056 : i32
    %dma_wait3A_1274 = tpu.memref_slice %arg5[%dma_wait3A_1273] : memref<65536xf32, #tpu.memory_space<vmem>> -> memref<1024xf32, #tpu.memory_space<vmem>>
    %dma_wait3A_1275 = arith.constant 0 : i32
    %dma_wait3A_1276 = tpu.memref_slice %arg2[%select_n3A, %add3A_563, %dma_wait3A_1275] : memref<2x1024x1024xf32, #tpu.memory_space<hbm>> -> memref<1x1x1024xf32, #tpu.memory_space<hbm>>
    %dma_wait3A_1277 = tpu.memref_squeeze %dma_wait3A_1276 : memref<1x1x1024xf32, #tpu.memory_space<hbm>> -> memref<1024xf32, #tpu.memory_space<hbm>>
    tpu.wait_dma2 semaphore(%arg8 : memref<!tpu.dma_semaphore, #tpu.memory_space<semaphore_mem>>) src(%dma_wait3A_1277 : memref<1024xf32, #tpu.memory_space<hbm>>) dst(%dma_wait3A_1274 : memref<1024xf32, #tpu.memory_space<vmem>>)
    %dma_wait3A_1278 = arith.constant 46080 : i32
    %dma_wait3A_1279 = tpu.memref_slice %arg5[%dma_wait3A_1278] : memref<65536xf32, #tpu.memory_space<vmem>> -> memref<1024xf32, #tpu.memory_space<vmem>>
    %dma_wait3A_1280 = arith.constant 0 : i32
    %dma_wait3A_1281 = tpu.memref_slice %arg2[%select_n3A, %add3A_575, %dma_wait3A_1280] : memref<2x1024x1024xf32, #tpu.memory_space<hbm>> -> memref<1x1x1024xf32, #tpu.memory_space<hbm>>
    %dma_wait3A_1282 = tpu.memref_squeeze %dma_wait3A_1281 : memref<1x1x1024xf32, #tpu.memory_space<hbm>> -> memref<1024xf32, #tpu.memory_space<hbm>>
    %dma_wait3A_1283 = arith.constant 46080 : i32
    %dma_wait3A_1284 = tpu.memref_slice %arg5[%dma_wait3A_1283] : memref<65536xf32, #tpu.memory_space<vmem>> -> memref<1024xf32, #tpu.memory_space<vmem>>
    %dma_wait3A_1285 = arith.constant 0 : i32
    %dma_wait3A_1286 = tpu.memref_slice %arg2[%select_n3A, %add3A_575, %dma_wait3A_1285] : memref<2x1024x1024xf32, #tpu.memory_space<hbm>> -> memref<1x1x1024xf32, #tpu.memory_space<hbm>>
    %dma_wait3A_1287 = tpu.memref_squeeze %dma_wait3A_1286 : memref<1x1x1024xf32, #tpu.memory_space<hbm>> -> memref<1024xf32, #tpu.memory_space<hbm>>
    tpu.wait_dma2 semaphore(%arg8 : memref<!tpu.dma_semaphore, #tpu.memory_space<semaphore_mem>>) src(%dma_wait3A_1287 : memref<1024xf32, #tpu.memory_space<hbm>>) dst(%dma_wait3A_1284 : memref<1024xf32, #tpu.memory_space<vmem>>)
    %dma_wait3A_1288 = arith.constant 47104 : i32
    %dma_wait3A_1289 = tpu.memref_slice %arg5[%dma_wait3A_1288] : memref<65536xf32, #tpu.memory_space<vmem>> -> memref<1024xf32, #tpu.memory_space<vmem>>
    %dma_wait3A_1290 = arith.constant 0 : i32
    %dma_wait3A_1291 = tpu.memref_slice %arg2[%select_n3A, %add3A_587, %dma_wait3A_1290] : memref<2x1024x1024xf32, #tpu.memory_space<hbm>> -> memref<1x1x1024xf32, #tpu.memory_space<hbm>>
    %dma_wait3A_1292 = tpu.memref_squeeze %dma_wait3A_1291 : memref<1x1x1024xf32, #tpu.memory_space<hbm>> -> memref<1024xf32, #tpu.memory_space<hbm>>
    %dma_wait3A_1293 = arith.constant 47104 : i32
    %dma_wait3A_1294 = tpu.memref_slice %arg5[%dma_wait3A_1293] : memref<65536xf32, #tpu.memory_space<vmem>> -> memref<1024xf32, #tpu.memory_space<vmem>>
    %dma_wait3A_1295 = arith.constant 0 : i32
    %dma_wait3A_1296 = tpu.memref_slice %arg2[%select_n3A, %add3A_587, %dma_wait3A_1295] : memref<2x1024x1024xf32, #tpu.memory_space<hbm>> -> memref<1x1x1024xf32, #tpu.memory_space<hbm>>
    %dma_wait3A_1297 = tpu.memref_squeeze %dma_wait3A_1296 : memref<1x1x1024xf32, #tpu.memory_space<hbm>> -> memref<1024xf32, #tpu.memory_space<hbm>>
    tpu.wait_dma2 semaphore(%arg8 : memref<!tpu.dma_semaphore, #tpu.memory_space<semaphore_mem>>) src(%dma_wait3A_1297 : memref<1024xf32, #tpu.memory_space<hbm>>) dst(%dma_wait3A_1294 : memref<1024xf32, #tpu.memory_space<vmem>>)
    %dma_wait3A_1298 = arith.constant 48128 : i32
    %dma_wait3A_1299 = tpu.memref_slice %arg5[%dma_wait3A_1298] : memref<65536xf32, #tpu.memory_space<vmem>> -> memref<1024xf32, #tpu.memory_space<vmem>>
    %dma_wait3A_1300 = arith.constant 0 : i32
    %dma_wait3A_1301 = tpu.memref_slice %arg2[%select_n3A, %add3A_599, %dma_wait3A_1300] : memref<2x1024x1024xf32, #tpu.memory_space<hbm>> -> memref<1x1x1024xf32, #tpu.memory_space<hbm>>
    %dma_wait3A_1302 = tpu.memref_squeeze %dma_wait3A_1301 : memref<1x1x1024xf32, #tpu.memory_space<hbm>> -> memref<1024xf32, #tpu.memory_space<hbm>>
    %dma_wait3A_1303 = arith.constant 48128 : i32
    %dma_wait3A_1304 = tpu.memref_slice %arg5[%dma_wait3A_1303] : memref<65536xf32, #tpu.memory_space<vmem>> -> memref<1024xf32, #tpu.memory_space<vmem>>
    %dma_wait3A_1305 = arith.constant 0 : i32
    %dma_wait3A_1306 = tpu.memref_slice %arg2[%select_n3A, %add3A_599, %dma_wait3A_1305] : memref<2x1024x1024xf32, #tpu.memory_space<hbm>> -> memref<1x1x1024xf32, #tpu.memory_space<hbm>>
    %dma_wait3A_1307 = tpu.memref_squeeze %dma_wait3A_1306 : memref<1x1x1024xf32, #tpu.memory_space<hbm>> -> memref<1024xf32, #tpu.memory_space<hbm>>
    tpu.wait_dma2 semaphore(%arg8 : memref<!tpu.dma_semaphore, #tpu.memory_space<semaphore_mem>>) src(%dma_wait3A_1307 : memref<1024xf32, #tpu.memory_space<hbm>>) dst(%dma_wait3A_1304 : memref<1024xf32, #tpu.memory_space<vmem>>)
    %dma_wait3A_1308 = arith.constant 49152 : i32
    %dma_wait3A_1309 = tpu.memref_slice %arg5[%dma_wait3A_1308] : memref<65536xf32, #tpu.memory_space<vmem>> -> memref<1024xf32, #tpu.memory_space<vmem>>
    %dma_wait3A_1310 = arith.constant 0 : i32
    %dma_wait3A_1311 = tpu.memref_slice %arg2[%select_n3A, %add3A_611, %dma_wait3A_1310] : memref<2x1024x1024xf32, #tpu.memory_space<hbm>> -> memref<1x1x1024xf32, #tpu.memory_space<hbm>>
    %dma_wait3A_1312 = tpu.memref_squeeze %dma_wait3A_1311 : memref<1x1x1024xf32, #tpu.memory_space<hbm>> -> memref<1024xf32, #tpu.memory_space<hbm>>
    %dma_wait3A_1313 = arith.constant 49152 : i32
    %dma_wait3A_1314 = tpu.memref_slice %arg5[%dma_wait3A_1313] : memref<65536xf32, #tpu.memory_space<vmem>> -> memref<1024xf32, #tpu.memory_space<vmem>>
    %dma_wait3A_1315 = arith.constant 0 : i32
    %dma_wait3A_1316 = tpu.memref_slice %arg2[%select_n3A, %add3A_611, %dma_wait3A_1315] : memref<2x1024x1024xf32, #tpu.memory_space<hbm>> -> memref<1x1x1024xf32, #tpu.memory_space<hbm>>
    %dma_wait3A_1317 = tpu.memref_squeeze %dma_wait3A_1316 : memref<1x1x1024xf32, #tpu.memory_space<hbm>> -> memref<1024xf32, #tpu.memory_space<hbm>>
    tpu.wait_dma2 semaphore(%arg8 : memref<!tpu.dma_semaphore, #tpu.memory_space<semaphore_mem>>) src(%dma_wait3A_1317 : memref<1024xf32, #tpu.memory_space<hbm>>) dst(%dma_wait3A_1314 : memref<1024xf32, #tpu.memory_space<vmem>>)
    %dma_wait3A_1318 = arith.constant 50176 : i32
    %dma_wait3A_1319 = tpu.memref_slice %arg5[%dma_wait3A_1318] : memref<65536xf32, #tpu.memory_space<vmem>> -> memref<1024xf32, #tpu.memory_space<vmem>>
    %dma_wait3A_1320 = arith.constant 0 : i32
    %dma_wait3A_1321 = tpu.memref_slice %arg2[%select_n3A, %add3A_623, %dma_wait3A_1320] : memref<2x1024x1024xf32, #tpu.memory_space<hbm>> -> memref<1x1x1024xf32, #tpu.memory_space<hbm>>
    %dma_wait3A_1322 = tpu.memref_squeeze %dma_wait3A_1321 : memref<1x1x1024xf32, #tpu.memory_space<hbm>> -> memref<1024xf32, #tpu.memory_space<hbm>>
    %dma_wait3A_1323 = arith.constant 50176 : i32
    %dma_wait3A_1324 = tpu.memref_slice %arg5[%dma_wait3A_1323] : memref<65536xf32, #tpu.memory_space<vmem>> -> memref<1024xf32, #tpu.memory_space<vmem>>
    %dma_wait3A_1325 = arith.constant 0 : i32
    %dma_wait3A_1326 = tpu.memref_slice %arg2[%select_n3A, %add3A_623, %dma_wait3A_1325] : memref<2x1024x1024xf32, #tpu.memory_space<hbm>> -> memref<1x1x1024xf32, #tpu.memory_space<hbm>>
    %dma_wait3A_1327 = tpu.memref_squeeze %dma_wait3A_1326 : memref<1x1x1024xf32, #tpu.memory_space<hbm>> -> memref<1024xf32, #tpu.memory_space<hbm>>
    tpu.wait_dma2 semaphore(%arg8 : memref<!tpu.dma_semaphore, #tpu.memory_space<semaphore_mem>>) src(%dma_wait3A_1327 : memref<1024xf32, #tpu.memory_space<hbm>>) dst(%dma_wait3A_1324 : memref<1024xf32, #tpu.memory_space<vmem>>)
    %dma_wait3A_1328 = arith.constant 51200 : i32
    %dma_wait3A_1329 = tpu.memref_slice %arg5[%dma_wait3A_1328] : memref<65536xf32, #tpu.memory_space<vmem>> -> memref<1024xf32, #tpu.memory_space<vmem>>
    %dma_wait3A_1330 = arith.constant 0 : i32
    %dma_wait3A_1331 = tpu.memref_slice %arg2[%select_n3A, %add3A_635, %dma_wait3A_1330] : memref<2x1024x1024xf32, #tpu.memory_space<hbm>> -> memref<1x1x1024xf32, #tpu.memory_space<hbm>>
    %dma_wait3A_1332 = tpu.memref_squeeze %dma_wait3A_1331 : memref<1x1x1024xf32, #tpu.memory_space<hbm>> -> memref<1024xf32, #tpu.memory_space<hbm>>
    %dma_wait3A_1333 = arith.constant 51200 : i32
    %dma_wait3A_1334 = tpu.memref_slice %arg5[%dma_wait3A_1333] : memref<65536xf32, #tpu.memory_space<vmem>> -> memref<1024xf32, #tpu.memory_space<vmem>>
    %dma_wait3A_1335 = arith.constant 0 : i32
    %dma_wait3A_1336 = tpu.memref_slice %arg2[%select_n3A, %add3A_635, %dma_wait3A_1335] : memref<2x1024x1024xf32, #tpu.memory_space<hbm>> -> memref<1x1x1024xf32, #tpu.memory_space<hbm>>
    %dma_wait3A_1337 = tpu.memref_squeeze %dma_wait3A_1336 : memref<1x1x1024xf32, #tpu.memory_space<hbm>> -> memref<1024xf32, #tpu.memory_space<hbm>>
    tpu.wait_dma2 semaphore(%arg8 : memref<!tpu.dma_semaphore, #tpu.memory_space<semaphore_mem>>) src(%dma_wait3A_1337 : memref<1024xf32, #tpu.memory_space<hbm>>) dst(%dma_wait3A_1334 : memref<1024xf32, #tpu.memory_space<vmem>>)
    %dma_wait3A_1338 = arith.constant 52224 : i32
    %dma_wait3A_1339 = tpu.memref_slice %arg5[%dma_wait3A_1338] : memref<65536xf32, #tpu.memory_space<vmem>> -> memref<1024xf32, #tpu.memory_space<vmem>>
    %dma_wait3A_1340 = arith.constant 0 : i32
    %dma_wait3A_1341 = tpu.memref_slice %arg2[%select_n3A, %add3A_647, %dma_wait3A_1340] : memref<2x1024x1024xf32, #tpu.memory_space<hbm>> -> memref<1x1x1024xf32, #tpu.memory_space<hbm>>
    %dma_wait3A_1342 = tpu.memref_squeeze %dma_wait3A_1341 : memref<1x1x1024xf32, #tpu.memory_space<hbm>> -> memref<1024xf32, #tpu.memory_space<hbm>>
    %dma_wait3A_1343 = arith.constant 52224 : i32
    %dma_wait3A_1344 = tpu.memref_slice %arg5[%dma_wait3A_1343] : memref<65536xf32, #tpu.memory_space<vmem>> -> memref<1024xf32, #tpu.memory_space<vmem>>
    %dma_wait3A_1345 = arith.constant 0 : i32
    %dma_wait3A_1346 = tpu.memref_slice %arg2[%select_n3A, %add3A_647, %dma_wait3A_1345] : memref<2x1024x1024xf32, #tpu.memory_space<hbm>> -> memref<1x1x1024xf32, #tpu.memory_space<hbm>>
    %dma_wait3A_1347 = tpu.memref_squeeze %dma_wait3A_1346 : memref<1x1x1024xf32, #tpu.memory_space<hbm>> -> memref<1024xf32, #tpu.memory_space<hbm>>
    tpu.wait_dma2 semaphore(%arg8 : memref<!tpu.dma_semaphore, #tpu.memory_space<semaphore_mem>>) src(%dma_wait3A_1347 : memref<1024xf32, #tpu.memory_space<hbm>>) dst(%dma_wait3A_1344 : memref<1024xf32, #tpu.memory_space<vmem>>)
    %dma_wait3A_1348 = arith.constant 53248 : i32
    %dma_wait3A_1349 = tpu.memref_slice %arg5[%dma_wait3A_1348] : memref<65536xf32, #tpu.memory_space<vmem>> -> memref<1024xf32, #tpu.memory_space<vmem>>
    %dma_wait3A_1350 = arith.constant 0 : i32
    %dma_wait3A_1351 = tpu.memref_slice %arg2[%select_n3A, %add3A_659, %dma_wait3A_1350] : memref<2x1024x1024xf32, #tpu.memory_space<hbm>> -> memref<1x1x1024xf32, #tpu.memory_space<hbm>>
    %dma_wait3A_1352 = tpu.memref_squeeze %dma_wait3A_1351 : memref<1x1x1024xf32, #tpu.memory_space<hbm>> -> memref<1024xf32, #tpu.memory_space<hbm>>
    %dma_wait3A_1353 = arith.constant 53248 : i32
    %dma_wait3A_1354 = tpu.memref_slice %arg5[%dma_wait3A_1353] : memref<65536xf32, #tpu.memory_space<vmem>> -> memref<1024xf32, #tpu.memory_space<vmem>>
    %dma_wait3A_1355 = arith.constant 0 : i32
    %dma_wait3A_1356 = tpu.memref_slice %arg2[%select_n3A, %add3A_659, %dma_wait3A_1355] : memref<2x1024x1024xf32, #tpu.memory_space<hbm>> -> memref<1x1x1024xf32, #tpu.memory_space<hbm>>
    %dma_wait3A_1357 = tpu.memref_squeeze %dma_wait3A_1356 : memref<1x1x1024xf32, #tpu.memory_space<hbm>> -> memref<1024xf32, #tpu.memory_space<hbm>>
    tpu.wait_dma2 semaphore(%arg8 : memref<!tpu.dma_semaphore, #tpu.memory_space<semaphore_mem>>) src(%dma_wait3A_1357 : memref<1024xf32, #tpu.memory_space<hbm>>) dst(%dma_wait3A_1354 : memref<1024xf32, #tpu.memory_space<vmem>>)
    %dma_wait3A_1358 = arith.constant 54272 : i32
    %dma_wait3A_1359 = tpu.memref_slice %arg5[%dma_wait3A_1358] : memref<65536xf32, #tpu.memory_space<vmem>> -> memref<1024xf32, #tpu.memory_space<vmem>>
    %dma_wait3A_1360 = arith.constant 0 : i32
    %dma_wait3A_1361 = tpu.memref_slice %arg2[%select_n3A, %add3A_671, %dma_wait3A_1360] : memref<2x1024x1024xf32, #tpu.memory_space<hbm>> -> memref<1x1x1024xf32, #tpu.memory_space<hbm>>
    %dma_wait3A_1362 = tpu.memref_squeeze %dma_wait3A_1361 : memref<1x1x1024xf32, #tpu.memory_space<hbm>> -> memref<1024xf32, #tpu.memory_space<hbm>>
    %dma_wait3A_1363 = arith.constant 54272 : i32
    %dma_wait3A_1364 = tpu.memref_slice %arg5[%dma_wait3A_1363] : memref<65536xf32, #tpu.memory_space<vmem>> -> memref<1024xf32, #tpu.memory_space<vmem>>
    %dma_wait3A_1365 = arith.constant 0 : i32
    %dma_wait3A_1366 = tpu.memref_slice %arg2[%select_n3A, %add3A_671, %dma_wait3A_1365] : memref<2x1024x1024xf32, #tpu.memory_space<hbm>> -> memref<1x1x1024xf32, #tpu.memory_space<hbm>>
    %dma_wait3A_1367 = tpu.memref_squeeze %dma_wait3A_1366 : memref<1x1x1024xf32, #tpu.memory_space<hbm>> -> memref<1024xf32, #tpu.memory_space<hbm>>
    tpu.wait_dma2 semaphore(%arg8 : memref<!tpu.dma_semaphore, #tpu.memory_space<semaphore_mem>>) src(%dma_wait3A_1367 : memref<1024xf32, #tpu.memory_space<hbm>>) dst(%dma_wait3A_1364 : memref<1024xf32, #tpu.memory_space<vmem>>)
    %dma_wait3A_1368 = arith.constant 55296 : i32
    %dma_wait3A_1369 = tpu.memref_slice %arg5[%dma_wait3A_1368] : memref<65536xf32, #tpu.memory_space<vmem>> -> memref<1024xf32, #tpu.memory_space<vmem>>
    %dma_wait3A_1370 = arith.constant 0 : i32
    %dma_wait3A_1371 = tpu.memref_slice %arg2[%select_n3A, %add3A_683, %dma_wait3A_1370] : memref<2x1024x1024xf32, #tpu.memory_space<hbm>> -> memref<1x1x1024xf32, #tpu.memory_space<hbm>>
    %dma_wait3A_1372 = tpu.memref_squeeze %dma_wait3A_1371 : memref<1x1x1024xf32, #tpu.memory_space<hbm>> -> memref<1024xf32, #tpu.memory_space<hbm>>
    %dma_wait3A_1373 = arith.constant 55296 : i32
    %dma_wait3A_1374 = tpu.memref_slice %arg5[%dma_wait3A_1373] : memref<65536xf32, #tpu.memory_space<vmem>> -> memref<1024xf32, #tpu.memory_space<vmem>>
    %dma_wait3A_1375 = arith.constant 0 : i32
    %dma_wait3A_1376 = tpu.memref_slice %arg2[%select_n3A, %add3A_683, %dma_wait3A_1375] : memref<2x1024x1024xf32, #tpu.memory_space<hbm>> -> memref<1x1x1024xf32, #tpu.memory_space<hbm>>
    %dma_wait3A_1377 = tpu.memref_squeeze %dma_wait3A_1376 : memref<1x1x1024xf32, #tpu.memory_space<hbm>> -> memref<1024xf32, #tpu.memory_space<hbm>>
    tpu.wait_dma2 semaphore(%arg8 : memref<!tpu.dma_semaphore, #tpu.memory_space<semaphore_mem>>) src(%dma_wait3A_1377 : memref<1024xf32, #tpu.memory_space<hbm>>) dst(%dma_wait3A_1374 : memref<1024xf32, #tpu.memory_space<vmem>>)
    %dma_wait3A_1378 = arith.constant 56320 : i32
    %dma_wait3A_1379 = tpu.memref_slice %arg5[%dma_wait3A_1378] : memref<65536xf32, #tpu.memory_space<vmem>> -> memref<1024xf32, #tpu.memory_space<vmem>>
    %dma_wait3A_1380 = arith.constant 0 : i32
    %dma_wait3A_1381 = tpu.memref_slice %arg2[%select_n3A, %add3A_695, %dma_wait3A_1380] : memref<2x1024x1024xf32, #tpu.memory_space<hbm>> -> memref<1x1x1024xf32, #tpu.memory_space<hbm>>
    %dma_wait3A_1382 = tpu.memref_squeeze %dma_wait3A_1381 : memref<1x1x1024xf32, #tpu.memory_space<hbm>> -> memref<1024xf32, #tpu.memory_space<hbm>>
    %dma_wait3A_1383 = arith.constant 56320 : i32
    %dma_wait3A_1384 = tpu.memref_slice %arg5[%dma_wait3A_1383] : memref<65536xf32, #tpu.memory_space<vmem>> -> memref<1024xf32, #tpu.memory_space<vmem>>
    %dma_wait3A_1385 = arith.constant 0 : i32
    %dma_wait3A_1386 = tpu.memref_slice %arg2[%select_n3A, %add3A_695, %dma_wait3A_1385] : memref<2x1024x1024xf32, #tpu.memory_space<hbm>> -> memref<1x1x1024xf32, #tpu.memory_space<hbm>>
    %dma_wait3A_1387 = tpu.memref_squeeze %dma_wait3A_1386 : memref<1x1x1024xf32, #tpu.memory_space<hbm>> -> memref<1024xf32, #tpu.memory_space<hbm>>
    tpu.wait_dma2 semaphore(%arg8 : memref<!tpu.dma_semaphore, #tpu.memory_space<semaphore_mem>>) src(%dma_wait3A_1387 : memref<1024xf32, #tpu.memory_space<hbm>>) dst(%dma_wait3A_1384 : memref<1024xf32, #tpu.memory_space<vmem>>)
    %dma_wait3A_1388 = arith.constant 57344 : i32
    %dma_wait3A_1389 = tpu.memref_slice %arg5[%dma_wait3A_1388] : memref<65536xf32, #tpu.memory_space<vmem>> -> memref<1024xf32, #tpu.memory_space<vmem>>
    %dma_wait3A_1390 = arith.constant 0 : i32
    %dma_wait3A_1391 = tpu.memref_slice %arg2[%select_n3A, %add3A_707, %dma_wait3A_1390] : memref<2x1024x1024xf32, #tpu.memory_space<hbm>> -> memref<1x1x1024xf32, #tpu.memory_space<hbm>>
    %dma_wait3A_1392 = tpu.memref_squeeze %dma_wait3A_1391 : memref<1x1x1024xf32, #tpu.memory_space<hbm>> -> memref<1024xf32, #tpu.memory_space<hbm>>
    %dma_wait3A_1393 = arith.constant 57344 : i32
    %dma_wait3A_1394 = tpu.memref_slice %arg5[%dma_wait3A_1393] : memref<65536xf32, #tpu.memory_space<vmem>> -> memref<1024xf32, #tpu.memory_space<vmem>>
    %dma_wait3A_1395 = arith.constant 0 : i32
    %dma_wait3A_1396 = tpu.memref_slice %arg2[%select_n3A, %add3A_707, %dma_wait3A_1395] : memref<2x1024x1024xf32, #tpu.memory_space<hbm>> -> memref<1x1x1024xf32, #tpu.memory_space<hbm>>
    %dma_wait3A_1397 = tpu.memref_squeeze %dma_wait3A_1396 : memref<1x1x1024xf32, #tpu.memory_space<hbm>> -> memref<1024xf32, #tpu.memory_space<hbm>>
    tpu.wait_dma2 semaphore(%arg8 : memref<!tpu.dma_semaphore, #tpu.memory_space<semaphore_mem>>) src(%dma_wait3A_1397 : memref<1024xf32, #tpu.memory_space<hbm>>) dst(%dma_wait3A_1394 : memref<1024xf32, #tpu.memory_space<vmem>>)
    %dma_wait3A_1398 = arith.constant 58368 : i32
    %dma_wait3A_1399 = tpu.memref_slice %arg5[%dma_wait3A_1398] : memref<65536xf32, #tpu.memory_space<vmem>> -> memref<1024xf32, #tpu.memory_space<vmem>>
    %dma_wait3A_1400 = arith.constant 0 : i32
    %dma_wait3A_1401 = tpu.memref_slice %arg2[%select_n3A, %add3A_719, %dma_wait3A_1400] : memref<2x1024x1024xf32, #tpu.memory_space<hbm>> -> memref<1x1x1024xf32, #tpu.memory_space<hbm>>
    %dma_wait3A_1402 = tpu.memref_squeeze %dma_wait3A_1401 : memref<1x1x1024xf32, #tpu.memory_space<hbm>> -> memref<1024xf32, #tpu.memory_space<hbm>>
    %dma_wait3A_1403 = arith.constant 58368 : i32
    %dma_wait3A_1404 = tpu.memref_slice %arg5[%dma_wait3A_1403] : memref<65536xf32, #tpu.memory_space<vmem>> -> memref<1024xf32, #tpu.memory_space<vmem>>
    %dma_wait3A_1405 = arith.constant 0 : i32
    %dma_wait3A_1406 = tpu.memref_slice %arg2[%select_n3A, %add3A_719, %dma_wait3A_1405] : memref<2x1024x1024xf32, #tpu.memory_space<hbm>> -> memref<1x1x1024xf32, #tpu.memory_space<hbm>>
    %dma_wait3A_1407 = tpu.memref_squeeze %dma_wait3A_1406 : memref<1x1x1024xf32, #tpu.memory_space<hbm>> -> memref<1024xf32, #tpu.memory_space<hbm>>
    tpu.wait_dma2 semaphore(%arg8 : memref<!tpu.dma_semaphore, #tpu.memory_space<semaphore_mem>>) src(%dma_wait3A_1407 : memref<1024xf32, #tpu.memory_space<hbm>>) dst(%dma_wait3A_1404 : memref<1024xf32, #tpu.memory_space<vmem>>)
    %dma_wait3A_1408 = arith.constant 59392 : i32
    %dma_wait3A_1409 = tpu.memref_slice %arg5[%dma_wait3A_1408] : memref<65536xf32, #tpu.memory_space<vmem>> -> memref<1024xf32, #tpu.memory_space<vmem>>
    %dma_wait3A_1410 = arith.constant 0 : i32
    %dma_wait3A_1411 = tpu.memref_slice %arg2[%select_n3A, %add3A_731, %dma_wait3A_1410] : memref<2x1024x1024xf32, #tpu.memory_space<hbm>> -> memref<1x1x1024xf32, #tpu.memory_space<hbm>>
    %dma_wait3A_1412 = tpu.memref_squeeze %dma_wait3A_1411 : memref<1x1x1024xf32, #tpu.memory_space<hbm>> -> memref<1024xf32, #tpu.memory_space<hbm>>
    %dma_wait3A_1413 = arith.constant 59392 : i32
    %dma_wait3A_1414 = tpu.memref_slice %arg5[%dma_wait3A_1413] : memref<65536xf32, #tpu.memory_space<vmem>> -> memref<1024xf32, #tpu.memory_space<vmem>>
    %dma_wait3A_1415 = arith.constant 0 : i32
    %dma_wait3A_1416 = tpu.memref_slice %arg2[%select_n3A, %add3A_731, %dma_wait3A_1415] : memref<2x1024x1024xf32, #tpu.memory_space<hbm>> -> memref<1x1x1024xf32, #tpu.memory_space<hbm>>
    %dma_wait3A_1417 = tpu.memref_squeeze %dma_wait3A_1416 : memref<1x1x1024xf32, #tpu.memory_space<hbm>> -> memref<1024xf32, #tpu.memory_space<hbm>>
    tpu.wait_dma2 semaphore(%arg8 : memref<!tpu.dma_semaphore, #tpu.memory_space<semaphore_mem>>) src(%dma_wait3A_1417 : memref<1024xf32, #tpu.memory_space<hbm>>) dst(%dma_wait3A_1414 : memref<1024xf32, #tpu.memory_space<vmem>>)
    %dma_wait3A_1418 = arith.constant 60416 : i32
    %dma_wait3A_1419 = tpu.memref_slice %arg5[%dma_wait3A_1418] : memref<65536xf32, #tpu.memory_space<vmem>> -> memref<1024xf32, #tpu.memory_space<vmem>>
    %dma_wait3A_1420 = arith.constant 0 : i32
    %dma_wait3A_1421 = tpu.memref_slice %arg2[%select_n3A, %add3A_743, %dma_wait3A_1420] : memref<2x1024x1024xf32, #tpu.memory_space<hbm>> -> memref<1x1x1024xf32, #tpu.memory_space<hbm>>
    %dma_wait3A_1422 = tpu.memref_squeeze %dma_wait3A_1421 : memref<1x1x1024xf32, #tpu.memory_space<hbm>> -> memref<1024xf32, #tpu.memory_space<hbm>>
    %dma_wait3A_1423 = arith.constant 60416 : i32
    %dma_wait3A_1424 = tpu.memref_slice %arg5[%dma_wait3A_1423] : memref<65536xf32, #tpu.memory_space<vmem>> -> memref<1024xf32, #tpu.memory_space<vmem>>
    %dma_wait3A_1425 = arith.constant 0 : i32
    %dma_wait3A_1426 = tpu.memref_slice %arg2[%select_n3A, %add3A_743, %dma_wait3A_1425] : memref<2x1024x1024xf32, #tpu.memory_space<hbm>> -> memref<1x1x1024xf32, #tpu.memory_space<hbm>>
    %dma_wait3A_1427 = tpu.memref_squeeze %dma_wait3A_1426 : memref<1x1x1024xf32, #tpu.memory_space<hbm>> -> memref<1024xf32, #tpu.memory_space<hbm>>
    tpu.wait_dma2 semaphore(%arg8 : memref<!tpu.dma_semaphore, #tpu.memory_space<semaphore_mem>>) src(%dma_wait3A_1427 : memref<1024xf32, #tpu.memory_space<hbm>>) dst(%dma_wait3A_1424 : memref<1024xf32, #tpu.memory_space<vmem>>)
    %dma_wait3A_1428 = arith.constant 61440 : i32
    %dma_wait3A_1429 = tpu.memref_slice %arg5[%dma_wait3A_1428] : memref<65536xf32, #tpu.memory_space<vmem>> -> memref<1024xf32, #tpu.memory_space<vmem>>
    %dma_wait3A_1430 = arith.constant 0 : i32
    %dma_wait3A_1431 = tpu.memref_slice %arg2[%select_n3A, %add3A_755, %dma_wait3A_1430] : memref<2x1024x1024xf32, #tpu.memory_space<hbm>> -> memref<1x1x1024xf32, #tpu.memory_space<hbm>>
    %dma_wait3A_1432 = tpu.memref_squeeze %dma_wait3A_1431 : memref<1x1x1024xf32, #tpu.memory_space<hbm>> -> memref<1024xf32, #tpu.memory_space<hbm>>
    %dma_wait3A_1433 = arith.constant 61440 : i32
    %dma_wait3A_1434 = tpu.memref_slice %arg5[%dma_wait3A_1433] : memref<65536xf32, #tpu.memory_space<vmem>> -> memref<1024xf32, #tpu.memory_space<vmem>>
    %dma_wait3A_1435 = arith.constant 0 : i32
    %dma_wait3A_1436 = tpu.memref_slice %arg2[%select_n3A, %add3A_755, %dma_wait3A_1435] : memref<2x1024x1024xf32, #tpu.memory_space<hbm>> -> memref<1x1x1024xf32, #tpu.memory_space<hbm>>
    %dma_wait3A_1437 = tpu.memref_squeeze %dma_wait3A_1436 : memref<1x1x1024xf32, #tpu.memory_space<hbm>> -> memref<1024xf32, #tpu.memory_space<hbm>>
    tpu.wait_dma2 semaphore(%arg8 : memref<!tpu.dma_semaphore, #tpu.memory_space<semaphore_mem>>) src(%dma_wait3A_1437 : memref<1024xf32, #tpu.memory_space<hbm>>) dst(%dma_wait3A_1434 : memref<1024xf32, #tpu.memory_space<vmem>>)
    %dma_wait3A_1438 = arith.constant 62464 : i32
    %dma_wait3A_1439 = tpu.memref_slice %arg5[%dma_wait3A_1438] : memref<65536xf32, #tpu.memory_space<vmem>> -> memref<1024xf32, #tpu.memory_space<vmem>>
    %dma_wait3A_1440 = arith.constant 0 : i32
    %dma_wait3A_1441 = tpu.memref_slice %arg2[%select_n3A, %add3A_767, %dma_wait3A_1440] : memref<2x1024x1024xf32, #tpu.memory_space<hbm>> -> memref<1x1x1024xf32, #tpu.memory_space<hbm>>
    %dma_wait3A_1442 = tpu.memref_squeeze %dma_wait3A_1441 : memref<1x1x1024xf32, #tpu.memory_space<hbm>> -> memref<1024xf32, #tpu.memory_space<hbm>>
    %dma_wait3A_1443 = arith.constant 62464 : i32
    %dma_wait3A_1444 = tpu.memref_slice %arg5[%dma_wait3A_1443] : memref<65536xf32, #tpu.memory_space<vmem>> -> memref<1024xf32, #tpu.memory_space<vmem>>
    %dma_wait3A_1445 = arith.constant 0 : i32
    %dma_wait3A_1446 = tpu.memref_slice %arg2[%select_n3A, %add3A_767, %dma_wait3A_1445] : memref<2x1024x1024xf32, #tpu.memory_space<hbm>> -> memref<1x1x1024xf32, #tpu.memory_space<hbm>>
    %dma_wait3A_1447 = tpu.memref_squeeze %dma_wait3A_1446 : memref<1x1x1024xf32, #tpu.memory_space<hbm>> -> memref<1024xf32, #tpu.memory_space<hbm>>
    tpu.wait_dma2 semaphore(%arg8 : memref<!tpu.dma_semaphore, #tpu.memory_space<semaphore_mem>>) src(%dma_wait3A_1447 : memref<1024xf32, #tpu.memory_space<hbm>>) dst(%dma_wait3A_1444 : memref<1024xf32, #tpu.memory_space<vmem>>)
    %dma_wait3A_1448 = arith.constant 63488 : i32
    %dma_wait3A_1449 = tpu.memref_slice %arg5[%dma_wait3A_1448] : memref<65536xf32, #tpu.memory_space<vmem>> -> memref<1024xf32, #tpu.memory_space<vmem>>
    %dma_wait3A_1450 = arith.constant 0 : i32
    %dma_wait3A_1451 = tpu.memref_slice %arg2[%select_n3A, %add3A_779, %dma_wait3A_1450] : memref<2x1024x1024xf32, #tpu.memory_space<hbm>> -> memref<1x1x1024xf32, #tpu.memory_space<hbm>>
    %dma_wait3A_1452 = tpu.memref_squeeze %dma_wait3A_1451 : memref<1x1x1024xf32, #tpu.memory_space<hbm>> -> memref<1024xf32, #tpu.memory_space<hbm>>
    %dma_wait3A_1453 = arith.constant 63488 : i32
    %dma_wait3A_1454 = tpu.memref_slice %arg5[%dma_wait3A_1453] : memref<65536xf32, #tpu.memory_space<vmem>> -> memref<1024xf32, #tpu.memory_space<vmem>>
    %dma_wait3A_1455 = arith.constant 0 : i32
    %dma_wait3A_1456 = tpu.memref_slice %arg2[%select_n3A, %add3A_779, %dma_wait3A_1455] : memref<2x1024x1024xf32, #tpu.memory_space<hbm>> -> memref<1x1x1024xf32, #tpu.memory_space<hbm>>
    %dma_wait3A_1457 = tpu.memref_squeeze %dma_wait3A_1456 : memref<1x1x1024xf32, #tpu.memory_space<hbm>> -> memref<1024xf32, #tpu.memory_space<hbm>>
    tpu.wait_dma2 semaphore(%arg8 : memref<!tpu.dma_semaphore, #tpu.memory_space<semaphore_mem>>) src(%dma_wait3A_1457 : memref<1024xf32, #tpu.memory_space<hbm>>) dst(%dma_wait3A_1454 : memref<1024xf32, #tpu.memory_space<vmem>>)
    %dma_wait3A_1458 = arith.constant 64512 : i32
    %dma_wait3A_1459 = tpu.memref_slice %arg5[%dma_wait3A_1458] : memref<65536xf32, #tpu.memory_space<vmem>> -> memref<1024xf32, #tpu.memory_space<vmem>>
    %dma_wait3A_1460 = arith.constant 0 : i32
    %dma_wait3A_1461 = tpu.memref_slice %arg2[%select_n3A, %add3A_791, %dma_wait3A_1460] : memref<2x1024x1024xf32, #tpu.memory_space<hbm>> -> memref<1x1x1024xf32, #tpu.memory_space<hbm>>
    %dma_wait3A_1462 = tpu.memref_squeeze %dma_wait3A_1461 : memref<1x1x1024xf32, #tpu.memory_space<hbm>> -> memref<1024xf32, #tpu.memory_space<hbm>>
    %dma_wait3A_1463 = arith.constant 64512 : i32
    %dma_wait3A_1464 = tpu.memref_slice %arg5[%dma_wait3A_1463] : memref<65536xf32, #tpu.memory_space<vmem>> -> memref<1024xf32, #tpu.memory_space<vmem>>
    %dma_wait3A_1465 = arith.constant 0 : i32
    %dma_wait3A_1466 = tpu.memref_slice %arg2[%select_n3A, %add3A_791, %dma_wait3A_1465] : memref<2x1024x1024xf32, #tpu.memory_space<hbm>> -> memref<1x1x1024xf32, #tpu.memory_space<hbm>>
    %dma_wait3A_1467 = tpu.memref_squeeze %dma_wait3A_1466 : memref<1x1x1024xf32, #tpu.memory_space<hbm>> -> memref<1024xf32, #tpu.memory_space<hbm>>
    tpu.wait_dma2 semaphore(%arg8 : memref<!tpu.dma_semaphore, #tpu.memory_space<semaphore_mem>>) src(%dma_wait3A_1467 : memref<1024xf32, #tpu.memory_space<hbm>>) dst(%dma_wait3A_1464 : memref<1024xf32, #tpu.memory_space<vmem>>)
    %broadcast_in_dim3A = arith.constant 0.000000e+00 : f32
    %broadcast_in_dim3A_1468 = vector.broadcast %broadcast_in_dim3A : f32 to vector<16xf32>
    %broadcast_in_dim3A_1469 = arith.constant 0.000000e+00 : f32
    %broadcast_in_dim3A_1470 = vector.broadcast %broadcast_in_dim3A_1469 : f32 to vector<16xf32>
    %iota3A = tpu.iota {dimensions = array<i32: 0>} : vector<16xi32>
    %add3A_1471 = arith.constant 0 : i32
    %add3A_1472 = vector.broadcast %add3A_1471 : i32 to vector<16xi32>
    %add3A_1473 = arith.addi %iota3A, %add3A_1472 : vector<16xi32>
    %shift_right_arithmetic3A = arith.constant 5 : i32
    %shift_right_arithmetic3A_1474 = vector.broadcast %shift_right_arithmetic3A : i32 to vector<16xi32>
    %shift_right_arithmetic3A_1475 = arith.shrsi %add3A_1473, %shift_right_arithmetic3A_1474 : vector<16xi32>
    %and3A_1476 = arith.constant 31 : i32
    %and3A_1477 = vector.broadcast %and3A_1476 : i32 to vector<16xi32>
    %and3A_1478 = arith.andi %add3A_1473, %and3A_1477 : vector<16xi32>
    %mul3A_1479 = arith.constant 512 : i32
    %mul3A_1480 = vector.broadcast %mul3A_1479 : i32 to vector<16xi32>
    %mul3A_1481 = arith.muli %shift_right_arithmetic3A_1475, %mul3A_1480 : vector<16xi32>
    %shift_left3A = arith.constant 3 : i32
    %shift_left3A_1482 = vector.broadcast %shift_left3A : i32 to vector<16xi32>
    %shift_left3A_1483 = arith.shli %and3A_1478, %shift_left3A_1482 : vector<16xi32>
    %add3A_1484 = arith.addi %mul3A_1481, %shift_left3A_1483 : vector<16xi32>
    %add3A_1485 = arith.constant 4 : i32
    %add3A_1486 = vector.broadcast %add3A_1485 : i32 to vector<16xi32>
    %add3A_1487 = arith.addi %add3A_1484, %add3A_1486 : vector<16xi32>
    %gather3A = tpu.vector_load_idx %arg6[%add3A_1487] : memref<1024xf32, #tpu.memory_space<vmem>>[vector<16xi32>], vector<16xf32>,
    %add3A_1488 = arith.constant 256 : i32
    %add3A_1489 = vector.broadcast %add3A_1488 : i32 to vector<16xi32>
    %add3A_1490 = arith.addi %add3A_1487, %add3A_1489 : vector<16xi32>
    %gather3A_1491 = tpu.vector_load_idx %arg6[%add3A_1490] : memref<1024xf32, #tpu.memory_space<vmem>>[vector<16xi32>], vector<16xf32>,
    %mul3A_1492 = arith.constant 2.560000e+02 : f32
    %mul3A_1493 = vector.broadcast %mul3A_1492 : f32 to vector<16xf32>
    %mul3A_1494 = arith.mulf %gather3A, %mul3A_1493 : vector<16xf32>
    %mul3A_1495 = arith.constant 2.560000e+02 : f32
    %mul3A_1496 = vector.broadcast %mul3A_1495 : f32 to vector<16xf32>
    %mul3A_1497 = arith.mulf %gather3A_1491, %mul3A_1496 : vector<16xf32>
    %convert_element_type3A = arith.fptosi %mul3A_1494 : vector<16xf32> to vector<16xi32>
    %convert_element_type3A_1498 = arith.fptosi %mul3A_1497 : vector<16xf32> to vector<16xi32>
    %convert_element_type3A_1499 = arith.sitofp %convert_element_type3A : vector<16xi32> to vector<16xf32>
    %gt3A = arith.cmpf ogt, %convert_element_type3A_1499, %mul3A_1494 : vector<16xf32>
    %convert_element_type3A_1500 = arith.extui %gt3A : vector<16xi1> to vector<16xi32>
    %sub3A_1501 = arith.subi %convert_element_type3A, %convert_element_type3A_1500 : vector<16xi32>
    %convert_element_type3A_1502 = arith.sitofp %convert_element_type3A_1498 : vector<16xi32> to vector<16xf32>
    %gt3A_1503 = arith.cmpf ogt, %convert_element_type3A_1502, %mul3A_1497 : vector<16xf32>
    %convert_element_type3A_1504 = arith.extui %gt3A_1503 : vector<16xi1> to vector<16xi32>
    %sub3A_1505 = arith.subi %convert_element_type3A_1498, %convert_element_type3A_1504 : vector<16xi32>
    %ge3A = arith.constant 0 : i32
    %ge3A_1506 = vector.broadcast %ge3A : i32 to vector<16xi32>
    %ge3A_1507 = arith.cmpi sge, %sub3A_1501, %ge3A_1506 : vector<16xi32>
    %ge3A_1508 = arith.constant 0 : i32
    %ge3A_1509 = vector.broadcast %ge3A_1508 : i32 to vector<16xi32>
    %ge3A_1510 = arith.cmpi sge, %sub3A_1505, %ge3A_1509 : vector<16xi32>
    %and3A_1511 = arith.andi %ge3A_1507, %ge3A_1510 : vector<16xi1>
    %le3A = arith.constant 255 : i32
    %le3A_1512 = vector.broadcast %le3A : i32 to vector<16xi32>
    %le3A_1513 = arith.cmpi sle, %sub3A_1501, %le3A_1512 : vector<16xi32>
    %and3A_1514 = arith.andi %and3A_1511, %le3A_1513 : vector<16xi1>
    %le3A_1515 = arith.constant 255 : i32
    %le3A_1516 = vector.broadcast %le3A_1515 : i32 to vector<16xi32>
    %le3A_1517 = arith.cmpi sle, %sub3A_1505, %le3A_1516 : vector<16xi32>
    %and3A_1518 = arith.andi %and3A_1514, %le3A_1517 : vector<16xi1>
    %shift_right_arithmetic3A_1519 = arith.constant 3 : i32
    %shift_right_arithmetic3A_1520 = vector.broadcast %shift_right_arithmetic3A_1519 : i32 to vector<16xi32>
    %shift_right_arithmetic3A_1521 = arith.shrsi %sub3A_1501, %shift_right_arithmetic3A_1520 : vector<16xi32>
    %add3A_1522 = arith.constant 1 : i32
    %add3A_1523 = vector.broadcast %add3A_1522 : i32 to vector<16xi32>
    %add3A_1524 = arith.addi %sub3A_1501, %add3A_1523 : vector<16xi32>
    %shift_right_arithmetic3A_1525 = arith.constant 3 : i32
    %shift_right_arithmetic3A_1526 = vector.broadcast %shift_right_arithmetic3A_1525 : i32 to vector<16xi32>
    %shift_right_arithmetic3A_1527 = arith.shrsi %add3A_1524, %shift_right_arithmetic3A_1526 : vector<16xi32>
    %shift_right_arithmetic3A_1528 = arith.constant 3 : i32
    %shift_right_arithmetic3A_1529 = vector.broadcast %shift_right_arithmetic3A_1528 : i32 to vector<16xi32>
    %shift_right_arithmetic3A_1530 = arith.shrsi %sub3A_1505, %shift_right_arithmetic3A_1529 : vector<16xi32>
    %add3A_1531 = arith.constant 1 : i32
    %add3A_1532 = vector.broadcast %add3A_1531 : i32 to vector<16xi32>
    %add3A_1533 = arith.addi %sub3A_1505, %add3A_1532 : vector<16xi32>
    %shift_right_arithmetic3A_1534 = arith.constant 3 : i32
    %shift_right_arithmetic3A_1535 = vector.broadcast %shift_right_arithmetic3A_1534 : i32 to vector<16xi32>
    %shift_right_arithmetic3A_1536 = arith.shrsi %add3A_1533, %shift_right_arithmetic3A_1535 : vector<16xi32>
    %ge3A_1537 = arith.constant 0 : i32
    %ge3A_1538 = vector.broadcast %ge3A_1537 : i32 to vector<16xi32>
    %ge3A_1539 = arith.cmpi sge, %shift_right_arithmetic3A_1521, %ge3A_1538 : vector<16xi32>
    %le3A_1540 = arith.constant 32 : i32
    %le3A_1541 = vector.broadcast %le3A_1540 : i32 to vector<16xi32>
    %le3A_1542 = arith.cmpi sle, %shift_right_arithmetic3A_1521, %le3A_1541 : vector<16xi32>
    %and3A_1543 = arith.andi %ge3A_1539, %le3A_1542 : vector<16xi1>
    %ne3A_1544 = arith.cmpi ne, %shift_right_arithmetic3A_1527, %shift_right_arithmetic3A_1521 : vector<16xi32>
    %ge3A_1545 = arith.constant 0 : i32
    %ge3A_1546 = vector.broadcast %ge3A_1545 : i32 to vector<16xi32>
    %ge3A_1547 = arith.cmpi sge, %shift_right_arithmetic3A_1527, %ge3A_1546 : vector<16xi32>
    %and3A_1548 = arith.andi %ne3A_1544, %ge3A_1547 : vector<16xi1>
    %le3A_1549 = arith.constant 32 : i32
    %le3A_1550 = vector.broadcast %le3A_1549 : i32 to vector<16xi32>
    %le3A_1551 = arith.cmpi sle, %shift_right_arithmetic3A_1527, %le3A_1550 : vector<16xi32>
    %and3A_1552 = arith.andi %and3A_1548, %le3A_1551 : vector<16xi1>
    %ge3A_1553 = arith.constant 0 : i32
    %ge3A_1554 = vector.broadcast %ge3A_1553 : i32 to vector<16xi32>
    %ge3A_1555 = arith.cmpi sge, %shift_right_arithmetic3A_1530, %ge3A_1554 : vector<16xi32>
    %le3A_1556 = arith.constant 32 : i32
    %le3A_1557 = vector.broadcast %le3A_1556 : i32 to vector<16xi32>
    %le3A_1558 = arith.cmpi sle, %shift_right_arithmetic3A_1530, %le3A_1557 : vector<16xi32>
    %and3A_1559 = arith.andi %ge3A_1555, %le3A_1558 : vector<16xi1>
    %ne3A_1560 = arith.cmpi ne, %shift_right_arithmetic3A_1536, %shift_right_arithmetic3A_1530 : vector<16xi32>
    %ge3A_1561 = arith.constant 0 : i32
    %ge3A_1562 = vector.broadcast %ge3A_1561 : i32 to vector<16xi32>
    %ge3A_1563 = arith.cmpi sge, %shift_right_arithmetic3A_1536, %ge3A_1562 : vector<16xi32>
    %and3A_1564 = arith.andi %ne3A_1560, %ge3A_1563 : vector<16xi1>
    %le3A_1565 = arith.constant 32 : i32
    %le3A_1566 = vector.broadcast %le3A_1565 : i32 to vector<16xi32>
    %le3A_1567 = arith.cmpi sle, %shift_right_arithmetic3A_1536, %le3A_1566 : vector<16xi32>
    %and3A_1568 = arith.andi %and3A_1564, %le3A_1567 : vector<16xi1>
    %and3A_1569 = arith.andi %and3A_1543, %and3A_1559 : vector<16xi1>
    %and3A_1570 = arith.andi %and3A_1543, %and3A_1568 : vector<16xi1>
    %and3A_1571 = arith.andi %and3A_1552, %and3A_1559 : vector<16xi1>
    %and3A_1572 = arith.andi %and3A_1552, %and3A_1568 : vector<16xi1>
    %jit3A_1573 = arith.constant 0 : i32
    %jit3A_1574 = arith.constant 31 : i32
    %max3A = vector.broadcast %jit3A_1573 : i32 to vector<16xi32>
    %max3A_1575 = arith.maxsi %max3A, %shift_right_arithmetic3A_1530 : vector<16xi32>
    %min3A = vector.broadcast %jit3A_1574 : i32 to vector<16xi32>
    %min3A_1576 = arith.minsi %min3A, %max3A_1575 : vector<16xi32>
    %mul3A_1577 = arith.constant 32 : i32
    %mul3A_1578 = vector.broadcast %mul3A_1577 : i32 to vector<16xi32>
    %mul3A_1579 = arith.muli %min3A_1576, %mul3A_1578 : vector<16xi32>
    %jit3A_1580 = arith.constant 0 : i32
    %jit3A_1581 = arith.constant 31 : i32
    %max3A_1582 = vector.broadcast %jit3A_1580 : i32 to vector<16xi32>
    %max3A_1583 = arith.maxsi %max3A_1582, %shift_right_arithmetic3A_1521 : vector<16xi32>
    %min3A_1584 = vector.broadcast %jit3A_1581 : i32 to vector<16xi32>
    %min3A_1585 = arith.minsi %min3A_1584, %max3A_1583 : vector<16xi32>
    %add3A_1586 = arith.addi %mul3A_1579, %min3A_1585 : vector<16xi32>
    %mul3A_1587 = arith.constant 1024 : i32
    %mul3A_1588 = vector.broadcast %mul3A_1587 : i32 to vector<16xi32>
    %mul3A_1589 = arith.muli %add3A_1473, %mul3A_1588 : vector<16xi32>
    %add3A_1590 = arith.addi %mul3A_1589, %add3A_1586 : vector<16xi32>
    %gather3A_1591 = tpu.vector_load_idx %arg5[%add3A_1590] : memref<65536xf32, #tpu.memory_space<vmem>>[vector<16xi32>], vector<16xf32>,
    %and3A_1592 = arith.andi %and3A_1569, %and3A_1518 : vector<16xi1>
    %max3A_1593 = arith.constant 0.000000e+00 : f32
    %max3A_1594 = vector.broadcast %max3A_1593 : f32 to vector<16xf32>
    %max3A_1595 = arith.maximumf %gather3A_1591, %max3A_1594 : vector<16xf32>
    %jit3A_1596 = arith.constant 0.000000e+00 : f32
    %broadcast_in_dim3A_1597 = vector.broadcast %jit3A_1596 : f32 to vector<16xf32>
    %select_n3A_1598 = arith.select %and3A_1592, %max3A_1595, %broadcast_in_dim3A_1597 : vector<16xi1>, vector<16xf32>
    %add3A_1599 = arith.addf %broadcast_in_dim3A_1468, %select_n3A_1598 : vector<16xf32>
    %jit3A_1600 = arith.constant 1.000000e+00 : f32
    %jit3A_1601 = arith.constant 0.000000e+00 : f32
    %broadcast_in_dim3A_1602 = vector.broadcast %jit3A_1600 : f32 to vector<16xf32>
    %broadcast_in_dim3A_1603 = vector.broadcast %jit3A_1601 : f32 to vector<16xf32>
    %select_n3A_1604 = arith.select %and3A_1592, %broadcast_in_dim3A_1602, %broadcast_in_dim3A_1603 : vector<16xi1>, vector<16xf32>
    %add3A_1605 = arith.addf %broadcast_in_dim3A_1470, %select_n3A_1604 : vector<16xf32>
    %jit3A_1606 = arith.constant 0 : i32
    %jit3A_1607 = arith.constant 31 : i32
    %max3A_1608 = vector.broadcast %jit3A_1606 : i32 to vector<16xi32>
    %max3A_1609 = arith.maxsi %max3A_1608, %shift_right_arithmetic3A_1536 : vector<16xi32>
    %min3A_1610 = vector.broadcast %jit3A_1607 : i32 to vector<16xi32>
    %min3A_1611 = arith.minsi %min3A_1610, %max3A_1609 : vector<16xi32>
    %mul3A_1612 = arith.constant 32 : i32
    %mul3A_1613 = vector.broadcast %mul3A_1612 : i32 to vector<16xi32>
    %mul3A_1614 = arith.muli %min3A_1611, %mul3A_1613 : vector<16xi32>
    %jit3A_1615 = arith.constant 0 : i32
    %jit3A_1616 = arith.constant 31 : i32
    %max3A_1617 = vector.broadcast %jit3A_1615 : i32 to vector<16xi32>
    %max3A_1618 = arith.maxsi %max3A_1617, %shift_right_arithmetic3A_1521 : vector<16xi32>
    %min3A_1619 = vector.broadcast %jit3A_1616 : i32 to vector<16xi32>
    %min3A_1620 = arith.minsi %min3A_1619, %max3A_1618 : vector<16xi32>
    %add3A_1621 = arith.addi %mul3A_1614, %min3A_1620 : vector<16xi32>
    %mul3A_1622 = arith.constant 1024 : i32
    %mul3A_1623 = vector.broadcast %mul3A_1622 : i32 to vector<16xi32>
    %mul3A_1624 = arith.muli %add3A_1473, %mul3A_1623 : vector<16xi32>
    %add3A_1625 = arith.addi %mul3A_1624, %add3A_1621 : vector<16xi32>
    %gather3A_1626 = tpu.vector_load_idx %arg5[%add3A_1625] : memref<65536xf32, #tpu.memory_space<vmem>>[vector<16xi32>], vector<16xf32>,
    %and3A_1627 = arith.andi %and3A_1570, %and3A_1518 : vector<16xi1>
    %max3A_1628 = arith.constant 0.000000e+00 : f32
    %max3A_1629 = vector.broadcast %max3A_1628 : f32 to vector<16xf32>
    %max3A_1630 = arith.maximumf %gather3A_1626, %max3A_1629 : vector<16xf32>
    %jit3A_1631 = arith.constant 0.000000e+00 : f32
    %broadcast_in_dim3A_1632 = vector.broadcast %jit3A_1631 : f32 to vector<16xf32>
    %select_n3A_1633 = arith.select %and3A_1627, %max3A_1630, %broadcast_in_dim3A_1632 : vector<16xi1>, vector<16xf32>
    %add3A_1634 = arith.addf %add3A_1599, %select_n3A_1633 : vector<16xf32>
    %jit3A_1635 = arith.constant 1.000000e+00 : f32
    %jit3A_1636 = arith.constant 0.000000e+00 : f32
    %broadcast_in_dim3A_1637 = vector.broadcast %jit3A_1635 : f32 to vector<16xf32>
    %broadcast_in_dim3A_1638 = vector.broadcast %jit3A_1636 : f32 to vector<16xf32>
    %select_n3A_1639 = arith.select %and3A_1627, %broadcast_in_dim3A_1637, %broadcast_in_dim3A_1638 : vector<16xi1>, vector<16xf32>
    %add3A_1640 = arith.addf %add3A_1605, %select_n3A_1639 : vector<16xf32>
    %jit3A_1641 = arith.constant 0 : i32
    %jit3A_1642 = arith.constant 31 : i32
    %max3A_1643 = vector.broadcast %jit3A_1641 : i32 to vector<16xi32>
    %max3A_1644 = arith.maxsi %max3A_1643, %shift_right_arithmetic3A_1530 : vector<16xi32>
    %min3A_1645 = vector.broadcast %jit3A_1642 : i32 to vector<16xi32>
    %min3A_1646 = arith.minsi %min3A_1645, %max3A_1644 : vector<16xi32>
    %mul3A_1647 = arith.constant 32 : i32
    %mul3A_1648 = vector.broadcast %mul3A_1647 : i32 to vector<16xi32>
    %mul3A_1649 = arith.muli %min3A_1646, %mul3A_1648 : vector<16xi32>
    %jit3A_1650 = arith.constant 0 : i32
    %jit3A_1651 = arith.constant 31 : i32
    %max3A_1652 = vector.broadcast %jit3A_1650 : i32 to vector<16xi32>
    %max3A_1653 = arith.maxsi %max3A_1652, %shift_right_arithmetic3A_1527 : vector<16xi32>
    %min3A_1654 = vector.broadcast %jit3A_1651 : i32 to vector<16xi32>
    %min3A_1655 = arith.minsi %min3A_1654, %max3A_1653 : vector<16xi32>
    %add3A_1656 = arith.addi %mul3A_1649, %min3A_1655 : vector<16xi32>
    %mul3A_1657 = arith.constant 1024 : i32
    %mul3A_1658 = vector.broadcast %mul3A_1657 : i32 to vector<16xi32>
    %mul3A_1659 = arith.muli %add3A_1473, %mul3A_1658 : vector<16xi32>
    %add3A_1660 = arith.addi %mul3A_1659, %add3A_1656 : vector<16xi32>
    %gather3A_1661 = tpu.vector_load_idx %arg5[%add3A_1660] : memref<65536xf32, #tpu.memory_space<vmem>>[vector<16xi32>], vector<16xf32>,
    %and3A_1662 = arith.andi %and3A_1571, %and3A_1518 : vector<16xi1>
    %max3A_1663 = arith.constant 0.000000e+00 : f32
    %max3A_1664 = vector.broadcast %max3A_1663 : f32 to vector<16xf32>
    %max3A_1665 = arith.maximumf %gather3A_1661, %max3A_1664 : vector<16xf32>
    %jit3A_1666 = arith.constant 0.000000e+00 : f32
    %broadcast_in_dim3A_1667 = vector.broadcast %jit3A_1666 : f32 to vector<16xf32>
    %select_n3A_1668 = arith.select %and3A_1662, %max3A_1665, %broadcast_in_dim3A_1667 : vector<16xi1>, vector<16xf32>
    %add3A_1669 = arith.addf %add3A_1634, %select_n3A_1668 : vector<16xf32>
    %jit3A_1670 = arith.constant 1.000000e+00 : f32
    %jit3A_1671 = arith.constant 0.000000e+00 : f32
    %broadcast_in_dim3A_1672 = vector.broadcast %jit3A_1670 : f32 to vector<16xf32>
    %broadcast_in_dim3A_1673 = vector.broadcast %jit3A_1671 : f32 to vector<16xf32>
    %select_n3A_1674 = arith.select %and3A_1662, %broadcast_in_dim3A_1672, %broadcast_in_dim3A_1673 : vector<16xi1>, vector<16xf32>
    %add3A_1675 = arith.addf %add3A_1640, %select_n3A_1674 : vector<16xf32>
    %jit3A_1676 = arith.constant 0 : i32
    %jit3A_1677 = arith.constant 31 : i32
    %max3A_1678 = vector.broadcast %jit3A_1676 : i32 to vector<16xi32>
    %max3A_1679 = arith.maxsi %max3A_1678, %shift_right_arithmetic3A_1536 : vector<16xi32>
    %min3A_1680 = vector.broadcast %jit3A_1677 : i32 to vector<16xi32>
    %min3A_1681 = arith.minsi %min3A_1680, %max3A_1679 : vector<16xi32>
    %mul3A_1682 = arith.constant 32 : i32
    %mul3A_1683 = vector.broadcast %mul3A_1682 : i32 to vector<16xi32>
    %mul3A_1684 = arith.muli %min3A_1681, %mul3A_1683 : vector<16xi32>
    %jit3A_1685 = arith.constant 0 : i32
    %jit3A_1686 = arith.constant 31 : i32
    %max3A_1687 = vector.broadcast %jit3A_1685 : i32 to vector<16xi32>
    %max3A_1688 = arith.maxsi %max3A_1687, %shift_right_arithmetic3A_1527 : vector<16xi32>
    %min3A_1689 = vector.broadcast %jit3A_1686 : i32 to vector<16xi32>
    %min3A_1690 = arith.minsi %min3A_1689, %max3A_1688 : vector<16xi32>
    %add3A_1691 = arith.addi %mul3A_1684, %min3A_1690 : vector<16xi32>
    %mul3A_1692 = arith.constant 1024 : i32
    %mul3A_1693 = vector.broadcast %mul3A_1692 : i32 to vector<16xi32>
    %mul3A_1694 = arith.muli %add3A_1473, %mul3A_1693 : vector<16xi32>
    %add3A_1695 = arith.addi %mul3A_1694, %add3A_1691 : vector<16xi32>
    %gather3A_1696 = tpu.vector_load_idx %arg5[%add3A_1695] : memref<65536xf32, #tpu.memory_space<vmem>>[vector<16xi32>], vector<16xf32>,
    %and3A_1697 = arith.andi %and3A_1572, %and3A_1518 : vector<16xi1>
    %max3A_1698 = arith.constant 0.000000e+00 : f32
    %max3A_1699 = vector.broadcast %max3A_1698 : f32 to vector<16xf32>
    %max3A_1700 = arith.maximumf %gather3A_1696, %max3A_1699 : vector<16xf32>
    %jit3A_1701 = arith.constant 0.000000e+00 : f32
    %broadcast_in_dim3A_1702 = vector.broadcast %jit3A_1701 : f32 to vector<16xf32>
    %select_n3A_1703 = arith.select %and3A_1697, %max3A_1700, %broadcast_in_dim3A_1702 : vector<16xi1>, vector<16xf32>
    %add3A_1704 = arith.addf %add3A_1669, %select_n3A_1703 : vector<16xf32>
    %jit3A_1705 = arith.constant 1.000000e+00 : f32
    %jit3A_1706 = arith.constant 0.000000e+00 : f32
    %broadcast_in_dim3A_1707 = vector.broadcast %jit3A_1705 : f32 to vector<16xf32>
    %broadcast_in_dim3A_1708 = vector.broadcast %jit3A_1706 : f32 to vector<16xf32>
    %select_n3A_1709 = arith.select %and3A_1697, %broadcast_in_dim3A_1707, %broadcast_in_dim3A_1708 : vector<16xi1>, vector<16xf32>
    %add3A_1710 = arith.addf %add3A_1675, %select_n3A_1709 : vector<16xf32>
    %add3A_1711 = arith.constant 16 : i32
    %add3A_1712 = vector.broadcast %add3A_1711 : i32 to vector<16xi32>
    %add3A_1713 = arith.addi %iota3A, %add3A_1712 : vector<16xi32>
    %shift_right_arithmetic3A_1714 = arith.constant 5 : i32
    %shift_right_arithmetic3A_1715 = vector.broadcast %shift_right_arithmetic3A_1714 : i32 to vector<16xi32>
    %shift_right_arithmetic3A_1716 = arith.shrsi %add3A_1713, %shift_right_arithmetic3A_1715 : vector<16xi32>
    %and3A_1717 = arith.constant 31 : i32
    %and3A_1718 = vector.broadcast %and3A_1717 : i32 to vector<16xi32>
    %and3A_1719 = arith.andi %add3A_1713, %and3A_1718 : vector<16xi32>
    %mul3A_1720 = arith.constant 512 : i32
    %mul3A_1721 = vector.broadcast %mul3A_1720 : i32 to vector<16xi32>
    %mul3A_1722 = arith.muli %shift_right_arithmetic3A_1716, %mul3A_1721 : vector<16xi32>
    %shift_left3A_1723 = arith.constant 3 : i32
    %shift_left3A_1724 = vector.broadcast %shift_left3A_1723 : i32 to vector<16xi32>
    %shift_left3A_1725 = arith.shli %and3A_1719, %shift_left3A_1724 : vector<16xi32>
    %add3A_1726 = arith.addi %mul3A_1722, %shift_left3A_1725 : vector<16xi32>
    %add3A_1727 = arith.constant 4 : i32
    %add3A_1728 = vector.broadcast %add3A_1727 : i32 to vector<16xi32>
    %add3A_1729 = arith.addi %add3A_1726, %add3A_1728 : vector<16xi32>
    %gather3A_1730 = tpu.vector_load_idx %arg6[%add3A_1729] : memref<1024xf32, #tpu.memory_space<vmem>>[vector<16xi32>], vector<16xf32>,
    %add3A_1731 = arith.constant 256 : i32
    %add3A_1732 = vector.broadcast %add3A_1731 : i32 to vector<16xi32>
    %add3A_1733 = arith.addi %add3A_1729, %add3A_1732 : vector<16xi32>
    %gather3A_1734 = tpu.vector_load_idx %arg6[%add3A_1733] : memref<1024xf32, #tpu.memory_space<vmem>>[vector<16xi32>], vector<16xf32>,
    %mul3A_1735 = arith.constant 2.560000e+02 : f32
    %mul3A_1736 = vector.broadcast %mul3A_1735 : f32 to vector<16xf32>
    %mul3A_1737 = arith.mulf %gather3A_1730, %mul3A_1736 : vector<16xf32>
    %mul3A_1738 = arith.constant 2.560000e+02 : f32
    %mul3A_1739 = vector.broadcast %mul3A_1738 : f32 to vector<16xf32>
    %mul3A_1740 = arith.mulf %gather3A_1734, %mul3A_1739 : vector<16xf32>
    %convert_element_type3A_1741 = arith.fptosi %mul3A_1737 : vector<16xf32> to vector<16xi32>
    %convert_element_type3A_1742 = arith.fptosi %mul3A_1740 : vector<16xf32> to vector<16xi32>
    %convert_element_type3A_1743 = arith.sitofp %convert_element_type3A_1741 : vector<16xi32> to vector<16xf32>
    %gt3A_1744 = arith.cmpf ogt, %convert_element_type3A_1743, %mul3A_1737 : vector<16xf32>
    %convert_element_type3A_1745 = arith.extui %gt3A_1744 : vector<16xi1> to vector<16xi32>
    %sub3A_1746 = arith.subi %convert_element_type3A_1741, %convert_element_type3A_1745 : vector<16xi32>
    %convert_element_type3A_1747 = arith.sitofp %convert_element_type3A_1742 : vector<16xi32> to vector<16xf32>
    %gt3A_1748 = arith.cmpf ogt, %convert_element_type3A_1747, %mul3A_1740 : vector<16xf32>
    %convert_element_type3A_1749 = arith.extui %gt3A_1748 : vector<16xi1> to vector<16xi32>
    %sub3A_1750 = arith.subi %convert_element_type3A_1742, %convert_element_type3A_1749 : vector<16xi32>
    %ge3A_1751 = arith.constant 0 : i32
    %ge3A_1752 = vector.broadcast %ge3A_1751 : i32 to vector<16xi32>
    %ge3A_1753 = arith.cmpi sge, %sub3A_1746, %ge3A_1752 : vector<16xi32>
    %ge3A_1754 = arith.constant 0 : i32
    %ge3A_1755 = vector.broadcast %ge3A_1754 : i32 to vector<16xi32>
    %ge3A_1756 = arith.cmpi sge, %sub3A_1750, %ge3A_1755 : vector<16xi32>
    %and3A_1757 = arith.andi %ge3A_1753, %ge3A_1756 : vector<16xi1>
    %le3A_1758 = arith.constant 255 : i32
    %le3A_1759 = vector.broadcast %le3A_1758 : i32 to vector<16xi32>
    %le3A_1760 = arith.cmpi sle, %sub3A_1746, %le3A_1759 : vector<16xi32>
    %and3A_1761 = arith.andi %and3A_1757, %le3A_1760 : vector<16xi1>
    %le3A_1762 = arith.constant 255 : i32
    %le3A_1763 = vector.broadcast %le3A_1762 : i32 to vector<16xi32>
    %le3A_1764 = arith.cmpi sle, %sub3A_1750, %le3A_1763 : vector<16xi32>
    %and3A_1765 = arith.andi %and3A_1761, %le3A_1764 : vector<16xi1>
    %shift_right_arithmetic3A_1766 = arith.constant 3 : i32
    %shift_right_arithmetic3A_1767 = vector.broadcast %shift_right_arithmetic3A_1766 : i32 to vector<16xi32>
    %shift_right_arithmetic3A_1768 = arith.shrsi %sub3A_1746, %shift_right_arithmetic3A_1767 : vector<16xi32>
    %add3A_1769 = arith.constant 1 : i32
    %add3A_1770 = vector.broadcast %add3A_1769 : i32 to vector<16xi32>
    %add3A_1771 = arith.addi %sub3A_1746, %add3A_1770 : vector<16xi32>
    %shift_right_arithmetic3A_1772 = arith.constant 3 : i32
    %shift_right_arithmetic3A_1773 = vector.broadcast %shift_right_arithmetic3A_1772 : i32 to vector<16xi32>
    %shift_right_arithmetic3A_1774 = arith.shrsi %add3A_1771, %shift_right_arithmetic3A_1773 : vector<16xi32>
    %shift_right_arithmetic3A_1775 = arith.constant 3 : i32
    %shift_right_arithmetic3A_1776 = vector.broadcast %shift_right_arithmetic3A_1775 : i32 to vector<16xi32>
    %shift_right_arithmetic3A_1777 = arith.shrsi %sub3A_1750, %shift_right_arithmetic3A_1776 : vector<16xi32>
    %add3A_1778 = arith.constant 1 : i32
    %add3A_1779 = vector.broadcast %add3A_1778 : i32 to vector<16xi32>
    %add3A_1780 = arith.addi %sub3A_1750, %add3A_1779 : vector<16xi32>
    %shift_right_arithmetic3A_1781 = arith.constant 3 : i32
    %shift_right_arithmetic3A_1782 = vector.broadcast %shift_right_arithmetic3A_1781 : i32 to vector<16xi32>
    %shift_right_arithmetic3A_1783 = arith.shrsi %add3A_1780, %shift_right_arithmetic3A_1782 : vector<16xi32>
    %ge3A_1784 = arith.constant 0 : i32
    %ge3A_1785 = vector.broadcast %ge3A_1784 : i32 to vector<16xi32>
    %ge3A_1786 = arith.cmpi sge, %shift_right_arithmetic3A_1768, %ge3A_1785 : vector<16xi32>
    %le3A_1787 = arith.constant 32 : i32
    %le3A_1788 = vector.broadcast %le3A_1787 : i32 to vector<16xi32>
    %le3A_1789 = arith.cmpi sle, %shift_right_arithmetic3A_1768, %le3A_1788 : vector<16xi32>
    %and3A_1790 = arith.andi %ge3A_1786, %le3A_1789 : vector<16xi1>
    %ne3A_1791 = arith.cmpi ne, %shift_right_arithmetic3A_1774, %shift_right_arithmetic3A_1768 : vector<16xi32>
    %ge3A_1792 = arith.constant 0 : i32
    %ge3A_1793 = vector.broadcast %ge3A_1792 : i32 to vector<16xi32>
    %ge3A_1794 = arith.cmpi sge, %shift_right_arithmetic3A_1774, %ge3A_1793 : vector<16xi32>
    %and3A_1795 = arith.andi %ne3A_1791, %ge3A_1794 : vector<16xi1>
    %le3A_1796 = arith.constant 32 : i32
    %le3A_1797 = vector.broadcast %le3A_1796 : i32 to vector<16xi32>
    %le3A_1798 = arith.cmpi sle, %shift_right_arithmetic3A_1774, %le3A_1797 : vector<16xi32>
    %and3A_1799 = arith.andi %and3A_1795, %le3A_1798 : vector<16xi1>
    %ge3A_1800 = arith.constant 0 : i32
    %ge3A_1801 = vector.broadcast %ge3A_1800 : i32 to vector<16xi32>
    %ge3A_1802 = arith.cmpi sge, %shift_right_arithmetic3A_1777, %ge3A_1801 : vector<16xi32>
    %le3A_1803 = arith.constant 32 : i32
    %le3A_1804 = vector.broadcast %le3A_1803 : i32 to vector<16xi32>
    %le3A_1805 = arith.cmpi sle, %shift_right_arithmetic3A_1777, %le3A_1804 : vector<16xi32>
    %and3A_1806 = arith.andi %ge3A_1802, %le3A_1805 : vector<16xi1>
    %ne3A_1807 = arith.cmpi ne, %shift_right_arithmetic3A_1783, %shift_right_arithmetic3A_1777 : vector<16xi32>
    %ge3A_1808 = arith.constant 0 : i32
    %ge3A_1809 = vector.broadcast %ge3A_1808 : i32 to vector<16xi32>
    %ge3A_1810 = arith.cmpi sge, %shift_right_arithmetic3A_1783, %ge3A_1809 : vector<16xi32>
    %and3A_1811 = arith.andi %ne3A_1807, %ge3A_1810 : vector<16xi1>
    %le3A_1812 = arith.constant 32 : i32
    %le3A_1813 = vector.broadcast %le3A_1812 : i32 to vector<16xi32>
    %le3A_1814 = arith.cmpi sle, %shift_right_arithmetic3A_1783, %le3A_1813 : vector<16xi32>
    %and3A_1815 = arith.andi %and3A_1811, %le3A_1814 : vector<16xi1>
    %and3A_1816 = arith.andi %and3A_1790, %and3A_1806 : vector<16xi1>
    %and3A_1817 = arith.andi %and3A_1790, %and3A_1815 : vector<16xi1>
    %and3A_1818 = arith.andi %and3A_1799, %and3A_1806 : vector<16xi1>
    %and3A_1819 = arith.andi %and3A_1799, %and3A_1815 : vector<16xi1>
    %jit3A_1820 = arith.constant 0 : i32
    %jit3A_1821 = arith.constant 31 : i32
    %max3A_1822 = vector.broadcast %jit3A_1820 : i32 to vector<16xi32>
    %max3A_1823 = arith.maxsi %max3A_1822, %shift_right_arithmetic3A_1777 : vector<16xi32>
    %min3A_1824 = vector.broadcast %jit3A_1821 : i32 to vector<16xi32>
    %min3A_1825 = arith.minsi %min3A_1824, %max3A_1823 : vector<16xi32>
    %mul3A_1826 = arith.constant 32 : i32
    %mul3A_1827 = vector.broadcast %mul3A_1826 : i32 to vector<16xi32>
    %mul3A_1828 = arith.muli %min3A_1825, %mul3A_1827 : vector<16xi32>
    %jit3A_1829 = arith.constant 0 : i32
    %jit3A_1830 = arith.constant 31 : i32
    %max3A_1831 = vector.broadcast %jit3A_1829 : i32 to vector<16xi32>
    %max3A_1832 = arith.maxsi %max3A_1831, %shift_right_arithmetic3A_1768 : vector<16xi32>
    %min3A_1833 = vector.broadcast %jit3A_1830 : i32 to vector<16xi32>
    %min3A_1834 = arith.minsi %min3A_1833, %max3A_1832 : vector<16xi32>
    %add3A_1835 = arith.addi %mul3A_1828, %min3A_1834 : vector<16xi32>
    %mul3A_1836 = arith.constant 1024 : i32
    %mul3A_1837 = vector.broadcast %mul3A_1836 : i32 to vector<16xi32>
    %mul3A_1838 = arith.muli %add3A_1713, %mul3A_1837 : vector<16xi32>
    %add3A_1839 = arith.addi %mul3A_1838, %add3A_1835 : vector<16xi32>
    %gather3A_1840 = tpu.vector_load_idx %arg5[%add3A_1839] : memref<65536xf32, #tpu.memory_space<vmem>>[vector<16xi32>], vector<16xf32>,
    %and3A_1841 = arith.andi %and3A_1816, %and3A_1765 : vector<16xi1>
    %max3A_1842 = arith.constant 0.000000e+00 : f32
    %max3A_1843 = vector.broadcast %max3A_1842 : f32 to vector<16xf32>
    %max3A_1844 = arith.maximumf %gather3A_1840, %max3A_1843 : vector<16xf32>
    %jit3A_1845 = arith.constant 0.000000e+00 : f32
    %broadcast_in_dim3A_1846 = vector.broadcast %jit3A_1845 : f32 to vector<16xf32>
    %select_n3A_1847 = arith.select %and3A_1841, %max3A_1844, %broadcast_in_dim3A_1846 : vector<16xi1>, vector<16xf32>
    %add3A_1848 = arith.addf %add3A_1704, %select_n3A_1847 : vector<16xf32>
    %jit3A_1849 = arith.constant 1.000000e+00 : f32
    %jit3A_1850 = arith.constant 0.000000e+00 : f32
    %broadcast_in_dim3A_1851 = vector.broadcast %jit3A_1849 : f32 to vector<16xf32>
    %broadcast_in_dim3A_1852 = vector.broadcast %jit3A_1850 : f32 to vector<16xf32>
    %select_n3A_1853 = arith.select %and3A_1841, %broadcast_in_dim3A_1851, %broadcast_in_dim3A_1852 : vector<16xi1>, vector<16xf32>
    %add3A_1854 = arith.addf %add3A_1710, %select_n3A_1853 : vector<16xf32>
    %jit3A_1855 = arith.constant 0 : i32
    %jit3A_1856 = arith.constant 31 : i32
    %max3A_1857 = vector.broadcast %jit3A_1855 : i32 to vector<16xi32>
    %max3A_1858 = arith.maxsi %max3A_1857, %shift_right_arithmetic3A_1783 : vector<16xi32>
    %min3A_1859 = vector.broadcast %jit3A_1856 : i32 to vector<16xi32>
    %min3A_1860 = arith.minsi %min3A_1859, %max3A_1858 : vector<16xi32>
    %mul3A_1861 = arith.constant 32 : i32
    %mul3A_1862 = vector.broadcast %mul3A_1861 : i32 to vector<16xi32>
    %mul3A_1863 = arith.muli %min3A_1860, %mul3A_1862 : vector<16xi32>
    %jit3A_1864 = arith.constant 0 : i32
    %jit3A_1865 = arith.constant 31 : i32
    %max3A_1866 = vector.broadcast %jit3A_1864 : i32 to vector<16xi32>
    %max3A_1867 = arith.maxsi %max3A_1866, %shift_right_arithmetic3A_1768 : vector<16xi32>
    %min3A_1868 = vector.broadcast %jit3A_1865 : i32 to vector<16xi32>
    %min3A_1869 = arith.minsi %min3A_1868, %max3A_1867 : vector<16xi32>
    %add3A_1870 = arith.addi %mul3A_1863, %min3A_1869 : vector<16xi32>
    %mul3A_1871 = arith.constant 1024 : i32
    %mul3A_1872 = vector.broadcast %mul3A_1871 : i32 to vector<16xi32>
    %mul3A_1873 = arith.muli %add3A_1713, %mul3A_1872 : vector<16xi32>
    %add3A_1874 = arith.addi %mul3A_1873, %add3A_1870 : vector<16xi32>
    %gather3A_1875 = tpu.vector_load_idx %arg5[%add3A_1874] : memref<65536xf32, #tpu.memory_space<vmem>>[vector<16xi32>], vector<16xf32>,
    %and3A_1876 = arith.andi %and3A_1817, %and3A_1765 : vector<16xi1>
    %max3A_1877 = arith.constant 0.000000e+00 : f32
    %max3A_1878 = vector.broadcast %max3A_1877 : f32 to vector<16xf32>
    %max3A_1879 = arith.maximumf %gather3A_1875, %max3A_1878 : vector<16xf32>
    %jit3A_1880 = arith.constant 0.000000e+00 : f32
    %broadcast_in_dim3A_1881 = vector.broadcast %jit3A_1880 : f32 to vector<16xf32>
    %select_n3A_1882 = arith.select %and3A_1876, %max3A_1879, %broadcast_in_dim3A_1881 : vector<16xi1>, vector<16xf32>
    %add3A_1883 = arith.addf %add3A_1848, %select_n3A_1882 : vector<16xf32>
    %jit3A_1884 = arith.constant 1.000000e+00 : f32
    %jit3A_1885 = arith.constant 0.000000e+00 : f32
    %broadcast_in_dim3A_1886 = vector.broadcast %jit3A_1884 : f32 to vector<16xf32>
    %broadcast_in_dim3A_1887 = vector.broadcast %jit3A_1885 : f32 to vector<16xf32>
    %select_n3A_1888 = arith.select %and3A_1876, %broadcast_in_dim3A_1886, %broadcast_in_dim3A_1887 : vector<16xi1>, vector<16xf32>
    %add3A_1889 = arith.addf %add3A_1854, %select_n3A_1888 : vector<16xf32>
    %jit3A_1890 = arith.constant 0 : i32
    %jit3A_1891 = arith.constant 31 : i32
    %max3A_1892 = vector.broadcast %jit3A_1890 : i32 to vector<16xi32>
    %max3A_1893 = arith.maxsi %max3A_1892, %shift_right_arithmetic3A_1777 : vector<16xi32>
    %min3A_1894 = vector.broadcast %jit3A_1891 : i32 to vector<16xi32>
    %min3A_1895 = arith.minsi %min3A_1894, %max3A_1893 : vector<16xi32>
    %mul3A_1896 = arith.constant 32 : i32
    %mul3A_1897 = vector.broadcast %mul3A_1896 : i32 to vector<16xi32>
    %mul3A_1898 = arith.muli %min3A_1895, %mul3A_1897 : vector<16xi32>
    %jit3A_1899 = arith.constant 0 : i32
    %jit3A_1900 = arith.constant 31 : i32
    %max3A_1901 = vector.broadcast %jit3A_1899 : i32 to vector<16xi32>
    %max3A_1902 = arith.maxsi %max3A_1901, %shift_right_arithmetic3A_1774 : vector<16xi32>
    %min3A_1903 = vector.broadcast %jit3A_1900 : i32 to vector<16xi32>
    %min3A_1904 = arith.minsi %min3A_1903, %max3A_1902 : vector<16xi32>
    %add3A_1905 = arith.addi %mul3A_1898, %min3A_1904 : vector<16xi32>
    %mul3A_1906 = arith.constant 1024 : i32
    %mul3A_1907 = vector.broadcast %mul3A_1906 : i32 to vector<16xi32>
    %mul3A_1908 = arith.muli %add3A_1713, %mul3A_1907 : vector<16xi32>
    %add3A_1909 = arith.addi %mul3A_1908, %add3A_1905 : vector<16xi32>
    %gather3A_1910 = tpu.vector_load_idx %arg5[%add3A_1909] : memref<65536xf32, #tpu.memory_space<vmem>>[vector<16xi32>], vector<16xf32>,
    %and3A_1911 = arith.andi %and3A_1818, %and3A_1765 : vector<16xi1>
    %max3A_1912 = arith.constant 0.000000e+00 : f32
    %max3A_1913 = vector.broadcast %max3A_1912 : f32 to vector<16xf32>
    %max3A_1914 = arith.maximumf %gather3A_1910, %max3A_1913 : vector<16xf32>
    %jit3A_1915 = arith.constant 0.000000e+00 : f32
    %broadcast_in_dim3A_1916 = vector.broadcast %jit3A_1915 : f32 to vector<16xf32>
    %select_n3A_1917 = arith.select %and3A_1911, %max3A_1914, %broadcast_in_dim3A_1916 : vector<16xi1>, vector<16xf32>
    %add3A_1918 = arith.addf %add3A_1883, %select_n3A_1917 : vector<16xf32>
    %jit3A_1919 = arith.constant 1.000000e+00 : f32
    %jit3A_1920 = arith.constant 0.000000e+00 : f32
    %broadcast_in_dim3A_1921 = vector.broadcast %jit3A_1919 : f32 to vector<16xf32>
    %broadcast_in_dim3A_1922 = vector.broadcast %jit3A_1920 : f32 to vector<16xf32>
    %select_n3A_1923 = arith.select %and3A_1911, %broadcast_in_dim3A_1921, %broadcast_in_dim3A_1922 : vector<16xi1>, vector<16xf32>
    %add3A_1924 = arith.addf %add3A_1889, %select_n3A_1923 : vector<16xf32>
    %jit3A_1925 = arith.constant 0 : i32
    %jit3A_1926 = arith.constant 31 : i32
    %max3A_1927 = vector.broadcast %jit3A_1925 : i32 to vector<16xi32>
    %max3A_1928 = arith.maxsi %max3A_1927, %shift_right_arithmetic3A_1783 : vector<16xi32>
    %min3A_1929 = vector.broadcast %jit3A_1926 : i32 to vector<16xi32>
    %min3A_1930 = arith.minsi %min3A_1929, %max3A_1928 : vector<16xi32>
    %mul3A_1931 = arith.constant 32 : i32
    %mul3A_1932 = vector.broadcast %mul3A_1931 : i32 to vector<16xi32>
    %mul3A_1933 = arith.muli %min3A_1930, %mul3A_1932 : vector<16xi32>
    %jit3A_1934 = arith.constant 0 : i32
    %jit3A_1935 = arith.constant 31 : i32
    %max3A_1936 = vector.broadcast %jit3A_1934 : i32 to vector<16xi32>
    %max3A_1937 = arith.maxsi %max3A_1936, %shift_right_arithmetic3A_1774 : vector<16xi32>
    %min3A_1938 = vector.broadcast %jit3A_1935 : i32 to vector<16xi32>
    %min3A_1939 = arith.minsi %min3A_1938, %max3A_1937 : vector<16xi32>
    %add3A_1940 = arith.addi %mul3A_1933, %min3A_1939 : vector<16xi32>
    %mul3A_1941 = arith.constant 1024 : i32
    %mul3A_1942 = vector.broadcast %mul3A_1941 : i32 to vector<16xi32>
    %mul3A_1943 = arith.muli %add3A_1713, %mul3A_1942 : vector<16xi32>
    %add3A_1944 = arith.addi %mul3A_1943, %add3A_1940 : vector<16xi32>
    %gather3A_1945 = tpu.vector_load_idx %arg5[%add3A_1944] : memref<65536xf32, #tpu.memory_space<vmem>>[vector<16xi32>], vector<16xf32>,
    %and3A_1946 = arith.andi %and3A_1819, %and3A_1765 : vector<16xi1>
    %max3A_1947 = arith.constant 0.000000e+00 : f32
    %max3A_1948 = vector.broadcast %max3A_1947 : f32 to vector<16xf32>
    %max3A_1949 = arith.maximumf %gather3A_1945, %max3A_1948 : vector<16xf32>
    %jit3A_1950 = arith.constant 0.000000e+00 : f32
    %broadcast_in_dim3A_1951 = vector.broadcast %jit3A_1950 : f32 to vector<16xf32>
    %select_n3A_1952 = arith.select %and3A_1946, %max3A_1949, %broadcast_in_dim3A_1951 : vector<16xi1>, vector<16xf32>
    %add3A_1953 = arith.addf %add3A_1918, %select_n3A_1952 : vector<16xf32>
    %jit3A_1954 = arith.constant 1.000000e+00 : f32
    %jit3A_1955 = arith.constant 0.000000e+00 : f32
    %broadcast_in_dim3A_1956 = vector.broadcast %jit3A_1954 : f32 to vector<16xf32>
    %broadcast_in_dim3A_1957 = vector.broadcast %jit3A_1955 : f32 to vector<16xf32>
    %select_n3A_1958 = arith.select %and3A_1946, %broadcast_in_dim3A_1956, %broadcast_in_dim3A_1957 : vector<16xi1>, vector<16xf32>
    %add3A_1959 = arith.addf %add3A_1924, %select_n3A_1958 : vector<16xf32>
    %add3A_1960 = arith.constant 32 : i32
    %add3A_1961 = vector.broadcast %add3A_1960 : i32 to vector<16xi32>
    %add3A_1962 = arith.addi %iota3A, %add3A_1961 : vector<16xi32>
    %shift_right_arithmetic3A_1963 = arith.constant 5 : i32
    %shift_right_arithmetic3A_1964 = vector.broadcast %shift_right_arithmetic3A_1963 : i32 to vector<16xi32>
    %shift_right_arithmetic3A_1965 = arith.shrsi %add3A_1962, %shift_right_arithmetic3A_1964 : vector<16xi32>
    %and3A_1966 = arith.constant 31 : i32
    %and3A_1967 = vector.broadcast %and3A_1966 : i32 to vector<16xi32>
    %and3A_1968 = arith.andi %add3A_1962, %and3A_1967 : vector<16xi32>
    %mul3A_1969 = arith.constant 512 : i32
    %mul3A_1970 = vector.broadcast %mul3A_1969 : i32 to vector<16xi32>
    %mul3A_1971 = arith.muli %shift_right_arithmetic3A_1965, %mul3A_1970 : vector<16xi32>
    %shift_left3A_1972 = arith.constant 3 : i32
    %shift_left3A_1973 = vector.broadcast %shift_left3A_1972 : i32 to vector<16xi32>
    %shift_left3A_1974 = arith.shli %and3A_1968, %shift_left3A_1973 : vector<16xi32>
    %add3A_1975 = arith.addi %mul3A_1971, %shift_left3A_1974 : vector<16xi32>
    %add3A_1976 = arith.constant 4 : i32
    %add3A_1977 = vector.broadcast %add3A_1976 : i32 to vector<16xi32>
    %add3A_1978 = arith.addi %add3A_1975, %add3A_1977 : vector<16xi32>
    %gather3A_1979 = tpu.vector_load_idx %arg6[%add3A_1978] : memref<1024xf32, #tpu.memory_space<vmem>>[vector<16xi32>], vector<16xf32>,
    %add3A_1980 = arith.constant 256 : i32
    %add3A_1981 = vector.broadcast %add3A_1980 : i32 to vector<16xi32>
    %add3A_1982 = arith.addi %add3A_1978, %add3A_1981 : vector<16xi32>
    %gather3A_1983 = tpu.vector_load_idx %arg6[%add3A_1982] : memref<1024xf32, #tpu.memory_space<vmem>>[vector<16xi32>], vector<16xf32>,
    %mul3A_1984 = arith.constant 2.560000e+02 : f32
    %mul3A_1985 = vector.broadcast %mul3A_1984 : f32 to vector<16xf32>
    %mul3A_1986 = arith.mulf %gather3A_1979, %mul3A_1985 : vector<16xf32>
    %mul3A_1987 = arith.constant 2.560000e+02 : f32
    %mul3A_1988 = vector.broadcast %mul3A_1987 : f32 to vector<16xf32>
    %mul3A_1989 = arith.mulf %gather3A_1983, %mul3A_1988 : vector<16xf32>
    %convert_element_type3A_1990 = arith.fptosi %mul3A_1986 : vector<16xf32> to vector<16xi32>
    %convert_element_type3A_1991 = arith.fptosi %mul3A_1989 : vector<16xf32> to vector<16xi32>
    %convert_element_type3A_1992 = arith.sitofp %convert_element_type3A_1990 : vector<16xi32> to vector<16xf32>
    %gt3A_1993 = arith.cmpf ogt, %convert_element_type3A_1992, %mul3A_1986 : vector<16xf32>
    %convert_element_type3A_1994 = arith.extui %gt3A_1993 : vector<16xi1> to vector<16xi32>
    %sub3A_1995 = arith.subi %convert_element_type3A_1990, %convert_element_type3A_1994 : vector<16xi32>
    %convert_element_type3A_1996 = arith.sitofp %convert_element_type3A_1991 : vector<16xi32> to vector<16xf32>
    %gt3A_1997 = arith.cmpf ogt, %convert_element_type3A_1996, %mul3A_1989 : vector<16xf32>
    %convert_element_type3A_1998 = arith.extui %gt3A_1997 : vector<16xi1> to vector<16xi32>
    %sub3A_1999 = arith.subi %convert_element_type3A_1991, %convert_element_type3A_1998 : vector<16xi32>
    %ge3A_2000 = arith.constant 0 : i32
    %ge3A_2001 = vector.broadcast %ge3A_2000 : i32 to vector<16xi32>
    %ge3A_2002 = arith.cmpi sge, %sub3A_1995, %ge3A_2001 : vector<16xi32>
    %ge3A_2003 = arith.constant 0 : i32
    %ge3A_2004 = vector.broadcast %ge3A_2003 : i32 to vector<16xi32>
    %ge3A_2005 = arith.cmpi sge, %sub3A_1999, %ge3A_2004 : vector<16xi32>
    %and3A_2006 = arith.andi %ge3A_2002, %ge3A_2005 : vector<16xi1>
    %le3A_2007 = arith.constant 255 : i32
    %le3A_2008 = vector.broadcast %le3A_2007 : i32 to vector<16xi32>
    %le3A_2009 = arith.cmpi sle, %sub3A_1995, %le3A_2008 : vector<16xi32>
    %and3A_2010 = arith.andi %and3A_2006, %le3A_2009 : vector<16xi1>
    %le3A_2011 = arith.constant 255 : i32
    %le3A_2012 = vector.broadcast %le3A_2011 : i32 to vector<16xi32>
    %le3A_2013 = arith.cmpi sle, %sub3A_1999, %le3A_2012 : vector<16xi32>
    %and3A_2014 = arith.andi %and3A_2010, %le3A_2013 : vector<16xi1>
    %shift_right_arithmetic3A_2015 = arith.constant 3 : i32
    %shift_right_arithmetic3A_2016 = vector.broadcast %shift_right_arithmetic3A_2015 : i32 to vector<16xi32>
    %shift_right_arithmetic3A_2017 = arith.shrsi %sub3A_1995, %shift_right_arithmetic3A_2016 : vector<16xi32>
    %add3A_2018 = arith.constant 1 : i32
    %add3A_2019 = vector.broadcast %add3A_2018 : i32 to vector<16xi32>
    %add3A_2020 = arith.addi %sub3A_1995, %add3A_2019 : vector<16xi32>
    %shift_right_arithmetic3A_2021 = arith.constant 3 : i32
    %shift_right_arithmetic3A_2022 = vector.broadcast %shift_right_arithmetic3A_2021 : i32 to vector<16xi32>
    %shift_right_arithmetic3A_2023 = arith.shrsi %add3A_2020, %shift_right_arithmetic3A_2022 : vector<16xi32>
    %shift_right_arithmetic3A_2024 = arith.constant 3 : i32
    %shift_right_arithmetic3A_2025 = vector.broadcast %shift_right_arithmetic3A_2024 : i32 to vector<16xi32>
    %shift_right_arithmetic3A_2026 = arith.shrsi %sub3A_1999, %shift_right_arithmetic3A_2025 : vector<16xi32>
    %add3A_2027 = arith.constant 1 : i32
    %add3A_2028 = vector.broadcast %add3A_2027 : i32 to vector<16xi32>
    %add3A_2029 = arith.addi %sub3A_1999, %add3A_2028 : vector<16xi32>
    %shift_right_arithmetic3A_2030 = arith.constant 3 : i32
    %shift_right_arithmetic3A_2031 = vector.broadcast %shift_right_arithmetic3A_2030 : i32 to vector<16xi32>
    %shift_right_arithmetic3A_2032 = arith.shrsi %add3A_2029, %shift_right_arithmetic3A_2031 : vector<16xi32>
    %ge3A_2033 = arith.constant 0 : i32
    %ge3A_2034 = vector.broadcast %ge3A_2033 : i32 to vector<16xi32>
    %ge3A_2035 = arith.cmpi sge, %shift_right_arithmetic3A_2017, %ge3A_2034 : vector<16xi32>
    %le3A_2036 = arith.constant 32 : i32
    %le3A_2037 = vector.broadcast %le3A_2036 : i32 to vector<16xi32>
    %le3A_2038 = arith.cmpi sle, %shift_right_arithmetic3A_2017, %le3A_2037 : vector<16xi32>
    %and3A_2039 = arith.andi %ge3A_2035, %le3A_2038 : vector<16xi1>
    %ne3A_2040 = arith.cmpi ne, %shift_right_arithmetic3A_2023, %shift_right_arithmetic3A_2017 : vector<16xi32>
    %ge3A_2041 = arith.constant 0 : i32
    %ge3A_2042 = vector.broadcast %ge3A_2041 : i32 to vector<16xi32>
    %ge3A_2043 = arith.cmpi sge, %shift_right_arithmetic3A_2023, %ge3A_2042 : vector<16xi32>
    %and3A_2044 = arith.andi %ne3A_2040, %ge3A_2043 : vector<16xi1>
    %le3A_2045 = arith.constant 32 : i32
    %le3A_2046 = vector.broadcast %le3A_2045 : i32 to vector<16xi32>
    %le3A_2047 = arith.cmpi sle, %shift_right_arithmetic3A_2023, %le3A_2046 : vector<16xi32>
    %and3A_2048 = arith.andi %and3A_2044, %le3A_2047 : vector<16xi1>
    %ge3A_2049 = arith.constant 0 : i32
    %ge3A_2050 = vector.broadcast %ge3A_2049 : i32 to vector<16xi32>
    %ge3A_2051 = arith.cmpi sge, %shift_right_arithmetic3A_2026, %ge3A_2050 : vector<16xi32>
    %le3A_2052 = arith.constant 32 : i32
    %le3A_2053 = vector.broadcast %le3A_2052 : i32 to vector<16xi32>
    %le3A_2054 = arith.cmpi sle, %shift_right_arithmetic3A_2026, %le3A_2053 : vector<16xi32>
    %and3A_2055 = arith.andi %ge3A_2051, %le3A_2054 : vector<16xi1>
    %ne3A_2056 = arith.cmpi ne, %shift_right_arithmetic3A_2032, %shift_right_arithmetic3A_2026 : vector<16xi32>
    %ge3A_2057 = arith.constant 0 : i32
    %ge3A_2058 = vector.broadcast %ge3A_2057 : i32 to vector<16xi32>
    %ge3A_2059 = arith.cmpi sge, %shift_right_arithmetic3A_2032, %ge3A_2058 : vector<16xi32>
    %and3A_2060 = arith.andi %ne3A_2056, %ge3A_2059 : vector<16xi1>
    %le3A_2061 = arith.constant 32 : i32
    %le3A_2062 = vector.broadcast %le3A_2061 : i32 to vector<16xi32>
    %le3A_2063 = arith.cmpi sle, %shift_right_arithmetic3A_2032, %le3A_2062 : vector<16xi32>
    %and3A_2064 = arith.andi %and3A_2060, %le3A_2063 : vector<16xi1>
    %and3A_2065 = arith.andi %and3A_2039, %and3A_2055 : vector<16xi1>
    %and3A_2066 = arith.andi %and3A_2039, %and3A_2064 : vector<16xi1>
    %and3A_2067 = arith.andi %and3A_2048, %and3A_2055 : vector<16xi1>
    %and3A_2068 = arith.andi %and3A_2048, %and3A_2064 : vector<16xi1>
    %jit3A_2069 = arith.constant 0 : i32
    %jit3A_2070 = arith.constant 31 : i32
    %max3A_2071 = vector.broadcast %jit3A_2069 : i32 to vector<16xi32>
    %max3A_2072 = arith.maxsi %max3A_2071, %shift_right_arithmetic3A_2026 : vector<16xi32>
    %min3A_2073 = vector.broadcast %jit3A_2070 : i32 to vector<16xi32>
    %min3A_2074 = arith.minsi %min3A_2073, %max3A_2072 : vector<16xi32>
    %mul3A_2075 = arith.constant 32 : i32
    %mul3A_2076 = vector.broadcast %mul3A_2075 : i32 to vector<16xi32>
    %mul3A_2077 = arith.muli %min3A_2074, %mul3A_2076 : vector<16xi32>
    %jit3A_2078 = arith.constant 0 : i32
    %jit3A_2079 = arith.constant 31 : i32
    %max3A_2080 = vector.broadcast %jit3A_2078 : i32 to vector<16xi32>
    %max3A_2081 = arith.maxsi %max3A_2080, %shift_right_arithmetic3A_2017 : vector<16xi32>
    %min3A_2082 = vector.broadcast %jit3A_2079 : i32 to vector<16xi32>
    %min3A_2083 = arith.minsi %min3A_2082, %max3A_2081 : vector<16xi32>
    %add3A_2084 = arith.addi %mul3A_2077, %min3A_2083 : vector<16xi32>
    %mul3A_2085 = arith.constant 1024 : i32
    %mul3A_2086 = vector.broadcast %mul3A_2085 : i32 to vector<16xi32>
    %mul3A_2087 = arith.muli %add3A_1962, %mul3A_2086 : vector<16xi32>
    %add3A_2088 = arith.addi %mul3A_2087, %add3A_2084 : vector<16xi32>
    %gather3A_2089 = tpu.vector_load_idx %arg5[%add3A_2088] : memref<65536xf32, #tpu.memory_space<vmem>>[vector<16xi32>], vector<16xf32>,
    %and3A_2090 = arith.andi %and3A_2065, %and3A_2014 : vector<16xi1>
    %max3A_2091 = arith.constant 0.000000e+00 : f32
    %max3A_2092 = vector.broadcast %max3A_2091 : f32 to vector<16xf32>
    %max3A_2093 = arith.maximumf %gather3A_2089, %max3A_2092 : vector<16xf32>
    %jit3A_2094 = arith.constant 0.000000e+00 : f32
    %broadcast_in_dim3A_2095 = vector.broadcast %jit3A_2094 : f32 to vector<16xf32>
    %select_n3A_2096 = arith.select %and3A_2090, %max3A_2093, %broadcast_in_dim3A_2095 : vector<16xi1>, vector<16xf32>
    %add3A_2097 = arith.addf %add3A_1953, %select_n3A_2096 : vector<16xf32>
    %jit3A_2098 = arith.constant 1.000000e+00 : f32
    %jit3A_2099 = arith.constant 0.000000e+00 : f32
    %broadcast_in_dim3A_2100 = vector.broadcast %jit3A_2098 : f32 to vector<16xf32>
    %broadcast_in_dim3A_2101 = vector.broadcast %jit3A_2099 : f32 to vector<16xf32>
    %select_n3A_2102 = arith.select %and3A_2090, %broadcast_in_dim3A_2100, %broadcast_in_dim3A_2101 : vector<16xi1>, vector<16xf32>
    %add3A_2103 = arith.addf %add3A_1959, %select_n3A_2102 : vector<16xf32>
    %jit3A_2104 = arith.constant 0 : i32
    %jit3A_2105 = arith.constant 31 : i32
    %max3A_2106 = vector.broadcast %jit3A_2104 : i32 to vector<16xi32>
    %max3A_2107 = arith.maxsi %max3A_2106, %shift_right_arithmetic3A_2032 : vector<16xi32>
    %min3A_2108 = vector.broadcast %jit3A_2105 : i32 to vector<16xi32>
    %min3A_2109 = arith.minsi %min3A_2108, %max3A_2107 : vector<16xi32>
    %mul3A_2110 = arith.constant 32 : i32
    %mul3A_2111 = vector.broadcast %mul3A_2110 : i32 to vector<16xi32>
    %mul3A_2112 = arith.muli %min3A_2109, %mul3A_2111 : vector<16xi32>
    %jit3A_2113 = arith.constant 0 : i32
    %jit3A_2114 = arith.constant 31 : i32
    %max3A_2115 = vector.broadcast %jit3A_2113 : i32 to vector<16xi32>
    %max3A_2116 = arith.maxsi %max3A_2115, %shift_right_arithmetic3A_2017 : vector<16xi32>
    %min3A_2117 = vector.broadcast %jit3A_2114 : i32 to vector<16xi32>
    %min3A_2118 = arith.minsi %min3A_2117, %max3A_2116 : vector<16xi32>
    %add3A_2119 = arith.addi %mul3A_2112, %min3A_2118 : vector<16xi32>
    %mul3A_2120 = arith.constant 1024 : i32
    %mul3A_2121 = vector.broadcast %mul3A_2120 : i32 to vector<16xi32>
    %mul3A_2122 = arith.muli %add3A_1962, %mul3A_2121 : vector<16xi32>
    %add3A_2123 = arith.addi %mul3A_2122, %add3A_2119 : vector<16xi32>
    %gather3A_2124 = tpu.vector_load_idx %arg5[%add3A_2123] : memref<65536xf32, #tpu.memory_space<vmem>>[vector<16xi32>], vector<16xf32>,
    %and3A_2125 = arith.andi %and3A_2066, %and3A_2014 : vector<16xi1>
    %max3A_2126 = arith.constant 0.000000e+00 : f32
    %max3A_2127 = vector.broadcast %max3A_2126 : f32 to vector<16xf32>
    %max3A_2128 = arith.maximumf %gather3A_2124, %max3A_2127 : vector<16xf32>
    %jit3A_2129 = arith.constant 0.000000e+00 : f32
    %broadcast_in_dim3A_2130 = vector.broadcast %jit3A_2129 : f32 to vector<16xf32>
    %select_n3A_2131 = arith.select %and3A_2125, %max3A_2128, %broadcast_in_dim3A_2130 : vector<16xi1>, vector<16xf32>
    %add3A_2132 = arith.addf %add3A_2097, %select_n3A_2131 : vector<16xf32>
    %jit3A_2133 = arith.constant 1.000000e+00 : f32
    %jit3A_2134 = arith.constant 0.000000e+00 : f32
    %broadcast_in_dim3A_2135 = vector.broadcast %jit3A_2133 : f32 to vector<16xf32>
    %broadcast_in_dim3A_2136 = vector.broadcast %jit3A_2134 : f32 to vector<16xf32>
    %select_n3A_2137 = arith.select %and3A_2125, %broadcast_in_dim3A_2135, %broadcast_in_dim3A_2136 : vector<16xi1>, vector<16xf32>
    %add3A_2138 = arith.addf %add3A_2103, %select_n3A_2137 : vector<16xf32>
    %jit3A_2139 = arith.constant 0 : i32
    %jit3A_2140 = arith.constant 31 : i32
    %max3A_2141 = vector.broadcast %jit3A_2139 : i32 to vector<16xi32>
    %max3A_2142 = arith.maxsi %max3A_2141, %shift_right_arithmetic3A_2026 : vector<16xi32>
    %min3A_2143 = vector.broadcast %jit3A_2140 : i32 to vector<16xi32>
    %min3A_2144 = arith.minsi %min3A_2143, %max3A_2142 : vector<16xi32>
    %mul3A_2145 = arith.constant 32 : i32
    %mul3A_2146 = vector.broadcast %mul3A_2145 : i32 to vector<16xi32>
    %mul3A_2147 = arith.muli %min3A_2144, %mul3A_2146 : vector<16xi32>
    %jit3A_2148 = arith.constant 0 : i32
    %jit3A_2149 = arith.constant 31 : i32
    %max3A_2150 = vector.broadcast %jit3A_2148 : i32 to vector<16xi32>
    %max3A_2151 = arith.maxsi %max3A_2150, %shift_right_arithmetic3A_2023 : vector<16xi32>
    %min3A_2152 = vector.broadcast %jit3A_2149 : i32 to vector<16xi32>
    %min3A_2153 = arith.minsi %min3A_2152, %max3A_2151 : vector<16xi32>
    %add3A_2154 = arith.addi %mul3A_2147, %min3A_2153 : vector<16xi32>
    %mul3A_2155 = arith.constant 1024 : i32
    %mul3A_2156 = vector.broadcast %mul3A_2155 : i32 to vector<16xi32>
    %mul3A_2157 = arith.muli %add3A_1962, %mul3A_2156 : vector<16xi32>
    %add3A_2158 = arith.addi %mul3A_2157, %add3A_2154 : vector<16xi32>
    %gather3A_2159 = tpu.vector_load_idx %arg5[%add3A_2158] : memref<65536xf32, #tpu.memory_space<vmem>>[vector<16xi32>], vector<16xf32>,
    %and3A_2160 = arith.andi %and3A_2067, %and3A_2014 : vector<16xi1>
    %max3A_2161 = arith.constant 0.000000e+00 : f32
    %max3A_2162 = vector.broadcast %max3A_2161 : f32 to vector<16xf32>
    %max3A_2163 = arith.maximumf %gather3A_2159, %max3A_2162 : vector<16xf32>
    %jit3A_2164 = arith.constant 0.000000e+00 : f32
    %broadcast_in_dim3A_2165 = vector.broadcast %jit3A_2164 : f32 to vector<16xf32>
    %select_n3A_2166 = arith.select %and3A_2160, %max3A_2163, %broadcast_in_dim3A_2165 : vector<16xi1>, vector<16xf32>
    %add3A_2167 = arith.addf %add3A_2132, %select_n3A_2166 : vector<16xf32>
    %jit3A_2168 = arith.constant 1.000000e+00 : f32
    %jit3A_2169 = arith.constant 0.000000e+00 : f32
    %broadcast_in_dim3A_2170 = vector.broadcast %jit3A_2168 : f32 to vector<16xf32>
    %broadcast_in_dim3A_2171 = vector.broadcast %jit3A_2169 : f32 to vector<16xf32>
    %select_n3A_2172 = arith.select %and3A_2160, %broadcast_in_dim3A_2170, %broadcast_in_dim3A_2171 : vector<16xi1>, vector<16xf32>
    %add3A_2173 = arith.addf %add3A_2138, %select_n3A_2172 : vector<16xf32>
    %jit3A_2174 = arith.constant 0 : i32
    %jit3A_2175 = arith.constant 31 : i32
    %max3A_2176 = vector.broadcast %jit3A_2174 : i32 to vector<16xi32>
    %max3A_2177 = arith.maxsi %max3A_2176, %shift_right_arithmetic3A_2032 : vector<16xi32>
    %min3A_2178 = vector.broadcast %jit3A_2175 : i32 to vector<16xi32>
    %min3A_2179 = arith.minsi %min3A_2178, %max3A_2177 : vector<16xi32>
    %mul3A_2180 = arith.constant 32 : i32
    %mul3A_2181 = vector.broadcast %mul3A_2180 : i32 to vector<16xi32>
    %mul3A_2182 = arith.muli %min3A_2179, %mul3A_2181 : vector<16xi32>
    %jit3A_2183 = arith.constant 0 : i32
    %jit3A_2184 = arith.constant 31 : i32
    %max3A_2185 = vector.broadcast %jit3A_2183 : i32 to vector<16xi32>
    %max3A_2186 = arith.maxsi %max3A_2185, %shift_right_arithmetic3A_2023 : vector<16xi32>
    %min3A_2187 = vector.broadcast %jit3A_2184 : i32 to vector<16xi32>
    %min3A_2188 = arith.minsi %min3A_2187, %max3A_2186 : vector<16xi32>
    %add3A_2189 = arith.addi %mul3A_2182, %min3A_2188 : vector<16xi32>
    %mul3A_2190 = arith.constant 1024 : i32
    %mul3A_2191 = vector.broadcast %mul3A_2190 : i32 to vector<16xi32>
    %mul3A_2192 = arith.muli %add3A_1962, %mul3A_2191 : vector<16xi32>
    %add3A_2193 = arith.addi %mul3A_2192, %add3A_2189 : vector<16xi32>
    %gather3A_2194 = tpu.vector_load_idx %arg5[%add3A_2193] : memref<65536xf32, #tpu.memory_space<vmem>>[vector<16xi32>], vector<16xf32>,
    %and3A_2195 = arith.andi %and3A_2068, %and3A_2014 : vector<16xi1>
    %max3A_2196 = arith.constant 0.000000e+00 : f32
    %max3A_2197 = vector.broadcast %max3A_2196 : f32 to vector<16xf32>
    %max3A_2198 = arith.maximumf %gather3A_2194, %max3A_2197 : vector<16xf32>
    %jit3A_2199 = arith.constant 0.000000e+00 : f32
    %broadcast_in_dim3A_2200 = vector.broadcast %jit3A_2199 : f32 to vector<16xf32>
    %select_n3A_2201 = arith.select %and3A_2195, %max3A_2198, %broadcast_in_dim3A_2200 : vector<16xi1>, vector<16xf32>
    %add3A_2202 = arith.addf %add3A_2167, %select_n3A_2201 : vector<16xf32>
    %jit3A_2203 = arith.constant 1.000000e+00 : f32
    %jit3A_2204 = arith.constant 0.000000e+00 : f32
    %broadcast_in_dim3A_2205 = vector.broadcast %jit3A_2203 : f32 to vector<16xf32>
    %broadcast_in_dim3A_2206 = vector.broadcast %jit3A_2204 : f32 to vector<16xf32>
    %select_n3A_2207 = arith.select %and3A_2195, %broadcast_in_dim3A_2205, %broadcast_in_dim3A_2206 : vector<16xi1>, vector<16xf32>
    %add3A_2208 = arith.addf %add3A_2173, %select_n3A_2207 : vector<16xf32>
    %add3A_2209 = arith.constant 48 : i32
    %add3A_2210 = vector.broadcast %add3A_2209 : i32 to vector<16xi32>
    %add3A_2211 = arith.addi %iota3A, %add3A_2210 : vector<16xi32>
    %shift_right_arithmetic3A_2212 = arith.constant 5 : i32
    %shift_right_arithmetic3A_2213 = vector.broadcast %shift_right_arithmetic3A_2212 : i32 to vector<16xi32>
    %shift_right_arithmetic3A_2214 = arith.shrsi %add3A_2211, %shift_right_arithmetic3A_2213 : vector<16xi32>
    %and3A_2215 = arith.constant 31 : i32
    %and3A_2216 = vector.broadcast %and3A_2215 : i32 to vector<16xi32>
    %and3A_2217 = arith.andi %add3A_2211, %and3A_2216 : vector<16xi32>
    %mul3A_2218 = arith.constant 512 : i32
    %mul3A_2219 = vector.broadcast %mul3A_2218 : i32 to vector<16xi32>
    %mul3A_2220 = arith.muli %shift_right_arithmetic3A_2214, %mul3A_2219 : vector<16xi32>
    %shift_left3A_2221 = arith.constant 3 : i32
    %shift_left3A_2222 = vector.broadcast %shift_left3A_2221 : i32 to vector<16xi32>
    %shift_left3A_2223 = arith.shli %and3A_2217, %shift_left3A_2222 : vector<16xi32>
    %add3A_2224 = arith.addi %mul3A_2220, %shift_left3A_2223 : vector<16xi32>
    %add3A_2225 = arith.constant 4 : i32
    %add3A_2226 = vector.broadcast %add3A_2225 : i32 to vector<16xi32>
    %add3A_2227 = arith.addi %add3A_2224, %add3A_2226 : vector<16xi32>
    %gather3A_2228 = tpu.vector_load_idx %arg6[%add3A_2227] : memref<1024xf32, #tpu.memory_space<vmem>>[vector<16xi32>], vector<16xf32>,
    %add3A_2229 = arith.constant 256 : i32
    %add3A_2230 = vector.broadcast %add3A_2229 : i32 to vector<16xi32>
    %add3A_2231 = arith.addi %add3A_2227, %add3A_2230 : vector<16xi32>
    %gather3A_2232 = tpu.vector_load_idx %arg6[%add3A_2231] : memref<1024xf32, #tpu.memory_space<vmem>>[vector<16xi32>], vector<16xf32>,
    %mul3A_2233 = arith.constant 2.560000e+02 : f32
    %mul3A_2234 = vector.broadcast %mul3A_2233 : f32 to vector<16xf32>
    %mul3A_2235 = arith.mulf %gather3A_2228, %mul3A_2234 : vector<16xf32>
    %mul3A_2236 = arith.constant 2.560000e+02 : f32
    %mul3A_2237 = vector.broadcast %mul3A_2236 : f32 to vector<16xf32>
    %mul3A_2238 = arith.mulf %gather3A_2232, %mul3A_2237 : vector<16xf32>
    %convert_element_type3A_2239 = arith.fptosi %mul3A_2235 : vector<16xf32> to vector<16xi32>
    %convert_element_type3A_2240 = arith.fptosi %mul3A_2238 : vector<16xf32> to vector<16xi32>
    %convert_element_type3A_2241 = arith.sitofp %convert_element_type3A_2239 : vector<16xi32> to vector<16xf32>
    %gt3A_2242 = arith.cmpf ogt, %convert_element_type3A_2241, %mul3A_2235 : vector<16xf32>
    %convert_element_type3A_2243 = arith.extui %gt3A_2242 : vector<16xi1> to vector<16xi32>
    %sub3A_2244 = arith.subi %convert_element_type3A_2239, %convert_element_type3A_2243 : vector<16xi32>
    %convert_element_type3A_2245 = arith.sitofp %convert_element_type3A_2240 : vector<16xi32> to vector<16xf32>
    %gt3A_2246 = arith.cmpf ogt, %convert_element_type3A_2245, %mul3A_2238 : vector<16xf32>
    %convert_element_type3A_2247 = arith.extui %gt3A_2246 : vector<16xi1> to vector<16xi32>
    %sub3A_2248 = arith.subi %convert_element_type3A_2240, %convert_element_type3A_2247 : vector<16xi32>
    %ge3A_2249 = arith.constant 0 : i32
    %ge3A_2250 = vector.broadcast %ge3A_2249 : i32 to vector<16xi32>
    %ge3A_2251 = arith.cmpi sge, %sub3A_2244, %ge3A_2250 : vector<16xi32>
    %ge3A_2252 = arith.constant 0 : i32
    %ge3A_2253 = vector.broadcast %ge3A_2252 : i32 to vector<16xi32>
    %ge3A_2254 = arith.cmpi sge, %sub3A_2248, %ge3A_2253 : vector<16xi32>
    %and3A_2255 = arith.andi %ge3A_2251, %ge3A_2254 : vector<16xi1>
    %le3A_2256 = arith.constant 255 : i32
    %le3A_2257 = vector.broadcast %le3A_2256 : i32 to vector<16xi32>
    %le3A_2258 = arith.cmpi sle, %sub3A_2244, %le3A_2257 : vector<16xi32>
    %and3A_2259 = arith.andi %and3A_2255, %le3A_2258 : vector<16xi1>
    %le3A_2260 = arith.constant 255 : i32
    %le3A_2261 = vector.broadcast %le3A_2260 : i32 to vector<16xi32>
    %le3A_2262 = arith.cmpi sle, %sub3A_2248, %le3A_2261 : vector<16xi32>
    %and3A_2263 = arith.andi %and3A_2259, %le3A_2262 : vector<16xi1>
    %shift_right_arithmetic3A_2264 = arith.constant 3 : i32
    %shift_right_arithmetic3A_2265 = vector.broadcast %shift_right_arithmetic3A_2264 : i32 to vector<16xi32>
    %shift_right_arithmetic3A_2266 = arith.shrsi %sub3A_2244, %shift_right_arithmetic3A_2265 : vector<16xi32>
    %add3A_2267 = arith.constant 1 : i32
    %add3A_2268 = vector.broadcast %add3A_2267 : i32 to vector<16xi32>
    %add3A_2269 = arith.addi %sub3A_2244, %add3A_2268 : vector<16xi32>
    %shift_right_arithmetic3A_2270 = arith.constant 3 : i32
    %shift_right_arithmetic3A_2271 = vector.broadcast %shift_right_arithmetic3A_2270 : i32 to vector<16xi32>
    %shift_right_arithmetic3A_2272 = arith.shrsi %add3A_2269, %shift_right_arithmetic3A_2271 : vector<16xi32>
    %shift_right_arithmetic3A_2273 = arith.constant 3 : i32
    %shift_right_arithmetic3A_2274 = vector.broadcast %shift_right_arithmetic3A_2273 : i32 to vector<16xi32>
    %shift_right_arithmetic3A_2275 = arith.shrsi %sub3A_2248, %shift_right_arithmetic3A_2274 : vector<16xi32>
    %add3A_2276 = arith.constant 1 : i32
    %add3A_2277 = vector.broadcast %add3A_2276 : i32 to vector<16xi32>
    %add3A_2278 = arith.addi %sub3A_2248, %add3A_2277 : vector<16xi32>
    %shift_right_arithmetic3A_2279 = arith.constant 3 : i32
    %shift_right_arithmetic3A_2280 = vector.broadcast %shift_right_arithmetic3A_2279 : i32 to vector<16xi32>
    %shift_right_arithmetic3A_2281 = arith.shrsi %add3A_2278, %shift_right_arithmetic3A_2280 : vector<16xi32>
    %ge3A_2282 = arith.constant 0 : i32
    %ge3A_2283 = vector.broadcast %ge3A_2282 : i32 to vector<16xi32>
    %ge3A_2284 = arith.cmpi sge, %shift_right_arithmetic3A_2266, %ge3A_2283 : vector<16xi32>
    %le3A_2285 = arith.constant 32 : i32
    %le3A_2286 = vector.broadcast %le3A_2285 : i32 to vector<16xi32>
    %le3A_2287 = arith.cmpi sle, %shift_right_arithmetic3A_2266, %le3A_2286 : vector<16xi32>
    %and3A_2288 = arith.andi %ge3A_2284, %le3A_2287 : vector<16xi1>
    %ne3A_2289 = arith.cmpi ne, %shift_right_arithmetic3A_2272, %shift_right_arithmetic3A_2266 : vector<16xi32>
    %ge3A_2290 = arith.constant 0 : i32
    %ge3A_2291 = vector.broadcast %ge3A_2290 : i32 to vector<16xi32>
    %ge3A_2292 = arith.cmpi sge, %shift_right_arithmetic3A_2272, %ge3A_2291 : vector<16xi32>
    %and3A_2293 = arith.andi %ne3A_2289, %ge3A_2292 : vector<16xi1>
    %le3A_2294 = arith.constant 32 : i32
    %le3A_2295 = vector.broadcast %le3A_2294 : i32 to vector<16xi32>
    %le3A_2296 = arith.cmpi sle, %shift_right_arithmetic3A_2272, %le3A_2295 : vector<16xi32>
    %and3A_2297 = arith.andi %and3A_2293, %le3A_2296 : vector<16xi1>
    %ge3A_2298 = arith.constant 0 : i32
    %ge3A_2299 = vector.broadcast %ge3A_2298 : i32 to vector<16xi32>
    %ge3A_2300 = arith.cmpi sge, %shift_right_arithmetic3A_2275, %ge3A_2299 : vector<16xi32>
    %le3A_2301 = arith.constant 32 : i32
    %le3A_2302 = vector.broadcast %le3A_2301 : i32 to vector<16xi32>
    %le3A_2303 = arith.cmpi sle, %shift_right_arithmetic3A_2275, %le3A_2302 : vector<16xi32>
    %and3A_2304 = arith.andi %ge3A_2300, %le3A_2303 : vector<16xi1>
    %ne3A_2305 = arith.cmpi ne, %shift_right_arithmetic3A_2281, %shift_right_arithmetic3A_2275 : vector<16xi32>
    %ge3A_2306 = arith.constant 0 : i32
    %ge3A_2307 = vector.broadcast %ge3A_2306 : i32 to vector<16xi32>
    %ge3A_2308 = arith.cmpi sge, %shift_right_arithmetic3A_2281, %ge3A_2307 : vector<16xi32>
    %and3A_2309 = arith.andi %ne3A_2305, %ge3A_2308 : vector<16xi1>
    %le3A_2310 = arith.constant 32 : i32
    %le3A_2311 = vector.broadcast %le3A_2310 : i32 to vector<16xi32>
    %le3A_2312 = arith.cmpi sle, %shift_right_arithmetic3A_2281, %le3A_2311 : vector<16xi32>
    %and3A_2313 = arith.andi %and3A_2309, %le3A_2312 : vector<16xi1>
    %and3A_2314 = arith.andi %and3A_2288, %and3A_2304 : vector<16xi1>
    %and3A_2315 = arith.andi %and3A_2288, %and3A_2313 : vector<16xi1>
    %and3A_2316 = arith.andi %and3A_2297, %and3A_2304 : vector<16xi1>
    %and3A_2317 = arith.andi %and3A_2297, %and3A_2313 : vector<16xi1>
    %jit3A_2318 = arith.constant 0 : i32
    %jit3A_2319 = arith.constant 31 : i32
    %max3A_2320 = vector.broadcast %jit3A_2318 : i32 to vector<16xi32>
    %max3A_2321 = arith.maxsi %max3A_2320, %shift_right_arithmetic3A_2275 : vector<16xi32>
    %min3A_2322 = vector.broadcast %jit3A_2319 : i32 to vector<16xi32>
    %min3A_2323 = arith.minsi %min3A_2322, %max3A_2321 : vector<16xi32>
    %mul3A_2324 = arith.constant 32 : i32
    %mul3A_2325 = vector.broadcast %mul3A_2324 : i32 to vector<16xi32>
    %mul3A_2326 = arith.muli %min3A_2323, %mul3A_2325 : vector<16xi32>
    %jit3A_2327 = arith.constant 0 : i32
    %jit3A_2328 = arith.constant 31 : i32
    %max3A_2329 = vector.broadcast %jit3A_2327 : i32 to vector<16xi32>
    %max3A_2330 = arith.maxsi %max3A_2329, %shift_right_arithmetic3A_2266 : vector<16xi32>
    %min3A_2331 = vector.broadcast %jit3A_2328 : i32 to vector<16xi32>
    %min3A_2332 = arith.minsi %min3A_2331, %max3A_2330 : vector<16xi32>
    %add3A_2333 = arith.addi %mul3A_2326, %min3A_2332 : vector<16xi32>
    %mul3A_2334 = arith.constant 1024 : i32
    %mul3A_2335 = vector.broadcast %mul3A_2334 : i32 to vector<16xi32>
    %mul3A_2336 = arith.muli %add3A_2211, %mul3A_2335 : vector<16xi32>
    %add3A_2337 = arith.addi %mul3A_2336, %add3A_2333 : vector<16xi32>
    %gather3A_2338 = tpu.vector_load_idx %arg5[%add3A_2337] : memref<65536xf32, #tpu.memory_space<vmem>>[vector<16xi32>], vector<16xf32>,
    %and3A_2339 = arith.andi %and3A_2314, %and3A_2263 : vector<16xi1>
    %max3A_2340 = arith.constant 0.000000e+00 : f32
    %max3A_2341 = vector.broadcast %max3A_2340 : f32 to vector<16xf32>
    %max3A_2342 = arith.maximumf %gather3A_2338, %max3A_2341 : vector<16xf32>
    %jit3A_2343 = arith.constant 0.000000e+00 : f32
    %broadcast_in_dim3A_2344 = vector.broadcast %jit3A_2343 : f32 to vector<16xf32>
    %select_n3A_2345 = arith.select %and3A_2339, %max3A_2342, %broadcast_in_dim3A_2344 : vector<16xi1>, vector<16xf32>
    %add3A_2346 = arith.addf %add3A_2202, %select_n3A_2345 : vector<16xf32>
    %jit3A_2347 = arith.constant 1.000000e+00 : f32
    %jit3A_2348 = arith.constant 0.000000e+00 : f32
    %broadcast_in_dim3A_2349 = vector.broadcast %jit3A_2347 : f32 to vector<16xf32>
    %broadcast_in_dim3A_2350 = vector.broadcast %jit3A_2348 : f32 to vector<16xf32>
    %select_n3A_2351 = arith.select %and3A_2339, %broadcast_in_dim3A_2349, %broadcast_in_dim3A_2350 : vector<16xi1>, vector<16xf32>
    %add3A_2352 = arith.addf %add3A_2208, %select_n3A_2351 : vector<16xf32>
    %jit3A_2353 = arith.constant 0 : i32
    %jit3A_2354 = arith.constant 31 : i32
    %max3A_2355 = vector.broadcast %jit3A_2353 : i32 to vector<16xi32>
    %max3A_2356 = arith.maxsi %max3A_2355, %shift_right_arithmetic3A_2281 : vector<16xi32>
    %min3A_2357 = vector.broadcast %jit3A_2354 : i32 to vector<16xi32>
    %min3A_2358 = arith.minsi %min3A_2357, %max3A_2356 : vector<16xi32>
    %mul3A_2359 = arith.constant 32 : i32
    %mul3A_2360 = vector.broadcast %mul3A_2359 : i32 to vector<16xi32>
    %mul3A_2361 = arith.muli %min3A_2358, %mul3A_2360 : vector<16xi32>
    %jit3A_2362 = arith.constant 0 : i32
    %jit3A_2363 = arith.constant 31 : i32
    %max3A_2364 = vector.broadcast %jit3A_2362 : i32 to vector<16xi32>
    %max3A_2365 = arith.maxsi %max3A_2364, %shift_right_arithmetic3A_2266 : vector<16xi32>
    %min3A_2366 = vector.broadcast %jit3A_2363 : i32 to vector<16xi32>
    %min3A_2367 = arith.minsi %min3A_2366, %max3A_2365 : vector<16xi32>
    %add3A_2368 = arith.addi %mul3A_2361, %min3A_2367 : vector<16xi32>
    %mul3A_2369 = arith.constant 1024 : i32
    %mul3A_2370 = vector.broadcast %mul3A_2369 : i32 to vector<16xi32>
    %mul3A_2371 = arith.muli %add3A_2211, %mul3A_2370 : vector<16xi32>
    %add3A_2372 = arith.addi %mul3A_2371, %add3A_2368 : vector<16xi32>
    %gather3A_2373 = tpu.vector_load_idx %arg5[%add3A_2372] : memref<65536xf32, #tpu.memory_space<vmem>>[vector<16xi32>], vector<16xf32>,
    %and3A_2374 = arith.andi %and3A_2315, %and3A_2263 : vector<16xi1>
    %max3A_2375 = arith.constant 0.000000e+00 : f32
    %max3A_2376 = vector.broadcast %max3A_2375 : f32 to vector<16xf32>
    %max3A_2377 = arith.maximumf %gather3A_2373, %max3A_2376 : vector<16xf32>
    %jit3A_2378 = arith.constant 0.000000e+00 : f32
    %broadcast_in_dim3A_2379 = vector.broadcast %jit3A_2378 : f32 to vector<16xf32>
    %select_n3A_2380 = arith.select %and3A_2374, %max3A_2377, %broadcast_in_dim3A_2379 : vector<16xi1>, vector<16xf32>
    %add3A_2381 = arith.addf %add3A_2346, %select_n3A_2380 : vector<16xf32>
    %jit3A_2382 = arith.constant 1.000000e+00 : f32
    %jit3A_2383 = arith.constant 0.000000e+00 : f32
    %broadcast_in_dim3A_2384 = vector.broadcast %jit3A_2382 : f32 to vector<16xf32>
    %broadcast_in_dim3A_2385 = vector.broadcast %jit3A_2383 : f32 to vector<16xf32>
    %select_n3A_2386 = arith.select %and3A_2374, %broadcast_in_dim3A_2384, %broadcast_in_dim3A_2385 : vector<16xi1>, vector<16xf32>
    %add3A_2387 = arith.addf %add3A_2352, %select_n3A_2386 : vector<16xf32>
    %jit3A_2388 = arith.constant 0 : i32
    %jit3A_2389 = arith.constant 31 : i32
    %max3A_2390 = vector.broadcast %jit3A_2388 : i32 to vector<16xi32>
    %max3A_2391 = arith.maxsi %max3A_2390, %shift_right_arithmetic3A_2275 : vector<16xi32>
    %min3A_2392 = vector.broadcast %jit3A_2389 : i32 to vector<16xi32>
    %min3A_2393 = arith.minsi %min3A_2392, %max3A_2391 : vector<16xi32>
    %mul3A_2394 = arith.constant 32 : i32
    %mul3A_2395 = vector.broadcast %mul3A_2394 : i32 to vector<16xi32>
    %mul3A_2396 = arith.muli %min3A_2393, %mul3A_2395 : vector<16xi32>
    %jit3A_2397 = arith.constant 0 : i32
    %jit3A_2398 = arith.constant 31 : i32
    %max3A_2399 = vector.broadcast %jit3A_2397 : i32 to vector<16xi32>
    %max3A_2400 = arith.maxsi %max3A_2399, %shift_right_arithmetic3A_2272 : vector<16xi32>
    %min3A_2401 = vector.broadcast %jit3A_2398 : i32 to vector<16xi32>
    %min3A_2402 = arith.minsi %min3A_2401, %max3A_2400 : vector<16xi32>
    %add3A_2403 = arith.addi %mul3A_2396, %min3A_2402 : vector<16xi32>
    %mul3A_2404 = arith.constant 1024 : i32
    %mul3A_2405 = vector.broadcast %mul3A_2404 : i32 to vector<16xi32>
    %mul3A_2406 = arith.muli %add3A_2211, %mul3A_2405 : vector<16xi32>
    %add3A_2407 = arith.addi %mul3A_2406, %add3A_2403 : vector<16xi32>
    %gather3A_2408 = tpu.vector_load_idx %arg5[%add3A_2407] : memref<65536xf32, #tpu.memory_space<vmem>>[vector<16xi32>], vector<16xf32>,
    %and3A_2409 = arith.andi %and3A_2316, %and3A_2263 : vector<16xi1>
    %max3A_2410 = arith.constant 0.000000e+00 : f32
    %max3A_2411 = vector.broadcast %max3A_2410 : f32 to vector<16xf32>
    %max3A_2412 = arith.maximumf %gather3A_2408, %max3A_2411 : vector<16xf32>
    %jit3A_2413 = arith.constant 0.000000e+00 : f32
    %broadcast_in_dim3A_2414 = vector.broadcast %jit3A_2413 : f32 to vector<16xf32>
    %select_n3A_2415 = arith.select %and3A_2409, %max3A_2412, %broadcast_in_dim3A_2414 : vector<16xi1>, vector<16xf32>
    %add3A_2416 = arith.addf %add3A_2381, %select_n3A_2415 : vector<16xf32>
    %jit3A_2417 = arith.constant 1.000000e+00 : f32
    %jit3A_2418 = arith.constant 0.000000e+00 : f32
    %broadcast_in_dim3A_2419 = vector.broadcast %jit3A_2417 : f32 to vector<16xf32>
    %broadcast_in_dim3A_2420 = vector.broadcast %jit3A_2418 : f32 to vector<16xf32>
    %select_n3A_2421 = arith.select %and3A_2409, %broadcast_in_dim3A_2419, %broadcast_in_dim3A_2420 : vector<16xi1>, vector<16xf32>
    %add3A_2422 = arith.addf %add3A_2387, %select_n3A_2421 : vector<16xf32>
    %jit3A_2423 = arith.constant 0 : i32
    %jit3A_2424 = arith.constant 31 : i32
    %max3A_2425 = vector.broadcast %jit3A_2423 : i32 to vector<16xi32>
    %max3A_2426 = arith.maxsi %max3A_2425, %shift_right_arithmetic3A_2281 : vector<16xi32>
    %min3A_2427 = vector.broadcast %jit3A_2424 : i32 to vector<16xi32>
    %min3A_2428 = arith.minsi %min3A_2427, %max3A_2426 : vector<16xi32>
    %mul3A_2429 = arith.constant 32 : i32
    %mul3A_2430 = vector.broadcast %mul3A_2429 : i32 to vector<16xi32>
    %mul3A_2431 = arith.muli %min3A_2428, %mul3A_2430 : vector<16xi32>
    %jit3A_2432 = arith.constant 0 : i32
    %jit3A_2433 = arith.constant 31 : i32
    %max3A_2434 = vector.broadcast %jit3A_2432 : i32 to vector<16xi32>
    %max3A_2435 = arith.maxsi %max3A_2434, %shift_right_arithmetic3A_2272 : vector<16xi32>
    %min3A_2436 = vector.broadcast %jit3A_2433 : i32 to vector<16xi32>
    %min3A_2437 = arith.minsi %min3A_2436, %max3A_2435 : vector<16xi32>
    %add3A_2438 = arith.addi %mul3A_2431, %min3A_2437 : vector<16xi32>
    %mul3A_2439 = arith.constant 1024 : i32
    %mul3A_2440 = vector.broadcast %mul3A_2439 : i32 to vector<16xi32>
    %mul3A_2441 = arith.muli %add3A_2211, %mul3A_2440 : vector<16xi32>
    %add3A_2442 = arith.addi %mul3A_2441, %add3A_2438 : vector<16xi32>
    %gather3A_2443 = tpu.vector_load_idx %arg5[%add3A_2442] : memref<65536xf32, #tpu.memory_space<vmem>>[vector<16xi32>], vector<16xf32>,
    %and3A_2444 = arith.andi %and3A_2317, %and3A_2263 : vector<16xi1>
    %max3A_2445 = arith.constant 0.000000e+00 : f32
    %max3A_2446 = vector.broadcast %max3A_2445 : f32 to vector<16xf32>
    %max3A_2447 = arith.maximumf %gather3A_2443, %max3A_2446 : vector<16xf32>
    %jit3A_2448 = arith.constant 0.000000e+00 : f32
    %broadcast_in_dim3A_2449 = vector.broadcast %jit3A_2448 : f32 to vector<16xf32>
    %select_n3A_2450 = arith.select %and3A_2444, %max3A_2447, %broadcast_in_dim3A_2449 : vector<16xi1>, vector<16xf32>
    %add3A_2451 = arith.addf %add3A_2416, %select_n3A_2450 : vector<16xf32>
    %jit3A_2452 = arith.constant 1.000000e+00 : f32
    %jit3A_2453 = arith.constant 0.000000e+00 : f32
    %broadcast_in_dim3A_2454 = vector.broadcast %jit3A_2452 : f32 to vector<16xf32>
    %broadcast_in_dim3A_2455 = vector.broadcast %jit3A_2453 : f32 to vector<16xf32>
    %select_n3A_2456 = arith.select %and3A_2444, %broadcast_in_dim3A_2454, %broadcast_in_dim3A_2455 : vector<16xi1>, vector<16xf32>
    %add3A_2457 = arith.addf %add3A_2422, %select_n3A_2456 : vector<16xf32>
    %swap3A = arith.constant 0 : index
    %swap3A_2458 = tpu.vector_load %arg7[%swap3A] {strides = array<i32>} : memref<32xf32, #tpu.memory_space<vmem>>, vector<16xf32>,
    tpu.vector_store %arg7[%swap3A], %add3A_2451 {strides = array<i32>} : memref<32xf32, #tpu.memory_space<vmem>>, vector<16xf32>,
    %swap3A_2459 = arith.constant 16 : index
    %swap3A_2460 = tpu.vector_load %arg7[%swap3A_2459] {strides = array<i32>} : memref<32xf32, #tpu.memory_space<vmem>>, vector<16xf32>,
    tpu.vector_store %arg7[%swap3A_2459], %add3A_2457 {strides = array<i32>} : memref<32xf32, #tpu.memory_space<vmem>>, vector<16xf32>,
    "tpu.region"() ({
      %run_scoped3A_2461 = tpu.sem_alloc : memref<!tpu.dma_semaphore, #tpu.memory_space<semaphore_mem>>
      %dma_start3A_2462 = arith.constant 0 : i32
      %dma_start3A_2463 = tpu.memref_slice %arg4[%add3A, %dma_start3A_2462] : memref<32x32xf32, #tpu.memory_space<hbm>> -> memref<1x32xf32, #tpu.memory_space<hbm>>
      %dma_start3A_2464 = tpu.memref_squeeze %dma_start3A_2463 : memref<1x32xf32, #tpu.memory_space<hbm>> -> memref<32xf32, #tpu.memory_space<hbm>>
      %dma_start3A_2465 = arith.constant 0 : i32
      %dma_start3A_2466 = tpu.memref_slice %arg4[%add3A, %dma_start3A_2465] : memref<32x32xf32, #tpu.memory_space<hbm>> -> memref<1x32xf32, #tpu.memory_space<hbm>>
      %dma_start3A_2467 = tpu.memref_squeeze %dma_start3A_2466 : memref<1x32xf32, #tpu.memory_space<hbm>> -> memref<32xf32, #tpu.memory_space<hbm>>
      tpu.enqueue_dma source(%arg7 : memref<32xf32, #tpu.memory_space<vmem>>) target(%dma_start3A_2467 : memref<32xf32, #tpu.memory_space<hbm>>) target_semaphore(%run_scoped3A_2461 : memref<!tpu.dma_semaphore, #tpu.memory_space<semaphore_mem>>)
      %dma_wait3A_2468 = arith.constant 0 : i32
      %dma_wait3A_2469 = tpu.memref_slice %arg4[%add3A, %dma_wait3A_2468] : memref<32x32xf32, #tpu.memory_space<hbm>> -> memref<1x32xf32, #tpu.memory_space<hbm>>
      %dma_wait3A_2470 = tpu.memref_squeeze %dma_wait3A_2469 : memref<1x32xf32, #tpu.memory_space<hbm>> -> memref<32xf32, #tpu.memory_space<hbm>>
      %dma_wait3A_2471 = arith.constant 0 : i32
      %dma_wait3A_2472 = tpu.memref_slice %arg4[%add3A, %dma_wait3A_2471] : memref<32x32xf32, #tpu.memory_space<hbm>> -> memref<1x32xf32, #tpu.memory_space<hbm>>
      %dma_wait3A_2473 = tpu.memref_squeeze %dma_wait3A_2472 : memref<1x32xf32, #tpu.memory_space<hbm>> -> memref<32xf32, #tpu.memory_space<hbm>>
      tpu.wait_dma2 semaphore(%run_scoped3A_2461 : memref<!tpu.dma_semaphore, #tpu.memory_space<semaphore_mem>>) src(%arg7 : memref<32xf32, #tpu.memory_space<vmem>>) dst(%dma_wait3A_2473 : memref<32xf32, #tpu.memory_space<hbm>>)
      tpu.yield
    }) : () -> ()
    return
  }
}

module attributes {stable_mosaic.version = 14 : i64} {
  func.func @_tc_kernel(%arg0: memref<2x1024x256xf32, #tpu.memory_space<any>>, %arg1: memref<2x1024x256xf32, #tpu.memory_space<any>>, %arg2: memref<2x1024x1024xf32, #tpu.memory_space<any>>, %arg3: memref<2x1024x256xf32, #tpu.memory_space<vmem>>, %arg4: memref<2x1024x256xf32, #tpu.memory_space<vmem>>, %arg5: memref<2x1024x1024xf32, #tpu.memory_space<vmem>>, %arg6: memref<!tpu.dma_semaphore, #tpu.memory_space<semaphore_mem>>, %arg7: memref<!tpu.dma_semaphore, #tpu.memory_space<semaphore_mem>>) attributes {dimension_semantics = [], scalar_prefetch = 0 : i64, scratch_operands = 5 : i64, tpu.core_type = #tpu.core_type<tc>} {
    %dma_start3A = arith.constant 0 : i32
    %dma_start3A_0 = arith.constant 0 : i32
    %dma_start3A_1 = arith.constant 0 : i32
    %dma_start3A_2 = arith.constant 0 : i32
    %dma_start3A_3 = tpu.memref_slice %arg3[%dma_start3A_0, %dma_start3A_1, %dma_start3A_2] : memref<2x1024x256xf32, #tpu.memory_space<vmem>> -> memref<1x1024x256xf32, #tpu.memory_space<vmem>>
    %dma_start3A_4 = tpu.memref_squeeze %dma_start3A_3 : memref<1x1024x256xf32, #tpu.memory_space<vmem>> -> memref<1024x256xf32, #tpu.memory_space<vmem>>
    %dma_start3A_5 = arith.constant 0 : i32
    %dma_start3A_6 = arith.constant 0 : i32
    %dma_start3A_7 = tpu.memref_slice %arg0[%dma_start3A, %dma_start3A_5, %dma_start3A_6] : memref<2x1024x256xf32, #tpu.memory_space<any>> -> memref<1x1024x256xf32, #tpu.memory_space<any>>
    %dma_start3A_8 = tpu.memref_squeeze %dma_start3A_7 : memref<1x1024x256xf32, #tpu.memory_space<any>> -> memref<1024x256xf32, #tpu.memory_space<any>>
    tpu.enqueue_dma source(%dma_start3A_8 : memref<1024x256xf32, #tpu.memory_space<any>>) target(%dma_start3A_4 : memref<1024x256xf32, #tpu.memory_space<vmem>>) target_semaphore(%arg6 : memref<!tpu.dma_semaphore, #tpu.memory_space<semaphore_mem>>)
    %dma_start3A_9 = arith.constant 0 : i32
    %dma_start3A_10 = arith.constant 0 : i32
    %dma_start3A_11 = arith.constant 0 : i32
    %dma_start3A_12 = arith.constant 0 : i32
    %dma_start3A_13 = tpu.memref_slice %arg4[%dma_start3A_10, %dma_start3A_11, %dma_start3A_12] : memref<2x1024x256xf32, #tpu.memory_space<vmem>> -> memref<1x1024x256xf32, #tpu.memory_space<vmem>>
    %dma_start3A_14 = tpu.memref_squeeze %dma_start3A_13 : memref<1x1024x256xf32, #tpu.memory_space<vmem>> -> memref<1024x256xf32, #tpu.memory_space<vmem>>
    %dma_start3A_15 = arith.constant 0 : i32
    %dma_start3A_16 = arith.constant 0 : i32
    %dma_start3A_17 = tpu.memref_slice %arg1[%dma_start3A_9, %dma_start3A_15, %dma_start3A_16] : memref<2x1024x256xf32, #tpu.memory_space<any>> -> memref<1x1024x256xf32, #tpu.memory_space<any>>
    %dma_start3A_18 = tpu.memref_squeeze %dma_start3A_17 : memref<1x1024x256xf32, #tpu.memory_space<any>> -> memref<1024x256xf32, #tpu.memory_space<any>>
    tpu.enqueue_dma source(%dma_start3A_18 : memref<1024x256xf32, #tpu.memory_space<any>>) target(%dma_start3A_14 : memref<1024x256xf32, #tpu.memory_space<vmem>>) target_semaphore(%arg6 : memref<!tpu.dma_semaphore, #tpu.memory_space<semaphore_mem>>)
    %dma_start3A_19 = arith.constant 1 : i32
    %dma_start3A_20 = arith.constant 1 : i32
    %dma_start3A_21 = arith.constant 0 : i32
    %dma_start3A_22 = arith.constant 0 : i32
    %dma_start3A_23 = tpu.memref_slice %arg3[%dma_start3A_20, %dma_start3A_21, %dma_start3A_22] : memref<2x1024x256xf32, #tpu.memory_space<vmem>> -> memref<1x1024x256xf32, #tpu.memory_space<vmem>>
    %dma_start3A_24 = tpu.memref_squeeze %dma_start3A_23 : memref<1x1024x256xf32, #tpu.memory_space<vmem>> -> memref<1024x256xf32, #tpu.memory_space<vmem>>
    %dma_start3A_25 = arith.constant 0 : i32
    %dma_start3A_26 = arith.constant 0 : i32
    %dma_start3A_27 = tpu.memref_slice %arg0[%dma_start3A_19, %dma_start3A_25, %dma_start3A_26] : memref<2x1024x256xf32, #tpu.memory_space<any>> -> memref<1x1024x256xf32, #tpu.memory_space<any>>
    %dma_start3A_28 = tpu.memref_squeeze %dma_start3A_27 : memref<1x1024x256xf32, #tpu.memory_space<any>> -> memref<1024x256xf32, #tpu.memory_space<any>>
    tpu.enqueue_dma source(%dma_start3A_28 : memref<1024x256xf32, #tpu.memory_space<any>>) target(%dma_start3A_24 : memref<1024x256xf32, #tpu.memory_space<vmem>>) target_semaphore(%arg6 : memref<!tpu.dma_semaphore, #tpu.memory_space<semaphore_mem>>)
    %dma_start3A_29 = arith.constant 1 : i32
    %dma_start3A_30 = arith.constant 1 : i32
    %dma_start3A_31 = arith.constant 0 : i32
    %dma_start3A_32 = arith.constant 0 : i32
    %dma_start3A_33 = tpu.memref_slice %arg4[%dma_start3A_30, %dma_start3A_31, %dma_start3A_32] : memref<2x1024x256xf32, #tpu.memory_space<vmem>> -> memref<1x1024x256xf32, #tpu.memory_space<vmem>>
    %dma_start3A_34 = tpu.memref_squeeze %dma_start3A_33 : memref<1x1024x256xf32, #tpu.memory_space<vmem>> -> memref<1024x256xf32, #tpu.memory_space<vmem>>
    %dma_start3A_35 = arith.constant 0 : i32
    %dma_start3A_36 = arith.constant 0 : i32
    %dma_start3A_37 = tpu.memref_slice %arg1[%dma_start3A_29, %dma_start3A_35, %dma_start3A_36] : memref<2x1024x256xf32, #tpu.memory_space<any>> -> memref<1x1024x256xf32, #tpu.memory_space<any>>
    %dma_start3A_38 = tpu.memref_squeeze %dma_start3A_37 : memref<1x1024x256xf32, #tpu.memory_space<any>> -> memref<1024x256xf32, #tpu.memory_space<any>>
    tpu.enqueue_dma source(%dma_start3A_38 : memref<1024x256xf32, #tpu.memory_space<any>>) target(%dma_start3A_34 : memref<1024x256xf32, #tpu.memory_space<vmem>>) target_semaphore(%arg6 : memref<!tpu.dma_semaphore, #tpu.memory_space<semaphore_mem>>)
    %iota3A = tpu.iota {dimensions = array<i32: 0>} : vector<1024x1024xi32>
    %dma_wait3A = arith.constant 0 : i32
    %dma_wait3A_39 = arith.constant 0 : i32
    %dma_wait3A_40 = arith.constant 0 : i32
    %dma_wait3A_41 = arith.constant 0 : i32
    %dma_wait3A_42 = tpu.memref_slice %arg3[%dma_wait3A_39, %dma_wait3A_40, %dma_wait3A_41] : memref<2x1024x256xf32, #tpu.memory_space<vmem>> -> memref<1x1024x256xf32, #tpu.memory_space<vmem>>
    %dma_wait3A_43 = tpu.memref_squeeze %dma_wait3A_42 : memref<1x1024x256xf32, #tpu.memory_space<vmem>> -> memref<1024x256xf32, #tpu.memory_space<vmem>>
    %dma_wait3A_44 = arith.constant 0 : i32
    %dma_wait3A_45 = arith.constant 0 : i32
    %dma_wait3A_46 = tpu.memref_slice %arg0[%dma_wait3A, %dma_wait3A_44, %dma_wait3A_45] : memref<2x1024x256xf32, #tpu.memory_space<any>> -> memref<1x1024x256xf32, #tpu.memory_space<any>>
    %dma_wait3A_47 = tpu.memref_squeeze %dma_wait3A_46 : memref<1x1024x256xf32, #tpu.memory_space<any>> -> memref<1024x256xf32, #tpu.memory_space<any>>
    tpu.wait_dma2 semaphore(%arg6 : memref<!tpu.dma_semaphore, #tpu.memory_space<semaphore_mem>>) src(%dma_wait3A_47 : memref<1024x256xf32, #tpu.memory_space<any>>) dst(%dma_wait3A_43 : memref<1024x256xf32, #tpu.memory_space<vmem>>)
    %dma_wait3A_48 = arith.constant 0 : i32
    %dma_wait3A_49 = arith.constant 0 : i32
    %dma_wait3A_50 = arith.constant 0 : i32
    %dma_wait3A_51 = arith.constant 0 : i32
    %dma_wait3A_52 = tpu.memref_slice %arg4[%dma_wait3A_49, %dma_wait3A_50, %dma_wait3A_51] : memref<2x1024x256xf32, #tpu.memory_space<vmem>> -> memref<1x1024x256xf32, #tpu.memory_space<vmem>>
    %dma_wait3A_53 = tpu.memref_squeeze %dma_wait3A_52 : memref<1x1024x256xf32, #tpu.memory_space<vmem>> -> memref<1024x256xf32, #tpu.memory_space<vmem>>
    %dma_wait3A_54 = arith.constant 0 : i32
    %dma_wait3A_55 = arith.constant 0 : i32
    %dma_wait3A_56 = tpu.memref_slice %arg1[%dma_wait3A_48, %dma_wait3A_54, %dma_wait3A_55] : memref<2x1024x256xf32, #tpu.memory_space<any>> -> memref<1x1024x256xf32, #tpu.memory_space<any>>
    %dma_wait3A_57 = tpu.memref_squeeze %dma_wait3A_56 : memref<1x1024x256xf32, #tpu.memory_space<any>> -> memref<1024x256xf32, #tpu.memory_space<any>>
    tpu.wait_dma2 semaphore(%arg6 : memref<!tpu.dma_semaphore, #tpu.memory_space<semaphore_mem>>) src(%dma_wait3A_57 : memref<1024x256xf32, #tpu.memory_space<any>>) dst(%dma_wait3A_53 : memref<1024x256xf32, #tpu.memory_space<vmem>>)
    %get3A = arith.constant 0 : index
    %get3A_58 = arith.constant 0 : index
    %get3A_59 = arith.constant 0 : index
    %get3A_60 = vector.load %arg3[%get3A, %get3A_58, %get3A_59] : memref<2x1024x256xf32, #tpu.memory_space<vmem>>, vector<1x1024x256xf32>
    %get3A_61 = vector.shape_cast %get3A_60 : vector<1x1024x256xf32> to vector<1024x256xf32>
    %get3A_62 = arith.constant 0 : index
    %get3A_63 = arith.constant 0 : index
    %get3A_64 = arith.constant 0 : index
    %get3A_65 = vector.load %arg4[%get3A_62, %get3A_63, %get3A_64] : memref<2x1024x256xf32, #tpu.memory_space<vmem>>, vector<1x1024x256xf32>
    %get3A_66 = vector.shape_cast %get3A_65 : vector<1x1024x256xf32> to vector<1024x256xf32>
    %mul3A = arith.mulf %get3A_61, %get3A_61 : vector<1024x256xf32>
    %reduce_sum3A = arith.constant dense<0.000000e+00> : vector<1024xf32>
    %reduce_sum3A_67 = vector.multi_reduction <add>, %mul3A, %reduce_sum3A [1] : vector<1024x256xf32> to vector<1024xf32>
    %broadcast_in_dim3A = vector.shape_cast %reduce_sum3A_67 : vector<1024xf32> to vector<1024x1xf32>
    %sqrt3A = math.sqrt %broadcast_in_dim3A : vector<1024x1xf32>
    %max3A = arith.constant 9.99999993E-9 : f32
    %max3A_68 = vector.broadcast %max3A : f32 to vector<1024x1xf32>
    %max3A_69 = arith.maximumf %sqrt3A, %max3A_68 : vector<1024x1xf32>
    %mul3A_70 = arith.mulf %get3A_66, %get3A_66 : vector<1024x256xf32>
    %reduce_sum3A_71 = arith.constant dense<0.000000e+00> : vector<1024xf32>
    %reduce_sum3A_72 = vector.multi_reduction <add>, %mul3A_70, %reduce_sum3A_71 [1] : vector<1024x256xf32> to vector<1024xf32>
    %broadcast_in_dim3A_73 = vector.shape_cast %reduce_sum3A_72 : vector<1024xf32> to vector<1024x1xf32>
    %sqrt3A_74 = math.sqrt %broadcast_in_dim3A_73 : vector<1024x1xf32>
    %max3A_75 = arith.constant 9.99999993E-9 : f32
    %max3A_76 = vector.broadcast %max3A_75 : f32 to vector<1024x1xf32>
    %max3A_77 = arith.maximumf %sqrt3A_74, %max3A_76 : vector<1024x1xf32>
    %div3A = vector.broadcast %max3A_69 : vector<1024x1xf32> to vector<1024x256xf32>
    %div3A_78 = arith.divf %get3A_61, %div3A : vector<1024x256xf32>
    %div3A_79 = vector.broadcast %max3A_77 : vector<1024x1xf32> to vector<1024x256xf32>
    %div3A_80 = arith.divf %get3A_66, %div3A_79 : vector<1024x256xf32>
    %dot_general3A = arith.constant dense<0.000000e+00> : vector<1024x1024xf32>
    %dot_general3A_81 = tpu.matmul %div3A_80, %div3A_78, %dot_general3A {dimension_numbers = #tpu.dot_dimension_numbers<[1], [1], [0], [0], [0, 0, 1, 0], [], []>, transpose_lhs_hint = false} : vector<1024x256xf32>, vector<1024x256xf32>, vector<1024x1024xf32> -> vector<1024x1024xf32>
    %reduce_min3A = arith.constant dense<0x7F800000> : vector<1024xf32>
    %reduce_min3A_82 = vector.multi_reduction <minimumf>, %dot_general3A_81, %reduce_min3A [0] : vector<1024x1024xf32> to vector<1024xf32>
    %broadcast_in_dim3A_83 = vector.shape_cast %reduce_min3A_82 : vector<1024xf32> to vector<1x1024xf32>
    %eq3A = vector.broadcast %broadcast_in_dim3A_83 : vector<1x1024xf32> to vector<1024x1024xf32>
    %eq3A_84 = arith.cmpf oeq, %dot_general3A_81, %eq3A : vector<1024x1024xf32>
    %jit3A = arith.constant 1024 : i32
    %broadcast_in_dim3A_85 = vector.broadcast %jit3A : i32 to vector<1024x1024xi32>
    %select_n3A = arith.select %eq3A_84, %iota3A, %broadcast_in_dim3A_85 : vector<1024x1024xi1>, vector<1024x1024xi32>
    %reduce_min3A_86 = arith.constant dense<2147483647> : vector<1024xi32>
    %reduce_min3A_87 = vector.multi_reduction <minsi>, %select_n3A, %reduce_min3A_86 [0] : vector<1024x1024xi32> to vector<1024xi32>
    %broadcast_in_dim3A_88 = vector.shape_cast %reduce_min3A_87 : vector<1024xi32> to vector<1x1024xi32>
    %eq3A_89 = vector.broadcast %broadcast_in_dim3A_88 : vector<1x1024xi32> to vector<1024x1024xi32>
    %eq3A_90 = arith.cmpi eq, %iota3A, %eq3A_89 : vector<1024x1024xi32>
    %jit3A_91 = arith.constant 0x7F800000 : f32
    %broadcast_in_dim3A_92 = vector.broadcast %jit3A_91 : f32 to vector<1024x1024xf32>
    %select_n3A_93 = arith.select %eq3A_90, %broadcast_in_dim3A_92, %dot_general3A_81 : vector<1024x1024xi1>, vector<1024x1024xf32>
    %reduce_min3A_94 = arith.constant dense<0x7F800000> : vector<1024xf32>
    %reduce_min3A_95 = vector.multi_reduction <minimumf>, %select_n3A_93, %reduce_min3A_94 [0] : vector<1024x1024xf32> to vector<1024xf32>
    %broadcast_in_dim3A_96 = vector.shape_cast %reduce_min3A_95 : vector<1024xf32> to vector<1x1024xf32>
    %eq3A_97 = vector.broadcast %broadcast_in_dim3A_96 : vector<1x1024xf32> to vector<1024x1024xf32>
    %eq3A_98 = arith.cmpf oeq, %select_n3A_93, %eq3A_97 : vector<1024x1024xf32>
    %jit3A_99 = arith.constant 1024 : i32
    %broadcast_in_dim3A_100 = vector.broadcast %jit3A_99 : i32 to vector<1024x1024xi32>
    %select_n3A_101 = arith.select %eq3A_98, %iota3A, %broadcast_in_dim3A_100 : vector<1024x1024xi1>, vector<1024x1024xi32>
    %reduce_min3A_102 = arith.constant dense<2147483647> : vector<1024xi32>
    %reduce_min3A_103 = vector.multi_reduction <minsi>, %select_n3A_101, %reduce_min3A_102 [0] : vector<1024x1024xi32> to vector<1024xi32>
    %broadcast_in_dim3A_104 = vector.shape_cast %reduce_min3A_103 : vector<1024xi32> to vector<1x1024xi32>
    %eq3A_105 = vector.broadcast %broadcast_in_dim3A_104 : vector<1x1024xi32> to vector<1024x1024xi32>
    %eq3A_106 = arith.cmpi eq, %iota3A, %eq3A_105 : vector<1024x1024xi32>
    %jit3A_107 = arith.constant 0x7F800000 : f32
    %broadcast_in_dim3A_108 = vector.broadcast %jit3A_107 : f32 to vector<1024x1024xf32>
    %select_n3A_109 = arith.select %eq3A_106, %broadcast_in_dim3A_108, %select_n3A_93 : vector<1024x1024xi1>, vector<1024x1024xf32>
    %reduce_min3A_110 = arith.constant dense<0x7F800000> : vector<1024xf32>
    %reduce_min3A_111 = vector.multi_reduction <minimumf>, %select_n3A_109, %reduce_min3A_110 [0] : vector<1024x1024xf32> to vector<1024xf32>
    %broadcast_in_dim3A_112 = vector.shape_cast %reduce_min3A_111 : vector<1024xf32> to vector<1x1024xf32>
    %add3A = arith.addf %broadcast_in_dim3A_83, %broadcast_in_dim3A_96 : vector<1x1024xf32>
    %add3A_113 = arith.addf %add3A, %broadcast_in_dim3A_112 : vector<1x1024xf32>
    %add3A_114 = arith.constant 6.000000e-01 : f32
    %add3A_115 = vector.broadcast %add3A_114 : f32 to vector<1x1024xf32>
    %add3A_116 = arith.addf %add3A_113, %add3A_115 : vector<1x1024xf32>
    %sub3A = vector.broadcast %add3A_116 : vector<1x1024xf32> to vector<1024x1024xf32>
    %sub3A_117 = arith.subf %sub3A, %dot_general3A_81 : vector<1024x1024xf32>
    %swap3A = arith.constant 0 : index
    %swap3A_118 = arith.constant 0 : index
    %swap3A_119 = arith.constant 0 : index
    %swap3A_120 = vector.load %arg5[%swap3A, %swap3A_118, %swap3A_119] : memref<2x1024x1024xf32, #tpu.memory_space<vmem>>, vector<1x1024x1024xf32>
    %swap3A_121 = vector.shape_cast %swap3A_120 : vector<1x1024x1024xf32> to vector<1024x1024xf32>
    %swap3A_122 = vector.shape_cast %sub3A_117 : vector<1024x1024xf32> to vector<1x1024x1024xf32>
    tpu.vector_store %arg5[%swap3A, %swap3A_118, %swap3A_119], %swap3A_122 {strides = array<i32>} : memref<2x1024x1024xf32, #tpu.memory_space<vmem>>, vector<1x1024x1024xf32>,
    %dma_start3A_123 = arith.constant 0 : i32
    %dma_start3A_124 = arith.constant 0 : i32
    %dma_start3A_125 = arith.constant 0 : i32
    %dma_start3A_126 = arith.constant 0 : i32
    %dma_start3A_127 = tpu.memref_slice %arg2[%dma_start3A_124, %dma_start3A_125, %dma_start3A_126] : memref<2x1024x1024xf32, #tpu.memory_space<any>> -> memref<1x1024x1024xf32, #tpu.memory_space<any>>
    %dma_start3A_128 = tpu.memref_squeeze %dma_start3A_127 : memref<1x1024x1024xf32, #tpu.memory_space<any>> -> memref<1024x1024xf32, #tpu.memory_space<any>>
    %dma_start3A_129 = arith.constant 0 : i32
    %dma_start3A_130 = arith.constant 0 : i32
    %dma_start3A_131 = tpu.memref_slice %arg5[%dma_start3A_123, %dma_start3A_129, %dma_start3A_130] : memref<2x1024x1024xf32, #tpu.memory_space<vmem>> -> memref<1x1024x1024xf32, #tpu.memory_space<vmem>>
    %dma_start3A_132 = tpu.memref_squeeze %dma_start3A_131 : memref<1x1024x1024xf32, #tpu.memory_space<vmem>> -> memref<1024x1024xf32, #tpu.memory_space<vmem>>
    tpu.enqueue_dma source(%dma_start3A_132 : memref<1024x1024xf32, #tpu.memory_space<vmem>>) target(%dma_start3A_128 : memref<1024x1024xf32, #tpu.memory_space<any>>) target_semaphore(%arg7 : memref<!tpu.dma_semaphore, #tpu.memory_space<semaphore_mem>>)
    %dma_wait3A_133 = arith.constant 1 : i32
    %dma_wait3A_134 = arith.constant 1 : i32
    %dma_wait3A_135 = arith.constant 0 : i32
    %dma_wait3A_136 = arith.constant 0 : i32
    %dma_wait3A_137 = tpu.memref_slice %arg3[%dma_wait3A_134, %dma_wait3A_135, %dma_wait3A_136] : memref<2x1024x256xf32, #tpu.memory_space<vmem>> -> memref<1x1024x256xf32, #tpu.memory_space<vmem>>
    %dma_wait3A_138 = tpu.memref_squeeze %dma_wait3A_137 : memref<1x1024x256xf32, #tpu.memory_space<vmem>> -> memref<1024x256xf32, #tpu.memory_space<vmem>>
    %dma_wait3A_139 = arith.constant 0 : i32
    %dma_wait3A_140 = arith.constant 0 : i32
    %dma_wait3A_141 = tpu.memref_slice %arg0[%dma_wait3A_133, %dma_wait3A_139, %dma_wait3A_140] : memref<2x1024x256xf32, #tpu.memory_space<any>> -> memref<1x1024x256xf32, #tpu.memory_space<any>>
    %dma_wait3A_142 = tpu.memref_squeeze %dma_wait3A_141 : memref<1x1024x256xf32, #tpu.memory_space<any>> -> memref<1024x256xf32, #tpu.memory_space<any>>
    tpu.wait_dma2 semaphore(%arg6 : memref<!tpu.dma_semaphore, #tpu.memory_space<semaphore_mem>>) src(%dma_wait3A_142 : memref<1024x256xf32, #tpu.memory_space<any>>) dst(%dma_wait3A_138 : memref<1024x256xf32, #tpu.memory_space<vmem>>)
    %dma_wait3A_143 = arith.constant 1 : i32
    %dma_wait3A_144 = arith.constant 1 : i32
    %dma_wait3A_145 = arith.constant 0 : i32
    %dma_wait3A_146 = arith.constant 0 : i32
    %dma_wait3A_147 = tpu.memref_slice %arg4[%dma_wait3A_144, %dma_wait3A_145, %dma_wait3A_146] : memref<2x1024x256xf32, #tpu.memory_space<vmem>> -> memref<1x1024x256xf32, #tpu.memory_space<vmem>>
    %dma_wait3A_148 = tpu.memref_squeeze %dma_wait3A_147 : memref<1x1024x256xf32, #tpu.memory_space<vmem>> -> memref<1024x256xf32, #tpu.memory_space<vmem>>
    %dma_wait3A_149 = arith.constant 0 : i32
    %dma_wait3A_150 = arith.constant 0 : i32
    %dma_wait3A_151 = tpu.memref_slice %arg1[%dma_wait3A_143, %dma_wait3A_149, %dma_wait3A_150] : memref<2x1024x256xf32, #tpu.memory_space<any>> -> memref<1x1024x256xf32, #tpu.memory_space<any>>
    %dma_wait3A_152 = tpu.memref_squeeze %dma_wait3A_151 : memref<1x1024x256xf32, #tpu.memory_space<any>> -> memref<1024x256xf32, #tpu.memory_space<any>>
    tpu.wait_dma2 semaphore(%arg6 : memref<!tpu.dma_semaphore, #tpu.memory_space<semaphore_mem>>) src(%dma_wait3A_152 : memref<1024x256xf32, #tpu.memory_space<any>>) dst(%dma_wait3A_148 : memref<1024x256xf32, #tpu.memory_space<vmem>>)
    %get3A_153 = arith.constant 1 : index
    %get3A_154 = arith.constant 0 : index
    %get3A_155 = arith.constant 0 : index
    %get3A_156 = vector.load %arg3[%get3A_153, %get3A_154, %get3A_155] : memref<2x1024x256xf32, #tpu.memory_space<vmem>>, vector<1x1024x256xf32>
    %get3A_157 = vector.shape_cast %get3A_156 : vector<1x1024x256xf32> to vector<1024x256xf32>
    %get3A_158 = arith.constant 1 : index
    %get3A_159 = arith.constant 0 : index
    %get3A_160 = arith.constant 0 : index
    %get3A_161 = vector.load %arg4[%get3A_158, %get3A_159, %get3A_160] : memref<2x1024x256xf32, #tpu.memory_space<vmem>>, vector<1x1024x256xf32>
    %get3A_162 = vector.shape_cast %get3A_161 : vector<1x1024x256xf32> to vector<1024x256xf32>
    %mul3A_163 = arith.mulf %get3A_157, %get3A_157 : vector<1024x256xf32>
    %reduce_sum3A_164 = arith.constant dense<0.000000e+00> : vector<1024xf32>
    %reduce_sum3A_165 = vector.multi_reduction <add>, %mul3A_163, %reduce_sum3A_164 [1] : vector<1024x256xf32> to vector<1024xf32>
    %broadcast_in_dim3A_166 = vector.shape_cast %reduce_sum3A_165 : vector<1024xf32> to vector<1024x1xf32>
    %sqrt3A_167 = math.sqrt %broadcast_in_dim3A_166 : vector<1024x1xf32>
    %max3A_168 = arith.constant 9.99999993E-9 : f32
    %max3A_169 = vector.broadcast %max3A_168 : f32 to vector<1024x1xf32>
    %max3A_170 = arith.maximumf %sqrt3A_167, %max3A_169 : vector<1024x1xf32>
    %mul3A_171 = arith.mulf %get3A_162, %get3A_162 : vector<1024x256xf32>
    %reduce_sum3A_172 = arith.constant dense<0.000000e+00> : vector<1024xf32>
    %reduce_sum3A_173 = vector.multi_reduction <add>, %mul3A_171, %reduce_sum3A_172 [1] : vector<1024x256xf32> to vector<1024xf32>
    %broadcast_in_dim3A_174 = vector.shape_cast %reduce_sum3A_173 : vector<1024xf32> to vector<1024x1xf32>
    %sqrt3A_175 = math.sqrt %broadcast_in_dim3A_174 : vector<1024x1xf32>
    %max3A_176 = arith.constant 9.99999993E-9 : f32
    %max3A_177 = vector.broadcast %max3A_176 : f32 to vector<1024x1xf32>
    %max3A_178 = arith.maximumf %sqrt3A_175, %max3A_177 : vector<1024x1xf32>
    %div3A_179 = vector.broadcast %max3A_170 : vector<1024x1xf32> to vector<1024x256xf32>
    %div3A_180 = arith.divf %get3A_157, %div3A_179 : vector<1024x256xf32>
    %div3A_181 = vector.broadcast %max3A_178 : vector<1024x1xf32> to vector<1024x256xf32>
    %div3A_182 = arith.divf %get3A_162, %div3A_181 : vector<1024x256xf32>
    %dot_general3A_183 = arith.constant dense<0.000000e+00> : vector<1024x1024xf32>
    %dot_general3A_184 = tpu.matmul %div3A_182, %div3A_180, %dot_general3A_183 {dimension_numbers = #tpu.dot_dimension_numbers<[1], [1], [0], [0], [0, 0, 1, 0], [], []>, transpose_lhs_hint = false} : vector<1024x256xf32>, vector<1024x256xf32>, vector<1024x1024xf32> -> vector<1024x1024xf32>
    %reduce_min3A_185 = arith.constant dense<0x7F800000> : vector<1024xf32>
    %reduce_min3A_186 = vector.multi_reduction <minimumf>, %dot_general3A_184, %reduce_min3A_185 [0] : vector<1024x1024xf32> to vector<1024xf32>
    %broadcast_in_dim3A_187 = vector.shape_cast %reduce_min3A_186 : vector<1024xf32> to vector<1x1024xf32>
    %eq3A_188 = vector.broadcast %broadcast_in_dim3A_187 : vector<1x1024xf32> to vector<1024x1024xf32>
    %eq3A_189 = arith.cmpf oeq, %dot_general3A_184, %eq3A_188 : vector<1024x1024xf32>
    %jit3A_190 = arith.constant 1024 : i32
    %broadcast_in_dim3A_191 = vector.broadcast %jit3A_190 : i32 to vector<1024x1024xi32>
    %select_n3A_192 = arith.select %eq3A_189, %iota3A, %broadcast_in_dim3A_191 : vector<1024x1024xi1>, vector<1024x1024xi32>
    %reduce_min3A_193 = arith.constant dense<2147483647> : vector<1024xi32>
    %reduce_min3A_194 = vector.multi_reduction <minsi>, %select_n3A_192, %reduce_min3A_193 [0] : vector<1024x1024xi32> to vector<1024xi32>
    %broadcast_in_dim3A_195 = vector.shape_cast %reduce_min3A_194 : vector<1024xi32> to vector<1x1024xi32>
    %eq3A_196 = vector.broadcast %broadcast_in_dim3A_195 : vector<1x1024xi32> to vector<1024x1024xi32>
    %eq3A_197 = arith.cmpi eq, %iota3A, %eq3A_196 : vector<1024x1024xi32>
    %jit3A_198 = arith.constant 0x7F800000 : f32
    %broadcast_in_dim3A_199 = vector.broadcast %jit3A_198 : f32 to vector<1024x1024xf32>
    %select_n3A_200 = arith.select %eq3A_197, %broadcast_in_dim3A_199, %dot_general3A_184 : vector<1024x1024xi1>, vector<1024x1024xf32>
    %reduce_min3A_201 = arith.constant dense<0x7F800000> : vector<1024xf32>
    %reduce_min3A_202 = vector.multi_reduction <minimumf>, %select_n3A_200, %reduce_min3A_201 [0] : vector<1024x1024xf32> to vector<1024xf32>
    %broadcast_in_dim3A_203 = vector.shape_cast %reduce_min3A_202 : vector<1024xf32> to vector<1x1024xf32>
    %eq3A_204 = vector.broadcast %broadcast_in_dim3A_203 : vector<1x1024xf32> to vector<1024x1024xf32>
    %eq3A_205 = arith.cmpf oeq, %select_n3A_200, %eq3A_204 : vector<1024x1024xf32>
    %jit3A_206 = arith.constant 1024 : i32
    %broadcast_in_dim3A_207 = vector.broadcast %jit3A_206 : i32 to vector<1024x1024xi32>
    %select_n3A_208 = arith.select %eq3A_205, %iota3A, %broadcast_in_dim3A_207 : vector<1024x1024xi1>, vector<1024x1024xi32>
    %reduce_min3A_209 = arith.constant dense<2147483647> : vector<1024xi32>
    %reduce_min3A_210 = vector.multi_reduction <minsi>, %select_n3A_208, %reduce_min3A_209 [0] : vector<1024x1024xi32> to vector<1024xi32>
    %broadcast_in_dim3A_211 = vector.shape_cast %reduce_min3A_210 : vector<1024xi32> to vector<1x1024xi32>
    %eq3A_212 = vector.broadcast %broadcast_in_dim3A_211 : vector<1x1024xi32> to vector<1024x1024xi32>
    %eq3A_213 = arith.cmpi eq, %iota3A, %eq3A_212 : vector<1024x1024xi32>
    %jit3A_214 = arith.constant 0x7F800000 : f32
    %broadcast_in_dim3A_215 = vector.broadcast %jit3A_214 : f32 to vector<1024x1024xf32>
    %select_n3A_216 = arith.select %eq3A_213, %broadcast_in_dim3A_215, %select_n3A_200 : vector<1024x1024xi1>, vector<1024x1024xf32>
    %reduce_min3A_217 = arith.constant dense<0x7F800000> : vector<1024xf32>
    %reduce_min3A_218 = vector.multi_reduction <minimumf>, %select_n3A_216, %reduce_min3A_217 [0] : vector<1024x1024xf32> to vector<1024xf32>
    %broadcast_in_dim3A_219 = vector.shape_cast %reduce_min3A_218 : vector<1024xf32> to vector<1x1024xf32>
    %add3A_220 = arith.addf %broadcast_in_dim3A_187, %broadcast_in_dim3A_203 : vector<1x1024xf32>
    %add3A_221 = arith.addf %add3A_220, %broadcast_in_dim3A_219 : vector<1x1024xf32>
    %add3A_222 = arith.constant 6.000000e-01 : f32
    %add3A_223 = vector.broadcast %add3A_222 : f32 to vector<1x1024xf32>
    %add3A_224 = arith.addf %add3A_221, %add3A_223 : vector<1x1024xf32>
    %sub3A_225 = vector.broadcast %add3A_224 : vector<1x1024xf32> to vector<1024x1024xf32>
    %sub3A_226 = arith.subf %sub3A_225, %dot_general3A_184 : vector<1024x1024xf32>
    %swap3A_227 = arith.constant 1 : index
    %swap3A_228 = arith.constant 0 : index
    %swap3A_229 = arith.constant 0 : index
    %swap3A_230 = vector.load %arg5[%swap3A_227, %swap3A_228, %swap3A_229] : memref<2x1024x1024xf32, #tpu.memory_space<vmem>>, vector<1x1024x1024xf32>
    %swap3A_231 = vector.shape_cast %swap3A_230 : vector<1x1024x1024xf32> to vector<1024x1024xf32>
    %swap3A_232 = vector.shape_cast %sub3A_226 : vector<1024x1024xf32> to vector<1x1024x1024xf32>
    tpu.vector_store %arg5[%swap3A_227, %swap3A_228, %swap3A_229], %swap3A_232 {strides = array<i32>} : memref<2x1024x1024xf32, #tpu.memory_space<vmem>>, vector<1x1024x1024xf32>,
    %dma_start3A_233 = arith.constant 1 : i32
    %dma_start3A_234 = arith.constant 1 : i32
    %dma_start3A_235 = arith.constant 0 : i32
    %dma_start3A_236 = arith.constant 0 : i32
    %dma_start3A_237 = tpu.memref_slice %arg2[%dma_start3A_234, %dma_start3A_235, %dma_start3A_236] : memref<2x1024x1024xf32, #tpu.memory_space<any>> -> memref<1x1024x1024xf32, #tpu.memory_space<any>>
    %dma_start3A_238 = tpu.memref_squeeze %dma_start3A_237 : memref<1x1024x1024xf32, #tpu.memory_space<any>> -> memref<1024x1024xf32, #tpu.memory_space<any>>
    %dma_start3A_239 = arith.constant 0 : i32
    %dma_start3A_240 = arith.constant 0 : i32
    %dma_start3A_241 = tpu.memref_slice %arg5[%dma_start3A_233, %dma_start3A_239, %dma_start3A_240] : memref<2x1024x1024xf32, #tpu.memory_space<vmem>> -> memref<1x1024x1024xf32, #tpu.memory_space<vmem>>
    %dma_start3A_242 = tpu.memref_squeeze %dma_start3A_241 : memref<1x1024x1024xf32, #tpu.memory_space<vmem>> -> memref<1024x1024xf32, #tpu.memory_space<vmem>>
    tpu.enqueue_dma source(%dma_start3A_242 : memref<1024x1024xf32, #tpu.memory_space<vmem>>) target(%dma_start3A_238 : memref<1024x1024xf32, #tpu.memory_space<any>>) target_semaphore(%arg7 : memref<!tpu.dma_semaphore, #tpu.memory_space<semaphore_mem>>)
    %dma_wait3A_243 = arith.constant 0 : i32
    %dma_wait3A_244 = arith.constant 0 : i32
    %dma_wait3A_245 = arith.constant 0 : i32
    %dma_wait3A_246 = arith.constant 0 : i32
    %dma_wait3A_247 = tpu.memref_slice %arg2[%dma_wait3A_244, %dma_wait3A_245, %dma_wait3A_246] : memref<2x1024x1024xf32, #tpu.memory_space<any>> -> memref<1x1024x1024xf32, #tpu.memory_space<any>>
    %dma_wait3A_248 = tpu.memref_squeeze %dma_wait3A_247 : memref<1x1024x1024xf32, #tpu.memory_space<any>> -> memref<1024x1024xf32, #tpu.memory_space<any>>
    %dma_wait3A_249 = arith.constant 0 : i32
    %dma_wait3A_250 = arith.constant 0 : i32
    %dma_wait3A_251 = tpu.memref_slice %arg5[%dma_wait3A_243, %dma_wait3A_249, %dma_wait3A_250] : memref<2x1024x1024xf32, #tpu.memory_space<vmem>> -> memref<1x1024x1024xf32, #tpu.memory_space<vmem>>
    %dma_wait3A_252 = tpu.memref_squeeze %dma_wait3A_251 : memref<1x1024x1024xf32, #tpu.memory_space<vmem>> -> memref<1024x1024xf32, #tpu.memory_space<vmem>>
    tpu.wait_dma2 semaphore(%arg7 : memref<!tpu.dma_semaphore, #tpu.memory_space<semaphore_mem>>) src(%dma_wait3A_252 : memref<1024x1024xf32, #tpu.memory_space<vmem>>) dst(%dma_wait3A_248 : memref<1024x1024xf32, #tpu.memory_space<any>>)
    %dma_wait3A_253 = arith.constant 1 : i32
    %dma_wait3A_254 = arith.constant 1 : i32
    %dma_wait3A_255 = arith.constant 0 : i32
    %dma_wait3A_256 = arith.constant 0 : i32
    %dma_wait3A_257 = tpu.memref_slice %arg2[%dma_wait3A_254, %dma_wait3A_255, %dma_wait3A_256] : memref<2x1024x1024xf32, #tpu.memory_space<any>> -> memref<1x1024x1024xf32, #tpu.memory_space<any>>
    %dma_wait3A_258 = tpu.memref_squeeze %dma_wait3A_257 : memref<1x1024x1024xf32, #tpu.memory_space<any>> -> memref<1024x1024xf32, #tpu.memory_space<any>>
    %dma_wait3A_259 = arith.constant 0 : i32
    %dma_wait3A_260 = arith.constant 0 : i32
    %dma_wait3A_261 = tpu.memref_slice %arg5[%dma_wait3A_253, %dma_wait3A_259, %dma_wait3A_260] : memref<2x1024x1024xf32, #tpu.memory_space<vmem>> -> memref<1x1024x1024xf32, #tpu.memory_space<vmem>>
    %dma_wait3A_262 = tpu.memref_squeeze %dma_wait3A_261 : memref<1x1024x1024xf32, #tpu.memory_space<vmem>> -> memref<1024x1024xf32, #tpu.memory_space<vmem>>
    tpu.wait_dma2 semaphore(%arg7 : memref<!tpu.dma_semaphore, #tpu.memory_space<semaphore_mem>>) src(%dma_wait3A_262 : memref<1024x1024xf32, #tpu.memory_space<vmem>>) dst(%dma_wait3A_258 : memref<1024x1024xf32, #tpu.memory_space<any>>)
    return
  }
}

</mosaic_0001>

<sc_bundles>
// kernel: kernel.4.cloned.1.call-start
scs
__scs_entry_jumppad:
0x0: {  	(pc) =	sbr.rel $0x88, $3  }
0x1: {  	(tag) =	ssettag $0x0;
	lr =	simm.s32 $0x1  }
0x2: {  	[smem:$0x3F9E] =	sst lr;
	_ =	strace $0xD0000000  }
0x3: {  	_ = 	snop  }
0x4: {  	_ = 	snop  }
0x5: {  	_ = 	snop  }
0x6: {  	_ = 	snop  }
0x7: {  	_ = 	snop  }
__scs_overlays_trampoline_lowered:
0x8: {  	[smem:$0x3FAD] =	sst s0  }
0x9: {  	[smem:$0x3FAE] =	sst s1  }
0xa: {  	[smem:$0x3FAF] =	sst s2  }
0xb: {  	[smem:$0x3FB0] =	sst s3  }
0xc: {  	[smem:$0x3FB1] =	sst s4  }
0xd: {  	[smem:$0x3FB2] =	sst s5  }
0xe: {  	[smem:$0x3FB3] =	sst s6  }
0xf: {  	[smem:$0x3FB4] =	sst s7  }
0x10: {  	[smem:$0x3FB5] =	sst s8  }
0x11: {  	[smem:$0x3FB6] =	sst s9;
	s0 =	simm.s32 @!p0 $0x0  }
0x12: {  	s1 =	sld [smem:$0x3F9C];
	s0 =	simm.s32 @p0 $0x1  }
0x13: {  	[smem:$0x3FB7] =	sst s0;
	s0 =	simm.s32 @!p1 $0x0  }
0x14: {  	s2 =	sld [smem:$0x3F9B];
	s0 =	simm.s32 @p1 $0x1  }
0x15: {  	[smem:$0x3FB8] =	sst s0;
	s0 =	simm.s32 @!p2 $0x0  }
0x16: {  	s3 =	sld [smem:$0x3FDB];
	s0 =	simm.s32 @p2 $0x1  }
0x17: {  	s4 =	simm.s32 $0x1BF5;
	[smem:$0x3FBA] =	sst s0  }
0x18: {  	s0 =	sld [smem:$0x3F9D];
	_ =	swait.ge [sflag:s4], $0x0  }
0x19: {  	s7 =	sld [smem:$0x3F9E]  }
0x1a: {  	s8 =	sadd.s32 $0xFFFFE003, lr  }
0x1b: {  	s9 =	sadd.s32 $0xFFFFFEF7, lr;
	s5 =	simm.s32 $0xFFFFFFFF;
	p2 =	slt.u32 s8, $0xFFFFF086  }
0x1c: {  	p1 =	slt.u32 s9, $0xF7A;
	s5 =	simm.s32 @!p2 $0x0  }
0x1d: {  	s5 =	simm.s32 @p1 $0x1;
	p0 =	seq.s32 s7, s2  }
0x1e: {  	s7 =	smul.u32 @!p0 $0xF7A, s2;
	p2 =	seq.s32 @!p0 s5, $0x0  }
0x1f: {  	s9 =	smul.u32 $0xF7A, s1;
	s8 =	simm.s32 @!p0 $0x1BF5;
	p2 =	por !p2, p0  }
0x20: {  	[sflag:s8] =	ssyncset.s32 @!p0 $0xFFFFF086;
	s6 =	sadd.s32 @!p0 s3, s7;
	s7 =	simm.s32 @!p0 $0x108  }
0x21: {  	s3 =	sadd.s32 s3, s9;
	s6 =	sadd.s32 @!p0 $0x88, s6;
	s7 =	simm.s32 @p2 $0x1082  }
0x22: {  	[simem:s7], [sflag:s8] =	dma.local @!p0 [hbm:s6], $0xF7A  }
0x23: {  	s9 =	sor.u32 $0xD0000000, s2;
	s6 =	simm.s32 $0x108;
	_ =	swait.ge @!p0 [sflag:s8], $0x0  }
0x24: {  	s3 =	sadd.s32 $0x88, s3;
	s6 =	simm.s32 @!p1 $0x1082;
	[sflag:s4] =	ssyncset.s32 $0xFFFFF086  }
0x25: {  	[simem:s6], [sflag:s4] =	dma.local [hbm:s3], $0xF7A  }
0x26: {  	[smem:$0x3F9E] =	sst s1;
	(tag) =	ssettag s2;
	_ =	strace s9  }
0x27: {  	s1 =	sld [smem:$0x3FAE]  }
0x28: {  	s2 =	sld [smem:$0x3FAF]  }
0x29: {  	s4 =	sld [smem:$0x3FB1]  }
0x2a: {  	p0 =	seq.s32 s5, $0x0;
	s5 =	sld [smem:$0x3FB2]  }
0x2b: {  	s6 =	sld [smem:$0x3FB3]  }
0x2c: {  	s7 =	sld [smem:$0x3FB4]  }
0x2d: {  	s3 =	simm.s32 $0x108;
	s8 =	sld [smem:$0x3FB5]  }
0x2e: {  	s3 =	simm.s32 @!p0 $0x1082;
	s9 =	sld [smem:$0x3FB6]  }
0x2f: {  	lr =	sadd.s32 s0, s3;
	s0 =	sld [smem:$0x3FAD]  }
0x30: {  	s3 =	sld [smem:$0x3FB0]  }
0x31: {  	[smem:$0x3FB9] =	sst s10  }
0x32: {  	s10 =	sld [smem:$0x3FB7];
	_ =	sdelay $0x3  }
0x33: {  	p0 =	seq.s32 s10, $0x1;
	s10 =	sld [smem:$0x3FB9];
	_ =	sdelay $0x3  }
0x34: {  	[smem:$0x3FB9] =	sst s10  }
0x35: {  	s10 =	sld [smem:$0x3FB8];
	_ =	sdelay $0x3  }
0x36: {  	p1 =	seq.s32 s10, $0x1;
	s10 =	sld [smem:$0x3FB9];
	_ =	sdelay $0x3  }
0x37: {  	[smem:$0x3FB9] =	sst s10  }
0x38: {  	s10 =	sld [smem:$0x3FBA]  }
0x39: {  	_ = 	snop;
	(pc) =	sbr.ind lr, $3  }
0x3a: {  	_ = 	snop  }
0x3b: {  	_ = 	snop  }
0x3c: {  	p2 =	seq.s32 s10, $0x1;
	s10 =	sld [smem:$0x3FB9]  }
0x3d: {  	_ =	shalt  }
0x3e: {  	_ =	shalt  }
0x3f: {  	_ =	shalt  }
0x40: {  	_ =	shalt  }
0x41: {  	_ =	shalt  }
0x42: {  	_ =	shalt  }
0x43: {  	_ =	shalt  }
0x44: {  	_ =	shalt  }
0x45: {  	_ =	shalt  }
0x46: {  	_ =	shalt  }
0x47: {  	_ =	shalt  }
0x48: {  	_ =	shalt  }
0x49: {  	_ =	shalt  }
0x4a: {  	_ =	shalt  }
0x4b: {  	_ =	shalt  }
0x4c: {  	_ =	shalt  }
0x4d: {  	_ =	shalt  }
0x4e: {  	_ =	shalt  }
0x4f: {  	_ =	shalt  }
0x50: {  	_ =	shalt  }
0x51: {  	_ =	shalt  }
0x52: {  	_ =	shalt  }
0x53: {  	_ =	shalt  }
0x54: {  	_ =	shalt  }
0x55: {  	_ =	shalt  }
0x56: {  	_ =	shalt  }
0x57: {  	_ =	shalt  }
0x58: {  	_ =	shalt  }
0x59: {  	_ =	shalt  }
0x5a: {  	_ =	shalt  }
0x5b: {  	_ =	shalt  }
0x5c: {  	_ =	shalt  }
0x5d: {  	_ =	shalt  }
0x5e: {  	_ =	shalt  }
0x5f: {  	_ =	shalt  }
0x60: {  	_ =	shalt  }
0x61: {  	_ =	shalt  }
0x62: {  	_ =	shalt  }
0x63: {  	_ =	shalt  }
0x64: {  	_ =	shalt  }
0x65: {  	_ =	shalt  }
0x66: {  	_ =	shalt  }
0x67: {  	_ =	shalt  }
0x68: {  	_ =	shalt  }
0x69: {  	_ =	shalt  }
0x6a: {  	_ =	shalt  }
0x6b: {  	_ =	shalt  }
0x6c: {  	_ =	shalt  }
0x6d: {  	_ =	shalt  }
0x6e: {  	_ =	shalt  }
0x6f: {  	_ =	shalt  }
0x70: {  	_ =	shalt  }
0x71: {  	_ =	shalt  }
0x72: {  	_ =	shalt  }
0x73: {  	_ =	shalt  }
0x74: {  	_ =	shalt  }
0x75: {  	_ =	shalt  }
0x76: {  	_ =	shalt  }
0x77: {  	_ =	shalt  }
0x78: {  	_ =	shalt  }
0x79: {  	_ =	shalt  }
0x7a: {  	_ =	shalt  }
0x7b: {  	_ =	shalt  }
0x7c: {  	_ =	shalt  }
0x7d: {  	_ =	shalt  }
0x7e: {  	_ =	shalt  }
0x7f: {  	_ =	shalt  }
0x80: {  	_ =	shalt  }
0x81: {  	_ =	shalt  }
0x82: {  	_ =	shalt  }
0x83: {  	_ =	shalt  }
0x84: {  	_ =	shalt  }
0x85: {  	_ =	shalt  }
0x86: {  	_ =	shalt  }
0x87: {  	_ =	shalt  }
.Lfunc_end0:
.L_simem_size_0:
called_computation_lowered:
.L_overlay_start_0:
0x88: {  	s2 =	sld [smem:$0x3FD9]  }
0x89: {  	s3 =	sld [smem:$0x3FFE];
	_ =	sdelay $0x1  }
0x8a: {  	s1 =	srdreg.scid  }
0x8b: {  	s0 =	sand.u32 $0x1, s1  }
0x8c: {  	s17 =	sshll.u32 s0, $0xA;
	s2 =	sadd.s32 s3, s2  }
0x8d: {  	s2 =	sadd.s32 s2, s17  }
0x8e: {  	[smem:$0x3FC5] =	sst s2  }
0x8f: {  	_ = 	snop  }
0x90: {  	s2 =	sld [smem:$0x3FC7];
	(tm) =	ssettm $0x1  }
0x91: {  	s18 =	sld [smem:$0x3FFB];
	_ =	sdelay $0x3  }
0x92: {  	_ =	strace s18  }
0x93: {  	s3 =	sld [smem:$0x3FFC];
	_ =	sdelay $0x3  }
0x94: {  	_ =	strace s3  }
0x95: {  	s3 =	sld [smem:$0x3FFD];
	_ =	sdelay $0x3  }
0x96: {  	_ =	strace s3  }
0x97: {  	_ =	strace $0x8FFFFFFF  }
0x98: {  	s19 =	sld [smem:$0x3FDB];
	_ =	sdelay $0x1  }
0x99: {  	s4 =	simm.s32 $_scs_section_size  }
0x9a: {  	s5 =	simm.s32 $_size__tile_overlayer_lowered;
	s6 =	simm.s32 $_tile_overlayer_lowered  }
0x9b: {  	s22 =	simm.s32 $0x1BFF;
	s21 =	sshll.u32 s6, $0x1;
	s3 =	sadd.s32 s4, s19  }
0x9c: {  	s7 =	simm.s32 $0x0;
	s20 =	sshll.u32 s5, $0x1;
	s5 =	sadd.s32 s21, s3  }
0x9d: {  	[timem:s7], [sflag:s22] =	dma.local [hbm:s5], s20  }
0x9e: {  	_ =	swait.ge [sflag:s22], s20  }
0x9f: {  	s4 =	ssub.s32 $0x0, s20;
	[sflag:s22] =	ssyncset.done $0x0  }
0xa0: {  	[sflag:s22] =	ssyncadd.s32 s4;
	_ =	sdelay $0x1  }
0xa1: {  	s23 =	simm.s32 $0x1B8B  }
0xa2: {  	_ =	swait.ge [sflag:s23], $0x1  }
0xa3: {  	[sflag:s23] =	ssyncset.done $0x0  }
0xa4: {  	s25 =	simm.s32 $0x1B8E;
	s24 =	sld [smem:$0x3FFE];
	[sflag:s23] =	ssyncadd.s32 $0xFFFFFFFF  }
0xa5: {  	s26 =	simm.s32 $execute0_lowered;
	[smem:$0x3FD2] =	sst s25  }
0xa6: {  	s5 =	sshll.u32 s26, $0x1;
	_ =	strace $0x80000046;
	[dreg:$0x1] =	wrdreg $0xFFFFFFFF  }
0xa7: {  	s28 =	simm.s32 $_size_execute0_lowered;
	s3 =	sadd.s32 s3, s5;
	[dreg:$0x0] =	wrdreg $0x0  }
0xa8: {  	s5 =	sshll.u32 s28, $0x1;
	[dreg:$0x2] =	wrdreg s3  }
0xa9: {  	[dreg:$0x3] =	wrdreg s5  }
0xaa: {  	[dreg:$0x4] =	wrdreg $0xC0  }
0xab: {  	_ =	task [dreg:s7], $0x5FFFF  }
0xac: {  	[dreg:$0x1] =	wrdreg $0xFFFFFFFF  }
0xad: {  	[dreg:$0x0] =	wrdreg $0x60  }
0xae: {  	[dreg:$0x2] =	wrdreg s24  }
0xaf: {  	[dreg:$0x3] =	wrdreg s2  }
0xb0: {  	[dreg:$0x4] =	wrdreg $0x9  }
0xb1: {  	_ =	task.clear_ibuf [dreg:s7], $0x5FFFF;
	_ =	strace $0x90000046  }
0xb2: {  	s29 =	simm.s32 $0x9;
	_ =	strace $0x80000048  }
0xb3: {  	_ =	swait.ge [sflag:s29], $0x1  }
0xb4: {  	[sflag:s29] =	ssyncadd.s32 $0xFFFFFFFF  }
0xb5: {  	_ =	strace $0x90000048  }
0xb6: {  	_ =	sfence  }
0xb7: {  	s30 =	sld [smem:$0x0];
	_ =	sdelay $0x2  }
0xb8: {  	s31 =	sshll.u32 s1, $0xD;
	s1 =	sshrl.u32 s1, $0x2  }
0xb9: {  	s3 =	sand.u32 $0x4000, s31;
	s1 =	sadd.s32 s1, s30  }
0xba: {  	s0 =	sor.u32 s3, s0;
	s1 =	sshll.u32 s1, $0x11  }
0xbb: {  	s0 =	sor.u32 s1, s0  }
0xbc: {  	s0 =	sadd.s32 $0x8F2B, s0  }
0xbd: {  	[sflag:s0] =	ssyncadd.remote.s32 $0x1  }
0xbe: {  	_ =	sfence.sel $0xFFFF  }
0xbf: {  	[dreg:$0x0] =	wrdreg $0xFFFFFFFF;
	(pc) =	sbr.abs _section_cstart, $3  }
0xc0: {  	[dreg:$0x1] =	wrdreg $0xFFFFFFFF  }
0xc1: {  	_ =	task.clear_ibuf [dreg:s7], $0x2FFFF;
	_ =	strace $0x9FFFFFFF  }
0xc2: {  	(tm) =	ssettm $0x7FFFFFFF  }
0xc3: {  	_ =	shalt  }
tec
execute0_lowered:
.L_overlay_start_1:
0x0: {  	(tag) =	ssettag $0x1  }
0x1: {  	s1 =	srdreg.scid;
	s3 =	rddreg [dreg:$0x0]  }
0x2: {  	s0 =	stileid.u32;
	s4 =	rddreg [dreg:$0x1];
	s1 =	sand.u32 $0x1, s1  }
0x3: {  	s2 =	sshll.u32 s0, $0x1;
	s6 =	sshrl.u32 s0, $0x3;
	s8 =	sadd.s32 $0x200, s3  }
0x4: {  	s5 =	sor.u32 s1, s2;
	s2 =	simm.s32 $0x0;
	s10 =	sshll.u32 s6, $0x11  }
0x5: {  	s6 =	sshll.u32 s6, $0xE;
	s7 =	sand.u32 $0xF, s5;
	[smem:$0x7FF] =	sst s2  }
0x6: {  	s9 =	sshll.u32 s7, $0xD;
	_ =	strace $0x80000047;
	s7 =	sshll.u32 s7, $0xA  }
0x7: {  	s10 =	sor.u32 s10, s9;
	s6 =	sor.u32 s6, s7;
	s7 =	simm.s32 $0xC00  }
0x8: {  	s9 =	sadd.s32 $0x210, s3;
	s11 =	sadd.s32 s8, s10;
	[smem:$0x7D3] =	sst s7  }
0x9: {  	s12 =	sadd.s32 s10, s9;
	[dreg:$0x3] =	wrdreg s11  }
0xa: {  	s18 =	sor.u32 $0x400, s10;
	s7 =	simm.s32 $0x6C00;
	[dreg:$0x4] =	wrdreg s12  }
0xb: {  	s21 =	sadd.s32 s8, s18;
	[smem:$0x7EB] =	sst s7  }
0xc: {  	s11 =	sadd.s32 $0x220, s3;
	s22 =	sadd.s32 s18, s9;
	[dreg:$0xb] =	wrdreg s21  }
0xd: {  	s12 =	sadd.s32 $0x230, s3;
	s13 =	sadd.s32 s10, s11;
	[dreg:$0xc] =	wrdreg s22  }
0xe: {  	s14 =	sadd.s32 s10, s12;
	[dreg:$0x5] =	wrdreg s13  }
0xf: {  	s23 =	sadd.s32 s18, s11;
	[dreg:$0x6] =	wrdreg s14  }
0x10: {  	s24 =	sadd.s32 s18, s12;
	s13 =	sadd.s32 $0x240, s3;
	[dreg:$0xd] =	wrdreg s23  }
0x11: {  	s14 =	sadd.s32 $0x250, s3;
	[dreg:$0xe] =	wrdreg s24;
	s15 =	sadd.s32 s10, s13  }
0x12: {  	s16 =	sadd.s32 s10, s14;
	[dreg:$0x7] =	wrdreg s15  }
0x13: {  	s25 =	sadd.s32 s18, s13;
	[dreg:$0x8] =	wrdreg s16  }
0x14: {  	s26 =	sadd.s32 s18, s14;
	s15 =	sadd.s32 $0x260, s3;
	[dreg:$0xf] =	wrdreg s25  }
0x15: {  	s16 =	sadd.s32 $0x270, s3;
	[dreg:$0x10] =	wrdreg s26;
	s17 =	sadd.s32 s10, s15  }
0x16: {  	s20 =	sadd.s32 s10, s16;
	[dreg:$0x9] =	wrdreg s17  }
0x17: {  	s5 =	sshll.u32 s5, $0x4;
	s0 =	sadd.s32 s18, s15;
	[dreg:$0xa] =	wrdreg s20  }
0x18: {  	s3 =	sadd.s32 s5, s3;
	s19 =	sadd.s32 s18, s16;
	[dreg:$0x11] =	wrdreg s0  }
0x19: {  	s3 =	sadd.s32 $0x40200, s3;
	s20 =	sor.u32 $0x800, s10;
	[dreg:$0x12] =	wrdreg s19  }
0x1a: {  	[smem:$0x7D1] =	sst s3;
	s21 =	sadd.s32 s8, s20  }
0x1b: {  	s22 =	sadd.s32 s20, s9;
	[dreg:$0x13] =	wrdreg s21  }
0x1c: {  	s23 =	sadd.s32 s20, s11;
	[dreg:$0x14] =	wrdreg s22  }
0x1d: {  	s24 =	sadd.s32 s20, s12;
	[dreg:$0x15] =	wrdreg s23  }
0x1e: {  	s25 =	sadd.s32 s20, s13;
	[dreg:$0x16] =	wrdreg s24  }
0x1f: {  	s26 =	sadd.s32 s20, s14;
	[dreg:$0x17] =	wrdreg s25  }
0x20: {  	s0 =	sadd.s32 s20, s15;
	[dreg:$0x18] =	wrdreg s26  }
0x21: {  	s19 =	sadd.s32 s20, s16;
	s20 =	sor.u32 $0xC00, s10;
	[dreg:$0x19] =	wrdreg s0  }
0x22: {  	[dreg:$0x1a] =	wrdreg s19;
	s21 =	sadd.s32 s8, s20  }
0x23: {  	s22 =	sadd.s32 s20, s9;
	[dreg:$0x1b] =	wrdreg s21  }
0x24: {  	s23 =	sadd.s32 s20, s11;
	[dreg:$0x1c] =	wrdreg s22  }
0x25: {  	s24 =	sadd.s32 s20, s12;
	[dreg:$0x1d] =	wrdreg s23  }
0x26: {  	s25 =	sadd.s32 s20, s13;
	[dreg:$0x1e] =	wrdreg s24  }
0x27: {  	s26 =	sadd.s32 s20, s14;
	[dreg:$0x1f] =	wrdreg s25  }
0x28: {  	s0 =	sadd.s32 s20, s15;
	[smem:$0x7AA] =	sst s26  }
0x29: {  	s19 =	sadd.s32 s20, s16;
	s20 =	sor.u32 $0x1000, s10;
	[smem:$0x7AB] =	sst s0  }
0x2a: {  	[smem:$0x7AC] =	sst s19;
	s21 =	sadd.s32 s8, s20  }
0x2b: {  	s22 =	sadd.s32 s20, s9;
	[smem:$0x7AD] =	sst s21  }
0x2c: {  	s23 =	sadd.s32 s20, s11;
	[smem:$0x7AE] =	sst s22  }
0x2d: {  	s24 =	sadd.s32 s20, s12;
	[smem:$0x7AF] =	sst s23  }
0x2e: {  	s25 =	sadd.s32 s20, s13;
	[smem:$0x7B0] =	sst s24  }
0x2f: {  	s26 =	sadd.s32 s20, s14;
	[smem:$0x7B1] =	sst s25  }
0x30: {  	s0 =	sadd.s32 s20, s15;
	[smem:$0x7B2] =	sst s26  }
0x31: {  	s19 =	sadd.s32 s20, s16;
	s20 =	sor.u32 $0x1400, s10;
	[smem:$0x7B3] =	sst s0  }
0x32: {  	[smem:$0x7B4] =	sst s19;
	s21 =	sadd.s32 s8, s20  }
0x33: {  	s22 =	sadd.s32 s20, s9;
	[smem:$0x7B5] =	sst s21  }
0x34: {  	s23 =	sadd.s32 s20, s11;
	[smem:$0x7B6] =	sst s22  }
0x35: {  	s24 =	sadd.s32 s20, s12;
	[smem:$0x7B7] =	sst s23  }
0x36: {  	s25 =	sadd.s32 s20, s13;
	[smem:$0x7B8] =	sst s24  }
0x37: {  	s26 =	sadd.s32 s20, s14;
	[smem:$0x7B9] =	sst s25  }
0x38: {  	s0 =	sadd.s32 s20, s15;
	[smem:$0x7BA] =	sst s26  }
0x39: {  	s18 =	sadd.s32 s20, s16;
	s19 =	sor.u32 $0x1800, s10;
	[smem:$0x7BB] =	sst s0  }
0x3a: {  	[smem:$0x7BC] =	sst s18;
	s20 =	sadd.s32 s8, s19  }
0x3b: {  	s21 =	sadd.s32 s19, s9;
	[smem:$0x7BD] =	sst s20  }
0x3c: {  	s22 =	sadd.s32 s19, s11;
	[smem:$0x7BE] =	sst s21  }
0x3d: {  	s23 =	sadd.s32 s19, s12;
	[smem:$0x7BF] =	sst s22  }
0x3e: {  	s24 =	sadd.s32 s19, s13;
	[smem:$0x7C0] =	sst s23  }
0x3f: {  	s25 =	sadd.s32 s19, s14;
	[smem:$0x7C1] =	sst s24  }
0x40: {  	s26 =	sadd.s32 s19, s15;
	[smem:$0x7C2] =	sst s25  }
0x41: {  	s10 =	sor.u32 $0x1C00, s10;
	s0 =	sadd.s32 s19, s16;
	[smem:$0x7C3] =	sst s26  }
0x42: {  	s8 =	sadd.s32 s8, s10;
	[smem:$0x7C4] =	sst s0  }
0x43: {  	s17 =	sadd.s32 s10, s9;
	[smem:$0x7C5] =	sst s8  }
0x44: {  	s18 =	sadd.s32 s10, s11;
	[smem:$0x7C6] =	sst s17  }
0x45: {  	s19 =	sadd.s32 s10, s12;
	[smem:$0x7C7] =	sst s18  }
0x46: {  	s9 =	simm.s32 $0x1400;
	[smem:$0x7C8] =	sst s19  }
0x47: {  	s11 =	simm.s32 $0x1C00;
	[smem:$0x7D5] =	sst s9  }
0x48: {  	s12 =	simm.s32 $0x2000;
	[smem:$0x7D7] =	sst s11  }
0x49: {  	s20 =	sadd.s32 s10, s13;
	[smem:$0x7D8] =	sst s12  }
0x4a: {  	s21 =	sadd.s32 s10, s14;
	[smem:$0x7C9] =	sst s20  }
0x4b: {  	s22 =	sadd.s32 s10, s15;
	[smem:$0x7CA] =	sst s21  }
0x4c: {  	s23 =	sadd.s32 s10, s16;
	[smem:$0x7CB] =	sst s22  }
0x4d: {  	s8 =	simm.s32 $0x1000;
	[smem:$0x7CC] =	sst s23  }
0x4e: {  	s10 =	simm.s32 $0x1800;
	[smem:$0x7D4] =	sst s8  }
0x4f: {  	s13 =	simm.s32 $0x2400;
	[smem:$0x7D6] =	sst s10  }
0x50: {  	s14 =	simm.s32 $0x2800;
	[smem:$0x7D9] =	sst s13  }
0x51: {  	s15 =	simm.s32 $0x2C00;
	[smem:$0x7DA] =	sst s14  }
0x52: {  	s16 =	simm.s32 $0x3000;
	[smem:$0x7DB] =	sst s15  }
0x53: {  	s17 =	simm.s32 $0x3400;
	[smem:$0x7DC] =	sst s16  }
0x54: {  	s18 =	simm.s32 $0x3800;
	[smem:$0x7DD] =	sst s17  }
0x55: {  	s19 =	simm.s32 $0x3C00;
	[smem:$0x7DE] =	sst s18  }
0x56: {  	s9 =	simm.s32 $0x7400;
	[smem:$0x7DF] =	sst s19  }
0x57: {  	s11 =	simm.s32 $0x7C00;
	[smem:$0x7ED] =	sst s9  }
0x58: {  	s24 =	sor.u32 $0x100, s6;
	s12 =	simm.s32 $0x8000;
	[smem:$0x7EF] =	sst s11  }
0x59: {  	s26 =	sadd.s32 $0x10, s4;
	s25 =	sadd.s32 s4, s24;
	[smem:$0x7F0] =	sst s12  }
0x5a: {  	s6 =	sor.u32 $0x300, s6;
	s0 =	sadd.s32 s24, s26;
	[smem:$0x7CD] =	sst s25  }
0x5b: {  	s4 =	sadd.s32 s4, s6;
	[smem:$0x7CE] =	sst s0  }
0x5c: {  	s5 =	sadd.s32 s6, s26;
	[smem:$0x7CF] =	sst s4  }
0x5d: {  	s6 =	simm.s32 $0x800;
	[smem:$0x7D0] =	sst s5  }
0x5e: {  	s20 =	simm.s32 $0x4000;
	[smem:$0x7D2] =	sst s6  }
0x5f: {  	s21 =	simm.s32 $0x4400;
	[smem:$0x7E0] =	sst s20  }
0x60: {  	s22 =	simm.s32 $0x4800;
	[smem:$0x7E1] =	sst s21  }
0x61: {  	s23 =	simm.s32 $0x4C00;
	[smem:$0x7E2] =	sst s22  }
0x62: {  	s24 =	simm.s32 $0x5000;
	[smem:$0x7E3] =	sst s23  }
0x63: {  	s28 =	simm.s32 $0x10100;
	s26 =	simm.s32 $0x5800;
	[smem:$0x7E4] =	sst s24  }
0x64: {  	s29 =	simm.s32 $0x10200;
	s8 =	simm.s32 $0x7000;
	[smem:$0x7E6] =	sst s26  }
0x65: {  	s30 =	simm.s32 $0x10300;
	s10 =	simm.s32 $0x7800;
	[smem:$0x7EC] =	sst s8  }
0x66: {  	s31 =	simm.s32 $0x1;
	s13 =	simm.s32 $0x8400;
	[smem:$0x7EE] =	sst s10  }
0x67: {  	s1 =	ssub.s32 $0x2, s1;
	s14 =	simm.s32 $0x8800;
	[smem:$0x7F1] =	sst s13  }
0x68: {  	s15 =	simm.s32 $0x8C00;
	s16 =	simm.s32 $0x9000;
	[smem:$0x7F2] =	sst s14  }
0x69: {  	s17 =	simm.s32 $0x9400;
	s18 =	simm.s32 $0x9800;
	[smem:$0x7F3] =	sst s15  }
0x6a: {  	s19 =	simm.s32 $0x9C00;
	s9 =	simm.s32 $0xC400;
	[smem:$0x7F4] =	sst s16  }
0x6b: {  	s11 =	simm.s32 $0xCC00;
	s12 =	simm.s32 $0xD000;
	[smem:$0x7F5] =	sst s17  }
0x6c: {  	s25 =	simm.s32 $0x5400;
	s0 =	simm.s32 $0x5C00;
	[smem:$0x7F6] =	sst s18  }
0x6d: {  	s4 =	simm.s32 $0x6000;
	s5 =	simm.s32 $0x6400;
	[smem:$0x7F7] =	sst s19  }
0x6e: {  	s6 =	simm.s32 $0x6800;
	s20 =	simm.s32 $0xA000;
	[smem:$0x7E5] =	sst s25  }
0x6f: {  	s21 =	sshrl.u32 s1, $0x1;
	s22 =	simm.s32 $0xA400;
	[smem:$0x7E7] =	sst s0  }
0x70: {  	s23 =	simm.s32 $0xA800;
	s24 =	simm.s32 $0xAC00;
	[smem:$0x7E8] =	sst s4  }
0x71: {  	s26 =	simm.s32 $0xB400;
	s10 =	simm.s32 $0xC800;
	[smem:$0x7E9] =	sst s5  }
0x72: {  	s13 =	simm.s32 $0xD400;
	s14 =	simm.s32 $0xD800;
	[smem:$0x7EA] =	sst s6  }
0x73: {  	s15 =	simm.s32 $0xDC00;
	s16 =	simm.s32 $0xE000;
	[smem:$0x7F8] =	sst s20  }
0x74: {  	v1 =	vlaneseq.u32;
	s17 =	simm.s32 $0xE400;
	s18 =	simm.s32 $0xE800;
	[smem:$0x7F9] =	sst s22  }
0x75: {  	v12 =	vmul.u32 $0x8, v1;
	s19 =	simm.s32 $0xEC00;
	s1 =	ssub.s32 s1, s21;
	[smem:$0x7FA] =	sst s23  }
0x76: {  	v3 =	vimm.s32 $0x0;
	v1 =	vmul.u32 $0x400, v1;
	s4 =	simm.s32 $0x80;
	[smem:$0x7FB] =	sst s24;
	s25 =	simm.s32 $0xB000  }
0x77: {  	v4 =	vimm.f32 $0.0e+00;
	v0 =	vor.u32 $0x4, v12;
	v2 =	vor.u32 $0x104, v12;
	s5 =	simm.s32 $0x400;
	[smem:$0x7FD] =	sst s26;
	s20 =	simm.s32 $0xF000  }
0x78: {  	v5 =	vor.u32 $0x84, v12;
	v6 =	vor.u32 $0x184, v12;
	v7 =	vor.u32 $0x4000, v1;
	s21 =	simm.s32 $0xF400;
	s22 =	simm.s32 $0xF800;
	s23 =	simm.s32 $0xFC00  }
0x79: {  	v8 =	vor.u32 $0x204, v12;
	v9 =	vor.u32 $0x304, v12;
	v10 =	vor.u32 $0x8000, v1;
	s24 =	simm.s32 $0x100;
	s26 =	simm.s32 $0x2;
	s3 =	smax.u32 s1, $0x1  }
0x7a: {  	v11 =	vor.u32 $0x284, v12;
	v12 =	vor.u32 $0x384, v12;
	v13 =	vor.u32 $0xC000, v1;
	[smem:$0x7FC] =	sst s25;
	s25 =	simm.s32 $0x10000;
	s1 =	simm.s32 $0x10400  }
.LBB2_1:
0x7b: {  	s0 =	rddreg [dreg:$0x3]  }
0x7c: {  	s6 =	rddreg [dreg:$0x4]  }
0x7d: {  	[tilespmem:s2], [sflag:$0x1] =	stream.strided.gather [hbm4b:s0+s4], $0x400, s5, s4, $0x38;
	[tilespmem:$0x10480] =	vst v63  }
0x7e: {  	s7 =	rddreg [dreg:$0x6]  }
0x7f: {  	[tilespmem:s5], [sflag:$0x1] =	stream.strided.gather [hbm4b:s6+s4], $0x400, s5, s4, $0x38;
	[tilespmem:$0x10480] =	vst v63  }
0x80: {  	s6 =	sld [smem:$0x7D2]  }
0x81: {  	s8 =	sld [smem:$0x7D3]  }
0x82: {  	s0 =	rddreg [dreg:$0x5]  }
0x83: {  	[tilespmem:s6], [sflag:$0x1] =	stream.strided.gather [hbm4b:s0+s4], $0x400, s5, s4, $0x38;
	[tilespmem:$0x10480] =	vst v63  }
0x84: {  	s0 =	rddreg [dreg:$0x7]  }
0x85: {  	s6 =	sld [smem:$0x7D4]  }
0x86: {  	[tilespmem:s8], [sflag:$0x1] =	stream.strided.gather [hbm4b:s7+s4], $0x400, s5, s4, $0x38;
	[tilespmem:$0x10480] =	vst v63  }
0x87: {  	s7 =	rddreg [dreg:$0x8]  }
0x88: {  	s8 =	sld [smem:$0x7D5]  }
0x89: {  	[tilespmem:s6], [sflag:$0x1] =	stream.strided.gather [hbm4b:s0+s4], $0x400, s5, s4, $0x38;
	[tilespmem:$0x10480] =	vst v63  }
0x8a: {  	s0 =	rddreg [dreg:$0x9]  }
0x8b: {  	s6 =	sld [smem:$0x7D6]  }
0x8c: {  	[tilespmem:s8], [sflag:$0x1] =	stream.strided.gather [hbm4b:s7+s4], $0x400, s5, s4, $0x38;
	[tilespmem:$0x10480] =	vst v63  }
0x8d: {  	s7 =	rddreg [dreg:$0xa]  }
0x8e: {  	s8 =	sld [smem:$0x7D7]  }
0x8f: {  	[tilespmem:s6], [sflag:$0x1] =	stream.strided.gather [hbm4b:s0+s4], $0x400, s5, s4, $0x38;
	[tilespmem:$0x10480] =	vst v63  }
0x90: {  	s0 =	rddreg [dreg:$0xb]  }
0x91: {  	s6 =	sld [smem:$0x7D8]  }
0x92: {  	[tilespmem:s8], [sflag:$0x1] =	stream.strided.gather [hbm4b:s7+s4], $0x400, s5, s4, $0x38;
	[tilespmem:$0x10480] =	vst v63  }
0x93: {  	s7 =	rddreg [dreg:$0xc]  }
0x94: {  	s8 =	sld [smem:$0x7D9]  }
0x95: {  	[tilespmem:s6], [sflag:$0x1] =	stream.strided.gather [hbm4b:s0+s4], $0x400, s5, s4, $0x38;
	[tilespmem:$0x10480] =	vst v63  }
0x96: {  	s0 =	rddreg [dreg:$0xd]  }
0x97: {  	s6 =	sld [smem:$0x7DA]  }
0x98: {  	[tilespmem:s8], [sflag:$0x1] =	stream.strided.gather [hbm4b:s7+s4], $0x400, s5, s4, $0x38;
	[tilespmem:$0x10480] =	vst v63  }
0x99: {  	s7 =	rddreg [dreg:$0xe]  }
0x9a: {  	s8 =	sld [smem:$0x7DB]  }
0x9b: {  	[tilespmem:s6], [sflag:$0x1] =	stream.strided.gather [hbm4b:s0+s4], $0x400, s5, s4, $0x38;
	[tilespmem:$0x10480] =	vst v63  }
0x9c: {  	s0 =	rddreg [dreg:$0xf]  }
0x9d: {  	s6 =	sld [smem:$0x7DC]  }
0x9e: {  	[tilespmem:s8], [sflag:$0x1] =	stream.strided.gather [hbm4b:s7+s4], $0x400, s5, s4, $0x38;
	[tilespmem:$0x10480] =	vst v63  }
0x9f: {  	s7 =	rddreg [dreg:$0x10]  }
0xa0: {  	s8 =	sld [smem:$0x7DD]  }
0xa1: {  	[tilespmem:s6], [sflag:$0x1] =	stream.strided.gather [hbm4b:s0+s4], $0x400, s5, s4, $0x38;
	[tilespmem:$0x10480] =	vst v63  }
0xa2: {  	s0 =	rddreg [dreg:$0x11]  }
0xa3: {  	s6 =	sld [smem:$0x7DE]  }
0xa4: {  	[tilespmem:s8], [sflag:$0x1] =	stream.strided.gather [hbm4b:s7+s4], $0x400, s5, s4, $0x38;
	[tilespmem:$0x10480] =	vst v63  }
0xa5: {  	s7 =	rddreg [dreg:$0x12]  }
0xa6: {  	s8 =	sld [smem:$0x7DF]  }
0xa7: {  	[tilespmem:s6], [sflag:$0x1] =	stream.strided.gather [hbm4b:s0+s4], $0x400, s5, s4, $0x38;
	[tilespmem:$0x10480] =	vst v63  }
0xa8: {  	s0 =	rddreg [dreg:$0x13]  }
0xa9: {  	s6 =	sld [smem:$0x7E0]  }
0xaa: {  	[tilespmem:s8], [sflag:$0x1] =	stream.strided.gather [hbm4b:s7+s4], $0x400, s5, s4, $0x38;
	[tilespmem:$0x10480] =	vst v63  }
0xab: {  	s7 =	rddreg [dreg:$0x14]  }
0xac: {  	s8 =	sld [smem:$0x7E1]  }
0xad: {  	[tilespmem:s6], [sflag:$0x1] =	stream.strided.gather [hbm4b:s0+s4], $0x400, s5, s4, $0x38;
	[tilespmem:$0x10480] =	vst v63  }
0xae: {  	s0 =	rddreg [dreg:$0x15]  }
0xaf: {  	s6 =	sld [smem:$0x7E2]  }
0xb0: {  	[tilespmem:s8], [sflag:$0x1] =	stream.strided.gather [hbm4b:s7+s4], $0x400, s5, s4, $0x38;
	[tilespmem:$0x10480] =	vst v63  }
0xb1: {  	s7 =	rddreg [dreg:$0x16]  }
0xb2: {  	s8 =	sld [smem:$0x7E3]  }
0xb3: {  	[tilespmem:s6], [sflag:$0x1] =	stream.strided.gather [hbm4b:s0+s4], $0x400, s5, s4, $0x38;
	[tilespmem:$0x10480] =	vst v63  }
0xb4: {  	s0 =	rddreg [dreg:$0x17]  }
0xb5: {  	s6 =	sld [smem:$0x7E4]  }
0xb6: {  	[tilespmem:s8], [sflag:$0x1] =	stream.strided.gather [hbm4b:s7+s4], $0x400, s5, s4, $0x38;
	[tilespmem:$0x10480] =	vst v63  }
0xb7: {  	s7 =	rddreg [dreg:$0x18]  }
0xb8: {  	s8 =	sld [smem:$0x7E5]  }
0xb9: {  	[tilespmem:s6], [sflag:$0x1] =	stream.strided.gather [hbm4b:s0+s4], $0x400, s5, s4, $0x38;
	[tilespmem:$0x10480] =	vst v63  }
0xba: {  	s0 =	rddreg [dreg:$0x19]  }
0xbb: {  	s6 =	sld [smem:$0x7E6]  }
0xbc: {  	[tilespmem:s8], [sflag:$0x1] =	stream.strided.gather [hbm4b:s7+s4], $0x400, s5, s4, $0x38;
	[tilespmem:$0x10480] =	vst v63  }
0xbd: {  	s7 =	rddreg [dreg:$0x1a]  }
0xbe: {  	s8 =	sld [smem:$0x7E7]  }
0xbf: {  	[tilespmem:s6], [sflag:$0x1] =	stream.strided.gather [hbm4b:s0+s4], $0x400, s5, s4, $0x38;
	[tilespmem:$0x10480] =	vst v63  }
0xc0: {  	s0 =	rddreg [dreg:$0x1b]  }
0xc1: {  	s6 =	sld [smem:$0x7E8]  }
0xc2: {  	[tilespmem:s8], [sflag:$0x1] =	stream.strided.gather [hbm4b:s7+s4], $0x400, s5, s4, $0x38;
	[tilespmem:$0x10480] =	vst v63  }
0xc3: {  	s7 =	rddreg [dreg:$0x1c]  }
0xc4: {  	s8 =	sld [smem:$0x7E9]  }
0xc5: {  	[tilespmem:s6], [sflag:$0x1] =	stream.strided.gather [hbm4b:s0+s4], $0x400, s5, s4, $0x38;
	[tilespmem:$0x10480] =	vst v63  }
0xc6: {  	s0 =	rddreg [dreg:$0x1d]  }
0xc7: {  	s6 =	sld [smem:$0x7EA]  }
0xc8: {  	[tilespmem:s8], [sflag:$0x1] =	stream.strided.gather [hbm4b:s7+s4], $0x400, s5, s4, $0x38;
	[tilespmem:$0x10480] =	vst v63  }
0xc9: {  	s7 =	rddreg [dreg:$0x1e]  }
0xca: {  	s8 =	sld [smem:$0x7EB]  }
0xcb: {  	[tilespmem:s6], [sflag:$0x1] =	stream.strided.gather [hbm4b:s0+s4], $0x400, s5, s4, $0x38;
	[tilespmem:$0x10480] =	vst v63  }
0xcc: {  	s0 =	rddreg [dreg:$0x1f]  }
0xcd: {  	s6 =	sld [smem:$0x7EC]  }
0xce: {  	[tilespmem:s8], [sflag:$0x1] =	stream.strided.gather [hbm4b:s7+s4], $0x400, s5, s4, $0x38;
	[tilespmem:$0x10480] =	vst v63  }
0xcf: {  	s7 =	sld [smem:$0x7AA]  }
0xd0: {  	s8 =	sld [smem:$0x7ED]  }
0xd1: {  	[tilespmem:s6], [sflag:$0x1] =	stream.strided.gather [hbm4b:s0+s4], $0x400, s5, s4, $0x38;
	[tilespmem:$0x10480] =	vst v63  }
0xd2: {  	s0 =	sld [smem:$0x7AB]  }
0xd3: {  	s6 =	sld [smem:$0x7EE]  }
0xd4: {  	[tilespmem:s8], [sflag:$0x1] =	stream.strided.gather [hbm4b:s7+s4], $0x400, s5, s4, $0x38;
	[tilespmem:$0x10480] =	vst v63  }
0xd5: {  	s7 =	sld [smem:$0x7AC]  }
0xd6: {  	s8 =	sld [smem:$0x7EF]  }
0xd7: {  	[tilespmem:s6], [sflag:$0x1] =	stream.strided.gather [hbm4b:s0+s4], $0x400, s5, s4, $0x38;
	[tilespmem:$0x10480] =	vst v63  }
0xd8: {  	s0 =	sld [smem:$0x7AD]  }
0xd9: {  	s6 =	sld [smem:$0x7F0]  }
0xda: {  	[tilespmem:s8], [sflag:$0x1] =	stream.strided.gather [hbm4b:s7+s4], $0x400, s5, s4, $0x38;
	[tilespmem:$0x10480] =	vst v63  }
0xdb: {  	s7 =	sld [smem:$0x7AE]  }
0xdc: {  	s8 =	sld [smem:$0x7F1]  }
0xdd: {  	[tilespmem:s6], [sflag:$0x1] =	stream.strided.gather [hbm4b:s0+s4], $0x400, s5, s4, $0x38;
	[tilespmem:$0x10480] =	vst v63  }
0xde: {  	s0 =	sld [smem:$0x7AF]  }
0xdf: {  	s6 =	sld [smem:$0x7F2]  }
0xe0: {  	[tilespmem:s8], [sflag:$0x1] =	stream.strided.gather [hbm4b:s7+s4], $0x400, s5, s4, $0x38;
	[tilespmem:$0x10480] =	vst v63  }
0xe1: {  	s7 =	sld [smem:$0x7B0]  }
0xe2: {  	s8 =	sld [smem:$0x7F3]  }
0xe3: {  	[tilespmem:s6], [sflag:$0x1] =	stream.strided.gather [hbm4b:s0+s4], $0x400, s5, s4, $0x38;
	[tilespmem:$0x10480] =	vst v63  }
0xe4: {  	s0 =	sld [smem:$0x7B1]  }
0xe5: {  	s6 =	sld [smem:$0x7F4]  }
0xe6: {  	[tilespmem:s8], [sflag:$0x1] =	stream.strided.gather [hbm4b:s7+s4], $0x400, s5, s4, $0x38;
	[tilespmem:$0x10480] =	vst v63  }
0xe7: {  	s7 =	sld [smem:$0x7B2]  }
0xe8: {  	s8 =	sld [smem:$0x7F5]  }
0xe9: {  	[tilespmem:s6], [sflag:$0x1] =	stream.strided.gather [hbm4b:s0+s4], $0x400, s5, s4, $0x38;
	[tilespmem:$0x10480] =	vst v63  }
0xea: {  	s0 =	sld [smem:$0x7B3]  }
0xeb: {  	s6 =	sld [smem:$0x7F6]  }
0xec: {  	[tilespmem:s8], [sflag:$0x1] =	stream.strided.gather [hbm4b:s7+s4], $0x400, s5, s4, $0x38;
	[tilespmem:$0x10480] =	vst v63  }
0xed: {  	s7 =	sld [smem:$0x7B4]  }
0xee: {  	s8 =	sld [smem:$0x7F7]  }
0xef: {  	[tilespmem:s6], [sflag:$0x1] =	stream.strided.gather [hbm4b:s0+s4], $0x400, s5, s4, $0x38;
	[tilespmem:$0x10480] =	vst v63  }
0xf0: {  	s0 =	sld [smem:$0x7B5]  }
0xf1: {  	s6 =	sld [smem:$0x7F8]  }
0xf2: {  	[tilespmem:s8], [sflag:$0x1] =	stream.strided.gather [hbm4b:s7+s4], $0x400, s5, s4, $0x38;
	[tilespmem:$0x10480] =	vst v63  }
0xf3: {  	s7 =	sld [smem:$0x7B6]  }
0xf4: {  	s8 =	sld [smem:$0x7F9]  }
0xf5: {  	[tilespmem:s6], [sflag:$0x1] =	stream.strided.gather [hbm4b:s0+s4], $0x400, s5, s4, $0x38;
	[tilespmem:$0x10480] =	vst v63  }
0xf6: {  	s0 =	sld [smem:$0x7B7]  }
0xf7: {  	s6 =	sld [smem:$0x7FA]  }
0xf8: {  	[tilespmem:s8], [sflag:$0x1] =	stream.strided.gather [hbm4b:s7+s4], $0x400, s5, s4, $0x38;
	[tilespmem:$0x10480] =	vst v63  }
0xf9: {  	s7 =	sld [smem:$0x7B8]  }
0xfa: {  	s8 =	sld [smem:$0x7FB]  }
0xfb: {  	[tilespmem:s6], [sflag:$0x1] =	stream.strided.gather [hbm4b:s0+s4], $0x400, s5, s4, $0x38;
	[tilespmem:$0x10480] =	vst v63  }
0xfc: {  	s0 =	sld [smem:$0x7B9]  }
0xfd: {  	s6 =	sld [smem:$0x7FC]  }
0xfe: {  	[tilespmem:s8], [sflag:$0x1] =	stream.strided.gather [hbm4b:s7+s4], $0x400, s5, s4, $0x38;
	[tilespmem:$0x10480] =	vst v63  }
0xff: {  	s7 =	sld [smem:$0x7BA]  }
0x100: {  	s8 =	sld [smem:$0x7FD]  }
0x101: {  	[tilespmem:s6], [sflag:$0x1] =	stream.strided.gather [hbm4b:s0+s4], $0x400, s5, s4, $0x38;
	[tilespmem:$0x10480] =	vst v63  }
0x102: {  	s0 =	sld [smem:$0x7BB]  }
0x103: {  	[tilespmem:s8], [sflag:$0x1] =	stream.strided.gather [hbm4b:s7+s4], $0x400, s5, s4, $0x38;
	[tilespmem:$0x10480] =	vst v63  }
0x104: {  	s6 =	sld [smem:$0x7BC];
	s8 =	simm.s32 $0xB800  }
0x105: {  	[tilespmem:s8], [sflag:$0x1] =	stream.strided.gather [hbm4b:s0+s4], $0x400, s5, s4, $0x38;
	[tilespmem:$0x10480] =	vst v63  }
0x106: {  	s0 =	sld [smem:$0x7BD];
	s8 =	simm.s32 $0xBC00  }
0x107: {  	[tilespmem:s8], [sflag:$0x1] =	stream.strided.gather [hbm4b:s6+s4], $0x400, s5, s4, $0x38;
	[tilespmem:$0x10480] =	vst v63  }
0x108: {  	s6 =	sld [smem:$0x7BE];
	s8 =	simm.s32 $0xC000  }
0x109: {  	[tilespmem:s8], [sflag:$0x1] =	stream.strided.gather [hbm4b:s0+s4], $0x400, s5, s4, $0x38;
	[tilespmem:$0x10480] =	vst v63  }
0x10a: {  	s7 =	sld [smem:$0x7BF]  }
0x10b: {  	[tilespmem:s9], [sflag:$0x1] =	stream.strided.gather [hbm4b:s6+s4], $0x400, s5, s4, $0x38;
	[tilespmem:$0x10480] =	vst v63  }
0x10c: {  	s8 =	sld [smem:$0x7C0]  }
0x10d: {  	[tilespmem:s10], [sflag:$0x1] =	stream.strided.gather [hbm4b:s7+s4], $0x400, s5, s4, $0x38;
	[tilespmem:$0x10480] =	vst v63  }
0x10e: {  	s7 =	sld [smem:$0x7C1]  }
0x10f: {  	[tilespmem:s11], [sflag:$0x1] =	stream.strided.gather [hbm4b:s8+s4], $0x400, s5, s4, $0x38;
	[tilespmem:$0x10480] =	vst v63  }
0x110: {  	s8 =	sld [smem:$0x7C2]  }
0x111: {  	[tilespmem:s12], [sflag:$0x1] =	stream.strided.gather [hbm4b:s7+s4], $0x400, s5, s4, $0x38;
	[tilespmem:$0x10480] =	vst v63  }
0x112: {  	s7 =	sld [smem:$0x7C3]  }
0x113: {  	[tilespmem:s13], [sflag:$0x1] =	stream.strided.gather [hbm4b:s8+s4], $0x400, s5, s4, $0x38;
	[tilespmem:$0x10480] =	vst v63  }
0x114: {  	s8 =	sld [smem:$0x7C4]  }
0x115: {  	[tilespmem:s14], [sflag:$0x1] =	stream.strided.gather [hbm4b:s7+s4], $0x400, s5, s4, $0x38;
	[tilespmem:$0x10480] =	vst v63  }
0x116: {  	s7 =	sld [smem:$0x7C5]  }
0x117: {  	[tilespmem:s15], [sflag:$0x1] =	stream.strided.gather [hbm4b:s8+s4], $0x400, s5, s4, $0x38;
	[tilespmem:$0x10480] =	vst v63  }
0x118: {  	s8 =	sld [smem:$0x7C6]  }
0x119: {  	[tilespmem:s16], [sflag:$0x1] =	stream.strided.gather [hbm4b:s7+s4], $0x400, s5, s4, $0x38;
	[tilespmem:$0x10480] =	vst v63  }
0x11a: {  	s7 =	sld [smem:$0x7C7]  }
0x11b: {  	[tilespmem:s17], [sflag:$0x1] =	stream.strided.gather [hbm4b:s8+s4], $0x400, s5, s4, $0x38;
	[tilespmem:$0x10480] =	vst v63  }
0x11c: {  	s8 =	sld [smem:$0x7C8]  }
0x11d: {  	[tilespmem:s18], [sflag:$0x1] =	stream.strided.gather [hbm4b:s7+s4], $0x400, s5, s4, $0x38;
	[tilespmem:$0x10480] =	vst v63  }
0x11e: {  	s7 =	sld [smem:$0x7C9]  }
0x11f: {  	[tilespmem:s19], [sflag:$0x1] =	stream.strided.gather [hbm4b:s8+s4], $0x400, s5, s4, $0x38;
	[tilespmem:$0x10480] =	vst v63  }
0x120: {  	s8 =	sld [smem:$0x7CA]  }
0x121: {  	[tilespmem:s20], [sflag:$0x1] =	stream.strided.gather [hbm4b:s7+s4], $0x400, s5, s4, $0x38;
	[tilespmem:$0x10480] =	vst v63  }
0x122: {  	s7 =	sld [smem:$0x7CB]  }
0x123: {  	[tilespmem:s21], [sflag:$0x1] =	stream.strided.gather [hbm4b:s8+s4], $0x400, s5, s4, $0x38;
	[tilespmem:$0x10480] =	vst v63  }
0x124: {  	s8 =	sld [smem:$0x7CC]  }
0x125: {  	[tilespmem:s22], [sflag:$0x1] =	stream.strided.gather [hbm4b:s7+s4], $0x400, s5, s4, $0x38;
	[tilespmem:$0x10480] =	vst v63  }
0x126: {  	s7 =	sld [smem:$0x7CD]  }
0x127: {  	[tilespmem:s23], [sflag:$0x1] =	stream.strided.gather [hbm4b:s8+s4], $0x400, s5, s4, $0x38;
	[tilespmem:$0x10480] =	vst v63  }
0x128: {  	_ = 	snop  }
0x129: {  	[tilespmem:s25], [sflag:$0x2] =	stream.strided.gather [hbm4b:s7+s4], $0x100, s24, s4, $0x38;
	[tilespmem:$0x10480] =	vst v63  }
0x12a: {  	_ =	swait.ge [sflag:s26], $0x100  }
0x12b: {  	s8 =	sld [smem:$0x7CE]  }
0x12c: {  	[sflag:s26] =	ssyncset.done $0x0  }
0x12d: {  	[sflag:s26] =	ssyncadd.s32 $0xFFFFFF00  }
0x12e: {  	[tilespmem:s28], [sflag:$0x2] =	stream.strided.gather [hbm4b:s8+s4], $0x100, s24, s4, $0x38;
	[tilespmem:$0x10480] =	vst v63  }
0x12f: {  	_ =	swait.ge [sflag:s26], $0x100  }
0x130: {  	s6 =	sld [smem:$0x7CF]  }
0x131: {  	[sflag:s26] =	ssyncset.done $0x0  }
0x132: {  	[sflag:s26] =	ssyncadd.s32 $0xFFFFFF00  }
0x133: {  	[tilespmem:s29], [sflag:$0x2] =	stream.strided.gather [hbm4b:s6+s4], $0x100, s24, s4, $0x38;
	[tilespmem:$0x10480] =	vst v63  }
0x134: {  	_ =	swait.ge [sflag:s26], $0x100  }
0x135: {  	s7 =	sld [smem:$0x7D0]  }
0x136: {  	[sflag:s26] =	ssyncset.done $0x0  }
0x137: {  	[sflag:s26] =	ssyncadd.s32 $0xFFFFFF00  }
0x138: {  	[tilespmem:s30], [sflag:$0x2] =	stream.strided.gather [hbm4b:s7+s4], $0x100, s24, s4, $0x38;
	[tilespmem:$0x10480] =	vst v63  }
0x139: {  	_ =	swait.ge [sflag:s26], $0x100  }
0x13a: {  	[sflag:s26] =	ssyncset.done $0x0  }
0x13b: {  	[sflag:s26] =	ssyncadd.s32 $0xFFFFFF00  }
0x13c: {  	_ =	swait.ge [sflag:s31], $0x400  }
0x13d: {  	[sflag:s31] =	ssyncset.done $0x0  }
0x13e: {  	[sflag:s31] =	ssyncadd.s32 $0xFFFFFC00  }
0x13f: {  	_ =	swait.ge [sflag:s31], $0x400  }
0x140: {  	[sflag:s31] =	ssyncset.done $0x0  }
0x141: {  	[sflag:s31] =	ssyncadd.s32 $0xFFFFFC00  }
0x142: {  	_ =	swait.ge [sflag:s31], $0x400  }
0x143: {  	[sflag:s31] =	ssyncset.done $0x0  }
0x144: {  	[sflag:s31] =	ssyncadd.s32 $0xFFFFFC00  }
0x145: {  	_ =	swait.ge [sflag:s31], $0x400  }
0x146: {  	[sflag:s31] =	ssyncset.done $0x0  }
0x147: {  	[sflag:s31] =	ssyncadd.s32 $0xFFFFFC00  }
0x148: {  	_ =	swait.ge [sflag:s31], $0x400  }
0x149: {  	[sflag:s31] =	ssyncset.done $0x0  }
0x14a: {  	[sflag:s31] =	ssyncadd.s32 $0xFFFFFC00  }
0x14b: {  	_ =	swait.ge [sflag:s31], $0x400  }
0x14c: {  	[sflag:s31] =	ssyncset.done $0x0  }
0x14d: {  	[sflag:s31] =	ssyncadd.s32 $0xFFFFFC00  }
0x14e: {  	_ =	swait.ge [sflag:s31], $0x400  }
0x14f: {  	[sflag:s31] =	ssyncset.done $0x0  }
0x150: {  	[sflag:s31] =	ssyncadd.s32 $0xFFFFFC00  }
0x151: {  	_ =	swait.ge [sflag:s31], $0x400  }
0x152: {  	[sflag:s31] =	ssyncset.done $0x0  }
0x153: {  	[sflag:s31] =	ssyncadd.s32 $0xFFFFFC00  }
0x154: {  	_ =	swait.ge [sflag:s31], $0x400  }
0x155: {  	[sflag:s31] =	ssyncset.done $0x0  }
0x156: {  	[sflag:s31] =	ssyncadd.s32 $0xFFFFFC00  }
0x157: {  	_ =	swait.ge [sflag:s31], $0x400  }
0x158: {  	[sflag:s31] =	ssyncset.done $0x0  }
0x159: {  	[sflag:s31] =	ssyncadd.s32 $0xFFFFFC00  }
0x15a: {  	_ =	swait.ge [sflag:s31], $0x400  }
0x15b: {  	[sflag:s31] =	ssyncset.done $0x0  }
0x15c: {  	[sflag:s31] =	ssyncadd.s32 $0xFFFFFC00  }
0x15d: {  	_ =	swait.ge [sflag:s31], $0x400  }
0x15e: {  	[sflag:s31] =	ssyncset.done $0x0  }
0x15f: {  	[sflag:s31] =	ssyncadd.s32 $0xFFFFFC00  }
0x160: {  	_ =	swait.ge [sflag:s31], $0x400  }
0x161: {  	[sflag:s31] =	ssyncset.done $0x0  }
0x162: {  	[sflag:s31] =	ssyncadd.s32 $0xFFFFFC00  }
0x163: {  	_ =	swait.ge [sflag:s31], $0x400  }
0x164: {  	[sflag:s31] =	ssyncset.done $0x0  }
0x165: {  	[sflag:s31] =	ssyncadd.s32 $0xFFFFFC00  }
0x166: {  	_ =	swait.ge [sflag:s31], $0x400  }
0x167: {  	[sflag:s31] =	ssyncset.done $0x0  }
0x168: {  	[sflag:s31] =	ssyncadd.s32 $0xFFFFFC00  }
0x169: {  	_ =	swait.ge [sflag:s31], $0x400  }
0x16a: {  	[sflag:s31] =	ssyncset.done $0x0  }
0x16b: {  	[sflag:s31] =	ssyncadd.s32 $0xFFFFFC00  }
0x16c: {  	_ =	swait.ge [sflag:s31], $0x400  }
0x16d: {  	[sflag:s31] =	ssyncset.done $0x0  }
0x16e: {  	[sflag:s31] =	ssyncadd.s32 $0xFFFFFC00  }
0x16f: {  	_ =	swait.ge [sflag:s31], $0x400  }
0x170: {  	[sflag:s31] =	ssyncset.done $0x0  }
0x171: {  	[sflag:s31] =	ssyncadd.s32 $0xFFFFFC00  }
0x172: {  	_ =	swait.ge [sflag:s31], $0x400  }
0x173: {  	[sflag:s31] =	ssyncset.done $0x0  }
0x174: {  	[sflag:s31] =	ssyncadd.s32 $0xFFFFFC00  }
0x175: {  	_ =	swait.ge [sflag:s31], $0x400  }
0x176: {  	[sflag:s31] =	ssyncset.done $0x0  }
0x177: {  	[sflag:s31] =	ssyncadd.s32 $0xFFFFFC00  }
0x178: {  	_ =	swait.ge [sflag:s31], $0x400  }
0x179: {  	[sflag:s31] =	ssyncset.done $0x0  }
0x17a: {  	[sflag:s31] =	ssyncadd.s32 $0xFFFFFC00  }
0x17b: {  	_ =	swait.ge [sflag:s31], $0x400  }
0x17c: {  	[sflag:s31] =	ssyncset.done $0x0  }
0x17d: {  	[sflag:s31] =	ssyncadd.s32 $0xFFFFFC00  }
0x17e: {  	_ =	swait.ge [sflag:s31], $0x400  }
0x17f: {  	[sflag:s31] =	ssyncset.done $0x0  }
0x180: {  	[sflag:s31] =	ssyncadd.s32 $0xFFFFFC00  }
0x181: {  	_ =	swait.ge [sflag:s31], $0x400  }
0x182: {  	[sflag:s31] =	ssyncset.done $0x0  }
0x183: {  	[sflag:s31] =	ssyncadd.s32 $0xFFFFFC00  }
0x184: {  	_ =	swait.ge [sflag:s31], $0x400  }
0x185: {  	[sflag:s31] =	ssyncset.done $0x0  }
0x186: {  	[sflag:s31] =	ssyncadd.s32 $0xFFFFFC00  }
0x187: {  	_ =	swait.ge [sflag:s31], $0x400  }
0x188: {  	[sflag:s31] =	ssyncset.done $0x0  }
0x189: {  	[sflag:s31] =	ssyncadd.s32 $0xFFFFFC00  }
0x18a: {  	_ =	swait.ge [sflag:s31], $0x400  }
0x18b: {  	[sflag:s31] =	ssyncset.done $0x0  }
0x18c: {  	[sflag:s31] =	ssyncadd.s32 $0xFFFFFC00  }
0x18d: {  	_ =	swait.ge [sflag:s31], $0x400  }
0x18e: {  	[sflag:s31] =	ssyncset.done $0x0  }
0x18f: {  	[sflag:s31] =	ssyncadd.s32 $0xFFFFFC00  }
0x190: {  	_ =	swait.ge [sflag:s31], $0x400  }
0x191: {  	[sflag:s31] =	ssyncset.done $0x0  }
0x192: {  	[sflag:s31] =	ssyncadd.s32 $0xFFFFFC00  }
0x193: {  	_ =	swait.ge [sflag:s31], $0x400  }
0x194: {  	[sflag:s31] =	ssyncset.done $0x0  }
0x195: {  	[sflag:s31] =	ssyncadd.s32 $0xFFFFFC00  }
0x196: {  	_ =	swait.ge [sflag:s31], $0x400  }
0x197: {  	[sflag:s31] =	ssyncset.done $0x0  }
0x198: {  	[sflag:s31] =	ssyncadd.s32 $0xFFFFFC00  }
0x199: {  	_ =	swait.ge [sflag:s31], $0x400  }
0x19a: {  	[sflag:s31] =	ssyncset.done $0x0  }
0x19b: {  	[sflag:s31] =	ssyncadd.s32 $0xFFFFFC00  }
0x19c: {  	_ =	swait.ge [sflag:s31], $0x400  }
0x19d: {  	[sflag:s31] =	ssyncset.done $0x0  }
0x19e: {  	[sflag:s31] =	ssyncadd.s32 $0xFFFFFC00  }
0x19f: {  	_ =	swait.ge [sflag:s31], $0x400  }
0x1a0: {  	[sflag:s31] =	ssyncset.done $0x0  }
0x1a1: {  	[sflag:s31] =	ssyncadd.s32 $0xFFFFFC00  }
0x1a2: {  	_ =	swait.ge [sflag:s31], $0x400  }
0x1a3: {  	[sflag:s31] =	ssyncset.done $0x0  }
0x1a4: {  	[sflag:s31] =	ssyncadd.s32 $0xFFFFFC00  }
0x1a5: {  	_ =	swait.ge [sflag:s31], $0x400  }
0x1a6: {  	[sflag:s31] =	ssyncset.done $0x0  }
0x1a7: {  	[sflag:s31] =	ssyncadd.s32 $0xFFFFFC00  }
0x1a8: {  	_ =	swait.ge [sflag:s31], $0x400  }
0x1a9: {  	[sflag:s31] =	ssyncset.done $0x0  }
0x1aa: {  	[sflag:s31] =	ssyncadd.s32 $0xFFFFFC00  }
0x1ab: {  	_ =	swait.ge [sflag:s31], $0x400  }
0x1ac: {  	[sflag:s31] =	ssyncset.done $0x0  }
0x1ad: {  	[sflag:s31] =	ssyncadd.s32 $0xFFFFFC00  }
0x1ae: {  	_ =	swait.ge [sflag:s31], $0x400  }
0x1af: {  	[sflag:s31] =	ssyncset.done $0x0  }
0x1b0: {  	[sflag:s31] =	ssyncadd.s32 $0xFFFFFC00  }
0x1b1: {  	_ =	swait.ge [sflag:s31], $0x400  }
0x1b2: {  	[sflag:s31] =	ssyncset.done $0x0  }
0x1b3: {  	[sflag:s31] =	ssyncadd.s32 $0xFFFFFC00  }
0x1b4: {  	_ =	swait.ge [sflag:s31], $0x400  }
0x1b5: {  	[sflag:s31] =	ssyncset.done $0x0  }
0x1b6: {  	[sflag:s31] =	ssyncadd.s32 $0xFFFFFC00  }
0x1b7: {  	_ =	swait.ge [sflag:s31], $0x400  }
0x1b8: {  	[sflag:s31] =	ssyncset.done $0x0  }
0x1b9: {  	[sflag:s31] =	ssyncadd.s32 $0xFFFFFC00  }
0x1ba: {  	_ =	swait.ge [sflag:s31], $0x400  }
0x1bb: {  	[sflag:s31] =	ssyncset.done $0x0  }
0x1bc: {  	[sflag:s31] =	ssyncadd.s32 $0xFFFFFC00  }
0x1bd: {  	_ =	swait.ge [sflag:s31], $0x400  }
0x1be: {  	[sflag:s31] =	ssyncset.done $0x0  }
0x1bf: {  	[sflag:s31] =	ssyncadd.s32 $0xFFFFFC00  }
0x1c0: {  	_ =	swait.ge [sflag:s31], $0x400  }
0x1c1: {  	[sflag:s31] =	ssyncset.done $0x0  }
0x1c2: {  	[sflag:s31] =	ssyncadd.s32 $0xFFFFFC00  }
0x1c3: {  	_ =	swait.ge [sflag:s31], $0x400  }
0x1c4: {  	[sflag:s31] =	ssyncset.done $0x0  }
0x1c5: {  	[sflag:s31] =	ssyncadd.s32 $0xFFFFFC00  }
0x1c6: {  	_ =	swait.ge [sflag:s31], $0x400  }
0x1c7: {  	[sflag:s31] =	ssyncset.done $0x0  }
0x1c8: {  	[sflag:s31] =	ssyncadd.s32 $0xFFFFFC00  }
0x1c9: {  	_ =	swait.ge [sflag:s31], $0x400  }
0x1ca: {  	[sflag:s31] =	ssyncset.done $0x0  }
0x1cb: {  	[sflag:s31] =	ssyncadd.s32 $0xFFFFFC00  }
0x1cc: {  	_ =	swait.ge [sflag:s31], $0x400  }
0x1cd: {  	[sflag:s31] =	ssyncset.done $0x0  }
0x1ce: {  	[sflag:s31] =	ssyncadd.s32 $0xFFFFFC00  }
0x1cf: {  	_ =	swait.ge [sflag:s31], $0x400  }
0x1d0: {  	[sflag:s31] =	ssyncset.done $0x0  }
0x1d1: {  	[sflag:s31] =	ssyncadd.s32 $0xFFFFFC00  }
0x1d2: {  	_ =	swait.ge [sflag:s31], $0x400  }
0x1d3: {  	[sflag:s31] =	ssyncset.done $0x0  }
0x1d4: {  	[sflag:s31] =	ssyncadd.s32 $0xFFFFFC00  }
0x1d5: {  	_ =	swait.ge [sflag:s31], $0x400  }
0x1d6: {  	[sflag:s31] =	ssyncset.done $0x0  }
0x1d7: {  	[sflag:s31] =	ssyncadd.s32 $0xFFFFFC00  }
0x1d8: {  	_ =	swait.ge [sflag:s31], $0x400  }
0x1d9: {  	[sflag:s31] =	ssyncset.done $0x0  }
0x1da: {  	[sflag:s31] =	ssyncadd.s32 $0xFFFFFC00  }
0x1db: {  	_ =	swait.ge [sflag:s31], $0x400  }
0x1dc: {  	[sflag:s31] =	ssyncset.done $0x0  }
0x1dd: {  	[sflag:s31] =	ssyncadd.s32 $0xFFFFFC00  }
0x1de: {  	_ =	swait.ge [sflag:s31], $0x400  }
0x1df: {  	[sflag:s31] =	ssyncset.done $0x0  }
0x1e0: {  	[sflag:s31] =	ssyncadd.s32 $0xFFFFFC00  }
0x1e1: {  	_ =	swait.ge [sflag:s31], $0x400  }
0x1e2: {  	[sflag:s31] =	ssyncset.done $0x0  }
0x1e3: {  	[sflag:s31] =	ssyncadd.s32 $0xFFFFFC00  }
0x1e4: {  	_ =	swait.ge [sflag:s31], $0x400  }
0x1e5: {  	[sflag:s31] =	ssyncset.done $0x0  }
0x1e6: {  	[sflag:s31] =	ssyncadd.s32 $0xFFFFFC00  }
0x1e7: {  	_ =	swait.ge [sflag:s31], $0x400  }
0x1e8: {  	[sflag:s31] =	ssyncset.done $0x0  }
0x1e9: {  	[sflag:s31] =	ssyncadd.s32 $0xFFFFFC00  }
0x1ea: {  	_ =	swait.ge [sflag:s31], $0x400  }
0x1eb: {  	[sflag:s31] =	ssyncset.done $0x0  }
0x1ec: {  	[sflag:s31] =	ssyncadd.s32 $0xFFFFFC00  }
0x1ed: {  	_ =	swait.ge [sflag:s31], $0x400  }
0x1ee: {  	[sflag:s31] =	ssyncset.done $0x0  }
0x1ef: {  	[sflag:s31] =	ssyncadd.s32 $0xFFFFFC00  }
0x1f0: {  	_ =	swait.ge [sflag:s31], $0x400  }
0x1f1: {  	[sflag:s31] =	ssyncset.done $0x0  }
0x1f2: {  	[sflag:s31] =	ssyncadd.s32 $0xFFFFFC00  }
0x1f3: {  	_ =	swait.ge [sflag:s31], $0x400  }
0x1f4: {  	[sflag:s31] =	ssyncset.done $0x0  }
0x1f5: {  	[sflag:s31] =	ssyncadd.s32 $0xFFFFFC00  }
0x1f6: {  	_ =	swait.ge [sflag:s31], $0x400  }
0x1f7: {  	[sflag:s31] =	ssyncset.done $0x0  }
0x1f8: {  	[sflag:s31] =	ssyncadd.s32 $0xFFFFFC00  }
0x1f9: {  	_ =	swait.ge [sflag:s31], $0x400  }
0x1fa: {  	[sflag:s31] =	ssyncset.done $0x0  }
0x1fb: {  	[sflag:s31] =	ssyncadd.s32 $0xFFFFFC00  }
0x1fc: {  	v14 =	vld.idx.msk [tilespmem:v2+s25+$0x0], $0xffff  }
0x1fd: {  	v15 =	vld.idx.msk [tilespmem:v0+s25+$0x0], $0xffff;
	_ =	sdelay $0x3  }
0x1fe: {  	v14 =	vmul.f32 $2.560000000e+02, v14  }
0x1ff: {  	v15 =	vmul.f32 $2.560000000e+02, v15  }
0x200: {  	v16 =	vtrunc.f32 v14  }
0x201: {  	v17 =	vcvt.f32.s32 v16;
	vm0 =	vlt.f32 v14, v16;
	v14 =	vtrunc.f32 v15  }
0x202: {  	v16 =	vsel vm0, $0xFFFFFFFF, v3;
	v18 =	vcvt.f32.s32 v14;
	vm6 =	vlt.f32 v15, v14  }
0x203: {  	v14 =	vadd.s32 v17, v16;
	v15 =	vsel vm6, $0xFFFFFFFF, v3  }
0x204: {  	v16 =	vshra.s32 v14, $0x3;
	v15 =	vadd.s32 v18, v15  }
0x205: {  	v17 =	vadd.s32 $0x1, v14;
	vm11 =	vlt.s32 v14, $0x100;
	vm7 =	vgt.s32 v16, $0x0  }
0x206: {  	v53 =	vld.idx.msk [tilespmem:v6+s25+$0x0], $0xffff;
	v18 =	vshra.s32 v15, $0x3;
	v17 =	vshra.s32 v17, $0x3;
	v23 =	vadd.s32 $0x1, v15  }
0x207: {  	v24 =	vor.u32 v15, v14;
	vm10 =	vlt.s32 v15, $0x100;
	vm14 =	vlt.u32 v16, $0x21  }
0x208: {  	v19 =	vnsel vm7, $0x0, v16;
	vm8 =	vgt.s32 v18, $0x0;
	vm1 =	vgt.s32 v17, $0x0  }
0x209: {  	v54 =	vld.idx.msk [tilespmem:v5+s25+$0x0], $0xffff;
	v23 =	vshra.s32 v23, $0x3;
	vm2 =	vgt.s32 v24, $0xFFFFFFFF;
	vm0 =	vmand vm10, vm11  }
0x20a: {  	vm12 =	vlt.u32 v18, $0x21;
	vm4 =	vne.s32 v17, v16;
	vm5 =	vlt.u32 v17, $0x21  }
0x20b: {  	v16 =	vmul.f32 $2.560000000e+02, v53;
	v19 =	vmin.u32 v19, $0x1F;
	v20 =	vnsel vm8, $0x0, v18  }
0x20c: {  	v21 =	vnsel vm1, $0x0, v17;
	vm9 =	vgt.s32 v23, $0x0;
	vm0 =	vmand vm0, vm2  }
0x20d: {  	vm13 =	vne.s32 v23, v18;
	vm3 =	vlt.u32 v23, $0x21;
	vm4 =	vmand vm4, vm5  }
0x20e: {  	vm15 =	vmand vm12, vm14;
	v17 =	vmul.f32 $2.560000000e+02, v54;
	v19 =	vshll.u32 v19, $0x5  }
0x20f: {  	v20 =	vmin.u32 v20, $0x1F;
	v21 =	vmin.u32 v21, $0x1F;
	v25 =	vnsel vm9, $0x0, v23  }
0x210: {  	vm2 =	vmand vm13, vm3;
	vm6 =	vmand vm12, vm4;
	vm8 =	vmand vm15, vm0  }
0x211: {  	v57 =	vtrunc.f32 v16;
	v19 =	vor.u32 v1, v19;
	v21 =	vshll.u32 v21, $0x5  }
0x212: {  	v15 =	vmin.u32 v25, $0x1F;
	vm3 =	vmand vm14, vm2;
	vm1 =	vmand vm2, vm4  }
0x213: {  	vm9 =	vmand vm0, vm6;
	v55 =	vsel vm8, $0x3F800000, v4;
	v58 =	vtrunc.f32 v17  }
0x214: {  	v59 =	vcvt.f32.s32 v57;
	vm11 =	vlt.f32 v16, v57;
	v22 =	vor.u32 v20, v19  }
0x215: {  	v21 =	vor.u32 v1, v21;
	v19 =	vor.u32 v15, v19;
	v56 =	vsel vm9, $0x3F800000, v4  }
0x216: {  	vm10 =	vmand vm3, vm0;
	v60 =	vcvt.f32.s32 v58;
	vm12 =	vlt.f32 v17, v58  }
0x217: {  	v61 =	vsel vm11, $0xFFFFFFFF, v3;
	vm0 =	vmand vm0, vm1;
	v20 =	vor.u32 v20, v21  }
0x218: {  	v15 =	vor.u32 v15, v21;
	v62 =	vsel vm12, $0xFFFFFFFF, v3;
	v17 =	vadd.s32 v59, v61  }
0x219: {  	v28 =	vsel vm10, $0x3F800000, v4;
	v38 =	vsel vm0, $0x3F800000, v4;
	v16 =	vadd.s32 v60, v62  }
0x21a: {  	v63 =	vshra.s32 v17, $0x3;
	v31 =	vadd.s32 $0x1, v17;
	vm7 =	vlt.s32 v17, $0x100  }
0x21b: {  	vm13 =	vgt.s32 v63, $0x0;
	v32 =	vadd.s32 $0x1, v16;
	v21 =	vshra.s32 v31, $0x3  }
0x21c: {  	v36 =	vor.u32 v16, v17;
	vm6 =	vlt.s32 v16, $0x100;
	vm12 =	vlt.u32 v63, $0x21  }
0x21d: {  	v33 =	vnsel vm13, $0x0, v63;
	vm15 =	vgt.s32 v21, $0x0;
	vm1 =	vmand vm6, vm7  }
0x21e: {  	vm13 =	vne.s32 v21, v63;
	v14 =	vld.idx.msk [tilespmem:v22+s2+$0x0], $0xffff;
	v23 =	vmin.u32 v33, $0x1F;
	v35 =	vnsel vm15, $0x0, v21  }
0x21f: {  	v22 =	vshra.s32 v32, $0x3;
	v52 =	vld.idx.msk [tilespmem:v20+s2+$0x0], $0xffff;
	v20 =	vshra.s32 v16, $0x3;
	v23 =	vshll.u32 v23, $0x5  }
0x220: {  	v30 =	vld.idx.msk [tilespmem:v11+s25+$0x0], $0xffff;
	v25 =	vmin.u32 v35, $0x1F;
	vm5 =	vgt.s32 v22, $0x0;
	vm11 =	vlt.u32 v22, $0x21  }
0x221: {  	v19 =	vld.idx.msk [tilespmem:v19+s2+$0x0], $0xffff;
	vm14 =	vgt.s32 v20, $0x0;
	v23 =	vor.u32 v7, v23;
	v25 =	vshll.u32 v25, $0x5  }
0x222: {  	v27 =	vnsel vm5, $0x0, v22;
	v34 =	vnsel vm14, $0x0, v20;
	v25 =	vor.u32 v7, v25  }
0x223: {  	v15 =	vld.idx.msk [tilespmem:v15+s2+$0x0], $0xffff;
	v27 =	vmin.u32 v27, $0x1F;
	vm14 =	vlt.u32 v21, $0x21;
	v14 =	vmax.f32 v14, $0.0e+00  }
0x224: {  	v24 =	vmin.u32 v34, $0x1F;
	vm5 =	vmand vm13, vm14;
	v14 =	vadd.f32 $0.0e+00, v14  }
0x225: {  	v46 =	vor.u32 v27, v25;
	v34 =	vmul.f32 $2.560000000e+02, v30;
	v18 =	vmax.f32 v52, $0.0e+00  }
0x226: {  	v19 =	vmax.f32 v19, $0.0e+00;
	v18 =	vnsel vm9, $0x0, v18;
	v14 =	vnsel vm8, $0x0, v14  }
0x227: {  	v26 =	vor.u32 v24, v23;
	v24 =	vor.u32 v24, v25;
	v14 =	vadd.f32 v18, v14  }
0x228: {  	v19 =	vnsel vm10, $0x0, v19;
	v15 =	vmax.f32 v15, $0.0e+00;
	vm10 =	vne.s32 v22, v20  }
0x229: {  	v15 =	vnsel vm0, $0x0, v15;
	vm9 =	vlt.u32 v20, $0x21;
	v14 =	vadd.f32 v14, v19  }
0x22a: {  	v40 =	vld.idx.msk [tilespmem:v9+s25+$0x0], $0xffff;
	vm2 =	vmand vm10, vm11;
	vm8 =	vgt.s32 v36, $0xFFFFFFFF;
	vm7 =	vmand vm9, vm12  }
0x22b: {  	vm3 =	vmand vm12, vm2;
	v14 =	vadd.f32 v14, v15;
	v15 =	vor.u32 v27, v23  }
0x22c: {  	v18 =	vadd.f32 v56, v55;
	vm0 =	vmand vm1, vm8;
	vm1 =	vmand vm9, vm5;
	v37 =	vld.idx.msk [tilespmem:v26+s2+$0x0], $0xffff  }
0x22d: {  	vm2 =	vmand vm2, vm5;
	vm15 =	vmand vm7, vm0;
	vm1 =	vmand vm0, vm1  }
0x22e: {  	v39 =	vld.idx.msk [tilespmem:v24+s2+$0x0], $0xffff;
	vm9 =	vmand vm3, vm0;
	vm0 =	vmand vm0, vm2;
	v18 =	vadd.f32 v18, v28  }
0x22f: {  	v29 =	vld.idx.msk [tilespmem:v12+s25+$0x0], $0xffff;
	v43 =	vsel vm15, $0x3F800000, v4;
	v44 =	vsel vm1, $0x3F800000, v4;
	v19 =	vmul.f32 $2.560000000e+02, v40  }
0x230: {  	v48 =	vsel vm9, $0x3F800000, v4;
	v62 =	vsel vm0, $0x3F800000, v4;
	v17 =	vadd.f32 v18, v38;
	v15 =	vld.idx.msk [tilespmem:v15+s2+$0x0], $0xffff  }
0x231: {  	v45 =	vtrunc.f32 v19;
	v18 =	vld.idx.msk [tilespmem:v46+s2+$0x0], $0xffff;
	v38 =	vtrunc.f32 v34;
	v16 =	vmax.f32 v37, $0.0e+00  }
0x232: {  	v42 =	vld.idx.msk [tilespmem:v8+s25+$0x0], $0xffff;
	v47 =	vcvt.f32.s32 v45;
	vm10 =	vlt.f32 v19, v45;
	v16 =	vnsel vm15, $0x0, v16  }
0x233: {  	v41 =	vmax.f32 v39, $0.0e+00;
	v17 =	vadd.f32 v43, v17;
	v14 =	vadd.f32 v16, v14  }
0x234: {  	v19 =	vmul.f32 $2.560000000e+02, v29;
	v40 =	vcvt.f32.s32 v38;
	v16 =	vnsel vm1, $0x0, v41  }
0x235: {  	v14 =	vadd.f32 v16, v14;
	v16 =	vadd.f32 v44, v17;
	v15 =	vmax.f32 v15, $0.0e+00  }
0x236: {  	v35 =	vtrunc.f32 v19;
	v18 =	vmax.f32 v18, $0.0e+00;
	v15 =	vnsel vm9, $0x0, v15  }
0x237: {  	v16 =	vadd.f32 v16, v48;
	v14 =	vadd.f32 v14, v15;
	v15 =	vmul.f32 $2.560000000e+02, v42  }
0x238: {  	v50 =	vsel vm10, $0xFFFFFFFF, v3;
	v36 =	vcvt.f32.s32 v35;
	v18 =	vnsel vm0, $0x0, v18  }
0x239: {  	v16 =	vadd.f32 v16, v62;
	v49 =	vtrunc.f32 v15;
	v14 =	vadd.f32 v14, v18  }
0x23a: {  	v51 =	vcvt.f32.s32 v49;
	vm11 =	vlt.f32 v15, v49;
	v15 =	vadd.s32 v47, v50  }
0x23b: {  	v52 =	vsel vm11, $0xFFFFFFFF, v3;
	v53 =	vshra.s32 v15, $0x3;
	v21 =	vadd.s32 $0x1, v15  }
0x23c: {  	vm5 =	vlt.s32 v15, $0x100;
	v17 =	vadd.s32 v51, v52;
	vm12 =	vgt.s32 v53, $0x0  }
0x23d: {  	v21 =	vshra.s32 v21, $0x3;
	vm10 =	vlt.u32 v53, $0x21;
	v54 =	vshra.s32 v17, $0x3  }
0x23e: {  	v55 =	vnsel vm12, $0x0, v53;
	vm14 =	vgt.s32 v21, $0x0;
	v58 =	vadd.s32 $0x1, v17  }
0x23f: {  	v63 =	vor.u32 v17, v15;
	vm4 =	vlt.s32 v17, $0x100;
	vm11 =	vne.s32 v21, v53  }
0x240: {  	vm12 =	vlt.u32 v21, $0x21;
	v22 =	vmin.u32 v55, $0x1F;
	vm13 =	vgt.s32 v54, $0x0  }
0x241: {  	v57 =	vnsel vm14, $0x0, v21;
	v25 =	vshra.s32 v58, $0x3;
	vm6 =	vgt.s32 v63, $0xFFFFFFFF  }
0x242: {  	vm0 =	vmand vm4, vm5;
	v22 =	vshll.u32 v22, $0x5;
	v56 =	vnsel vm13, $0x0, v54  }
0x243: {  	v24 =	vmin.u32 v57, $0x1F;
	v23 =	vmin.u32 v56, $0x1F;
	v22 =	vor.u32 v10, v22  }
0x244: {  	vm9 =	vlt.u32 v54, $0x21;
	v24 =	vshll.u32 v24, $0x5;
	v59 =	vor.u32 v23, v22  }
0x245: {  	vm4 =	vmand vm11, vm12;
	vm15 =	vgt.s32 v25, $0x0;
	v24 =	vor.u32 v10, v24  }
0x246: {  	vm0 =	vmand vm0, vm6;
	v61 =	vnsel vm15, $0x0, v25;
	v60 =	vor.u32 v23, v24  }
0x247: {  	vm7 =	vne.s32 v25, v54;
	vm8 =	vlt.u32 v25, $0x21;
	v23 =	vmin.u32 v61, $0x1F  }
0x248: {  	vm13 =	vmand vm9, vm10;
	vm3 =	vmand vm9, vm4;
	v26 =	vor.u32 v23, v22  }
0x249: {  	vm6 =	vlt.f32 v34, v38;
	vm1 =	vmand vm7, vm8;
	vm14 =	vmand vm13, vm0;
	v15 =	vld.idx.msk [tilespmem:v59+s2+$0x0], $0xffff  }
0x24a: {  	vm3 =	vmand vm0, vm3;
	vm15 =	vlt.f32 v19, v35;
	v42 =	vsel vm6, $0xFFFFFFFF, v3  }
0x24b: {  	vm2 =	vmand vm10, vm1;
	vm1 =	vmand vm1, vm4;
	v39 =	vsel vm15, $0xFFFFFFFF, v3;
	v18 =	vld.idx.msk [tilespmem:v60+s2+$0x0], $0xffff  }
0x24c: {  	v32 =	vsel vm3, $0x3F800000, v4;
	vm2 =	vmand vm2, vm0;
	v41 =	vadd.s32 v36, v39  }
0x24d: {  	vm0 =	vmand vm0, vm1;
	v37 =	vor.u32 v23, v24;
	v43 =	vshra.s32 v41, $0x3;
	v17 =	vld.idx.msk [tilespmem:v26+s2+$0x0], $0xffff  }
0x24e: {  	v44 =	vsel vm2, $0x3F800000, v4;
	v46 =	vadd.s32 $0x1, v41;
	v15 =	vmax.f32 v15, $0.0e+00  }
0x24f: {  	vm13 =	vlt.s32 v41, $0x100;
	v57 =	vsel vm0, $0x3F800000, v4;
	v15 =	vnsel vm14, $0x0, v15  }
0x250: {  	v31 =	vmax.f32 v18, $0.0e+00;
	v14 =	vadd.f32 v15, v14;
	v15 =	vsel vm14, $0x3F800000, v4  }
0x251: {  	vm7 =	vgt.s32 v43, $0x0;
	v15 =	vadd.f32 v15, v16;
	v16 =	vnsel vm3, $0x0, v31  }
0x252: {  	v22 =	vshra.s32 v46, $0x3;
	v33 =	vmax.f32 v17, $0.0e+00;
	v14 =	vadd.f32 v16, v14  }
0x253: {  	v47 =	vnsel vm7, $0x0, v43;
	vm9 =	vgt.s32 v22, $0x0;
	v16 =	vnsel vm2, $0x0, v33  }
0x254: {  	v23 =	vmin.u32 v47, $0x1F;
	v14 =	vadd.f32 v14, v16;
	v16 =	vadd.s32 v40, v42  }
0x255: {  	v49 =	vnsel vm9, $0x0, v22;
	vm9 =	vlt.u32 v43, $0x21;
	v18 =	vld.idx.msk [tilespmem:v37+s2+$0x0], $0xffff;
	v45 =	vshra.s32 v16, $0x3  }
0x256: {  	v23 =	vshll.u32 v23, $0x5;
	v25 =	vmin.u32 v49, $0x1F;
	vm8 =	vgt.s32 v45, $0x0  }
0x257: {  	v23 =	vor.u32 v13, v23;
	v25 =	vshll.u32 v25, $0x5;
	v48 =	vnsel vm8, $0x0, v45  }
0x258: {  	v15 =	vadd.f32 v32, v15;
	v50 =	vadd.s32 $0x1, v16;
	v24 =	vmin.u32 v48, $0x1F  }
0x259: {  	v25 =	vor.u32 v13, v25;
	v52 =	vshra.s32 v50, $0x3;
	v51 =	vor.u32 v24, v23  }
0x25a: {  	v18 =	vmax.f32 v18, $0.0e+00;
	v15 =	vadd.f32 v15, v44;
	vm10 =	vgt.s32 v52, $0x0  }
0x25b: {  	v18 =	vnsel vm0, $0x0, v18;
	v26 =	vnsel vm10, $0x0, v52;
	v24 =	vor.u32 v24, v25  }
0x25c: {  	v53 =	vor.u32 v16, v41;
	vm12 =	vlt.s32 v16, $0x100;
	v26 =	vmin.u32 v26, $0x1F  }
0x25d: {  	v14 =	vadd.f32 v14, v18;
	vm11 =	vgt.s32 v53, $0xFFFFFFFF;
	v23 =	vor.u32 v26, v23  }
0x25e: {  	vm4 =	vlt.u32 v45, $0x21;
	vm2 =	vmand vm12, vm13;
	vm13 =	vlt.u32 v22, $0x21;
	v54 =	vld.idx.msk [tilespmem:v51+s2+$0x0], $0xffff  }
0x25f: {  	vm14 =	vne.s32 v52, v45;
	vm15 =	vlt.u32 v52, $0x21;
	v55 =	vor.u32 v26, v25  }
0x260: {  	vm11 =	vmand vm2, vm11;
	vm12 =	vmand vm4, vm9;
	v15 =	vadd.f32 v15, v57;
	v56 =	vld.idx.msk [tilespmem:v24+s2+$0x0], $0xffff  }
0x261: {  	vm10 =	vne.s32 v22, v43;
	vm1 =	vmand vm12, vm11;
	vm5 =	vmand vm14, vm15  }
0x262: {  	vm2 =	vmand vm10, vm13;
	v59 =	vsel vm1, $0x3F800000, v4;
	vm3 =	vmand vm9, vm5;
	v58 =	vld.idx.msk [tilespmem:v23+s2+$0x0], $0xffff  }
0x263: {  	vm4 =	vmand vm4, vm2;
	v15 =	vadd.f32 v59, v15;
	v18 =	vmax.f32 v54, $0.0e+00  }
0x264: {  	vm3 =	vmand vm3, vm11;
	vm14 =	vmand vm11, vm4;
	v16 =	vld.idx.msk [tilespmem:v55+s2+$0x0], $0xffff;
	v18 =	vnsel vm1, $0x0, v18  }
0x265: {  	v61 =	vsel vm14, $0x3F800000, v4;
	v17 =	vmax.f32 v56, $0.0e+00;
	v14 =	vadd.f32 v18, v14  }
0x266: {  	vm15 =	vmand vm5, vm2;
	v15 =	vadd.f32 v61, v15;
	v17 =	vnsel vm14, $0x0, v17  }
0x267: {  	v62 =	vsel vm3, $0x3F800000, v4;
	v60 =	vmax.f32 v58, $0.0e+00;
	v14 =	vadd.f32 v17, v14  }
0x268: {  	vm0 =	vmand vm11, vm15;
	v15 =	vadd.f32 v15, v62;
	v17 =	vnsel vm3, $0x0, v60  }
0x269: {  	v63 =	vsel vm0, $0x3F800000, v4;
	v16 =	vmax.f32 v16, $0.0e+00;
	v14 =	vadd.f32 v14, v17  }
0x26a: {  	v15 =	vadd.f32 v15, v63;
	v16 =	vnsel vm0, $0x0, v16  }
0x26b: {  	s8 =	sld [smem:$0x7D1];
	v14 =	vadd.f32 v14, v16  }
0x26c: {  	p0 =	sne.s32 s3, $0x1;
	[tilespmem:$0x10410] =	vst v15  }
.Ltmp0:
0x26d: {  	[tilespmem:$0x10400] =	vst v14;
	(pc) =	sbr.rel @p0 .LBB2_1-.Ltmp0, $4  }
0x26e: {  	[hbm4b:s8+s2] =	stream.linear.scatter [tilespmem:s1], [sflag:$0x2], $0x80, $0x38;
	[tilespmem:$0x10480] =	vst v63  }
0x26f: {  	_ =	swait.ge [sflag:s26], $0x80  }
0x270: {  	[sflag:s26] =	ssyncset.done $0x0  }
0x271: {  	s3 =	sadd.s32 $0xFFFFFFFF, s3;
	[sflag:s26] =	ssyncadd.s32 $0xFFFFFF80  }
0x272: {  	_ =	sfence.sel $0x180000  }
0x273: {  	[bflag:$0x0] =	sbarrier.arrive $0xFFFF  }
0x274: {  	_ =	strace $0x90000047  }
0x275: {  	s0 =	stileid.u32;
	[bflag:$0x2] =	sbarrier.arrive $0xFFFF  }
0x276: {  	p0 =	sne.s32 s0, $0x0;
	s0 =	rddreg [dreg:$0x2]  }
0x277: {  	s0 =	sadd.s32 @!p0 $0x100000, s0  }
0x278: {  	[sflag:s0] =	ssyncadd.tile.s32 @!p0 $0x1;
	_ =	shalt  }
.Lfunc_end2:
_tile_overlayer_lowered:
.L_overlay_start_2:
0x279: {  	(tag) =	ssettag $0x2  }
0x27a: {  	s0 =	rddreg [dreg:$0x0];
	s2 =	stileid.u32  }
0x27b: {  	s1 =	rddreg [dreg:$0x1];
	p0 =	sne.s32 s2, $0x0  }
0x27c: {  	s3 =	rddreg [dreg:$0x2];
	[bflag:$0x3] =	sbarrier.arrive $0xFFFF;
	s2 =	simm.s32 @!p0 $0x1C02  }
0x27d: {  	[timem:s3], [sflag:s2] =	dma.local @!p0 [hbm:s0], s1  }
0x27e: {  	s0 =	simm.s32 @!p0 $0x2  }
0x27f: {  	_ =	swait.ge @!p0 [sflag:s0], s1  }
0x280: {  	s1 =	ssub.s32 @!p0 $0x0, s1;
	[sflag:s0] =	ssyncset.done @!p0 $0x0  }
0x281: {  	[sflag:s0] =	ssyncadd.s32 @!p0 s1  }
0x282: {  	[bflag:$0x3] =	sbarrier.arrive $0xFFFF  }
0x283: {  	_ =	shalt  }

</sc_bundles>
